<compile_context>
chip_gen: v7x
topology: tpu7x:2x2x1
jax: 0.10.2.dev20260603
libtpu: 0.0.44.dev20260713+nightly
codegen_flags: <defaults>
</compile_context>

<pallas_src>
import functools

import jax
import jax.numpy as jnp
from jax import lax
from jax.experimental import pallas as pl
from jax.experimental.pallas import tpu as pltpu
from jax.experimental.pallas import tpu_sc as plsc

_N = 10000
_E = 320000
_D = 128
_C = 40
_NC, _NS = 2, 16
_NW = _NC * _NS
_K = 128
_CH = 79
_EPW = _CH * _K
_NPAD = 10112
_RPS = _NPAD // _NS
_DUMMY = _N

_mesh = plsc.VectorSubcoreMesh(
    core_axis_name="c", subcore_axis_name="s", num_cores=_NC, num_subcores=_NS
)



def _agg_body(h_hbm, src_hbm, dst_hbm, zeros_hbm, acc_hbm,
              src_v, dst_v, buf, acc_sh, gsem):
    c = lax.axis_index("c")
    s = lax.axis_index("s")
    rows = pl.ds(s * _RPS, _RPS)
    pltpu.sync_copy(src_hbm.at[c, s], src_v)
    pltpu.sync_copy(dst_hbm.at[c, s], dst_v)
    pltpu.sync_copy(zeros_hbm.at[rows], acc_sh.at[rows])
    plsc.subcore_barrier()

    def body(j, carry):
        pltpu.async_copy(h_hbm.at[src_v.at[j]], buf, gsem).wait()
        pltpu.sync_copy(buf, acc_sh.at[dst_v.at[j]], add=True)
        return carry

    lax.fori_loop(0, _CH, body, 0)
    plsc.subcore_barrier()
    pltpu.sync_copy(acc_sh.at[rows], acc_hbm.at[c, rows])


_agg_call = functools.partial(
    pl.kernel,
    _agg_body,
    out_type=jax.ShapeDtypeStruct((_NC, _NPAD, _D), jnp.float32),
    mesh=_mesh,
    scratch_types=[
        pltpu.VMEM((_CH, _K), jnp.int32),
        pltpu.VMEM((_CH, _K), jnp.int32),
        pltpu.VMEM((_K, _D), jnp.float32),
        pltpu.VMEM_SHARED((_NPAD, _D), jnp.float32),
        pltpu.SemaphoreType.DMA,
    ],
)()



def _deg_body(dst_hbm, ones_hbm, zeros_hbm, deg_hbm, dst_v, ones_v, deg_sh):
    c = lax.axis_index("c")
    s = lax.axis_index("s")
    rows = pl.ds(s * _RPS, _RPS)
    pltpu.sync_copy(dst_hbm.at[c, s], dst_v)
    pltpu.sync_copy(ones_hbm, ones_v)
    pltpu.sync_copy(zeros_hbm.at[rows], deg_sh.at[rows])
    plsc.subcore_barrier()

    def body(j, carry):
        pltpu.sync_copy(ones_v, deg_sh.at[dst_v.at[j]], add=True)
        return carry

    lax.fori_loop(0, _CH, body, 0)
    plsc.subcore_barrier()
    pltpu.sync_copy(deg_sh.at[rows], deg_hbm.at[c, rows])


_deg_call = functools.partial(
    pl.kernel,
    _deg_body,
    out_type=jax.ShapeDtypeStruct((_NC, _NPAD, _D), jnp.float32),
    mesh=_mesh,
    scratch_types=[
        pltpu.VMEM((_CH, _K), jnp.int32),
        pltpu.VMEM((_K, _D), jnp.float32),
        pltpu.VMEM_SHARED((_NPAD, _D), jnp.float32),
    ],
)()



_BM = 1000


def _layer_body(acc_ref, deg_ref, h_ref, wl_ref, wr_ref, b_ref, out_ref, *, act):
    a = acc_ref[0] + acc_ref[1]
    dg = deg_ref[0, :, 0:1] + deg_ref[1, :, 0:1]
    mean = a * (1.0 / jnp.maximum(dg, 1.0))
    z = (jnp.dot(mean, wl_ref[...], preferred_element_type=jnp.float32)
         + jnp.dot(h_ref[...], wr_ref[...], preferred_element_type=jnp.float32)
         + b_ref[...])
    if act:
        z = jnp.where(z > 0, z, jnp.exp(z) - 1.0)
    out_ref[...] = z


def _layer_call(acc, deg, h, wl, wr, bias, act):
    return pl.pallas_call(
        functools.partial(_layer_body, act=act),
        grid=(_N // _BM,),
        in_specs=[
            pl.BlockSpec((_NC, _BM, _D), lambda i: (0, i, 0)),
            pl.BlockSpec((_NC, _BM, _D), lambda i: (0, i, 0)),
            pl.BlockSpec((_BM, _D), lambda i: (i, 0)),
            pl.BlockSpec((_D, _D), lambda i: (0, 0)),
            pl.BlockSpec((_D, _D), lambda i: (0, 0)),
            pl.BlockSpec((1, _D), lambda i: (0, 0)),
        ],
        out_specs=pl.BlockSpec((_BM, _D), lambda i: (i, 0)),
        out_shape=jax.ShapeDtypeStruct((_N, _D), jnp.float32),
    )(acc, deg, h, wl, wr, bias)


def kernel(x, edge_index, weight, Wl, Wr, b, Wl9, Wr9, b9):
    del weight
    src = edge_index[0].astype(jnp.int32)
    dst = edge_index[1].astype(jnp.int32)
    pad = _NW * _EPW - _E
    src_p = jnp.concatenate([src, jnp.zeros((pad,), jnp.int32)])
    src_p = src_p.reshape(_NC, _NS, _CH, _K)
    dst_p = jnp.concatenate([dst, jnp.full((pad,), _DUMMY, jnp.int32)])
    dst_p = dst_p.reshape(_NC, _NS, _CH, _K)

    zeros128 = jnp.zeros((_NPAD, _D), jnp.float32)
    ones128 = jnp.ones((_K, _D), jnp.float32)

    deg = _deg_call(dst_p, ones128, zeros128)

    h = x.astype(jnp.float32)
    for i in range(8):
        acc = _agg_call(h, src_p, dst_p, zeros128)
        h = _layer_call(acc, deg, h, Wl[i], Wr[i], b[i][None, :], act=True)

    acc = _agg_call(h, src_p, dst_p, zeros128)
    wl9 = jnp.pad(Wl9, ((0, 0), (0, _D - _C)))
    wr9 = jnp.pad(Wr9, ((0, 0), (0, _D - _C)))
    b9p = jnp.pad(b9, (0, _D - _C))[None, :]
    out = _layer_call(acc, deg, h, wl9, wr9, b9p, act=False)
    return out[:, :_C]

# --- scband reference (transcript-rebuilt; emitter-appended) ---
"""Pipeline reference for scband-gl-sageconv-9l-128h-44753559224360 (READ-ONLY COPY).

The authoritative reference and input builder live on the scoring server;
editing this copy changes nothing except your own understanding.
"""

import jax, jax.numpy as jnp
import numpy as np

N = 10000
E = 320000
D = 128
H = 128
C = 40


def _glorot_u(key, shape, fan_in):
    s = 1.0 / np.sqrt(fan_in)
    return jax.random.uniform(key, shape, minval=-s, maxval=s, dtype=jnp.float32)


def setup_inputs(seed: int = 0) -> dict:
    key = jax.random.key(seed)
    ks = jax.random.split(key, 10)
    x = jax.random.normal(ks[0], (N, D), dtype=jnp.float32)
    edge_index = jax.random.randint(ks[1], (2, E), 0, N)
    weight = jax.random.uniform(ks[2], (E,), dtype=jnp.float32)
    # layers 1-8: in=128, out=128 (layer1 in = d_feat = 128 too)
    Wl = _glorot_u(ks[3], (8, H, H), H)
    Wr = _glorot_u(ks[4], (8, H, H), H)
    b = jnp.zeros((8, H), dtype=jnp.float32)
    # layer 9: 128 -> 40
    Wl9 = _glorot_u(ks[5], (H, C), H)
    Wr9 = _glorot_u(ks[6], (H, C), H)
    b9 = jnp.zeros((C,), dtype=jnp.float32)
    return {"x": x, "edge_index": edge_index, "weight": weight,
            "Wl": Wl, "Wr": Wr, "b": b, "Wl9": Wl9, "Wr9": Wr9, "b9": b9}


def _sage(h, src, dst, Wl, Wr, b):
    # PyG SAGEConv: out = lin_l(mean_{j in N(i)} x_j) + lin_r(x_i), bias on lin_l
    msg = h[src]
    agg = jax.ops.segment_sum(msg, dst, num_segments=N)
    deg = jax.ops.segment_sum(jnp.ones((src.shape[0],), dtype=h.dtype), dst, num_segments=N)
    mean = agg / jnp.clip(deg, 1.0)[:, None]
    return mean @ Wl + h @ Wr + b


def reference(x, edge_index, weight, Wl, Wr, b, Wl9, Wr9, b9):
    # weight (data.weight / edge_attr) is read in the original forward but unused by SAGEConv
    src = edge_index[0]
    dst = edge_index[1]
    h = x.astype(jnp.float32)
    for i in range(8):
        h = jax.nn.elu(_sage(h, src, dst, Wl[i], Wr[i], b[i]))
    out = _sage(h, src, dst, Wl9, Wr9, b9)
    return out

if __name__ == "__main__":
    import jax
    _d = setup_inputs()
    print(jax.jit(kernel)(*tuple(_d.values())))

</pallas_src>

<mosaic_0001>
#map = affine_map<(d0, d1) -> (0, 0)>
#map1 = affine_map<(d0, d1) -> (0, 0, 0, 0)>
#map2 = affine_map<(d0, d1) -> (0, 0, 0)>
module attributes {stable_mosaic.version = 14 : i64} {
  func.func @_agg_body(%arg0: i32, %arg1: i32, %arg2: memref<10000x128xf32, #tpu.memory_space<hbm>>, %arg3: memref<2x16x79x128xi32, #tpu.memory_space<hbm>>, %arg4: memref<2x16x79x128xi32, #tpu.memory_space<hbm>>, %arg5: memref<10112x128xf32, #tpu.memory_space<hbm>>, %arg6: memref<2x10112x128xf32, #tpu.memory_space<hbm>>, %arg7: memref<79x128xi32, #tpu.memory_space<vmem>>, %arg8: memref<79x128xi32, #tpu.memory_space<vmem>>, %arg9: memref<128x128xf32, #tpu.memory_space<vmem>>, %arg10: memref<10112x128xf32, #tpu.memory_space<vmem_shared>>, %arg11: memref<!tpu.dma_semaphore, #tpu.memory_space<semaphore_mem>>) attributes {dimension_semantics = [#tpu.dimension_semantics<core_parallel>, #tpu.dimension_semantics<subcore_parallel>], iteration_bounds = array<i64: 2, 16>, scalar_prefetch = 0 : i64, scratch_operands = 5 : i64, tpu.core_type = #tpu.core_type<sc_vector_subcore>, window_params = [{transform_indices = #map}, {transform_indices = #map1}, {transform_indices = #map1}, {transform_indices = #map}, {transform_indices = #map2}]} {
    %mul3A = arith.constant 632 : i32
    %mul3A_0 = arith.muli %arg1, %mul3A : i32
    "tpu.region"() ({
      %run_scoped3A = tpu.sem_alloc : memref<!tpu.dma_semaphore, #tpu.memory_space<semaphore_mem>>
      %dma_start3A = arith.constant 0 : i32
      %dma_start3A_7 = arith.constant 0 : i32
      %dma_start3A_8 = tpu.memref_slice %arg3[%arg0, %arg1, %dma_start3A, %dma_start3A_7] : memref<2x16x79x128xi32, #tpu.memory_space<hbm>> -> memref<1x1x79x128xi32, #tpu.memory_space<hbm>>
      %dma_start3A_9 = tpu.memref_squeeze %dma_start3A_8 : memref<1x1x79x128xi32, #tpu.memory_space<hbm>> -> memref<79x128xi32, #tpu.memory_space<hbm>>
      %dma_start3A_10 = arith.constant 0 : i32
      %dma_start3A_11 = arith.constant 0 : i32
      %dma_start3A_12 = tpu.memref_slice %arg3[%arg0, %arg1, %dma_start3A_10, %dma_start3A_11] : memref<2x16x79x128xi32, #tpu.memory_space<hbm>> -> memref<1x1x79x128xi32, #tpu.memory_space<hbm>>
      %dma_start3A_13 = tpu.memref_squeeze %dma_start3A_12 : memref<1x1x79x128xi32, #tpu.memory_space<hbm>> -> memref<79x128xi32, #tpu.memory_space<hbm>>
      tpu.enqueue_dma source(%dma_start3A_13 : memref<79x128xi32, #tpu.memory_space<hbm>>) target(%arg7 : memref<79x128xi32, #tpu.memory_space<vmem>>) target_semaphore(%run_scoped3A : memref<!tpu.dma_semaphore, #tpu.memory_space<semaphore_mem>>)
      %dma_wait3A = arith.constant 0 : i32
      %dma_wait3A_14 = arith.constant 0 : i32
      %dma_wait3A_15 = tpu.memref_slice %arg3[%arg0, %arg1, %dma_wait3A, %dma_wait3A_14] : memref<2x16x79x128xi32, #tpu.memory_space<hbm>> -> memref<1x1x79x128xi32, #tpu.memory_space<hbm>>
      %dma_wait3A_16 = tpu.memref_squeeze %dma_wait3A_15 : memref<1x1x79x128xi32, #tpu.memory_space<hbm>> -> memref<79x128xi32, #tpu.memory_space<hbm>>
      %dma_wait3A_17 = arith.constant 0 : i32
      %dma_wait3A_18 = arith.constant 0 : i32
      %dma_wait3A_19 = tpu.memref_slice %arg3[%arg0, %arg1, %dma_wait3A_17, %dma_wait3A_18] : memref<2x16x79x128xi32, #tpu.memory_space<hbm>> -> memref<1x1x79x128xi32, #tpu.memory_space<hbm>>
      %dma_wait3A_20 = tpu.memref_squeeze %dma_wait3A_19 : memref<1x1x79x128xi32, #tpu.memory_space<hbm>> -> memref<79x128xi32, #tpu.memory_space<hbm>>
      tpu.wait_dma2 semaphore(%run_scoped3A : memref<!tpu.dma_semaphore, #tpu.memory_space<semaphore_mem>>) src(%dma_wait3A_20 : memref<79x128xi32, #tpu.memory_space<hbm>>) dst(%arg7 : memref<79x128xi32, #tpu.memory_space<vmem>>)
      tpu.yield
    }) : () -> ()
    "tpu.region"() ({
      %run_scoped3A = tpu.sem_alloc : memref<!tpu.dma_semaphore, #tpu.memory_space<semaphore_mem>>
      %dma_start3A = arith.constant 0 : i32
      %dma_start3A_7 = arith.constant 0 : i32
      %dma_start3A_8 = tpu.memref_slice %arg4[%arg0, %arg1, %dma_start3A, %dma_start3A_7] : memref<2x16x79x128xi32, #tpu.memory_space<hbm>> -> memref<1x1x79x128xi32, #tpu.memory_space<hbm>>
      %dma_start3A_9 = tpu.memref_squeeze %dma_start3A_8 : memref<1x1x79x128xi32, #tpu.memory_space<hbm>> -> memref<79x128xi32, #tpu.memory_space<hbm>>
      %dma_start3A_10 = arith.constant 0 : i32
      %dma_start3A_11 = arith.constant 0 : i32
      %dma_start3A_12 = tpu.memref_slice %arg4[%arg0, %arg1, %dma_start3A_10, %dma_start3A_11] : memref<2x16x79x128xi32, #tpu.memory_space<hbm>> -> memref<1x1x79x128xi32, #tpu.memory_space<hbm>>
      %dma_start3A_13 = tpu.memref_squeeze %dma_start3A_12 : memref<1x1x79x128xi32, #tpu.memory_space<hbm>> -> memref<79x128xi32, #tpu.memory_space<hbm>>
      tpu.enqueue_dma source(%dma_start3A_13 : memref<79x128xi32, #tpu.memory_space<hbm>>) target(%arg8 : memref<79x128xi32, #tpu.memory_space<vmem>>) target_semaphore(%run_scoped3A : memref<!tpu.dma_semaphore, #tpu.memory_space<semaphore_mem>>)
      %dma_wait3A = arith.constant 0 : i32
      %dma_wait3A_14 = arith.constant 0 : i32
      %dma_wait3A_15 = tpu.memref_slice %arg4[%arg0, %arg1, %dma_wait3A, %dma_wait3A_14] : memref<2x16x79x128xi32, #tpu.memory_space<hbm>> -> memref<1x1x79x128xi32, #tpu.memory_space<hbm>>
      %dma_wait3A_16 = tpu.memref_squeeze %dma_wait3A_15 : memref<1x1x79x128xi32, #tpu.memory_space<hbm>> -> memref<79x128xi32, #tpu.memory_space<hbm>>
      %dma_wait3A_17 = arith.constant 0 : i32
      %dma_wait3A_18 = arith.constant 0 : i32
      %dma_wait3A_19 = tpu.memref_slice %arg4[%arg0, %arg1, %dma_wait3A_17, %dma_wait3A_18] : memref<2x16x79x128xi32, #tpu.memory_space<hbm>> -> memref<1x1x79x128xi32, #tpu.memory_space<hbm>>
      %dma_wait3A_20 = tpu.memref_squeeze %dma_wait3A_19 : memref<1x1x79x128xi32, #tpu.memory_space<hbm>> -> memref<79x128xi32, #tpu.memory_space<hbm>>
      tpu.wait_dma2 semaphore(%run_scoped3A : memref<!tpu.dma_semaphore, #tpu.memory_space<semaphore_mem>>) src(%dma_wait3A_20 : memref<79x128xi32, #tpu.memory_space<hbm>>) dst(%arg8 : memref<79x128xi32, #tpu.memory_space<vmem>>)
      tpu.yield
    }) : () -> ()
    "tpu.region"() ({
      %run_scoped3A = tpu.sem_alloc : memref<!tpu.dma_semaphore, #tpu.memory_space<semaphore_mem>>
      %dma_start3A = arith.constant 0 : i32
      %dma_start3A_7 = tpu.memref_slice %arg10[%mul3A_0, %dma_start3A] : memref<10112x128xf32, #tpu.memory_space<vmem_shared>> -> memref<632x128xf32, #tpu.memory_space<vmem_shared>>
      %dma_start3A_8 = arith.constant 0 : i32
      %dma_start3A_9 = tpu.memref_slice %arg5[%mul3A_0, %dma_start3A_8] : memref<10112x128xf32, #tpu.memory_space<hbm>> -> memref<632x128xf32, #tpu.memory_space<hbm>>
      tpu.enqueue_dma source(%dma_start3A_9 : memref<632x128xf32, #tpu.memory_space<hbm>>) target(%dma_start3A_7 : memref<632x128xf32, #tpu.memory_space<vmem_shared>>) target_semaphore(%run_scoped3A : memref<!tpu.dma_semaphore, #tpu.memory_space<semaphore_mem>>)
      %dma_wait3A = arith.constant 0 : i32
      %dma_wait3A_10 = tpu.memref_slice %arg10[%mul3A_0, %dma_wait3A] : memref<10112x128xf32, #tpu.memory_space<vmem_shared>> -> memref<632x128xf32, #tpu.memory_space<vmem_shared>>
      %dma_wait3A_11 = arith.constant 0 : i32
      %dma_wait3A_12 = tpu.memref_slice %arg5[%mul3A_0, %dma_wait3A_11] : memref<10112x128xf32, #tpu.memory_space<hbm>> -> memref<632x128xf32, #tpu.memory_space<hbm>>
      tpu.wait_dma2 semaphore(%run_scoped3A : memref<!tpu.dma_semaphore, #tpu.memory_space<semaphore_mem>>) src(%dma_wait3A_12 : memref<632x128xf32, #tpu.memory_space<hbm>>) dst(%dma_wait3A_10 : memref<632x128xf32, #tpu.memory_space<vmem_shared>>)
      tpu.yield
    }) : () -> ()
    %barrier3A = arith.constant 0 : index
    tpu.barrier barrier_id(%barrier3A)
    %scan3A = arith.constant 0 : i32
    %scan3A_1 = arith.constant 0 : i32
    %scan3A_2 = arith.constant 79 : i32
    %scan3A_3 = arith.addi %scan3A_1, %scan3A_2 : i32
    %scan3A_4 = arith.constant 1 : i32
    scf.for %scan3A_7 = %scan3A_1 to %scan3A_3 step %scan3A_4  : i32 {
      %dma_start3A = arith.constant 0 : i32
      %dma_start3A_8 = tpu.memref_slice %arg7[%scan3A_7, %dma_start3A] : memref<79x128xi32, #tpu.memory_space<vmem>> -> memref<1x128xi32, #tpu.memory_space<vmem>>
      %dma_start3A_9 = tpu.memref_squeeze %dma_start3A_8 : memref<1x128xi32, #tpu.memory_space<vmem>> -> memref<128xi32, #tpu.memory_space<vmem>>
      %dma_start3A_10 = arith.constant 0 : i32
      %dma_start3A_11 = arith.constant 0 : i32
      %dma_start3A_12 = tpu.memref_slice %arg2[%dma_start3A_10, %dma_start3A_11] : memref<10000x128xf32, #tpu.memory_space<hbm>> -> memref<10000x128xf32, #tpu.memory_space<hbm>>
      tpu.enqueue_indirect_dma source(%dma_start3A_12 : memref<10000x128xf32, #tpu.memory_space<hbm>>) target(%arg9 : memref<128x128xf32, #tpu.memory_space<vmem>>) offsets(%dma_start3A_9 : memref<128xi32, #tpu.memory_space<vmem>>) semaphore(%arg11 : memref<!tpu.dma_semaphore, #tpu.memory_space<semaphore_mem>>)
      %dma_wait3A = arith.constant 0 : i32
      %dma_wait3A_13 = tpu.memref_slice %arg7[%scan3A_7, %dma_wait3A] : memref<79x128xi32, #tpu.memory_space<vmem>> -> memref<1x128xi32, #tpu.memory_space<vmem>>
      %dma_wait3A_14 = tpu.memref_squeeze %dma_wait3A_13 : memref<1x128xi32, #tpu.memory_space<vmem>> -> memref<128xi32, #tpu.memory_space<vmem>>
      %dma_wait3A_15 = arith.constant 0 : i32
      %dma_wait3A_16 = arith.constant 0 : i32
      %dma_wait3A_17 = tpu.memref_slice %arg2[%dma_wait3A_15, %dma_wait3A_16] : memref<10000x128xf32, #tpu.memory_space<hbm>> -> memref<10000x128xf32, #tpu.memory_space<hbm>>
      tpu.wait_indirect_dma semaphore(%arg11 : memref<!tpu.dma_semaphore, #tpu.memory_space<semaphore_mem>>) src(%dma_wait3A_17 : memref<10000x128xf32, #tpu.memory_space<hbm>>) dst(%arg9 : memref<128x128xf32, #tpu.memory_space<vmem>>)
      "tpu.region"() ({
        %run_scoped3A = tpu.sem_alloc : memref<!tpu.dma_semaphore, #tpu.memory_space<semaphore_mem>>
        %dma_start3A_18 = arith.constant 0 : i32
        %dma_start3A_19 = tpu.memref_slice %arg8[%scan3A_7, %dma_start3A_18] : memref<79x128xi32, #tpu.memory_space<vmem>> -> memref<1x128xi32, #tpu.memory_space<vmem>>
        %dma_start3A_20 = tpu.memref_squeeze %dma_start3A_19 : memref<1x128xi32, #tpu.memory_space<vmem>> -> memref<128xi32, #tpu.memory_space<vmem>>
        %dma_start3A_21 = arith.constant 0 : i32
        %dma_start3A_22 = arith.constant 0 : i32
        %dma_start3A_23 = tpu.memref_slice %arg10[%dma_start3A_21, %dma_start3A_22] : memref<10112x128xf32, #tpu.memory_space<vmem_shared>> -> memref<10112x128xf32, #tpu.memory_space<vmem_shared>>
        tpu.enqueue_indirect_dma source(%arg9 : memref<128x128xf32, #tpu.memory_space<vmem>>) target(%dma_start3A_23 : memref<10112x128xf32, #tpu.memory_space<vmem_shared>>) offsets(%dma_start3A_20 : memref<128xi32, #tpu.memory_space<vmem>>) semaphore(%run_scoped3A : memref<!tpu.dma_semaphore, #tpu.memory_space<semaphore_mem>>) {add = true}
        %dma_wait3A_24 = arith.constant 0 : i32
        %dma_wait3A_25 = tpu.memref_slice %arg8[%scan3A_7, %dma_wait3A_24] : memref<79x128xi32, #tpu.memory_space<vmem>> -> memref<1x128xi32, #tpu.memory_space<vmem>>
        %dma_wait3A_26 = tpu.memref_squeeze %dma_wait3A_25 : memref<1x128xi32, #tpu.memory_space<vmem>> -> memref<128xi32, #tpu.memory_space<vmem>>
        %dma_wait3A_27 = arith.constant 0 : i32
        %dma_wait3A_28 = arith.constant 0 : i32
        %dma_wait3A_29 = tpu.memref_slice %arg10[%dma_wait3A_27, %dma_wait3A_28] : memref<10112x128xf32, #tpu.memory_space<vmem_shared>> -> memref<10112x128xf32, #tpu.memory_space<vmem_shared>>
        tpu.wait_indirect_dma semaphore(%run_scoped3A : memref<!tpu.dma_semaphore, #tpu.memory_space<semaphore_mem>>) src(%arg9 : memref<128x128xf32, #tpu.memory_space<vmem>>) dst(%dma_wait3A_29 : memref<10112x128xf32, #tpu.memory_space<vmem_shared>>)
        tpu.yield
      }) : () -> ()
    }
    %scan3A_5 = arith.constant 79 : i32
    %barrier3A_6 = arith.constant 0 : index
    tpu.barrier barrier_id(%barrier3A_6)
    "tpu.region"() ({
      %run_scoped3A = tpu.sem_alloc : memref<!tpu.dma_semaphore, #tpu.memory_space<semaphore_mem>>
      %dma_start3A = arith.constant 0 : i32
      %dma_start3A_7 = tpu.memref_slice %arg6[%arg0, %mul3A_0, %dma_start3A] : memref<2x10112x128xf32, #tpu.memory_space<hbm>> -> memref<1x632x128xf32, #tpu.memory_space<hbm>>
      %dma_start3A_8 = tpu.memref_squeeze %dma_start3A_7 : memref<1x632x128xf32, #tpu.memory_space<hbm>> -> memref<632x128xf32, #tpu.memory_space<hbm>>
      %dma_start3A_9 = arith.constant 0 : i32
      %dma_start3A_10 = tpu.memref_slice %arg10[%mul3A_0, %dma_start3A_9] : memref<10112x128xf32, #tpu.memory_space<vmem_shared>> -> memref<632x128xf32, #tpu.memory_space<vmem_shared>>
      tpu.enqueue_dma source(%dma_start3A_10 : memref<632x128xf32, #tpu.memory_space<vmem_shared>>) target(%dma_start3A_8 : memref<632x128xf32, #tpu.memory_space<hbm>>) target_semaphore(%run_scoped3A : memref<!tpu.dma_semaphore, #tpu.memory_space<semaphore_mem>>)
      %dma_wait3A = arith.constant 0 : i32
      %dma_wait3A_11 = tpu.memref_slice %arg6[%arg0, %mul3A_0, %dma_wait3A] : memref<2x10112x128xf32, #tpu.memory_space<hbm>> -> memref<1x632x128xf32, #tpu.memory_space<hbm>>
      %dma_wait3A_12 = tpu.memref_squeeze %dma_wait3A_11 : memref<1x632x128xf32, #tpu.memory_space<hbm>> -> memref<632x128xf32, #tpu.memory_space<hbm>>
      %dma_wait3A_13 = arith.constant 0 : i32
      %dma_wait3A_14 = tpu.memref_slice %arg10[%mul3A_0, %dma_wait3A_13] : memref<10112x128xf32, #tpu.memory_space<vmem_shared>> -> memref<632x128xf32, #tpu.memory_space<vmem_shared>>
      tpu.wait_dma2 semaphore(%run_scoped3A : memref<!tpu.dma_semaphore, #tpu.memory_space<semaphore_mem>>) src(%dma_wait3A_14 : memref<632x128xf32, #tpu.memory_space<vmem_shared>>) dst(%dma_wait3A_12 : memref<632x128xf32, #tpu.memory_space<hbm>>)
      tpu.yield
    }) : () -> ()
    return
  }
}

#map = affine_map<(d0, d1) -> (0, 0)>
#map1 = affine_map<(d0, d1) -> (0, 0, 0, 0)>
#map2 = affine_map<(d0, d1) -> (0, 0, 0)>
module attributes {stable_mosaic.version = 14 : i64} {
  func.func @_agg_body(%arg0: i32, %arg1: i32, %arg2: memref<10000x128xf32, #tpu.memory_space<hbm>>, %arg3: memref<2x16x79x128xi32, #tpu.memory_space<hbm>>, %arg4: memref<2x16x79x128xi32, #tpu.memory_space<hbm>>, %arg5: memref<10112x128xf32, #tpu.memory_space<hbm>>, %arg6: memref<2x10112x128xf32, #tpu.memory_space<hbm>>, %arg7: memref<79x128xi32, #tpu.memory_space<vmem>>, %arg8: memref<79x128xi32, #tpu.memory_space<vmem>>, %arg9: memref<128x128xf32, #tpu.memory_space<vmem>>, %arg10: memref<10112x128xf32, #tpu.memory_space<vmem_shared>>, %arg11: memref<!tpu.dma_semaphore, #tpu.memory_space<semaphore_mem>>) attributes {dimension_semantics = [#tpu.dimension_semantics<core_parallel>, #tpu.dimension_semantics<subcore_parallel>], iteration_bounds = array<i64: 2, 16>, scalar_prefetch = 0 : i64, scratch_operands = 5 : i64, tpu.core_type = #tpu.core_type<sc_vector_subcore>, window_params = [{transform_indices = #map}, {transform_indices = #map1}, {transform_indices = #map1}, {transform_indices = #map}, {transform_indices = #map2}]} {
    %mul3A = arith.constant 632 : i32
    %mul3A_0 = arith.muli %arg1, %mul3A : i32
    "tpu.region"() ({
      %run_scoped3A = tpu.sem_alloc : memref<!tpu.dma_semaphore, #tpu.memory_space<semaphore_mem>>
      %dma_start3A = arith.constant 0 : i32
      %dma_start3A_7 = arith.constant 0 : i32
      %dma_start3A_8 = tpu.memref_slice %arg3[%arg0, %arg1, %dma_start3A, %dma_start3A_7] : memref<2x16x79x128xi32, #tpu.memory_space<hbm>> -> memref<1x1x79x128xi32, #tpu.memory_space<hbm>>
      %dma_start3A_9 = tpu.memref_squeeze %dma_start3A_8 : memref<1x1x79x128xi32, #tpu.memory_space<hbm>> -> memref<79x128xi32, #tpu.memory_space<hbm>>
      %dma_start3A_10 = arith.constant 0 : i32
      %dma_start3A_11 = arith.constant 0 : i32
      %dma_start3A_12 = tpu.memref_slice %arg3[%arg0, %arg1, %dma_start3A_10, %dma_start3A_11] : memref<2x16x79x128xi32, #tpu.memory_space<hbm>> -> memref<1x1x79x128xi32, #tpu.memory_space<hbm>>
      %dma_start3A_13 = tpu.memref_squeeze %dma_start3A_12 : memref<1x1x79x128xi32, #tpu.memory_space<hbm>> -> memref<79x128xi32, #tpu.memory_space<hbm>>
      tpu.enqueue_dma source(%dma_start3A_13 : memref<79x128xi32, #tpu.memory_space<hbm>>) target(%arg7 : memref<79x128xi32, #tpu.memory_space<vmem>>) target_semaphore(%run_scoped3A : memref<!tpu.dma_semaphore, #tpu.memory_space<semaphore_mem>>)
      %dma_wait3A = arith.constant 0 : i32
      %dma_wait3A_14 = arith.constant 0 : i32
      %dma_wait3A_15 = tpu.memref_slice %arg3[%arg0, %arg1, %dma_wait3A, %dma_wait3A_14] : memref<2x16x79x128xi32, #tpu.memory_space<hbm>> -> memref<1x1x79x128xi32, #tpu.memory_space<hbm>>
      %dma_wait3A_16 = tpu.memref_squeeze %dma_wait3A_15 : memref<1x1x79x128xi32, #tpu.memory_space<hbm>> -> memref<79x128xi32, #tpu.memory_space<hbm>>
      %dma_wait3A_17 = arith.constant 0 : i32
      %dma_wait3A_18 = arith.constant 0 : i32
      %dma_wait3A_19 = tpu.memref_slice %arg3[%arg0, %arg1, %dma_wait3A_17, %dma_wait3A_18] : memref<2x16x79x128xi32, #tpu.memory_space<hbm>> -> memref<1x1x79x128xi32, #tpu.memory_space<hbm>>
      %dma_wait3A_20 = tpu.memref_squeeze %dma_wait3A_19 : memref<1x1x79x128xi32, #tpu.memory_space<hbm>> -> memref<79x128xi32, #tpu.memory_space<hbm>>
      tpu.wait_dma2 semaphore(%run_scoped3A : memref<!tpu.dma_semaphore, #tpu.memory_space<semaphore_mem>>) src(%dma_wait3A_20 : memref<79x128xi32, #tpu.memory_space<hbm>>) dst(%arg7 : memref<79x128xi32, #tpu.memory_space<vmem>>)
      tpu.yield
    }) : () -> ()
    "tpu.region"() ({
      %run_scoped3A = tpu.sem_alloc : memref<!tpu.dma_semaphore, #tpu.memory_space<semaphore_mem>>
      %dma_start3A = arith.constant 0 : i32
      %dma_start3A_7 = arith.constant 0 : i32
      %dma_start3A_8 = tpu.memref_slice %arg4[%arg0, %arg1, %dma_start3A, %dma_start3A_7] : memref<2x16x79x128xi32, #tpu.memory_space<hbm>> -> memref<1x1x79x128xi32, #tpu.memory_space<hbm>>
      %dma_start3A_9 = tpu.memref_squeeze %dma_start3A_8 : memref<1x1x79x128xi32, #tpu.memory_space<hbm>> -> memref<79x128xi32, #tpu.memory_space<hbm>>
      %dma_start3A_10 = arith.constant 0 : i32
      %dma_start3A_11 = arith.constant 0 : i32
      %dma_start3A_12 = tpu.memref_slice %arg4[%arg0, %arg1, %dma_start3A_10, %dma_start3A_11] : memref<2x16x79x128xi32, #tpu.memory_space<hbm>> -> memref<1x1x79x128xi32, #tpu.memory_space<hbm>>
      %dma_start3A_13 = tpu.memref_squeeze %dma_start3A_12 : memref<1x1x79x128xi32, #tpu.memory_space<hbm>> -> memref<79x128xi32, #tpu.memory_space<hbm>>
      tpu.enqueue_dma source(%dma_start3A_13 : memref<79x128xi32, #tpu.memory_space<hbm>>) target(%arg8 : memref<79x128xi32, #tpu.memory_space<vmem>>) target_semaphore(%run_scoped3A : memref<!tpu.dma_semaphore, #tpu.memory_space<semaphore_mem>>)
      %dma_wait3A = arith.constant 0 : i32
      %dma_wait3A_14 = arith.constant 0 : i32
      %dma_wait3A_15 = tpu.memref_slice %arg4[%arg0, %arg1, %dma_wait3A, %dma_wait3A_14] : memref<2x16x79x128xi32, #tpu.memory_space<hbm>> -> memref<1x1x79x128xi32, #tpu.memory_space<hbm>>
      %dma_wait3A_16 = tpu.memref_squeeze %dma_wait3A_15 : memref<1x1x79x128xi32, #tpu.memory_space<hbm>> -> memref<79x128xi32, #tpu.memory_space<hbm>>
      %dma_wait3A_17 = arith.constant 0 : i32
      %dma_wait3A_18 = arith.constant 0 : i32
      %dma_wait3A_19 = tpu.memref_slice %arg4[%arg0, %arg1, %dma_wait3A_17, %dma_wait3A_18] : memref<2x16x79x128xi32, #tpu.memory_space<hbm>> -> memref<1x1x79x128xi32, #tpu.memory_space<hbm>>
      %dma_wait3A_20 = tpu.memref_squeeze %dma_wait3A_19 : memref<1x1x79x128xi32, #tpu.memory_space<hbm>> -> memref<79x128xi32, #tpu.memory_space<hbm>>
      tpu.wait_dma2 semaphore(%run_scoped3A : memref<!tpu.dma_semaphore, #tpu.memory_space<semaphore_mem>>) src(%dma_wait3A_20 : memref<79x128xi32, #tpu.memory_space<hbm>>) dst(%arg8 : memref<79x128xi32, #tpu.memory_space<vmem>>)
      tpu.yield
    }) : () -> ()
    "tpu.region"() ({
      %run_scoped3A = tpu.sem_alloc : memref<!tpu.dma_semaphore, #tpu.memory_space<semaphore_mem>>
      %dma_start3A = arith.constant 0 : i32
      %dma_start3A_7 = tpu.memref_slice %arg10[%mul3A_0, %dma_start3A] : memref<10112x128xf32, #tpu.memory_space<vmem_shared>> -> memref<632x128xf32, #tpu.memory_space<vmem_shared>>
      %dma_start3A_8 = arith.constant 0 : i32
      %dma_start3A_9 = tpu.memref_slice %arg5[%mul3A_0, %dma_start3A_8] : memref<10112x128xf32, #tpu.memory_space<hbm>> -> memref<632x128xf32, #tpu.memory_space<hbm>>
      tpu.enqueue_dma source(%dma_start3A_9 : memref<632x128xf32, #tpu.memory_space<hbm>>) target(%dma_start3A_7 : memref<632x128xf32, #tpu.memory_space<vmem_shared>>) target_semaphore(%run_scoped3A : memref<!tpu.dma_semaphore, #tpu.memory_space<semaphore_mem>>)
      %dma_wait3A = arith.constant 0 : i32
      %dma_wait3A_10 = tpu.memref_slice %arg10[%mul3A_0, %dma_wait3A] : memref<10112x128xf32, #tpu.memory_space<vmem_shared>> -> memref<632x128xf32, #tpu.memory_space<vmem_shared>>
      %dma_wait3A_11 = arith.constant 0 : i32
      %dma_wait3A_12 = tpu.memref_slice %arg5[%mul3A_0, %dma_wait3A_11] : memref<10112x128xf32, #tpu.memory_space<hbm>> -> memref<632x128xf32, #tpu.memory_space<hbm>>
      tpu.wait_dma2 semaphore(%run_scoped3A : memref<!tpu.dma_semaphore, #tpu.memory_space<semaphore_mem>>) src(%dma_wait3A_12 : memref<632x128xf32, #tpu.memory_space<hbm>>) dst(%dma_wait3A_10 : memref<632x128xf32, #tpu.memory_space<vmem_shared>>)
      tpu.yield
    }) : () -> ()
    %barrier3A = arith.constant 0 : index
    tpu.barrier barrier_id(%barrier3A)
    %scan3A = arith.constant 0 : i32
    %scan3A_1 = arith.constant 0 : i32
    %scan3A_2 = arith.constant 79 : i32
    %scan3A_3 = arith.addi %scan3A_1, %scan3A_2 : i32
    %scan3A_4 = arith.constant 1 : i32
    scf.for %scan3A_7 = %scan3A_1 to %scan3A_3 step %scan3A_4  : i32 {
      %dma_start3A = arith.constant 0 : i32
      %dma_start3A_8 = tpu.memref_slice %arg7[%scan3A_7, %dma_start3A] : memref<79x128xi32, #tpu.memory_space<vmem>> -> memref<1x128xi32, #tpu.memory_space<vmem>>
      %dma_start3A_9 = tpu.memref_squeeze %dma_start3A_8 : memref<1x128xi32, #tpu.memory_space<vmem>> -> memref<128xi32, #tpu.memory_space<vmem>>
      %dma_start3A_10 = arith.constant 0 : i32
      %dma_start3A_11 = arith.constant 0 : i32
      %dma_start3A_12 = tpu.memref_slice %arg2[%dma_start3A_10, %dma_start3A_11] : memref<10000x128xf32, #tpu.memory_space<hbm>> -> memref<10000x128xf32, #tpu.memory_space<hbm>>
      tpu.enqueue_indirect_dma source(%dma_start3A_12 : memref<10000x128xf32, #tpu.memory_space<hbm>>) target(%arg9 : memref<128x128xf32, #tpu.memory_space<vmem>>) offsets(%dma_start3A_9 : memref<128xi32, #tpu.memory_space<vmem>>) semaphore(%arg11 : memref<!tpu.dma_semaphore, #tpu.memory_space<semaphore_mem>>)
      %dma_wait3A = arith.constant 0 : i32
      %dma_wait3A_13 = tpu.memref_slice %arg7[%scan3A_7, %dma_wait3A] : memref<79x128xi32, #tpu.memory_space<vmem>> -> memref<1x128xi32, #tpu.memory_space<vmem>>
      %dma_wait3A_14 = tpu.memref_squeeze %dma_wait3A_13 : memref<1x128xi32, #tpu.memory_space<vmem>> -> memref<128xi32, #tpu.memory_space<vmem>>
      %dma_wait3A_15 = arith.constant 0 : i32
      %dma_wait3A_16 = arith.constant 0 : i32
      %dma_wait3A_17 = tpu.memref_slice %arg2[%dma_wait3A_15, %dma_wait3A_16] : memref<10000x128xf32, #tpu.memory_space<hbm>> -> memref<10000x128xf32, #tpu.memory_space<hbm>>
      tpu.wait_indirect_dma semaphore(%arg11 : memref<!tpu.dma_semaphore, #tpu.memory_space<semaphore_mem>>) src(%dma_wait3A_17 : memref<10000x128xf32, #tpu.memory_space<hbm>>) dst(%arg9 : memref<128x128xf32, #tpu.memory_space<vmem>>)
      "tpu.region"() ({
        %run_scoped3A = tpu.sem_alloc : memref<!tpu.dma_semaphore, #tpu.memory_space<semaphore_mem>>
        %dma_start3A_18 = arith.constant 0 : i32
        %dma_start3A_19 = tpu.memref_slice %arg8[%scan3A_7, %dma_start3A_18] : memref<79x128xi32, #tpu.memory_space<vmem>> -> memref<1x128xi32, #tpu.memory_space<vmem>>
        %dma_start3A_20 = tpu.memref_squeeze %dma_start3A_19 : memref<1x128xi32, #tpu.memory_space<vmem>> -> memref<128xi32, #tpu.memory_space<vmem>>
        %dma_start3A_21 = arith.constant 0 : i32
        %dma_start3A_22 = arith.constant 0 : i32
        %dma_start3A_23 = tpu.memref_slice %arg10[%dma_start3A_21, %dma_start3A_22] : memref<10112x128xf32, #tpu.memory_space<vmem_shared>> -> memref<10112x128xf32, #tpu.memory_space<vmem_shared>>
        tpu.enqueue_indirect_dma source(%arg9 : memref<128x128xf32, #tpu.memory_space<vmem>>) target(%dma_start3A_23 : memref<10112x128xf32, #tpu.memory_space<vmem_shared>>) offsets(%dma_start3A_20 : memref<128xi32, #tpu.memory_space<vmem>>) semaphore(%run_scoped3A : memref<!tpu.dma_semaphore, #tpu.memory_space<semaphore_mem>>) {add = true}
        %dma_wait3A_24 = arith.constant 0 : i32
        %dma_wait3A_25 = tpu.memref_slice %arg8[%scan3A_7, %dma_wait3A_24] : memref<79x128xi32, #tpu.memory_space<vmem>> -> memref<1x128xi32, #tpu.memory_space<vmem>>
        %dma_wait3A_26 = tpu.memref_squeeze %dma_wait3A_25 : memref<1x128xi32, #tpu.memory_space<vmem>> -> memref<128xi32, #tpu.memory_space<vmem>>
        %dma_wait3A_27 = arith.constant 0 : i32
        %dma_wait3A_28 = arith.constant 0 : i32
        %dma_wait3A_29 = tpu.memref_slice %arg10[%dma_wait3A_27, %dma_wait3A_28] : memref<10112x128xf32, #tpu.memory_space<vmem_shared>> -> memref<10112x128xf32, #tpu.memory_space<vmem_shared>>
        tpu.wait_indirect_dma semaphore(%run_scoped3A : memref<!tpu.dma_semaphore, #tpu.memory_space<semaphore_mem>>) src(%arg9 : memref<128x128xf32, #tpu.memory_space<vmem>>) dst(%dma_wait3A_29 : memref<10112x128xf32, #tpu.memory_space<vmem_shared>>)
        tpu.yield
      }) : () -> ()
    }
    %scan3A_5 = arith.constant 79 : i32
    %barrier3A_6 = arith.constant 0 : index
    tpu.barrier barrier_id(%barrier3A_6)
    "tpu.region"() ({
      %run_scoped3A = tpu.sem_alloc : memref<!tpu.dma_semaphore, #tpu.memory_space<semaphore_mem>>
      %dma_start3A = arith.constant 0 : i32
      %dma_start3A_7 = tpu.memref_slice %arg6[%arg0, %mul3A_0, %dma_start3A] : memref<2x10112x128xf32, #tpu.memory_space<hbm>> -> memref<1x632x128xf32, #tpu.memory_space<hbm>>
      %dma_start3A_8 = tpu.memref_squeeze %dma_start3A_7 : memref<1x632x128xf32, #tpu.memory_space<hbm>> -> memref<632x128xf32, #tpu.memory_space<hbm>>
      %dma_start3A_9 = arith.constant 0 : i32
      %dma_start3A_10 = tpu.memref_slice %arg10[%mul3A_0, %dma_start3A_9] : memref<10112x128xf32, #tpu.memory_space<vmem_shared>> -> memref<632x128xf32, #tpu.memory_space<vmem_shared>>
      tpu.enqueue_dma source(%dma_start3A_10 : memref<632x128xf32, #tpu.memory_space<vmem_shared>>) target(%dma_start3A_8 : memref<632x128xf32, #tpu.memory_space<hbm>>) target_semaphore(%run_scoped3A : memref<!tpu.dma_semaphore, #tpu.memory_space<semaphore_mem>>)
      %dma_wait3A = arith.constant 0 : i32
      %dma_wait3A_11 = tpu.memref_slice %arg6[%arg0, %mul3A_0, %dma_wait3A] : memref<2x10112x128xf32, #tpu.memory_space<hbm>> -> memref<1x632x128xf32, #tpu.memory_space<hbm>>
      %dma_wait3A_12 = tpu.memref_squeeze %dma_wait3A_11 : memref<1x632x128xf32, #tpu.memory_space<hbm>> -> memref<632x128xf32, #tpu.memory_space<hbm>>
      %dma_wait3A_13 = arith.constant 0 : i32
      %dma_wait3A_14 = tpu.memref_slice %arg10[%mul3A_0, %dma_wait3A_13] : memref<10112x128xf32, #tpu.memory_space<vmem_shared>> -> memref<632x128xf32, #tpu.memory_space<vmem_shared>>
      tpu.wait_dma2 semaphore(%run_scoped3A : memref<!tpu.dma_semaphore, #tpu.memory_space<semaphore_mem>>) src(%dma_wait3A_14 : memref<632x128xf32, #tpu.memory_space<vmem_shared>>) dst(%dma_wait3A_12 : memref<632x128xf32, #tpu.memory_space<hbm>>)
      tpu.yield
    }) : () -> ()
    return
  }
}

#map = affine_map<(d0, d1) -> (0, 0, 0, 0)>
#map1 = affine_map<(d0, d1) -> (0, 0)>
#map2 = affine_map<(d0, d1) -> (0, 0, 0)>
module attributes {stable_mosaic.version = 14 : i64} {
  func.func @_deg_body(%arg0: i32, %arg1: i32, %arg2: memref<2x16x79x128xi32, #tpu.memory_space<hbm>>, %arg3: memref<128x128xf32, #tpu.memory_space<hbm>>, %arg4: memref<10112x128xf32, #tpu.memory_space<hbm>>, %arg5: memref<2x10112x128xf32, #tpu.memory_space<hbm>>, %arg6: memref<79x128xi32, #tpu.memory_space<vmem>>, %arg7: memref<128x128xf32, #tpu.memory_space<vmem>>, %arg8: memref<10112x128xf32, #tpu.memory_space<vmem_shared>>) attributes {dimension_semantics = [#tpu.dimension_semantics<core_parallel>, #tpu.dimension_semantics<subcore_parallel>], iteration_bounds = array<i64: 2, 16>, scalar_prefetch = 0 : i64, scratch_operands = 3 : i64, tpu.core_type = #tpu.core_type<sc_vector_subcore>, window_params = [{transform_indices = #map}, {transform_indices = #map1}, {transform_indices = #map1}, {transform_indices = #map2}]} {
    %mul3A = arith.constant 632 : i32
    %mul3A_0 = arith.muli %arg1, %mul3A : i32
    "tpu.region"() ({
      %run_scoped3A = tpu.sem_alloc : memref<!tpu.dma_semaphore, #tpu.memory_space<semaphore_mem>>
      %dma_start3A = arith.constant 0 : i32
      %dma_start3A_7 = arith.constant 0 : i32
      %dma_start3A_8 = tpu.memref_slice %arg2[%arg0, %arg1, %dma_start3A, %dma_start3A_7] : memref<2x16x79x128xi32, #tpu.memory_space<hbm>> -> memref<1x1x79x128xi32, #tpu.memory_space<hbm>>
      %dma_start3A_9 = tpu.memref_squeeze %dma_start3A_8 : memref<1x1x79x128xi32, #tpu.memory_space<hbm>> -> memref<79x128xi32, #tpu.memory_space<hbm>>
      %dma_start3A_10 = arith.constant 0 : i32
      %dma_start3A_11 = arith.constant 0 : i32
      %dma_start3A_12 = tpu.memref_slice %arg2[%arg0, %arg1, %dma_start3A_10, %dma_start3A_11] : memref<2x16x79x128xi32, #tpu.memory_space<hbm>> -> memref<1x1x79x128xi32, #tpu.memory_space<hbm>>
      %dma_start3A_13 = tpu.memref_squeeze %dma_start3A_12 : memref<1x1x79x128xi32, #tpu.memory_space<hbm>> -> memref<79x128xi32, #tpu.memory_space<hbm>>
      tpu.enqueue_dma source(%dma_start3A_13 : memref<79x128xi32, #tpu.memory_space<hbm>>) target(%arg6 : memref<79x128xi32, #tpu.memory_space<vmem>>) target_semaphore(%run_scoped3A : memref<!tpu.dma_semaphore, #tpu.memory_space<semaphore_mem>>)
      %dma_wait3A = arith.constant 0 : i32
      %dma_wait3A_14 = arith.constant 0 : i32
      %dma_wait3A_15 = tpu.memref_slice %arg2[%arg0, %arg1, %dma_wait3A, %dma_wait3A_14] : memref<2x16x79x128xi32, #tpu.memory_space<hbm>> -> memref<1x1x79x128xi32, #tpu.memory_space<hbm>>
      %dma_wait3A_16 = tpu.memref_squeeze %dma_wait3A_15 : memref<1x1x79x128xi32, #tpu.memory_space<hbm>> -> memref<79x128xi32, #tpu.memory_space<hbm>>
      %dma_wait3A_17 = arith.constant 0 : i32
      %dma_wait3A_18 = arith.constant 0 : i32
      %dma_wait3A_19 = tpu.memref_slice %arg2[%arg0, %arg1, %dma_wait3A_17, %dma_wait3A_18] : memref<2x16x79x128xi32, #tpu.memory_space<hbm>> -> memref<1x1x79x128xi32, #tpu.memory_space<hbm>>
      %dma_wait3A_20 = tpu.memref_squeeze %dma_wait3A_19 : memref<1x1x79x128xi32, #tpu.memory_space<hbm>> -> memref<79x128xi32, #tpu.memory_space<hbm>>
      tpu.wait_dma2 semaphore(%run_scoped3A : memref<!tpu.dma_semaphore, #tpu.memory_space<semaphore_mem>>) src(%dma_wait3A_20 : memref<79x128xi32, #tpu.memory_space<hbm>>) dst(%arg6 : memref<79x128xi32, #tpu.memory_space<vmem>>)
      tpu.yield
    }) : () -> ()
    "tpu.region"() ({
      %run_scoped3A = tpu.sem_alloc : memref<!tpu.dma_semaphore, #tpu.memory_space<semaphore_mem>>
      tpu.enqueue_dma source(%arg3 : memref<128x128xf32, #tpu.memory_space<hbm>>) target(%arg7 : memref<128x128xf32, #tpu.memory_space<vmem>>) target_semaphore(%run_scoped3A : memref<!tpu.dma_semaphore, #tpu.memory_space<semaphore_mem>>)
      tpu.wait_dma2 semaphore(%run_scoped3A : memref<!tpu.dma_semaphore, #tpu.memory_space<semaphore_mem>>) src(%arg3 : memref<128x128xf32, #tpu.memory_space<hbm>>) dst(%arg7 : memref<128x128xf32, #tpu.memory_space<vmem>>)
      tpu.yield
    }) : () -> ()
    "tpu.region"() ({
      %run_scoped3A = tpu.sem_alloc : memref<!tpu.dma_semaphore, #tpu.memory_space<semaphore_mem>>
      %dma_start3A = arith.constant 0 : i32
      %dma_start3A_7 = tpu.memref_slice %arg8[%mul3A_0, %dma_start3A] : memref<10112x128xf32, #tpu.memory_space<vmem_shared>> -> memref<632x128xf32, #tpu.memory_space<vmem_shared>>
      %dma_start3A_8 = arith.constant 0 : i32
      %dma_start3A_9 = tpu.memref_slice %arg4[%mul3A_0, %dma_start3A_8] : memref<10112x128xf32, #tpu.memory_space<hbm>> -> memref<632x128xf32, #tpu.memory_space<hbm>>
      tpu.enqueue_dma source(%dma_start3A_9 : memref<632x128xf32, #tpu.memory_space<hbm>>) target(%dma_start3A_7 : memref<632x128xf32, #tpu.memory_space<vmem_shared>>) target_semaphore(%run_scoped3A : memref<!tpu.dma_semaphore, #tpu.memory_space<semaphore_mem>>)
      %dma_wait3A = arith.constant 0 : i32
      %dma_wait3A_10 = tpu.memref_slice %arg8[%mul3A_0, %dma_wait3A] : memref<10112x128xf32, #tpu.memory_space<vmem_shared>> -> memref<632x128xf32, #tpu.memory_space<vmem_shared>>
      %dma_wait3A_11 = arith.constant 0 : i32
      %dma_wait3A_12 = tpu.memref_slice %arg4[%mul3A_0, %dma_wait3A_11] : memref<10112x128xf32, #tpu.memory_space<hbm>> -> memref<632x128xf32, #tpu.memory_space<hbm>>
      tpu.wait_dma2 semaphore(%run_scoped3A : memref<!tpu.dma_semaphore, #tpu.memory_space<semaphore_mem>>) src(%dma_wait3A_12 : memref<632x128xf32, #tpu.memory_space<hbm>>) dst(%dma_wait3A_10 : memref<632x128xf32, #tpu.memory_space<vmem_shared>>)
      tpu.yield
    }) : () -> ()
    %barrier3A = arith.constant 0 : index
    tpu.barrier barrier_id(%barrier3A)
    %scan3A = arith.constant 0 : i32
    %scan3A_1 = arith.constant 0 : i32
    %scan3A_2 = arith.constant 79 : i32
    %scan3A_3 = arith.addi %scan3A_1, %scan3A_2 : i32
    %scan3A_4 = arith.constant 1 : i32
    scf.for %scan3A_7 = %scan3A_1 to %scan3A_3 step %scan3A_4  : i32 {
      "tpu.region"() ({
        %run_scoped3A = tpu.sem_alloc : memref<!tpu.dma_semaphore, #tpu.memory_space<semaphore_mem>>
        %dma_start3A = arith.constant 0 : i32
        %dma_start3A_8 = tpu.memref_slice %arg6[%scan3A_7, %dma_start3A] : memref<79x128xi32, #tpu.memory_space<vmem>> -> memref<1x128xi32, #tpu.memory_space<vmem>>
        %dma_start3A_9 = tpu.memref_squeeze %dma_start3A_8 : memref<1x128xi32, #tpu.memory_space<vmem>> -> memref<128xi32, #tpu.memory_space<vmem>>
        %dma_start3A_10 = arith.constant 0 : i32
        %dma_start3A_11 = arith.constant 0 : i32
        %dma_start3A_12 = tpu.memref_slice %arg8[%dma_start3A_10, %dma_start3A_11] : memref<10112x128xf32, #tpu.memory_space<vmem_shared>> -> memref<10112x128xf32, #tpu.memory_space<vmem_shared>>
        tpu.enqueue_indirect_dma source(%arg7 : memref<128x128xf32, #tpu.memory_space<vmem>>) target(%dma_start3A_12 : memref<10112x128xf32, #tpu.memory_space<vmem_shared>>) offsets(%dma_start3A_9 : memref<128xi32, #tpu.memory_space<vmem>>) semaphore(%run_scoped3A : memref<!tpu.dma_semaphore, #tpu.memory_space<semaphore_mem>>) {add = true}
        %dma_wait3A = arith.constant 0 : i32
        %dma_wait3A_13 = tpu.memref_slice %arg6[%scan3A_7, %dma_wait3A] : memref<79x128xi32, #tpu.memory_space<vmem>> -> memref<1x128xi32, #tpu.memory_space<vmem>>
        %dma_wait3A_14 = tpu.memref_squeeze %dma_wait3A_13 : memref<1x128xi32, #tpu.memory_space<vmem>> -> memref<128xi32, #tpu.memory_space<vmem>>
        %dma_wait3A_15 = arith.constant 0 : i32
        %dma_wait3A_16 = arith.constant 0 : i32
        %dma_wait3A_17 = tpu.memref_slice %arg8[%dma_wait3A_15, %dma_wait3A_16] : memref<10112x128xf32, #tpu.memory_space<vmem_shared>> -> memref<10112x128xf32, #tpu.memory_space<vmem_shared>>
        tpu.wait_indirect_dma semaphore(%run_scoped3A : memref<!tpu.dma_semaphore, #tpu.memory_space<semaphore_mem>>) src(%arg7 : memref<128x128xf32, #tpu.memory_space<vmem>>) dst(%dma_wait3A_17 : memref<10112x128xf32, #tpu.memory_space<vmem_shared>>)
        tpu.yield
      }) : () -> ()
    }
    %scan3A_5 = arith.constant 79 : i32
    %barrier3A_6 = arith.constant 0 : index
    tpu.barrier barrier_id(%barrier3A_6)
    "tpu.region"() ({
      %run_scoped3A = tpu.sem_alloc : memref<!tpu.dma_semaphore, #tpu.memory_space<semaphore_mem>>
      %dma_start3A = arith.constant 0 : i32
      %dma_start3A_7 = tpu.memref_slice %arg5[%arg0, %mul3A_0, %dma_start3A] : memref<2x10112x128xf32, #tpu.memory_space<hbm>> -> memref<1x632x128xf32, #tpu.memory_space<hbm>>
      %dma_start3A_8 = tpu.memref_squeeze %dma_start3A_7 : memref<1x632x128xf32, #tpu.memory_space<hbm>> -> memref<632x128xf32, #tpu.memory_space<hbm>>
      %dma_start3A_9 = arith.constant 0 : i32
      %dma_start3A_10 = tpu.memref_slice %arg8[%mul3A_0, %dma_start3A_9] : memref<10112x128xf32, #tpu.memory_space<vmem_shared>> -> memref<632x128xf32, #tpu.memory_space<vmem_shared>>
      tpu.enqueue_dma source(%dma_start3A_10 : memref<632x128xf32, #tpu.memory_space<vmem_shared>>) target(%dma_start3A_8 : memref<632x128xf32, #tpu.memory_space<hbm>>) target_semaphore(%run_scoped3A : memref<!tpu.dma_semaphore, #tpu.memory_space<semaphore_mem>>)
      %dma_wait3A = arith.constant 0 : i32
      %dma_wait3A_11 = tpu.memref_slice %arg5[%arg0, %mul3A_0, %dma_wait3A] : memref<2x10112x128xf32, #tpu.memory_space<hbm>> -> memref<1x632x128xf32, #tpu.memory_space<hbm>>
      %dma_wait3A_12 = tpu.memref_squeeze %dma_wait3A_11 : memref<1x632x128xf32, #tpu.memory_space<hbm>> -> memref<632x128xf32, #tpu.memory_space<hbm>>
      %dma_wait3A_13 = arith.constant 0 : i32
      %dma_wait3A_14 = tpu.memref_slice %arg8[%mul3A_0, %dma_wait3A_13] : memref<10112x128xf32, #tpu.memory_space<vmem_shared>> -> memref<632x128xf32, #tpu.memory_space<vmem_shared>>
      tpu.wait_dma2 semaphore(%run_scoped3A : memref<!tpu.dma_semaphore, #tpu.memory_space<semaphore_mem>>) src(%dma_wait3A_14 : memref<632x128xf32, #tpu.memory_space<vmem_shared>>) dst(%dma_wait3A_12 : memref<632x128xf32, #tpu.memory_space<hbm>>)
      tpu.yield
    }) : () -> ()
    return
  }
}

#map = affine_map<(d0, d1) -> (0, 0)>
#map1 = affine_map<(d0, d1) -> (0, 0, 0, 0)>
#map2 = affine_map<(d0, d1) -> (0, 0, 0)>
module attributes {stable_mosaic.version = 14 : i64} {
  func.func @_agg_body(%arg0: i32, %arg1: i32, %arg2: memref<10000x128xf32, #tpu.memory_space<hbm>>, %arg3: memref<2x16x79x128xi32, #tpu.memory_space<hbm>>, %arg4: memref<2x16x79x128xi32, #tpu.memory_space<hbm>>, %arg5: memref<10112x128xf32, #tpu.memory_space<hbm>>, %arg6: memref<2x10112x128xf32, #tpu.memory_space<hbm>>, %arg7: memref<79x128xi32, #tpu.memory_space<vmem>>, %arg8: memref<79x128xi32, #tpu.memory_space<vmem>>, %arg9: memref<128x128xf32, #tpu.memory_space<vmem>>, %arg10: memref<10112x128xf32, #tpu.memory_space<vmem_shared>>, %arg11: memref<!tpu.dma_semaphore, #tpu.memory_space<semaphore_mem>>) attributes {dimension_semantics = [#tpu.dimension_semantics<core_parallel>, #tpu.dimension_semantics<subcore_parallel>], iteration_bounds = array<i64: 2, 16>, scalar_prefetch = 0 : i64, scratch_operands = 5 : i64, tpu.core_type = #tpu.core_type<sc_vector_subcore>, window_params = [{transform_indices = #map}, {transform_indices = #map1}, {transform_indices = #map1}, {transform_indices = #map}, {transform_indices = #map2}]} {
    %mul3A = arith.constant 632 : i32
    %mul3A_0 = arith.muli %arg1, %mul3A : i32
    "tpu.region"() ({
      %run_scoped3A = tpu.sem_alloc : memref<!tpu.dma_semaphore, #tpu.memory_space<semaphore_mem>>
      %dma_start3A = arith.constant 0 : i32
      %dma_start3A_7 = arith.constant 0 : i32
      %dma_start3A_8 = tpu.memref_slice %arg3[%arg0, %arg1, %dma_start3A, %dma_start3A_7] : memref<2x16x79x128xi32, #tpu.memory_space<hbm>> -> memref<1x1x79x128xi32, #tpu.memory_space<hbm>>
      %dma_start3A_9 = tpu.memref_squeeze %dma_start3A_8 : memref<1x1x79x128xi32, #tpu.memory_space<hbm>> -> memref<79x128xi32, #tpu.memory_space<hbm>>
      %dma_start3A_10 = arith.constant 0 : i32
      %dma_start3A_11 = arith.constant 0 : i32
      %dma_start3A_12 = tpu.memref_slice %arg3[%arg0, %arg1, %dma_start3A_10, %dma_start3A_11] : memref<2x16x79x128xi32, #tpu.memory_space<hbm>> -> memref<1x1x79x128xi32, #tpu.memory_space<hbm>>
      %dma_start3A_13 = tpu.memref_squeeze %dma_start3A_12 : memref<1x1x79x128xi32, #tpu.memory_space<hbm>> -> memref<79x128xi32, #tpu.memory_space<hbm>>
      tpu.enqueue_dma source(%dma_start3A_13 : memref<79x128xi32, #tpu.memory_space<hbm>>) target(%arg7 : memref<79x128xi32, #tpu.memory_space<vmem>>) target_semaphore(%run_scoped3A : memref<!tpu.dma_semaphore, #tpu.memory_space<semaphore_mem>>)
      %dma_wait3A = arith.constant 0 : i32
      %dma_wait3A_14 = arith.constant 0 : i32
      %dma_wait3A_15 = tpu.memref_slice %arg3[%arg0, %arg1, %dma_wait3A, %dma_wait3A_14] : memref<2x16x79x128xi32, #tpu.memory_space<hbm>> -> memref<1x1x79x128xi32, #tpu.memory_space<hbm>>
      %dma_wait3A_16 = tpu.memref_squeeze %dma_wait3A_15 : memref<1x1x79x128xi32, #tpu.memory_space<hbm>> -> memref<79x128xi32, #tpu.memory_space<hbm>>
      %dma_wait3A_17 = arith.constant 0 : i32
      %dma_wait3A_18 = arith.constant 0 : i32
      %dma_wait3A_19 = tpu.memref_slice %arg3[%arg0, %arg1, %dma_wait3A_17, %dma_wait3A_18] : memref<2x16x79x128xi32, #tpu.memory_space<hbm>> -> memref<1x1x79x128xi32, #tpu.memory_space<hbm>>
      %dma_wait3A_20 = tpu.memref_squeeze %dma_wait3A_19 : memref<1x1x79x128xi32, #tpu.memory_space<hbm>> -> memref<79x128xi32, #tpu.memory_space<hbm>>
      tpu.wait_dma2 semaphore(%run_scoped3A : memref<!tpu.dma_semaphore, #tpu.memory_space<semaphore_mem>>) src(%dma_wait3A_20 : memref<79x128xi32, #tpu.memory_space<hbm>>) dst(%arg7 : memref<79x128xi32, #tpu.memory_space<vmem>>)
      tpu.yield
    }) : () -> ()
    "tpu.region"() ({
      %run_scoped3A = tpu.sem_alloc : memref<!tpu.dma_semaphore, #tpu.memory_space<semaphore_mem>>
      %dma_start3A = arith.constant 0 : i32
      %dma_start3A_7 = arith.constant 0 : i32
      %dma_start3A_8 = tpu.memref_slice %arg4[%arg0, %arg1, %dma_start3A, %dma_start3A_7] : memref<2x16x79x128xi32, #tpu.memory_space<hbm>> -> memref<1x1x79x128xi32, #tpu.memory_space<hbm>>
      %dma_start3A_9 = tpu.memref_squeeze %dma_start3A_8 : memref<1x1x79x128xi32, #tpu.memory_space<hbm>> -> memref<79x128xi32, #tpu.memory_space<hbm>>
      %dma_start3A_10 = arith.constant 0 : i32
      %dma_start3A_11 = arith.constant 0 : i32
      %dma_start3A_12 = tpu.memref_slice %arg4[%arg0, %arg1, %dma_start3A_10, %dma_start3A_11] : memref<2x16x79x128xi32, #tpu.memory_space<hbm>> -> memref<1x1x79x128xi32, #tpu.memory_space<hbm>>
      %dma_start3A_13 = tpu.memref_squeeze %dma_start3A_12 : memref<1x1x79x128xi32, #tpu.memory_space<hbm>> -> memref<79x128xi32, #tpu.memory_space<hbm>>
      tpu.enqueue_dma source(%dma_start3A_13 : memref<79x128xi32, #tpu.memory_space<hbm>>) target(%arg8 : memref<79x128xi32, #tpu.memory_space<vmem>>) target_semaphore(%run_scoped3A : memref<!tpu.dma_semaphore, #tpu.memory_space<semaphore_mem>>)
      %dma_wait3A = arith.constant 0 : i32
      %dma_wait3A_14 = arith.constant 0 : i32
      %dma_wait3A_15 = tpu.memref_slice %arg4[%arg0, %arg1, %dma_wait3A, %dma_wait3A_14] : memref<2x16x79x128xi32, #tpu.memory_space<hbm>> -> memref<1x1x79x128xi32, #tpu.memory_space<hbm>>
      %dma_wait3A_16 = tpu.memref_squeeze %dma_wait3A_15 : memref<1x1x79x128xi32, #tpu.memory_space<hbm>> -> memref<79x128xi32, #tpu.memory_space<hbm>>
      %dma_wait3A_17 = arith.constant 0 : i32
      %dma_wait3A_18 = arith.constant 0 : i32
      %dma_wait3A_19 = tpu.memref_slice %arg4[%arg0, %arg1, %dma_wait3A_17, %dma_wait3A_18] : memref<2x16x79x128xi32, #tpu.memory_space<hbm>> -> memref<1x1x79x128xi32, #tpu.memory_space<hbm>>
      %dma_wait3A_20 = tpu.memref_squeeze %dma_wait3A_19 : memref<1x1x79x128xi32, #tpu.memory_space<hbm>> -> memref<79x128xi32, #tpu.memory_space<hbm>>
      tpu.wait_dma2 semaphore(%run_scoped3A : memref<!tpu.dma_semaphore, #tpu.memory_space<semaphore_mem>>) src(%dma_wait3A_20 : memref<79x128xi32, #tpu.memory_space<hbm>>) dst(%arg8 : memref<79x128xi32, #tpu.memory_space<vmem>>)
      tpu.yield
    }) : () -> ()
    "tpu.region"() ({
      %run_scoped3A = tpu.sem_alloc : memref<!tpu.dma_semaphore, #tpu.memory_space<semaphore_mem>>
      %dma_start3A = arith.constant 0 : i32
      %dma_start3A_7 = tpu.memref_slice %arg10[%mul3A_0, %dma_start3A] : memref<10112x128xf32, #tpu.memory_space<vmem_shared>> -> memref<632x128xf32, #tpu.memory_space<vmem_shared>>
      %dma_start3A_8 = arith.constant 0 : i32
      %dma_start3A_9 = tpu.memref_slice %arg5[%mul3A_0, %dma_start3A_8] : memref<10112x128xf32, #tpu.memory_space<hbm>> -> memref<632x128xf32, #tpu.memory_space<hbm>>
      tpu.enqueue_dma source(%dma_start3A_9 : memref<632x128xf32, #tpu.memory_space<hbm>>) target(%dma_start3A_7 : memref<632x128xf32, #tpu.memory_space<vmem_shared>>) target_semaphore(%run_scoped3A : memref<!tpu.dma_semaphore, #tpu.memory_space<semaphore_mem>>)
      %dma_wait3A = arith.constant 0 : i32
      %dma_wait3A_10 = tpu.memref_slice %arg10[%mul3A_0, %dma_wait3A] : memref<10112x128xf32, #tpu.memory_space<vmem_shared>> -> memref<632x128xf32, #tpu.memory_space<vmem_shared>>
      %dma_wait3A_11 = arith.constant 0 : i32
      %dma_wait3A_12 = tpu.memref_slice %arg5[%mul3A_0, %dma_wait3A_11] : memref<10112x128xf32, #tpu.memory_space<hbm>> -> memref<632x128xf32, #tpu.memory_space<hbm>>
      tpu.wait_dma2 semaphore(%run_scoped3A : memref<!tpu.dma_semaphore, #tpu.memory_space<semaphore_mem>>) src(%dma_wait3A_12 : memref<632x128xf32, #tpu.memory_space<hbm>>) dst(%dma_wait3A_10 : memref<632x128xf32, #tpu.memory_space<vmem_shared>>)
      tpu.yield
    }) : () -> ()
    %barrier3A = arith.constant 0 : index
    tpu.barrier barrier_id(%barrier3A)
    %scan3A = arith.constant 0 : i32
    %scan3A_1 = arith.constant 0 : i32
    %scan3A_2 = arith.constant 79 : i32
    %scan3A_3 = arith.addi %scan3A_1, %scan3A_2 : i32
    %scan3A_4 = arith.constant 1 : i32
    scf.for %scan3A_7 = %scan3A_1 to %scan3A_3 step %scan3A_4  : i32 {
      %dma_start3A = arith.constant 0 : i32
      %dma_start3A_8 = tpu.memref_slice %arg7[%scan3A_7, %dma_start3A] : memref<79x128xi32, #tpu.memory_space<vmem>> -> memref<1x128xi32, #tpu.memory_space<vmem>>
      %dma_start3A_9 = tpu.memref_squeeze %dma_start3A_8 : memref<1x128xi32, #tpu.memory_space<vmem>> -> memref<128xi32, #tpu.memory_space<vmem>>
      %dma_start3A_10 = arith.constant 0 : i32
      %dma_start3A_11 = arith.constant 0 : i32
      %dma_start3A_12 = tpu.memref_slice %arg2[%dma_start3A_10, %dma_start3A_11] : memref<10000x128xf32, #tpu.memory_space<hbm>> -> memref<10000x128xf32, #tpu.memory_space<hbm>>
      tpu.enqueue_indirect_dma source(%dma_start3A_12 : memref<10000x128xf32, #tpu.memory_space<hbm>>) target(%arg9 : memref<128x128xf32, #tpu.memory_space<vmem>>) offsets(%dma_start3A_9 : memref<128xi32, #tpu.memory_space<vmem>>) semaphore(%arg11 : memref<!tpu.dma_semaphore, #tpu.memory_space<semaphore_mem>>)
      %dma_wait3A = arith.constant 0 : i32
      %dma_wait3A_13 = tpu.memref_slice %arg7[%scan3A_7, %dma_wait3A] : memref<79x128xi32, #tpu.memory_space<vmem>> -> memref<1x128xi32, #tpu.memory_space<vmem>>
      %dma_wait3A_14 = tpu.memref_squeeze %dma_wait3A_13 : memref<1x128xi32, #tpu.memory_space<vmem>> -> memref<128xi32, #tpu.memory_space<vmem>>
      %dma_wait3A_15 = arith.constant 0 : i32
      %dma_wait3A_16 = arith.constant 0 : i32
      %dma_wait3A_17 = tpu.memref_slice %arg2[%dma_wait3A_15, %dma_wait3A_16] : memref<10000x128xf32, #tpu.memory_space<hbm>> -> memref<10000x128xf32, #tpu.memory_space<hbm>>
      tpu.wait_indirect_dma semaphore(%arg11 : memref<!tpu.dma_semaphore, #tpu.memory_space<semaphore_mem>>) src(%dma_wait3A_17 : memref<10000x128xf32, #tpu.memory_space<hbm>>) dst(%arg9 : memref<128x128xf32, #tpu.memory_space<vmem>>)
      "tpu.region"() ({
        %run_scoped3A = tpu.sem_alloc : memref<!tpu.dma_semaphore, #tpu.memory_space<semaphore_mem>>
        %dma_start3A_18 = arith.constant 0 : i32
        %dma_start3A_19 = tpu.memref_slice %arg8[%scan3A_7, %dma_start3A_18] : memref<79x128xi32, #tpu.memory_space<vmem>> -> memref<1x128xi32, #tpu.memory_space<vmem>>
        %dma_start3A_20 = tpu.memref_squeeze %dma_start3A_19 : memref<1x128xi32, #tpu.memory_space<vmem>> -> memref<128xi32, #tpu.memory_space<vmem>>
        %dma_start3A_21 = arith.constant 0 : i32
        %dma_start3A_22 = arith.constant 0 : i32
        %dma_start3A_23 = tpu.memref_slice %arg10[%dma_start3A_21, %dma_start3A_22] : memref<10112x128xf32, #tpu.memory_space<vmem_shared>> -> memref<10112x128xf32, #tpu.memory_space<vmem_shared>>
        tpu.enqueue_indirect_dma source(%arg9 : memref<128x128xf32, #tpu.memory_space<vmem>>) target(%dma_start3A_23 : memref<10112x128xf32, #tpu.memory_space<vmem_shared>>) offsets(%dma_start3A_20 : memref<128xi32, #tpu.memory_space<vmem>>) semaphore(%run_scoped3A : memref<!tpu.dma_semaphore, #tpu.memory_space<semaphore_mem>>) {add = true}
        %dma_wait3A_24 = arith.constant 0 : i32
        %dma_wait3A_25 = tpu.memref_slice %arg8[%scan3A_7, %dma_wait3A_24] : memref<79x128xi32, #tpu.memory_space<vmem>> -> memref<1x128xi32, #tpu.memory_space<vmem>>
        %dma_wait3A_26 = tpu.memref_squeeze %dma_wait3A_25 : memref<1x128xi32, #tpu.memory_space<vmem>> -> memref<128xi32, #tpu.memory_space<vmem>>
        %dma_wait3A_27 = arith.constant 0 : i32
        %dma_wait3A_28 = arith.constant 0 : i32
        %dma_wait3A_29 = tpu.memref_slice %arg10[%dma_wait3A_27, %dma_wait3A_28] : memref<10112x128xf32, #tpu.memory_space<vmem_shared>> -> memref<10112x128xf32, #tpu.memory_space<vmem_shared>>
        tpu.wait_indirect_dma semaphore(%run_scoped3A : memref<!tpu.dma_semaphore, #tpu.memory_space<semaphore_mem>>) src(%arg9 : memref<128x128xf32, #tpu.memory_space<vmem>>) dst(%dma_wait3A_29 : memref<10112x128xf32, #tpu.memory_space<vmem_shared>>)
        tpu.yield
      }) : () -> ()
    }
    %scan3A_5 = arith.constant 79 : i32
    %barrier3A_6 = arith.constant 0 : index
    tpu.barrier barrier_id(%barrier3A_6)
    "tpu.region"() ({
      %run_scoped3A = tpu.sem_alloc : memref<!tpu.dma_semaphore, #tpu.memory_space<semaphore_mem>>
      %dma_start3A = arith.constant 0 : i32
      %dma_start3A_7 = tpu.memref_slice %arg6[%arg0, %mul3A_0, %dma_start3A] : memref<2x10112x128xf32, #tpu.memory_space<hbm>> -> memref<1x632x128xf32, #tpu.memory_space<hbm>>
      %dma_start3A_8 = tpu.memref_squeeze %dma_start3A_7 : memref<1x632x128xf32, #tpu.memory_space<hbm>> -> memref<632x128xf32, #tpu.memory_space<hbm>>
      %dma_start3A_9 = arith.constant 0 : i32
      %dma_start3A_10 = tpu.memref_slice %arg10[%mul3A_0, %dma_start3A_9] : memref<10112x128xf32, #tpu.memory_space<vmem_shared>> -> memref<632x128xf32, #tpu.memory_space<vmem_shared>>
      tpu.enqueue_dma source(%dma_start3A_10 : memref<632x128xf32, #tpu.memory_space<vmem_shared>>) target(%dma_start3A_8 : memref<632x128xf32, #tpu.memory_space<hbm>>) target_semaphore(%run_scoped3A : memref<!tpu.dma_semaphore, #tpu.memory_space<semaphore_mem>>)
      %dma_wait3A = arith.constant 0 : i32
      %dma_wait3A_11 = tpu.memref_slice %arg6[%arg0, %mul3A_0, %dma_wait3A] : memref<2x10112x128xf32, #tpu.memory_space<hbm>> -> memref<1x632x128xf32, #tpu.memory_space<hbm>>
      %dma_wait3A_12 = tpu.memref_squeeze %dma_wait3A_11 : memref<1x632x128xf32, #tpu.memory_space<hbm>> -> memref<632x128xf32, #tpu.memory_space<hbm>>
      %dma_wait3A_13 = arith.constant 0 : i32
      %dma_wait3A_14 = tpu.memref_slice %arg10[%mul3A_0, %dma_wait3A_13] : memref<10112x128xf32, #tpu.memory_space<vmem_shared>> -> memref<632x128xf32, #tpu.memory_space<vmem_shared>>
      tpu.wait_dma2 semaphore(%run_scoped3A : memref<!tpu.dma_semaphore, #tpu.memory_space<semaphore_mem>>) src(%dma_wait3A_14 : memref<632x128xf32, #tpu.memory_space<vmem_shared>>) dst(%dma_wait3A_12 : memref<632x128xf32, #tpu.memory_space<hbm>>)
      tpu.yield
    }) : () -> ()
    return
  }
}

#map = affine_map<(d0, d1) -> (0, 0)>
#map1 = affine_map<(d0, d1) -> (0, 0, 0, 0)>
#map2 = affine_map<(d0, d1) -> (0, 0, 0)>
module attributes {stable_mosaic.version = 14 : i64} {
  func.func @_agg_body(%arg0: i32, %arg1: i32, %arg2: memref<10000x128xf32, #tpu.memory_space<hbm>>, %arg3: memref<2x16x79x128xi32, #tpu.memory_space<hbm>>, %arg4: memref<2x16x79x128xi32, #tpu.memory_space<hbm>>, %arg5: memref<10112x128xf32, #tpu.memory_space<hbm>>, %arg6: memref<2x10112x128xf32, #tpu.memory_space<hbm>>, %arg7: memref<79x128xi32, #tpu.memory_space<vmem>>, %arg8: memref<79x128xi32, #tpu.memory_space<vmem>>, %arg9: memref<128x128xf32, #tpu.memory_space<vmem>>, %arg10: memref<10112x128xf32, #tpu.memory_space<vmem_shared>>, %arg11: memref<!tpu.dma_semaphore, #tpu.memory_space<semaphore_mem>>) attributes {dimension_semantics = [#tpu.dimension_semantics<core_parallel>, #tpu.dimension_semantics<subcore_parallel>], iteration_bounds = array<i64: 2, 16>, scalar_prefetch = 0 : i64, scratch_operands = 5 : i64, tpu.core_type = #tpu.core_type<sc_vector_subcore>, window_params = [{transform_indices = #map}, {transform_indices = #map1}, {transform_indices = #map1}, {transform_indices = #map}, {transform_indices = #map2}]} {
    %mul3A = arith.constant 632 : i32
    %mul3A_0 = arith.muli %arg1, %mul3A : i32
    "tpu.region"() ({
      %run_scoped3A = tpu.sem_alloc : memref<!tpu.dma_semaphore, #tpu.memory_space<semaphore_mem>>
      %dma_start3A = arith.constant 0 : i32
      %dma_start3A_7 = arith.constant 0 : i32
      %dma_start3A_8 = tpu.memref_slice %arg3[%arg0, %arg1, %dma_start3A, %dma_start3A_7] : memref<2x16x79x128xi32, #tpu.memory_space<hbm>> -> memref<1x1x79x128xi32, #tpu.memory_space<hbm>>
      %dma_start3A_9 = tpu.memref_squeeze %dma_start3A_8 : memref<1x1x79x128xi32, #tpu.memory_space<hbm>> -> memref<79x128xi32, #tpu.memory_space<hbm>>
      %dma_start3A_10 = arith.constant 0 : i32
      %dma_start3A_11 = arith.constant 0 : i32
      %dma_start3A_12 = tpu.memref_slice %arg3[%arg0, %arg1, %dma_start3A_10, %dma_start3A_11] : memref<2x16x79x128xi32, #tpu.memory_space<hbm>> -> memref<1x1x79x128xi32, #tpu.memory_space<hbm>>
      %dma_start3A_13 = tpu.memref_squeeze %dma_start3A_12 : memref<1x1x79x128xi32, #tpu.memory_space<hbm>> -> memref<79x128xi32, #tpu.memory_space<hbm>>
      tpu.enqueue_dma source(%dma_start3A_13 : memref<79x128xi32, #tpu.memory_space<hbm>>) target(%arg7 : memref<79x128xi32, #tpu.memory_space<vmem>>) target_semaphore(%run_scoped3A : memref<!tpu.dma_semaphore, #tpu.memory_space<semaphore_mem>>)
      %dma_wait3A = arith.constant 0 : i32
      %dma_wait3A_14 = arith.constant 0 : i32
      %dma_wait3A_15 = tpu.memref_slice %arg3[%arg0, %arg1, %dma_wait3A, %dma_wait3A_14] : memref<2x16x79x128xi32, #tpu.memory_space<hbm>> -> memref<1x1x79x128xi32, #tpu.memory_space<hbm>>
      %dma_wait3A_16 = tpu.memref_squeeze %dma_wait3A_15 : memref<1x1x79x128xi32, #tpu.memory_space<hbm>> -> memref<79x128xi32, #tpu.memory_space<hbm>>
      %dma_wait3A_17 = arith.constant 0 : i32
      %dma_wait3A_18 = arith.constant 0 : i32
      %dma_wait3A_19 = tpu.memref_slice %arg3[%arg0, %arg1, %dma_wait3A_17, %dma_wait3A_18] : memref<2x16x79x128xi32, #tpu.memory_space<hbm>> -> memref<1x1x79x128xi32, #tpu.memory_space<hbm>>
      %dma_wait3A_20 = tpu.memref_squeeze %dma_wait3A_19 : memref<1x1x79x128xi32, #tpu.memory_space<hbm>> -> memref<79x128xi32, #tpu.memory_space<hbm>>
      tpu.wait_dma2 semaphore(%run_scoped3A : memref<!tpu.dma_semaphore, #tpu.memory_space<semaphore_mem>>) src(%dma_wait3A_20 : memref<79x128xi32, #tpu.memory_space<hbm>>) dst(%arg7 : memref<79x128xi32, #tpu.memory_space<vmem>>)
      tpu.yield
    }) : () -> ()
    "tpu.region"() ({
      %run_scoped3A = tpu.sem_alloc : memref<!tpu.dma_semaphore, #tpu.memory_space<semaphore_mem>>
      %dma_start3A = arith.constant 0 : i32
      %dma_start3A_7 = arith.constant 0 : i32
      %dma_start3A_8 = tpu.memref_slice %arg4[%arg0, %arg1, %dma_start3A, %dma_start3A_7] : memref<2x16x79x128xi32, #tpu.memory_space<hbm>> -> memref<1x1x79x128xi32, #tpu.memory_space<hbm>>
      %dma_start3A_9 = tpu.memref_squeeze %dma_start3A_8 : memref<1x1x79x128xi32, #tpu.memory_space<hbm>> -> memref<79x128xi32, #tpu.memory_space<hbm>>
      %dma_start3A_10 = arith.constant 0 : i32
      %dma_start3A_11 = arith.constant 0 : i32
      %dma_start3A_12 = tpu.memref_slice %arg4[%arg0, %arg1, %dma_start3A_10, %dma_start3A_11] : memref<2x16x79x128xi32, #tpu.memory_space<hbm>> -> memref<1x1x79x128xi32, #tpu.memory_space<hbm>>
      %dma_start3A_13 = tpu.memref_squeeze %dma_start3A_12 : memref<1x1x79x128xi32, #tpu.memory_space<hbm>> -> memref<79x128xi32, #tpu.memory_space<hbm>>
      tpu.enqueue_dma source(%dma_start3A_13 : memref<79x128xi32, #tpu.memory_space<hbm>>) target(%arg8 : memref<79x128xi32, #tpu.memory_space<vmem>>) target_semaphore(%run_scoped3A : memref<!tpu.dma_semaphore, #tpu.memory_space<semaphore_mem>>)
      %dma_wait3A = arith.constant 0 : i32
      %dma_wait3A_14 = arith.constant 0 : i32
      %dma_wait3A_15 = tpu.memref_slice %arg4[%arg0, %arg1, %dma_wait3A, %dma_wait3A_14] : memref<2x16x79x128xi32, #tpu.memory_space<hbm>> -> memref<1x1x79x128xi32, #tpu.memory_space<hbm>>
      %dma_wait3A_16 = tpu.memref_squeeze %dma_wait3A_15 : memref<1x1x79x128xi32, #tpu.memory_space<hbm>> -> memref<79x128xi32, #tpu.memory_space<hbm>>
      %dma_wait3A_17 = arith.constant 0 : i32
      %dma_wait3A_18 = arith.constant 0 : i32
      %dma_wait3A_19 = tpu.memref_slice %arg4[%arg0, %arg1, %dma_wait3A_17, %dma_wait3A_18] : memref<2x16x79x128xi32, #tpu.memory_space<hbm>> -> memref<1x1x79x128xi32, #tpu.memory_space<hbm>>
      %dma_wait3A_20 = tpu.memref_squeeze %dma_wait3A_19 : memref<1x1x79x128xi32, #tpu.memory_space<hbm>> -> memref<79x128xi32, #tpu.memory_space<hbm>>
      tpu.wait_dma2 semaphore(%run_scoped3A : memref<!tpu.dma_semaphore, #tpu.memory_space<semaphore_mem>>) src(%dma_wait3A_20 : memref<79x128xi32, #tpu.memory_space<hbm>>) dst(%arg8 : memref<79x128xi32, #tpu.memory_space<vmem>>)
      tpu.yield
    }) : () -> ()
    "tpu.region"() ({
      %run_scoped3A = tpu.sem_alloc : memref<!tpu.dma_semaphore, #tpu.memory_space<semaphore_mem>>
      %dma_start3A = arith.constant 0 : i32
      %dma_start3A_7 = tpu.memref_slice %arg10[%mul3A_0, %dma_start3A] : memref<10112x128xf32, #tpu.memory_space<vmem_shared>> -> memref<632x128xf32, #tpu.memory_space<vmem_shared>>
      %dma_start3A_8 = arith.constant 0 : i32
      %dma_start3A_9 = tpu.memref_slice %arg5[%mul3A_0, %dma_start3A_8] : memref<10112x128xf32, #tpu.memory_space<hbm>> -> memref<632x128xf32, #tpu.memory_space<hbm>>
      tpu.enqueue_dma source(%dma_start3A_9 : memref<632x128xf32, #tpu.memory_space<hbm>>) target(%dma_start3A_7 : memref<632x128xf32, #tpu.memory_space<vmem_shared>>) target_semaphore(%run_scoped3A : memref<!tpu.dma_semaphore, #tpu.memory_space<semaphore_mem>>)
      %dma_wait3A = arith.constant 0 : i32
      %dma_wait3A_10 = tpu.memref_slice %arg10[%mul3A_0, %dma_wait3A] : memref<10112x128xf32, #tpu.memory_space<vmem_shared>> -> memref<632x128xf32, #tpu.memory_space<vmem_shared>>
      %dma_wait3A_11 = arith.constant 0 : i32
      %dma_wait3A_12 = tpu.memref_slice %arg5[%mul3A_0, %dma_wait3A_11] : memref<10112x128xf32, #tpu.memory_space<hbm>> -> memref<632x128xf32, #tpu.memory_space<hbm>>
      tpu.wait_dma2 semaphore(%run_scoped3A : memref<!tpu.dma_semaphore, #tpu.memory_space<semaphore_mem>>) src(%dma_wait3A_12 : memref<632x128xf32, #tpu.memory_space<hbm>>) dst(%dma_wait3A_10 : memref<632x128xf32, #tpu.memory_space<vmem_shared>>)
      tpu.yield
    }) : () -> ()
    %barrier3A = arith.constant 0 : index
    tpu.barrier barrier_id(%barrier3A)
    %scan3A = arith.constant 0 : i32
    %scan3A_1 = arith.constant 0 : i32
    %scan3A_2 = arith.constant 79 : i32
    %scan3A_3 = arith.addi %scan3A_1, %scan3A_2 : i32
    %scan3A_4 = arith.constant 1 : i32
    scf.for %scan3A_7 = %scan3A_1 to %scan3A_3 step %scan3A_4  : i32 {
      %dma_start3A = arith.constant 0 : i32
      %dma_start3A_8 = tpu.memref_slice %arg7[%scan3A_7, %dma_start3A] : memref<79x128xi32, #tpu.memory_space<vmem>> -> memref<1x128xi32, #tpu.memory_space<vmem>>
      %dma_start3A_9 = tpu.memref_squeeze %dma_start3A_8 : memref<1x128xi32, #tpu.memory_space<vmem>> -> memref<128xi32, #tpu.memory_space<vmem>>
      %dma_start3A_10 = arith.constant 0 : i32
      %dma_start3A_11 = arith.constant 0 : i32
      %dma_start3A_12 = tpu.memref_slice %arg2[%dma_start3A_10, %dma_start3A_11] : memref<10000x128xf32, #tpu.memory_space<hbm>> -> memref<10000x128xf32, #tpu.memory_space<hbm>>
      tpu.enqueue_indirect_dma source(%dma_start3A_12 : memref<10000x128xf32, #tpu.memory_space<hbm>>) target(%arg9 : memref<128x128xf32, #tpu.memory_space<vmem>>) offsets(%dma_start3A_9 : memref<128xi32, #tpu.memory_space<vmem>>) semaphore(%arg11 : memref<!tpu.dma_semaphore, #tpu.memory_space<semaphore_mem>>)
      %dma_wait3A = arith.constant 0 : i32
      %dma_wait3A_13 = tpu.memref_slice %arg7[%scan3A_7, %dma_wait3A] : memref<79x128xi32, #tpu.memory_space<vmem>> -> memref<1x128xi32, #tpu.memory_space<vmem>>
      %dma_wait3A_14 = tpu.memref_squeeze %dma_wait3A_13 : memref<1x128xi32, #tpu.memory_space<vmem>> -> memref<128xi32, #tpu.memory_space<vmem>>
      %dma_wait3A_15 = arith.constant 0 : i32
      %dma_wait3A_16 = arith.constant 0 : i32
      %dma_wait3A_17 = tpu.memref_slice %arg2[%dma_wait3A_15, %dma_wait3A_16] : memref<10000x128xf32, #tpu.memory_space<hbm>> -> memref<10000x128xf32, #tpu.memory_space<hbm>>
      tpu.wait_indirect_dma semaphore(%arg11 : memref<!tpu.dma_semaphore, #tpu.memory_space<semaphore_mem>>) src(%dma_wait3A_17 : memref<10000x128xf32, #tpu.memory_space<hbm>>) dst(%arg9 : memref<128x128xf32, #tpu.memory_space<vmem>>)
      "tpu.region"() ({
        %run_scoped3A = tpu.sem_alloc : memref<!tpu.dma_semaphore, #tpu.memory_space<semaphore_mem>>
        %dma_start3A_18 = arith.constant 0 : i32
        %dma_start3A_19 = tpu.memref_slice %arg8[%scan3A_7, %dma_start3A_18] : memref<79x128xi32, #tpu.memory_space<vmem>> -> memref<1x128xi32, #tpu.memory_space<vmem>>
        %dma_start3A_20 = tpu.memref_squeeze %dma_start3A_19 : memref<1x128xi32, #tpu.memory_space<vmem>> -> memref<128xi32, #tpu.memory_space<vmem>>
        %dma_start3A_21 = arith.constant 0 : i32
        %dma_start3A_22 = arith.constant 0 : i32
        %dma_start3A_23 = tpu.memref_slice %arg10[%dma_start3A_21, %dma_start3A_22] : memref<10112x128xf32, #tpu.memory_space<vmem_shared>> -> memref<10112x128xf32, #tpu.memory_space<vmem_shared>>
        tpu.enqueue_indirect_dma source(%arg9 : memref<128x128xf32, #tpu.memory_space<vmem>>) target(%dma_start3A_23 : memref<10112x128xf32, #tpu.memory_space<vmem_shared>>) offsets(%dma_start3A_20 : memref<128xi32, #tpu.memory_space<vmem>>) semaphore(%run_scoped3A : memref<!tpu.dma_semaphore, #tpu.memory_space<semaphore_mem>>) {add = true}
        %dma_wait3A_24 = arith.constant 0 : i32
        %dma_wait3A_25 = tpu.memref_slice %arg8[%scan3A_7, %dma_wait3A_24] : memref<79x128xi32, #tpu.memory_space<vmem>> -> memref<1x128xi32, #tpu.memory_space<vmem>>
        %dma_wait3A_26 = tpu.memref_squeeze %dma_wait3A_25 : memref<1x128xi32, #tpu.memory_space<vmem>> -> memref<128xi32, #tpu.memory_space<vmem>>
        %dma_wait3A_27 = arith.constant 0 : i32
        %dma_wait3A_28 = arith.constant 0 : i32
        %dma_wait3A_29 = tpu.memref_slice %arg10[%dma_wait3A_27, %dma_wait3A_28] : memref<10112x128xf32, #tpu.memory_space<vmem_shared>> -> memref<10112x128xf32, #tpu.memory_space<vmem_shared>>
        tpu.wait_indirect_dma semaphore(%run_scoped3A : memref<!tpu.dma_semaphore, #tpu.memory_space<semaphore_mem>>) src(%arg9 : memref<128x128xf32, #tpu.memory_space<vmem>>) dst(%dma_wait3A_29 : memref<10112x128xf32, #tpu.memory_space<vmem_shared>>)
        tpu.yield
      }) : () -> ()
    }
    %scan3A_5 = arith.constant 79 : i32
    %barrier3A_6 = arith.constant 0 : index
    tpu.barrier barrier_id(%barrier3A_6)
    "tpu.region"() ({
      %run_scoped3A = tpu.sem_alloc : memref<!tpu.dma_semaphore, #tpu.memory_space<semaphore_mem>>
      %dma_start3A = arith.constant 0 : i32
      %dma_start3A_7 = tpu.memref_slice %arg6[%arg0, %mul3A_0, %dma_start3A] : memref<2x10112x128xf32, #tpu.memory_space<hbm>> -> memref<1x632x128xf32, #tpu.memory_space<hbm>>
      %dma_start3A_8 = tpu.memref_squeeze %dma_start3A_7 : memref<1x632x128xf32, #tpu.memory_space<hbm>> -> memref<632x128xf32, #tpu.memory_space<hbm>>
      %dma_start3A_9 = arith.constant 0 : i32
      %dma_start3A_10 = tpu.memref_slice %arg10[%mul3A_0, %dma_start3A_9] : memref<10112x128xf32, #tpu.memory_space<vmem_shared>> -> memref<632x128xf32, #tpu.memory_space<vmem_shared>>
      tpu.enqueue_dma source(%dma_start3A_10 : memref<632x128xf32, #tpu.memory_space<vmem_shared>>) target(%dma_start3A_8 : memref<632x128xf32, #tpu.memory_space<hbm>>) target_semaphore(%run_scoped3A : memref<!tpu.dma_semaphore, #tpu.memory_space<semaphore_mem>>)
      %dma_wait3A = arith.constant 0 : i32
      %dma_wait3A_11 = tpu.memref_slice %arg6[%arg0, %mul3A_0, %dma_wait3A] : memref<2x10112x128xf32, #tpu.memory_space<hbm>> -> memref<1x632x128xf32, #tpu.memory_space<hbm>>
      %dma_wait3A_12 = tpu.memref_squeeze %dma_wait3A_11 : memref<1x632x128xf32, #tpu.memory_space<hbm>> -> memref<632x128xf32, #tpu.memory_space<hbm>>
      %dma_wait3A_13 = arith.constant 0 : i32
      %dma_wait3A_14 = tpu.memref_slice %arg10[%mul3A_0, %dma_wait3A_13] : memref<10112x128xf32, #tpu.memory_space<vmem_shared>> -> memref<632x128xf32, #tpu.memory_space<vmem_shared>>
      tpu.wait_dma2 semaphore(%run_scoped3A : memref<!tpu.dma_semaphore, #tpu.memory_space<semaphore_mem>>) src(%dma_wait3A_14 : memref<632x128xf32, #tpu.memory_space<vmem_shared>>) dst(%dma_wait3A_12 : memref<632x128xf32, #tpu.memory_space<hbm>>)
      tpu.yield
    }) : () -> ()
    return
  }
}

#map = affine_map<(d0, d1) -> (0, 0)>
#map1 = affine_map<(d0, d1) -> (0, 0, 0, 0)>
#map2 = affine_map<(d0, d1) -> (0, 0, 0)>
module attributes {stable_mosaic.version = 14 : i64} {
  func.func @_agg_body(%arg0: i32, %arg1: i32, %arg2: memref<10000x128xf32, #tpu.memory_space<hbm>>, %arg3: memref<2x16x79x128xi32, #tpu.memory_space<hbm>>, %arg4: memref<2x16x79x128xi32, #tpu.memory_space<hbm>>, %arg5: memref<10112x128xf32, #tpu.memory_space<hbm>>, %arg6: memref<2x10112x128xf32, #tpu.memory_space<hbm>>, %arg7: memref<79x128xi32, #tpu.memory_space<vmem>>, %arg8: memref<79x128xi32, #tpu.memory_space<vmem>>, %arg9: memref<128x128xf32, #tpu.memory_space<vmem>>, %arg10: memref<10112x128xf32, #tpu.memory_space<vmem_shared>>, %arg11: memref<!tpu.dma_semaphore, #tpu.memory_space<semaphore_mem>>) attributes {dimension_semantics = [#tpu.dimension_semantics<core_parallel>, #tpu.dimension_semantics<subcore_parallel>], iteration_bounds = array<i64: 2, 16>, scalar_prefetch = 0 : i64, scratch_operands = 5 : i64, tpu.core_type = #tpu.core_type<sc_vector_subcore>, window_params = [{transform_indices = #map}, {transform_indices = #map1}, {transform_indices = #map1}, {transform_indices = #map}, {transform_indices = #map2}]} {
    %mul3A = arith.constant 632 : i32
    %mul3A_0 = arith.muli %arg1, %mul3A : i32
    "tpu.region"() ({
      %run_scoped3A = tpu.sem_alloc : memref<!tpu.dma_semaphore, #tpu.memory_space<semaphore_mem>>
      %dma_start3A = arith.constant 0 : i32
      %dma_start3A_7 = arith.constant 0 : i32
      %dma_start3A_8 = tpu.memref_slice %arg3[%arg0, %arg1, %dma_start3A, %dma_start3A_7] : memref<2x16x79x128xi32, #tpu.memory_space<hbm>> -> memref<1x1x79x128xi32, #tpu.memory_space<hbm>>
      %dma_start3A_9 = tpu.memref_squeeze %dma_start3A_8 : memref<1x1x79x128xi32, #tpu.memory_space<hbm>> -> memref<79x128xi32, #tpu.memory_space<hbm>>
      %dma_start3A_10 = arith.constant 0 : i32
      %dma_start3A_11 = arith.constant 0 : i32
      %dma_start3A_12 = tpu.memref_slice %arg3[%arg0, %arg1, %dma_start3A_10, %dma_start3A_11] : memref<2x16x79x128xi32, #tpu.memory_space<hbm>> -> memref<1x1x79x128xi32, #tpu.memory_space<hbm>>
      %dma_start3A_13 = tpu.memref_squeeze %dma_start3A_12 : memref<1x1x79x128xi32, #tpu.memory_space<hbm>> -> memref<79x128xi32, #tpu.memory_space<hbm>>
      tpu.enqueue_dma source(%dma_start3A_13 : memref<79x128xi32, #tpu.memory_space<hbm>>) target(%arg7 : memref<79x128xi32, #tpu.memory_space<vmem>>) target_semaphore(%run_scoped3A : memref<!tpu.dma_semaphore, #tpu.memory_space<semaphore_mem>>)
      %dma_wait3A = arith.constant 0 : i32
      %dma_wait3A_14 = arith.constant 0 : i32
      %dma_wait3A_15 = tpu.memref_slice %arg3[%arg0, %arg1, %dma_wait3A, %dma_wait3A_14] : memref<2x16x79x128xi32, #tpu.memory_space<hbm>> -> memref<1x1x79x128xi32, #tpu.memory_space<hbm>>
      %dma_wait3A_16 = tpu.memref_squeeze %dma_wait3A_15 : memref<1x1x79x128xi32, #tpu.memory_space<hbm>> -> memref<79x128xi32, #tpu.memory_space<hbm>>
      %dma_wait3A_17 = arith.constant 0 : i32
      %dma_wait3A_18 = arith.constant 0 : i32
      %dma_wait3A_19 = tpu.memref_slice %arg3[%arg0, %arg1, %dma_wait3A_17, %dma_wait3A_18] : memref<2x16x79x128xi32, #tpu.memory_space<hbm>> -> memref<1x1x79x128xi32, #tpu.memory_space<hbm>>
      %dma_wait3A_20 = tpu.memref_squeeze %dma_wait3A_19 : memref<1x1x79x128xi32, #tpu.memory_space<hbm>> -> memref<79x128xi32, #tpu.memory_space<hbm>>
      tpu.wait_dma2 semaphore(%run_scoped3A : memref<!tpu.dma_semaphore, #tpu.memory_space<semaphore_mem>>) src(%dma_wait3A_20 : memref<79x128xi32, #tpu.memory_space<hbm>>) dst(%arg7 : memref<79x128xi32, #tpu.memory_space<vmem>>)
      tpu.yield
    }) : () -> ()
    "tpu.region"() ({
      %run_scoped3A = tpu.sem_alloc : memref<!tpu.dma_semaphore, #tpu.memory_space<semaphore_mem>>
      %dma_start3A = arith.constant 0 : i32
      %dma_start3A_7 = arith.constant 0 : i32
      %dma_start3A_8 = tpu.memref_slice %arg4[%arg0, %arg1, %dma_start3A, %dma_start3A_7] : memref<2x16x79x128xi32, #tpu.memory_space<hbm>> -> memref<1x1x79x128xi32, #tpu.memory_space<hbm>>
      %dma_start3A_9 = tpu.memref_squeeze %dma_start3A_8 : memref<1x1x79x128xi32, #tpu.memory_space<hbm>> -> memref<79x128xi32, #tpu.memory_space<hbm>>
      %dma_start3A_10 = arith.constant 0 : i32
      %dma_start3A_11 = arith.constant 0 : i32
      %dma_start3A_12 = tpu.memref_slice %arg4[%arg0, %arg1, %dma_start3A_10, %dma_start3A_11] : memref<2x16x79x128xi32, #tpu.memory_space<hbm>> -> memref<1x1x79x128xi32, #tpu.memory_space<hbm>>
      %dma_start3A_13 = tpu.memref_squeeze %dma_start3A_12 : memref<1x1x79x128xi32, #tpu.memory_space<hbm>> -> memref<79x128xi32, #tpu.memory_space<hbm>>
      tpu.enqueue_dma source(%dma_start3A_13 : memref<79x128xi32, #tpu.memory_space<hbm>>) target(%arg8 : memref<79x128xi32, #tpu.memory_space<vmem>>) target_semaphore(%run_scoped3A : memref<!tpu.dma_semaphore, #tpu.memory_space<semaphore_mem>>)
      %dma_wait3A = arith.constant 0 : i32
      %dma_wait3A_14 = arith.constant 0 : i32
      %dma_wait3A_15 = tpu.memref_slice %arg4[%arg0, %arg1, %dma_wait3A, %dma_wait3A_14] : memref<2x16x79x128xi32, #tpu.memory_space<hbm>> -> memref<1x1x79x128xi32, #tpu.memory_space<hbm>>
      %dma_wait3A_16 = tpu.memref_squeeze %dma_wait3A_15 : memref<1x1x79x128xi32, #tpu.memory_space<hbm>> -> memref<79x128xi32, #tpu.memory_space<hbm>>
      %dma_wait3A_17 = arith.constant 0 : i32
      %dma_wait3A_18 = arith.constant 0 : i32
      %dma_wait3A_19 = tpu.memref_slice %arg4[%arg0, %arg1, %dma_wait3A_17, %dma_wait3A_18] : memref<2x16x79x128xi32, #tpu.memory_space<hbm>> -> memref<1x1x79x128xi32, #tpu.memory_space<hbm>>
      %dma_wait3A_20 = tpu.memref_squeeze %dma_wait3A_19 : memref<1x1x79x128xi32, #tpu.memory_space<hbm>> -> memref<79x128xi32, #tpu.memory_space<hbm>>
      tpu.wait_dma2 semaphore(%run_scoped3A : memref<!tpu.dma_semaphore, #tpu.memory_space<semaphore_mem>>) src(%dma_wait3A_20 : memref<79x128xi32, #tpu.memory_space<hbm>>) dst(%arg8 : memref<79x128xi32, #tpu.memory_space<vmem>>)
      tpu.yield
    }) : () -> ()
    "tpu.region"() ({
      %run_scoped3A = tpu.sem_alloc : memref<!tpu.dma_semaphore, #tpu.memory_space<semaphore_mem>>
      %dma_start3A = arith.constant 0 : i32
      %dma_start3A_7 = tpu.memref_slice %arg10[%mul3A_0, %dma_start3A] : memref<10112x128xf32, #tpu.memory_space<vmem_shared>> -> memref<632x128xf32, #tpu.memory_space<vmem_shared>>
      %dma_start3A_8 = arith.constant 0 : i32
      %dma_start3A_9 = tpu.memref_slice %arg5[%mul3A_0, %dma_start3A_8] : memref<10112x128xf32, #tpu.memory_space<hbm>> -> memref<632x128xf32, #tpu.memory_space<hbm>>
      tpu.enqueue_dma source(%dma_start3A_9 : memref<632x128xf32, #tpu.memory_space<hbm>>) target(%dma_start3A_7 : memref<632x128xf32, #tpu.memory_space<vmem_shared>>) target_semaphore(%run_scoped3A : memref<!tpu.dma_semaphore, #tpu.memory_space<semaphore_mem>>)
      %dma_wait3A = arith.constant 0 : i32
      %dma_wait3A_10 = tpu.memref_slice %arg10[%mul3A_0, %dma_wait3A] : memref<10112x128xf32, #tpu.memory_space<vmem_shared>> -> memref<632x128xf32, #tpu.memory_space<vmem_shared>>
      %dma_wait3A_11 = arith.constant 0 : i32
      %dma_wait3A_12 = tpu.memref_slice %arg5[%mul3A_0, %dma_wait3A_11] : memref<10112x128xf32, #tpu.memory_space<hbm>> -> memref<632x128xf32, #tpu.memory_space<hbm>>
      tpu.wait_dma2 semaphore(%run_scoped3A : memref<!tpu.dma_semaphore, #tpu.memory_space<semaphore_mem>>) src(%dma_wait3A_12 : memref<632x128xf32, #tpu.memory_space<hbm>>) dst(%dma_wait3A_10 : memref<632x128xf32, #tpu.memory_space<vmem_shared>>)
      tpu.yield
    }) : () -> ()
    %barrier3A = arith.constant 0 : index
    tpu.barrier barrier_id(%barrier3A)
    %scan3A = arith.constant 0 : i32
    %scan3A_1 = arith.constant 0 : i32
    %scan3A_2 = arith.constant 79 : i32
    %scan3A_3 = arith.addi %scan3A_1, %scan3A_2 : i32
    %scan3A_4 = arith.constant 1 : i32
    scf.for %scan3A_7 = %scan3A_1 to %scan3A_3 step %scan3A_4  : i32 {
      %dma_start3A = arith.constant 0 : i32
      %dma_start3A_8 = tpu.memref_slice %arg7[%scan3A_7, %dma_start3A] : memref<79x128xi32, #tpu.memory_space<vmem>> -> memref<1x128xi32, #tpu.memory_space<vmem>>
      %dma_start3A_9 = tpu.memref_squeeze %dma_start3A_8 : memref<1x128xi32, #tpu.memory_space<vmem>> -> memref<128xi32, #tpu.memory_space<vmem>>
      %dma_start3A_10 = arith.constant 0 : i32
      %dma_start3A_11 = arith.constant 0 : i32
      %dma_start3A_12 = tpu.memref_slice %arg2[%dma_start3A_10, %dma_start3A_11] : memref<10000x128xf32, #tpu.memory_space<hbm>> -> memref<10000x128xf32, #tpu.memory_space<hbm>>
      tpu.enqueue_indirect_dma source(%dma_start3A_12 : memref<10000x128xf32, #tpu.memory_space<hbm>>) target(%arg9 : memref<128x128xf32, #tpu.memory_space<vmem>>) offsets(%dma_start3A_9 : memref<128xi32, #tpu.memory_space<vmem>>) semaphore(%arg11 : memref<!tpu.dma_semaphore, #tpu.memory_space<semaphore_mem>>)
      %dma_wait3A = arith.constant 0 : i32
      %dma_wait3A_13 = tpu.memref_slice %arg7[%scan3A_7, %dma_wait3A] : memref<79x128xi32, #tpu.memory_space<vmem>> -> memref<1x128xi32, #tpu.memory_space<vmem>>
      %dma_wait3A_14 = tpu.memref_squeeze %dma_wait3A_13 : memref<1x128xi32, #tpu.memory_space<vmem>> -> memref<128xi32, #tpu.memory_space<vmem>>
      %dma_wait3A_15 = arith.constant 0 : i32
      %dma_wait3A_16 = arith.constant 0 : i32
      %dma_wait3A_17 = tpu.memref_slice %arg2[%dma_wait3A_15, %dma_wait3A_16] : memref<10000x128xf32, #tpu.memory_space<hbm>> -> memref<10000x128xf32, #tpu.memory_space<hbm>>
      tpu.wait_indirect_dma semaphore(%arg11 : memref<!tpu.dma_semaphore, #tpu.memory_space<semaphore_mem>>) src(%dma_wait3A_17 : memref<10000x128xf32, #tpu.memory_space<hbm>>) dst(%arg9 : memref<128x128xf32, #tpu.memory_space<vmem>>)
      "tpu.region"() ({
        %run_scoped3A = tpu.sem_alloc : memref<!tpu.dma_semaphore, #tpu.memory_space<semaphore_mem>>
        %dma_start3A_18 = arith.constant 0 : i32
        %dma_start3A_19 = tpu.memref_slice %arg8[%scan3A_7, %dma_start3A_18] : memref<79x128xi32, #tpu.memory_space<vmem>> -> memref<1x128xi32, #tpu.memory_space<vmem>>
        %dma_start3A_20 = tpu.memref_squeeze %dma_start3A_19 : memref<1x128xi32, #tpu.memory_space<vmem>> -> memref<128xi32, #tpu.memory_space<vmem>>
        %dma_start3A_21 = arith.constant 0 : i32
        %dma_start3A_22 = arith.constant 0 : i32
        %dma_start3A_23 = tpu.memref_slice %arg10[%dma_start3A_21, %dma_start3A_22] : memref<10112x128xf32, #tpu.memory_space<vmem_shared>> -> memref<10112x128xf32, #tpu.memory_space<vmem_shared>>
        tpu.enqueue_indirect_dma source(%arg9 : memref<128x128xf32, #tpu.memory_space<vmem>>) target(%dma_start3A_23 : memref<10112x128xf32, #tpu.memory_space<vmem_shared>>) offsets(%dma_start3A_20 : memref<128xi32, #tpu.memory_space<vmem>>) semaphore(%run_scoped3A : memref<!tpu.dma_semaphore, #tpu.memory_space<semaphore_mem>>) {add = true}
        %dma_wait3A_24 = arith.constant 0 : i32
        %dma_wait3A_25 = tpu.memref_slice %arg8[%scan3A_7, %dma_wait3A_24] : memref<79x128xi32, #tpu.memory_space<vmem>> -> memref<1x128xi32, #tpu.memory_space<vmem>>
        %dma_wait3A_26 = tpu.memref_squeeze %dma_wait3A_25 : memref<1x128xi32, #tpu.memory_space<vmem>> -> memref<128xi32, #tpu.memory_space<vmem>>
        %dma_wait3A_27 = arith.constant 0 : i32
        %dma_wait3A_28 = arith.constant 0 : i32
        %dma_wait3A_29 = tpu.memref_slice %arg10[%dma_wait3A_27, %dma_wait3A_28] : memref<10112x128xf32, #tpu.memory_space<vmem_shared>> -> memref<10112x128xf32, #tpu.memory_space<vmem_shared>>
        tpu.wait_indirect_dma semaphore(%run_scoped3A : memref<!tpu.dma_semaphore, #tpu.memory_space<semaphore_mem>>) src(%arg9 : memref<128x128xf32, #tpu.memory_space<vmem>>) dst(%dma_wait3A_29 : memref<10112x128xf32, #tpu.memory_space<vmem_shared>>)
        tpu.yield
      }) : () -> ()
    }
    %scan3A_5 = arith.constant 79 : i32
    %barrier3A_6 = arith.constant 0 : index
    tpu.barrier barrier_id(%barrier3A_6)
    "tpu.region"() ({
      %run_scoped3A = tpu.sem_alloc : memref<!tpu.dma_semaphore, #tpu.memory_space<semaphore_mem>>
      %dma_start3A = arith.constant 0 : i32
      %dma_start3A_7 = tpu.memref_slice %arg6[%arg0, %mul3A_0, %dma_start3A] : memref<2x10112x128xf32, #tpu.memory_space<hbm>> -> memref<1x632x128xf32, #tpu.memory_space<hbm>>
      %dma_start3A_8 = tpu.memref_squeeze %dma_start3A_7 : memref<1x632x128xf32, #tpu.memory_space<hbm>> -> memref<632x128xf32, #tpu.memory_space<hbm>>
      %dma_start3A_9 = arith.constant 0 : i32
      %dma_start3A_10 = tpu.memref_slice %arg10[%mul3A_0, %dma_start3A_9] : memref<10112x128xf32, #tpu.memory_space<vmem_shared>> -> memref<632x128xf32, #tpu.memory_space<vmem_shared>>
      tpu.enqueue_dma source(%dma_start3A_10 : memref<632x128xf32, #tpu.memory_space<vmem_shared>>) target(%dma_start3A_8 : memref<632x128xf32, #tpu.memory_space<hbm>>) target_semaphore(%run_scoped3A : memref<!tpu.dma_semaphore, #tpu.memory_space<semaphore_mem>>)
      %dma_wait3A = arith.constant 0 : i32
      %dma_wait3A_11 = tpu.memref_slice %arg6[%arg0, %mul3A_0, %dma_wait3A] : memref<2x10112x128xf32, #tpu.memory_space<hbm>> -> memref<1x632x128xf32, #tpu.memory_space<hbm>>
      %dma_wait3A_12 = tpu.memref_squeeze %dma_wait3A_11 : memref<1x632x128xf32, #tpu.memory_space<hbm>> -> memref<632x128xf32, #tpu.memory_space<hbm>>
      %dma_wait3A_13 = arith.constant 0 : i32
      %dma_wait3A_14 = tpu.memref_slice %arg10[%mul3A_0, %dma_wait3A_13] : memref<10112x128xf32, #tpu.memory_space<vmem_shared>> -> memref<632x128xf32, #tpu.memory_space<vmem_shared>>
      tpu.wait_dma2 semaphore(%run_scoped3A : memref<!tpu.dma_semaphore, #tpu.memory_space<semaphore_mem>>) src(%dma_wait3A_14 : memref<632x128xf32, #tpu.memory_space<vmem_shared>>) dst(%dma_wait3A_12 : memref<632x128xf32, #tpu.memory_space<hbm>>)
      tpu.yield
    }) : () -> ()
    return
  }
}

#map = affine_map<(d0, d1) -> (0, 0)>
#map1 = affine_map<(d0, d1) -> (0, 0, 0, 0)>
#map2 = affine_map<(d0, d1) -> (0, 0, 0)>
module attributes {stable_mosaic.version = 14 : i64} {
  func.func @_agg_body(%arg0: i32, %arg1: i32, %arg2: memref<10000x128xf32, #tpu.memory_space<hbm>>, %arg3: memref<2x16x79x128xi32, #tpu.memory_space<hbm>>, %arg4: memref<2x16x79x128xi32, #tpu.memory_space<hbm>>, %arg5: memref<10112x128xf32, #tpu.memory_space<hbm>>, %arg6: memref<2x10112x128xf32, #tpu.memory_space<hbm>>, %arg7: memref<79x128xi32, #tpu.memory_space<vmem>>, %arg8: memref<79x128xi32, #tpu.memory_space<vmem>>, %arg9: memref<128x128xf32, #tpu.memory_space<vmem>>, %arg10: memref<10112x128xf32, #tpu.memory_space<vmem_shared>>, %arg11: memref<!tpu.dma_semaphore, #tpu.memory_space<semaphore_mem>>) attributes {dimension_semantics = [#tpu.dimension_semantics<core_parallel>, #tpu.dimension_semantics<subcore_parallel>], iteration_bounds = array<i64: 2, 16>, scalar_prefetch = 0 : i64, scratch_operands = 5 : i64, tpu.core_type = #tpu.core_type<sc_vector_subcore>, window_params = [{transform_indices = #map}, {transform_indices = #map1}, {transform_indices = #map1}, {transform_indices = #map}, {transform_indices = #map2}]} {
    %mul3A = arith.constant 632 : i32
    %mul3A_0 = arith.muli %arg1, %mul3A : i32
    "tpu.region"() ({
      %run_scoped3A = tpu.sem_alloc : memref<!tpu.dma_semaphore, #tpu.memory_space<semaphore_mem>>
      %dma_start3A = arith.constant 0 : i32
      %dma_start3A_7 = arith.constant 0 : i32
      %dma_start3A_8 = tpu.memref_slice %arg3[%arg0, %arg1, %dma_start3A, %dma_start3A_7] : memref<2x16x79x128xi32, #tpu.memory_space<hbm>> -> memref<1x1x79x128xi32, #tpu.memory_space<hbm>>
      %dma_start3A_9 = tpu.memref_squeeze %dma_start3A_8 : memref<1x1x79x128xi32, #tpu.memory_space<hbm>> -> memref<79x128xi32, #tpu.memory_space<hbm>>
      %dma_start3A_10 = arith.constant 0 : i32
      %dma_start3A_11 = arith.constant 0 : i32
      %dma_start3A_12 = tpu.memref_slice %arg3[%arg0, %arg1, %dma_start3A_10, %dma_start3A_11] : memref<2x16x79x128xi32, #tpu.memory_space<hbm>> -> memref<1x1x79x128xi32, #tpu.memory_space<hbm>>
      %dma_start3A_13 = tpu.memref_squeeze %dma_start3A_12 : memref<1x1x79x128xi32, #tpu.memory_space<hbm>> -> memref<79x128xi32, #tpu.memory_space<hbm>>
      tpu.enqueue_dma source(%dma_start3A_13 : memref<79x128xi32, #tpu.memory_space<hbm>>) target(%arg7 : memref<79x128xi32, #tpu.memory_space<vmem>>) target_semaphore(%run_scoped3A : memref<!tpu.dma_semaphore, #tpu.memory_space<semaphore_mem>>)
      %dma_wait3A = arith.constant 0 : i32
      %dma_wait3A_14 = arith.constant 0 : i32
      %dma_wait3A_15 = tpu.memref_slice %arg3[%arg0, %arg1, %dma_wait3A, %dma_wait3A_14] : memref<2x16x79x128xi32, #tpu.memory_space<hbm>> -> memref<1x1x79x128xi32, #tpu.memory_space<hbm>>
      %dma_wait3A_16 = tpu.memref_squeeze %dma_wait3A_15 : memref<1x1x79x128xi32, #tpu.memory_space<hbm>> -> memref<79x128xi32, #tpu.memory_space<hbm>>
      %dma_wait3A_17 = arith.constant 0 : i32
      %dma_wait3A_18 = arith.constant 0 : i32
      %dma_wait3A_19 = tpu.memref_slice %arg3[%arg0, %arg1, %dma_wait3A_17, %dma_wait3A_18] : memref<2x16x79x128xi32, #tpu.memory_space<hbm>> -> memref<1x1x79x128xi32, #tpu.memory_space<hbm>>
      %dma_wait3A_20 = tpu.memref_squeeze %dma_wait3A_19 : memref<1x1x79x128xi32, #tpu.memory_space<hbm>> -> memref<79x128xi32, #tpu.memory_space<hbm>>
      tpu.wait_dma2 semaphore(%run_scoped3A : memref<!tpu.dma_semaphore, #tpu.memory_space<semaphore_mem>>) src(%dma_wait3A_20 : memref<79x128xi32, #tpu.memory_space<hbm>>) dst(%arg7 : memref<79x128xi32, #tpu.memory_space<vmem>>)
      tpu.yield
    }) : () -> ()
    "tpu.region"() ({
      %run_scoped3A = tpu.sem_alloc : memref<!tpu.dma_semaphore, #tpu.memory_space<semaphore_mem>>
      %dma_start3A = arith.constant 0 : i32
      %dma_start3A_7 = arith.constant 0 : i32
      %dma_start3A_8 = tpu.memref_slice %arg4[%arg0, %arg1, %dma_start3A, %dma_start3A_7] : memref<2x16x79x128xi32, #tpu.memory_space<hbm>> -> memref<1x1x79x128xi32, #tpu.memory_space<hbm>>
      %dma_start3A_9 = tpu.memref_squeeze %dma_start3A_8 : memref<1x1x79x128xi32, #tpu.memory_space<hbm>> -> memref<79x128xi32, #tpu.memory_space<hbm>>
      %dma_start3A_10 = arith.constant 0 : i32
      %dma_start3A_11 = arith.constant 0 : i32
      %dma_start3A_12 = tpu.memref_slice %arg4[%arg0, %arg1, %dma_start3A_10, %dma_start3A_11] : memref<2x16x79x128xi32, #tpu.memory_space<hbm>> -> memref<1x1x79x128xi32, #tpu.memory_space<hbm>>
      %dma_start3A_13 = tpu.memref_squeeze %dma_start3A_12 : memref<1x1x79x128xi32, #tpu.memory_space<hbm>> -> memref<79x128xi32, #tpu.memory_space<hbm>>
      tpu.enqueue_dma source(%dma_start3A_13 : memref<79x128xi32, #tpu.memory_space<hbm>>) target(%arg8 : memref<79x128xi32, #tpu.memory_space<vmem>>) target_semaphore(%run_scoped3A : memref<!tpu.dma_semaphore, #tpu.memory_space<semaphore_mem>>)
      %dma_wait3A = arith.constant 0 : i32
      %dma_wait3A_14 = arith.constant 0 : i32
      %dma_wait3A_15 = tpu.memref_slice %arg4[%arg0, %arg1, %dma_wait3A, %dma_wait3A_14] : memref<2x16x79x128xi32, #tpu.memory_space<hbm>> -> memref<1x1x79x128xi32, #tpu.memory_space<hbm>>
      %dma_wait3A_16 = tpu.memref_squeeze %dma_wait3A_15 : memref<1x1x79x128xi32, #tpu.memory_space<hbm>> -> memref<79x128xi32, #tpu.memory_space<hbm>>
      %dma_wait3A_17 = arith.constant 0 : i32
      %dma_wait3A_18 = arith.constant 0 : i32
      %dma_wait3A_19 = tpu.memref_slice %arg4[%arg0, %arg1, %dma_wait3A_17, %dma_wait3A_18] : memref<2x16x79x128xi32, #tpu.memory_space<hbm>> -> memref<1x1x79x128xi32, #tpu.memory_space<hbm>>
      %dma_wait3A_20 = tpu.memref_squeeze %dma_wait3A_19 : memref<1x1x79x128xi32, #tpu.memory_space<hbm>> -> memref<79x128xi32, #tpu.memory_space<hbm>>
      tpu.wait_dma2 semaphore(%run_scoped3A : memref<!tpu.dma_semaphore, #tpu.memory_space<semaphore_mem>>) src(%dma_wait3A_20 : memref<79x128xi32, #tpu.memory_space<hbm>>) dst(%arg8 : memref<79x128xi32, #tpu.memory_space<vmem>>)
      tpu.yield
    }) : () -> ()
    "tpu.region"() ({
      %run_scoped3A = tpu.sem_alloc : memref<!tpu.dma_semaphore, #tpu.memory_space<semaphore_mem>>
      %dma_start3A = arith.constant 0 : i32
      %dma_start3A_7 = tpu.memref_slice %arg10[%mul3A_0, %dma_start3A] : memref<10112x128xf32, #tpu.memory_space<vmem_shared>> -> memref<632x128xf32, #tpu.memory_space<vmem_shared>>
      %dma_start3A_8 = arith.constant 0 : i32
      %dma_start3A_9 = tpu.memref_slice %arg5[%mul3A_0, %dma_start3A_8] : memref<10112x128xf32, #tpu.memory_space<hbm>> -> memref<632x128xf32, #tpu.memory_space<hbm>>
      tpu.enqueue_dma source(%dma_start3A_9 : memref<632x128xf32, #tpu.memory_space<hbm>>) target(%dma_start3A_7 : memref<632x128xf32, #tpu.memory_space<vmem_shared>>) target_semaphore(%run_scoped3A : memref<!tpu.dma_semaphore, #tpu.memory_space<semaphore_mem>>)
      %dma_wait3A = arith.constant 0 : i32
      %dma_wait3A_10 = tpu.memref_slice %arg10[%mul3A_0, %dma_wait3A] : memref<10112x128xf32, #tpu.memory_space<vmem_shared>> -> memref<632x128xf32, #tpu.memory_space<vmem_shared>>
      %dma_wait3A_11 = arith.constant 0 : i32
      %dma_wait3A_12 = tpu.memref_slice %arg5[%mul3A_0, %dma_wait3A_11] : memref<10112x128xf32, #tpu.memory_space<hbm>> -> memref<632x128xf32, #tpu.memory_space<hbm>>
      tpu.wait_dma2 semaphore(%run_scoped3A : memref<!tpu.dma_semaphore, #tpu.memory_space<semaphore_mem>>) src(%dma_wait3A_12 : memref<632x128xf32, #tpu.memory_space<hbm>>) dst(%dma_wait3A_10 : memref<632x128xf32, #tpu.memory_space<vmem_shared>>)
      tpu.yield
    }) : () -> ()
    %barrier3A = arith.constant 0 : index
    tpu.barrier barrier_id(%barrier3A)
    %scan3A = arith.constant 0 : i32
    %scan3A_1 = arith.constant 0 : i32
    %scan3A_2 = arith.constant 79 : i32
    %scan3A_3 = arith.addi %scan3A_1, %scan3A_2 : i32
    %scan3A_4 = arith.constant 1 : i32
    scf.for %scan3A_7 = %scan3A_1 to %scan3A_3 step %scan3A_4  : i32 {
      %dma_start3A = arith.constant 0 : i32
      %dma_start3A_8 = tpu.memref_slice %arg7[%scan3A_7, %dma_start3A] : memref<79x128xi32, #tpu.memory_space<vmem>> -> memref<1x128xi32, #tpu.memory_space<vmem>>
      %dma_start3A_9 = tpu.memref_squeeze %dma_start3A_8 : memref<1x128xi32, #tpu.memory_space<vmem>> -> memref<128xi32, #tpu.memory_space<vmem>>
      %dma_start3A_10 = arith.constant 0 : i32
      %dma_start3A_11 = arith.constant 0 : i32
      %dma_start3A_12 = tpu.memref_slice %arg2[%dma_start3A_10, %dma_start3A_11] : memref<10000x128xf32, #tpu.memory_space<hbm>> -> memref<10000x128xf32, #tpu.memory_space<hbm>>
      tpu.enqueue_indirect_dma source(%dma_start3A_12 : memref<10000x128xf32, #tpu.memory_space<hbm>>) target(%arg9 : memref<128x128xf32, #tpu.memory_space<vmem>>) offsets(%dma_start3A_9 : memref<128xi32, #tpu.memory_space<vmem>>) semaphore(%arg11 : memref<!tpu.dma_semaphore, #tpu.memory_space<semaphore_mem>>)
      %dma_wait3A = arith.constant 0 : i32
      %dma_wait3A_13 = tpu.memref_slice %arg7[%scan3A_7, %dma_wait3A] : memref<79x128xi32, #tpu.memory_space<vmem>> -> memref<1x128xi32, #tpu.memory_space<vmem>>
      %dma_wait3A_14 = tpu.memref_squeeze %dma_wait3A_13 : memref<1x128xi32, #tpu.memory_space<vmem>> -> memref<128xi32, #tpu.memory_space<vmem>>
      %dma_wait3A_15 = arith.constant 0 : i32
      %dma_wait3A_16 = arith.constant 0 : i32
      %dma_wait3A_17 = tpu.memref_slice %arg2[%dma_wait3A_15, %dma_wait3A_16] : memref<10000x128xf32, #tpu.memory_space<hbm>> -> memref<10000x128xf32, #tpu.memory_space<hbm>>
      tpu.wait_indirect_dma semaphore(%arg11 : memref<!tpu.dma_semaphore, #tpu.memory_space<semaphore_mem>>) src(%dma_wait3A_17 : memref<10000x128xf32, #tpu.memory_space<hbm>>) dst(%arg9 : memref<128x128xf32, #tpu.memory_space<vmem>>)
      "tpu.region"() ({
        %run_scoped3A = tpu.sem_alloc : memref<!tpu.dma_semaphore, #tpu.memory_space<semaphore_mem>>
        %dma_start3A_18 = arith.constant 0 : i32
        %dma_start3A_19 = tpu.memref_slice %arg8[%scan3A_7, %dma_start3A_18] : memref<79x128xi32, #tpu.memory_space<vmem>> -> memref<1x128xi32, #tpu.memory_space<vmem>>
        %dma_start3A_20 = tpu.memref_squeeze %dma_start3A_19 : memref<1x128xi32, #tpu.memory_space<vmem>> -> memref<128xi32, #tpu.memory_space<vmem>>
        %dma_start3A_21 = arith.constant 0 : i32
        %dma_start3A_22 = arith.constant 0 : i32
        %dma_start3A_23 = tpu.memref_slice %arg10[%dma_start3A_21, %dma_start3A_22] : memref<10112x128xf32, #tpu.memory_space<vmem_shared>> -> memref<10112x128xf32, #tpu.memory_space<vmem_shared>>
        tpu.enqueue_indirect_dma source(%arg9 : memref<128x128xf32, #tpu.memory_space<vmem>>) target(%dma_start3A_23 : memref<10112x128xf32, #tpu.memory_space<vmem_shared>>) offsets(%dma_start3A_20 : memref<128xi32, #tpu.memory_space<vmem>>) semaphore(%run_scoped3A : memref<!tpu.dma_semaphore, #tpu.memory_space<semaphore_mem>>) {add = true}
        %dma_wait3A_24 = arith.constant 0 : i32
        %dma_wait3A_25 = tpu.memref_slice %arg8[%scan3A_7, %dma_wait3A_24] : memref<79x128xi32, #tpu.memory_space<vmem>> -> memref<1x128xi32, #tpu.memory_space<vmem>>
        %dma_wait3A_26 = tpu.memref_squeeze %dma_wait3A_25 : memref<1x128xi32, #tpu.memory_space<vmem>> -> memref<128xi32, #tpu.memory_space<vmem>>
        %dma_wait3A_27 = arith.constant 0 : i32
        %dma_wait3A_28 = arith.constant 0 : i32
        %dma_wait3A_29 = tpu.memref_slice %arg10[%dma_wait3A_27, %dma_wait3A_28] : memref<10112x128xf32, #tpu.memory_space<vmem_shared>> -> memref<10112x128xf32, #tpu.memory_space<vmem_shared>>
        tpu.wait_indirect_dma semaphore(%run_scoped3A : memref<!tpu.dma_semaphore, #tpu.memory_space<semaphore_mem>>) src(%arg9 : memref<128x128xf32, #tpu.memory_space<vmem>>) dst(%dma_wait3A_29 : memref<10112x128xf32, #tpu.memory_space<vmem_shared>>)
        tpu.yield
      }) : () -> ()
    }
    %scan3A_5 = arith.constant 79 : i32
    %barrier3A_6 = arith.constant 0 : index
    tpu.barrier barrier_id(%barrier3A_6)
    "tpu.region"() ({
      %run_scoped3A = tpu.sem_alloc : memref<!tpu.dma_semaphore, #tpu.memory_space<semaphore_mem>>
      %dma_start3A = arith.constant 0 : i32
      %dma_start3A_7 = tpu.memref_slice %arg6[%arg0, %mul3A_0, %dma_start3A] : memref<2x10112x128xf32, #tpu.memory_space<hbm>> -> memref<1x632x128xf32, #tpu.memory_space<hbm>>
      %dma_start3A_8 = tpu.memref_squeeze %dma_start3A_7 : memref<1x632x128xf32, #tpu.memory_space<hbm>> -> memref<632x128xf32, #tpu.memory_space<hbm>>
      %dma_start3A_9 = arith.constant 0 : i32
      %dma_start3A_10 = tpu.memref_slice %arg10[%mul3A_0, %dma_start3A_9] : memref<10112x128xf32, #tpu.memory_space<vmem_shared>> -> memref<632x128xf32, #tpu.memory_space<vmem_shared>>
      tpu.enqueue_dma source(%dma_start3A_10 : memref<632x128xf32, #tpu.memory_space<vmem_shared>>) target(%dma_start3A_8 : memref<632x128xf32, #tpu.memory_space<hbm>>) target_semaphore(%run_scoped3A : memref<!tpu.dma_semaphore, #tpu.memory_space<semaphore_mem>>)
      %dma_wait3A = arith.constant 0 : i32
      %dma_wait3A_11 = tpu.memref_slice %arg6[%arg0, %mul3A_0, %dma_wait3A] : memref<2x10112x128xf32, #tpu.memory_space<hbm>> -> memref<1x632x128xf32, #tpu.memory_space<hbm>>
      %dma_wait3A_12 = tpu.memref_squeeze %dma_wait3A_11 : memref<1x632x128xf32, #tpu.memory_space<hbm>> -> memref<632x128xf32, #tpu.memory_space<hbm>>
      %dma_wait3A_13 = arith.constant 0 : i32
      %dma_wait3A_14 = tpu.memref_slice %arg10[%mul3A_0, %dma_wait3A_13] : memref<10112x128xf32, #tpu.memory_space<vmem_shared>> -> memref<632x128xf32, #tpu.memory_space<vmem_shared>>
      tpu.wait_dma2 semaphore(%run_scoped3A : memref<!tpu.dma_semaphore, #tpu.memory_space<semaphore_mem>>) src(%dma_wait3A_14 : memref<632x128xf32, #tpu.memory_space<vmem_shared>>) dst(%dma_wait3A_12 : memref<632x128xf32, #tpu.memory_space<hbm>>)
      tpu.yield
    }) : () -> ()
    return
  }
}

#map = affine_map<(d0, d1) -> (0, 0)>
#map1 = affine_map<(d0, d1) -> (0, 0, 0, 0)>
#map2 = affine_map<(d0, d1) -> (0, 0, 0)>
module attributes {stable_mosaic.version = 14 : i64} {
  func.func @_agg_body(%arg0: i32, %arg1: i32, %arg2: memref<10000x128xf32, #tpu.memory_space<hbm>>, %arg3: memref<2x16x79x128xi32, #tpu.memory_space<hbm>>, %arg4: memref<2x16x79x128xi32, #tpu.memory_space<hbm>>, %arg5: memref<10112x128xf32, #tpu.memory_space<hbm>>, %arg6: memref<2x10112x128xf32, #tpu.memory_space<hbm>>, %arg7: memref<79x128xi32, #tpu.memory_space<vmem>>, %arg8: memref<79x128xi32, #tpu.memory_space<vmem>>, %arg9: memref<128x128xf32, #tpu.memory_space<vmem>>, %arg10: memref<10112x128xf32, #tpu.memory_space<vmem_shared>>, %arg11: memref<!tpu.dma_semaphore, #tpu.memory_space<semaphore_mem>>) attributes {dimension_semantics = [#tpu.dimension_semantics<core_parallel>, #tpu.dimension_semantics<subcore_parallel>], iteration_bounds = array<i64: 2, 16>, scalar_prefetch = 0 : i64, scratch_operands = 5 : i64, tpu.core_type = #tpu.core_type<sc_vector_subcore>, window_params = [{transform_indices = #map}, {transform_indices = #map1}, {transform_indices = #map1}, {transform_indices = #map}, {transform_indices = #map2}]} {
    %mul3A = arith.constant 632 : i32
    %mul3A_0 = arith.muli %arg1, %mul3A : i32
    "tpu.region"() ({
      %run_scoped3A = tpu.sem_alloc : memref<!tpu.dma_semaphore, #tpu.memory_space<semaphore_mem>>
      %dma_start3A = arith.constant 0 : i32
      %dma_start3A_7 = arith.constant 0 : i32
      %dma_start3A_8 = tpu.memref_slice %arg3[%arg0, %arg1, %dma_start3A, %dma_start3A_7] : memref<2x16x79x128xi32, #tpu.memory_space<hbm>> -> memref<1x1x79x128xi32, #tpu.memory_space<hbm>>
      %dma_start3A_9 = tpu.memref_squeeze %dma_start3A_8 : memref<1x1x79x128xi32, #tpu.memory_space<hbm>> -> memref<79x128xi32, #tpu.memory_space<hbm>>
      %dma_start3A_10 = arith.constant 0 : i32
      %dma_start3A_11 = arith.constant 0 : i32
      %dma_start3A_12 = tpu.memref_slice %arg3[%arg0, %arg1, %dma_start3A_10, %dma_start3A_11] : memref<2x16x79x128xi32, #tpu.memory_space<hbm>> -> memref<1x1x79x128xi32, #tpu.memory_space<hbm>>
      %dma_start3A_13 = tpu.memref_squeeze %dma_start3A_12 : memref<1x1x79x128xi32, #tpu.memory_space<hbm>> -> memref<79x128xi32, #tpu.memory_space<hbm>>
      tpu.enqueue_dma source(%dma_start3A_13 : memref<79x128xi32, #tpu.memory_space<hbm>>) target(%arg7 : memref<79x128xi32, #tpu.memory_space<vmem>>) target_semaphore(%run_scoped3A : memref<!tpu.dma_semaphore, #tpu.memory_space<semaphore_mem>>)
      %dma_wait3A = arith.constant 0 : i32
      %dma_wait3A_14 = arith.constant 0 : i32
      %dma_wait3A_15 = tpu.memref_slice %arg3[%arg0, %arg1, %dma_wait3A, %dma_wait3A_14] : memref<2x16x79x128xi32, #tpu.memory_space<hbm>> -> memref<1x1x79x128xi32, #tpu.memory_space<hbm>>
      %dma_wait3A_16 = tpu.memref_squeeze %dma_wait3A_15 : memref<1x1x79x128xi32, #tpu.memory_space<hbm>> -> memref<79x128xi32, #tpu.memory_space<hbm>>
      %dma_wait3A_17 = arith.constant 0 : i32
      %dma_wait3A_18 = arith.constant 0 : i32
      %dma_wait3A_19 = tpu.memref_slice %arg3[%arg0, %arg1, %dma_wait3A_17, %dma_wait3A_18] : memref<2x16x79x128xi32, #tpu.memory_space<hbm>> -> memref<1x1x79x128xi32, #tpu.memory_space<hbm>>
      %dma_wait3A_20 = tpu.memref_squeeze %dma_wait3A_19 : memref<1x1x79x128xi32, #tpu.memory_space<hbm>> -> memref<79x128xi32, #tpu.memory_space<hbm>>
      tpu.wait_dma2 semaphore(%run_scoped3A : memref<!tpu.dma_semaphore, #tpu.memory_space<semaphore_mem>>) src(%dma_wait3A_20 : memref<79x128xi32, #tpu.memory_space<hbm>>) dst(%arg7 : memref<79x128xi32, #tpu.memory_space<vmem>>)
      tpu.yield
    }) : () -> ()
    "tpu.region"() ({
      %run_scoped3A = tpu.sem_alloc : memref<!tpu.dma_semaphore, #tpu.memory_space<semaphore_mem>>
      %dma_start3A = arith.constant 0 : i32
      %dma_start3A_7 = arith.constant 0 : i32
      %dma_start3A_8 = tpu.memref_slice %arg4[%arg0, %arg1, %dma_start3A, %dma_start3A_7] : memref<2x16x79x128xi32, #tpu.memory_space<hbm>> -> memref<1x1x79x128xi32, #tpu.memory_space<hbm>>
      %dma_start3A_9 = tpu.memref_squeeze %dma_start3A_8 : memref<1x1x79x128xi32, #tpu.memory_space<hbm>> -> memref<79x128xi32, #tpu.memory_space<hbm>>
      %dma_start3A_10 = arith.constant 0 : i32
      %dma_start3A_11 = arith.constant 0 : i32
      %dma_start3A_12 = tpu.memref_slice %arg4[%arg0, %arg1, %dma_start3A_10, %dma_start3A_11] : memref<2x16x79x128xi32, #tpu.memory_space<hbm>> -> memref<1x1x79x128xi32, #tpu.memory_space<hbm>>
      %dma_start3A_13 = tpu.memref_squeeze %dma_start3A_12 : memref<1x1x79x128xi32, #tpu.memory_space<hbm>> -> memref<79x128xi32, #tpu.memory_space<hbm>>
      tpu.enqueue_dma source(%dma_start3A_13 : memref<79x128xi32, #tpu.memory_space<hbm>>) target(%arg8 : memref<79x128xi32, #tpu.memory_space<vmem>>) target_semaphore(%run_scoped3A : memref<!tpu.dma_semaphore, #tpu.memory_space<semaphore_mem>>)
      %dma_wait3A = arith.constant 0 : i32
      %dma_wait3A_14 = arith.constant 0 : i32
      %dma_wait3A_15 = tpu.memref_slice %arg4[%arg0, %arg1, %dma_wait3A, %dma_wait3A_14] : memref<2x16x79x128xi32, #tpu.memory_space<hbm>> -> memref<1x1x79x128xi32, #tpu.memory_space<hbm>>
      %dma_wait3A_16 = tpu.memref_squeeze %dma_wait3A_15 : memref<1x1x79x128xi32, #tpu.memory_space<hbm>> -> memref<79x128xi32, #tpu.memory_space<hbm>>
      %dma_wait3A_17 = arith.constant 0 : i32
      %dma_wait3A_18 = arith.constant 0 : i32
      %dma_wait3A_19 = tpu.memref_slice %arg4[%arg0, %arg1, %dma_wait3A_17, %dma_wait3A_18] : memref<2x16x79x128xi32, #tpu.memory_space<hbm>> -> memref<1x1x79x128xi32, #tpu.memory_space<hbm>>
      %dma_wait3A_20 = tpu.memref_squeeze %dma_wait3A_19 : memref<1x1x79x128xi32, #tpu.memory_space<hbm>> -> memref<79x128xi32, #tpu.memory_space<hbm>>
      tpu.wait_dma2 semaphore(%run_scoped3A : memref<!tpu.dma_semaphore, #tpu.memory_space<semaphore_mem>>) src(%dma_wait3A_20 : memref<79x128xi32, #tpu.memory_space<hbm>>) dst(%arg8 : memref<79x128xi32, #tpu.memory_space<vmem>>)
      tpu.yield
    }) : () -> ()
    "tpu.region"() ({
      %run_scoped3A = tpu.sem_alloc : memref<!tpu.dma_semaphore, #tpu.memory_space<semaphore_mem>>
      %dma_start3A = arith.constant 0 : i32
      %dma_start3A_7 = tpu.memref_slice %arg10[%mul3A_0, %dma_start3A] : memref<10112x128xf32, #tpu.memory_space<vmem_shared>> -> memref<632x128xf32, #tpu.memory_space<vmem_shared>>
      %dma_start3A_8 = arith.constant 0 : i32
      %dma_start3A_9 = tpu.memref_slice %arg5[%mul3A_0, %dma_start3A_8] : memref<10112x128xf32, #tpu.memory_space<hbm>> -> memref<632x128xf32, #tpu.memory_space<hbm>>
      tpu.enqueue_dma source(%dma_start3A_9 : memref<632x128xf32, #tpu.memory_space<hbm>>) target(%dma_start3A_7 : memref<632x128xf32, #tpu.memory_space<vmem_shared>>) target_semaphore(%run_scoped3A : memref<!tpu.dma_semaphore, #tpu.memory_space<semaphore_mem>>)
      %dma_wait3A = arith.constant 0 : i32
      %dma_wait3A_10 = tpu.memref_slice %arg10[%mul3A_0, %dma_wait3A] : memref<10112x128xf32, #tpu.memory_space<vmem_shared>> -> memref<632x128xf32, #tpu.memory_space<vmem_shared>>
      %dma_wait3A_11 = arith.constant 0 : i32
      %dma_wait3A_12 = tpu.memref_slice %arg5[%mul3A_0, %dma_wait3A_11] : memref<10112x128xf32, #tpu.memory_space<hbm>> -> memref<632x128xf32, #tpu.memory_space<hbm>>
      tpu.wait_dma2 semaphore(%run_scoped3A : memref<!tpu.dma_semaphore, #tpu.memory_space<semaphore_mem>>) src(%dma_wait3A_12 : memref<632x128xf32, #tpu.memory_space<hbm>>) dst(%dma_wait3A_10 : memref<632x128xf32, #tpu.memory_space<vmem_shared>>)
      tpu.yield
    }) : () -> ()
    %barrier3A = arith.constant 0 : index
    tpu.barrier barrier_id(%barrier3A)
    %scan3A = arith.constant 0 : i32
    %scan3A_1 = arith.constant 0 : i32
    %scan3A_2 = arith.constant 79 : i32
    %scan3A_3 = arith.addi %scan3A_1, %scan3A_2 : i32
    %scan3A_4 = arith.constant 1 : i32
    scf.for %scan3A_7 = %scan3A_1 to %scan3A_3 step %scan3A_4  : i32 {
      %dma_start3A = arith.constant 0 : i32
      %dma_start3A_8 = tpu.memref_slice %arg7[%scan3A_7, %dma_start3A] : memref<79x128xi32, #tpu.memory_space<vmem>> -> memref<1x128xi32, #tpu.memory_space<vmem>>
      %dma_start3A_9 = tpu.memref_squeeze %dma_start3A_8 : memref<1x128xi32, #tpu.memory_space<vmem>> -> memref<128xi32, #tpu.memory_space<vmem>>
      %dma_start3A_10 = arith.constant 0 : i32
      %dma_start3A_11 = arith.constant 0 : i32
      %dma_start3A_12 = tpu.memref_slice %arg2[%dma_start3A_10, %dma_start3A_11] : memref<10000x128xf32, #tpu.memory_space<hbm>> -> memref<10000x128xf32, #tpu.memory_space<hbm>>
      tpu.enqueue_indirect_dma source(%dma_start3A_12 : memref<10000x128xf32, #tpu.memory_space<hbm>>) target(%arg9 : memref<128x128xf32, #tpu.memory_space<vmem>>) offsets(%dma_start3A_9 : memref<128xi32, #tpu.memory_space<vmem>>) semaphore(%arg11 : memref<!tpu.dma_semaphore, #tpu.memory_space<semaphore_mem>>)
      %dma_wait3A = arith.constant 0 : i32
      %dma_wait3A_13 = tpu.memref_slice %arg7[%scan3A_7, %dma_wait3A] : memref<79x128xi32, #tpu.memory_space<vmem>> -> memref<1x128xi32, #tpu.memory_space<vmem>>
      %dma_wait3A_14 = tpu.memref_squeeze %dma_wait3A_13 : memref<1x128xi32, #tpu.memory_space<vmem>> -> memref<128xi32, #tpu.memory_space<vmem>>
      %dma_wait3A_15 = arith.constant 0 : i32
      %dma_wait3A_16 = arith.constant 0 : i32
      %dma_wait3A_17 = tpu.memref_slice %arg2[%dma_wait3A_15, %dma_wait3A_16] : memref<10000x128xf32, #tpu.memory_space<hbm>> -> memref<10000x128xf32, #tpu.memory_space<hbm>>
      tpu.wait_indirect_dma semaphore(%arg11 : memref<!tpu.dma_semaphore, #tpu.memory_space<semaphore_mem>>) src(%dma_wait3A_17 : memref<10000x128xf32, #tpu.memory_space<hbm>>) dst(%arg9 : memref<128x128xf32, #tpu.memory_space<vmem>>)
      "tpu.region"() ({
        %run_scoped3A = tpu.sem_alloc : memref<!tpu.dma_semaphore, #tpu.memory_space<semaphore_mem>>
        %dma_start3A_18 = arith.constant 0 : i32
        %dma_start3A_19 = tpu.memref_slice %arg8[%scan3A_7, %dma_start3A_18] : memref<79x128xi32, #tpu.memory_space<vmem>> -> memref<1x128xi32, #tpu.memory_space<vmem>>
        %dma_start3A_20 = tpu.memref_squeeze %dma_start3A_19 : memref<1x128xi32, #tpu.memory_space<vmem>> -> memref<128xi32, #tpu.memory_space<vmem>>
        %dma_start3A_21 = arith.constant 0 : i32
        %dma_start3A_22 = arith.constant 0 : i32
        %dma_start3A_23 = tpu.memref_slice %arg10[%dma_start3A_21, %dma_start3A_22] : memref<10112x128xf32, #tpu.memory_space<vmem_shared>> -> memref<10112x128xf32, #tpu.memory_space<vmem_shared>>
        tpu.enqueue_indirect_dma source(%arg9 : memref<128x128xf32, #tpu.memory_space<vmem>>) target(%dma_start3A_23 : memref<10112x128xf32, #tpu.memory_space<vmem_shared>>) offsets(%dma_start3A_20 : memref<128xi32, #tpu.memory_space<vmem>>) semaphore(%run_scoped3A : memref<!tpu.dma_semaphore, #tpu.memory_space<semaphore_mem>>) {add = true}
        %dma_wait3A_24 = arith.constant 0 : i32
        %dma_wait3A_25 = tpu.memref_slice %arg8[%scan3A_7, %dma_wait3A_24] : memref<79x128xi32, #tpu.memory_space<vmem>> -> memref<1x128xi32, #tpu.memory_space<vmem>>
        %dma_wait3A_26 = tpu.memref_squeeze %dma_wait3A_25 : memref<1x128xi32, #tpu.memory_space<vmem>> -> memref<128xi32, #tpu.memory_space<vmem>>
        %dma_wait3A_27 = arith.constant 0 : i32
        %dma_wait3A_28 = arith.constant 0 : i32
        %dma_wait3A_29 = tpu.memref_slice %arg10[%dma_wait3A_27, %dma_wait3A_28] : memref<10112x128xf32, #tpu.memory_space<vmem_shared>> -> memref<10112x128xf32, #tpu.memory_space<vmem_shared>>
        tpu.wait_indirect_dma semaphore(%run_scoped3A : memref<!tpu.dma_semaphore, #tpu.memory_space<semaphore_mem>>) src(%arg9 : memref<128x128xf32, #tpu.memory_space<vmem>>) dst(%dma_wait3A_29 : memref<10112x128xf32, #tpu.memory_space<vmem_shared>>)
        tpu.yield
      }) : () -> ()
    }
    %scan3A_5 = arith.constant 79 : i32
    %barrier3A_6 = arith.constant 0 : index
    tpu.barrier barrier_id(%barrier3A_6)
    "tpu.region"() ({
      %run_scoped3A = tpu.sem_alloc : memref<!tpu.dma_semaphore, #tpu.memory_space<semaphore_mem>>
      %dma_start3A = arith.constant 0 : i32
      %dma_start3A_7 = tpu.memref_slice %arg6[%arg0, %mul3A_0, %dma_start3A] : memref<2x10112x128xf32, #tpu.memory_space<hbm>> -> memref<1x632x128xf32, #tpu.memory_space<hbm>>
      %dma_start3A_8 = tpu.memref_squeeze %dma_start3A_7 : memref<1x632x128xf32, #tpu.memory_space<hbm>> -> memref<632x128xf32, #tpu.memory_space<hbm>>
      %dma_start3A_9 = arith.constant 0 : i32
      %dma_start3A_10 = tpu.memref_slice %arg10[%mul3A_0, %dma_start3A_9] : memref<10112x128xf32, #tpu.memory_space<vmem_shared>> -> memref<632x128xf32, #tpu.memory_space<vmem_shared>>
      tpu.enqueue_dma source(%dma_start3A_10 : memref<632x128xf32, #tpu.memory_space<vmem_shared>>) target(%dma_start3A_8 : memref<632x128xf32, #tpu.memory_space<hbm>>) target_semaphore(%run_scoped3A : memref<!tpu.dma_semaphore, #tpu.memory_space<semaphore_mem>>)
      %dma_wait3A = arith.constant 0 : i32
      %dma_wait3A_11 = tpu.memref_slice %arg6[%arg0, %mul3A_0, %dma_wait3A] : memref<2x10112x128xf32, #tpu.memory_space<hbm>> -> memref<1x632x128xf32, #tpu.memory_space<hbm>>
      %dma_wait3A_12 = tpu.memref_squeeze %dma_wait3A_11 : memref<1x632x128xf32, #tpu.memory_space<hbm>> -> memref<632x128xf32, #tpu.memory_space<hbm>>
      %dma_wait3A_13 = arith.constant 0 : i32
      %dma_wait3A_14 = tpu.memref_slice %arg10[%mul3A_0, %dma_wait3A_13] : memref<10112x128xf32, #tpu.memory_space<vmem_shared>> -> memref<632x128xf32, #tpu.memory_space<vmem_shared>>
      tpu.wait_dma2 semaphore(%run_scoped3A : memref<!tpu.dma_semaphore, #tpu.memory_space<semaphore_mem>>) src(%dma_wait3A_14 : memref<632x128xf32, #tpu.memory_space<vmem_shared>>) dst(%dma_wait3A_12 : memref<632x128xf32, #tpu.memory_space<hbm>>)
      tpu.yield
    }) : () -> ()
    return
  }
}

#map = affine_map<(d0, d1) -> (0, 0)>
#map1 = affine_map<(d0, d1) -> (0, 0, 0, 0)>
#map2 = affine_map<(d0, d1) -> (0, 0, 0)>
module attributes {stable_mosaic.version = 14 : i64} {
  func.func @_agg_body(%arg0: i32, %arg1: i32, %arg2: memref<10000x128xf32, #tpu.memory_space<hbm>>, %arg3: memref<2x16x79x128xi32, #tpu.memory_space<hbm>>, %arg4: memref<2x16x79x128xi32, #tpu.memory_space<hbm>>, %arg5: memref<10112x128xf32, #tpu.memory_space<hbm>>, %arg6: memref<2x10112x128xf32, #tpu.memory_space<hbm>>, %arg7: memref<79x128xi32, #tpu.memory_space<vmem>>, %arg8: memref<79x128xi32, #tpu.memory_space<vmem>>, %arg9: memref<128x128xf32, #tpu.memory_space<vmem>>, %arg10: memref<10112x128xf32, #tpu.memory_space<vmem_shared>>, %arg11: memref<!tpu.dma_semaphore, #tpu.memory_space<semaphore_mem>>) attributes {dimension_semantics = [#tpu.dimension_semantics<core_parallel>, #tpu.dimension_semantics<subcore_parallel>], iteration_bounds = array<i64: 2, 16>, scalar_prefetch = 0 : i64, scratch_operands = 5 : i64, tpu.core_type = #tpu.core_type<sc_vector_subcore>, window_params = [{transform_indices = #map}, {transform_indices = #map1}, {transform_indices = #map1}, {transform_indices = #map}, {transform_indices = #map2}]} {
    %mul3A = arith.constant 632 : i32
    %mul3A_0 = arith.muli %arg1, %mul3A : i32
    "tpu.region"() ({
      %run_scoped3A = tpu.sem_alloc : memref<!tpu.dma_semaphore, #tpu.memory_space<semaphore_mem>>
      %dma_start3A = arith.constant 0 : i32
      %dma_start3A_7 = arith.constant 0 : i32
      %dma_start3A_8 = tpu.memref_slice %arg3[%arg0, %arg1, %dma_start3A, %dma_start3A_7] : memref<2x16x79x128xi32, #tpu.memory_space<hbm>> -> memref<1x1x79x128xi32, #tpu.memory_space<hbm>>
      %dma_start3A_9 = tpu.memref_squeeze %dma_start3A_8 : memref<1x1x79x128xi32, #tpu.memory_space<hbm>> -> memref<79x128xi32, #tpu.memory_space<hbm>>
      %dma_start3A_10 = arith.constant 0 : i32
      %dma_start3A_11 = arith.constant 0 : i32
      %dma_start3A_12 = tpu.memref_slice %arg3[%arg0, %arg1, %dma_start3A_10, %dma_start3A_11] : memref<2x16x79x128xi32, #tpu.memory_space<hbm>> -> memref<1x1x79x128xi32, #tpu.memory_space<hbm>>
      %dma_start3A_13 = tpu.memref_squeeze %dma_start3A_12 : memref<1x1x79x128xi32, #tpu.memory_space<hbm>> -> memref<79x128xi32, #tpu.memory_space<hbm>>
      tpu.enqueue_dma source(%dma_start3A_13 : memref<79x128xi32, #tpu.memory_space<hbm>>) target(%arg7 : memref<79x128xi32, #tpu.memory_space<vmem>>) target_semaphore(%run_scoped3A : memref<!tpu.dma_semaphore, #tpu.memory_space<semaphore_mem>>)
      %dma_wait3A = arith.constant 0 : i32
      %dma_wait3A_14 = arith.constant 0 : i32
      %dma_wait3A_15 = tpu.memref_slice %arg3[%arg0, %arg1, %dma_wait3A, %dma_wait3A_14] : memref<2x16x79x128xi32, #tpu.memory_space<hbm>> -> memref<1x1x79x128xi32, #tpu.memory_space<hbm>>
      %dma_wait3A_16 = tpu.memref_squeeze %dma_wait3A_15 : memref<1x1x79x128xi32, #tpu.memory_space<hbm>> -> memref<79x128xi32, #tpu.memory_space<hbm>>
      %dma_wait3A_17 = arith.constant 0 : i32
      %dma_wait3A_18 = arith.constant 0 : i32
      %dma_wait3A_19 = tpu.memref_slice %arg3[%arg0, %arg1, %dma_wait3A_17, %dma_wait3A_18] : memref<2x16x79x128xi32, #tpu.memory_space<hbm>> -> memref<1x1x79x128xi32, #tpu.memory_space<hbm>>
      %dma_wait3A_20 = tpu.memref_squeeze %dma_wait3A_19 : memref<1x1x79x128xi32, #tpu.memory_space<hbm>> -> memref<79x128xi32, #tpu.memory_space<hbm>>
      tpu.wait_dma2 semaphore(%run_scoped3A : memref<!tpu.dma_semaphore, #tpu.memory_space<semaphore_mem>>) src(%dma_wait3A_20 : memref<79x128xi32, #tpu.memory_space<hbm>>) dst(%arg7 : memref<79x128xi32, #tpu.memory_space<vmem>>)
      tpu.yield
    }) : () -> ()
    "tpu.region"() ({
      %run_scoped3A = tpu.sem_alloc : memref<!tpu.dma_semaphore, #tpu.memory_space<semaphore_mem>>
      %dma_start3A = arith.constant 0 : i32
      %dma_start3A_7 = arith.constant 0 : i32
      %dma_start3A_8 = tpu.memref_slice %arg4[%arg0, %arg1, %dma_start3A, %dma_start3A_7] : memref<2x16x79x128xi32, #tpu.memory_space<hbm>> -> memref<1x1x79x128xi32, #tpu.memory_space<hbm>>
      %dma_start3A_9 = tpu.memref_squeeze %dma_start3A_8 : memref<1x1x79x128xi32, #tpu.memory_space<hbm>> -> memref<79x128xi32, #tpu.memory_space<hbm>>
      %dma_start3A_10 = arith.constant 0 : i32
      %dma_start3A_11 = arith.constant 0 : i32
      %dma_start3A_12 = tpu.memref_slice %arg4[%arg0, %arg1, %dma_start3A_10, %dma_start3A_11] : memref<2x16x79x128xi32, #tpu.memory_space<hbm>> -> memref<1x1x79x128xi32, #tpu.memory_space<hbm>>
      %dma_start3A_13 = tpu.memref_squeeze %dma_start3A_12 : memref<1x1x79x128xi32, #tpu.memory_space<hbm>> -> memref<79x128xi32, #tpu.memory_space<hbm>>
      tpu.enqueue_dma source(%dma_start3A_13 : memref<79x128xi32, #tpu.memory_space<hbm>>) target(%arg8 : memref<79x128xi32, #tpu.memory_space<vmem>>) target_semaphore(%run_scoped3A : memref<!tpu.dma_semaphore, #tpu.memory_space<semaphore_mem>>)
      %dma_wait3A = arith.constant 0 : i32
      %dma_wait3A_14 = arith.constant 0 : i32
      %dma_wait3A_15 = tpu.memref_slice %arg4[%arg0, %arg1, %dma_wait3A, %dma_wait3A_14] : memref<2x16x79x128xi32, #tpu.memory_space<hbm>> -> memref<1x1x79x128xi32, #tpu.memory_space<hbm>>
      %dma_wait3A_16 = tpu.memref_squeeze %dma_wait3A_15 : memref<1x1x79x128xi32, #tpu.memory_space<hbm>> -> memref<79x128xi32, #tpu.memory_space<hbm>>
      %dma_wait3A_17 = arith.constant 0 : i32
      %dma_wait3A_18 = arith.constant 0 : i32
      %dma_wait3A_19 = tpu.memref_slice %arg4[%arg0, %arg1, %dma_wait3A_17, %dma_wait3A_18] : memref<2x16x79x128xi32, #tpu.memory_space<hbm>> -> memref<1x1x79x128xi32, #tpu.memory_space<hbm>>
      %dma_wait3A_20 = tpu.memref_squeeze %dma_wait3A_19 : memref<1x1x79x128xi32, #tpu.memory_space<hbm>> -> memref<79x128xi32, #tpu.memory_space<hbm>>
      tpu.wait_dma2 semaphore(%run_scoped3A : memref<!tpu.dma_semaphore, #tpu.memory_space<semaphore_mem>>) src(%dma_wait3A_20 : memref<79x128xi32, #tpu.memory_space<hbm>>) dst(%arg8 : memref<79x128xi32, #tpu.memory_space<vmem>>)
      tpu.yield
    }) : () -> ()
    "tpu.region"() ({
      %run_scoped3A = tpu.sem_alloc : memref<!tpu.dma_semaphore, #tpu.memory_space<semaphore_mem>>
      %dma_start3A = arith.constant 0 : i32
      %dma_start3A_7 = tpu.memref_slice %arg10[%mul3A_0, %dma_start3A] : memref<10112x128xf32, #tpu.memory_space<vmem_shared>> -> memref<632x128xf32, #tpu.memory_space<vmem_shared>>
      %dma_start3A_8 = arith.constant 0 : i32
      %dma_start3A_9 = tpu.memref_slice %arg5[%mul3A_0, %dma_start3A_8] : memref<10112x128xf32, #tpu.memory_space<hbm>> -> memref<632x128xf32, #tpu.memory_space<hbm>>
      tpu.enqueue_dma source(%dma_start3A_9 : memref<632x128xf32, #tpu.memory_space<hbm>>) target(%dma_start3A_7 : memref<632x128xf32, #tpu.memory_space<vmem_shared>>) target_semaphore(%run_scoped3A : memref<!tpu.dma_semaphore, #tpu.memory_space<semaphore_mem>>)
      %dma_wait3A = arith.constant 0 : i32
      %dma_wait3A_10 = tpu.memref_slice %arg10[%mul3A_0, %dma_wait3A] : memref<10112x128xf32, #tpu.memory_space<vmem_shared>> -> memref<632x128xf32, #tpu.memory_space<vmem_shared>>
      %dma_wait3A_11 = arith.constant 0 : i32
      %dma_wait3A_12 = tpu.memref_slice %arg5[%mul3A_0, %dma_wait3A_11] : memref<10112x128xf32, #tpu.memory_space<hbm>> -> memref<632x128xf32, #tpu.memory_space<hbm>>
      tpu.wait_dma2 semaphore(%run_scoped3A : memref<!tpu.dma_semaphore, #tpu.memory_space<semaphore_mem>>) src(%dma_wait3A_12 : memref<632x128xf32, #tpu.memory_space<hbm>>) dst(%dma_wait3A_10 : memref<632x128xf32, #tpu.memory_space<vmem_shared>>)
      tpu.yield
    }) : () -> ()
    %barrier3A = arith.constant 0 : index
    tpu.barrier barrier_id(%barrier3A)
    %scan3A = arith.constant 0 : i32
    %scan3A_1 = arith.constant 0 : i32
    %scan3A_2 = arith.constant 79 : i32
    %scan3A_3 = arith.addi %scan3A_1, %scan3A_2 : i32
    %scan3A_4 = arith.constant 1 : i32
    scf.for %scan3A_7 = %scan3A_1 to %scan3A_3 step %scan3A_4  : i32 {
      %dma_start3A = arith.constant 0 : i32
      %dma_start3A_8 = tpu.memref_slice %arg7[%scan3A_7, %dma_start3A] : memref<79x128xi32, #tpu.memory_space<vmem>> -> memref<1x128xi32, #tpu.memory_space<vmem>>
      %dma_start3A_9 = tpu.memref_squeeze %dma_start3A_8 : memref<1x128xi32, #tpu.memory_space<vmem>> -> memref<128xi32, #tpu.memory_space<vmem>>
      %dma_start3A_10 = arith.constant 0 : i32
      %dma_start3A_11 = arith.constant 0 : i32
      %dma_start3A_12 = tpu.memref_slice %arg2[%dma_start3A_10, %dma_start3A_11] : memref<10000x128xf32, #tpu.memory_space<hbm>> -> memref<10000x128xf32, #tpu.memory_space<hbm>>
      tpu.enqueue_indirect_dma source(%dma_start3A_12 : memref<10000x128xf32, #tpu.memory_space<hbm>>) target(%arg9 : memref<128x128xf32, #tpu.memory_space<vmem>>) offsets(%dma_start3A_9 : memref<128xi32, #tpu.memory_space<vmem>>) semaphore(%arg11 : memref<!tpu.dma_semaphore, #tpu.memory_space<semaphore_mem>>)
      %dma_wait3A = arith.constant 0 : i32
      %dma_wait3A_13 = tpu.memref_slice %arg7[%scan3A_7, %dma_wait3A] : memref<79x128xi32, #tpu.memory_space<vmem>> -> memref<1x128xi32, #tpu.memory_space<vmem>>
      %dma_wait3A_14 = tpu.memref_squeeze %dma_wait3A_13 : memref<1x128xi32, #tpu.memory_space<vmem>> -> memref<128xi32, #tpu.memory_space<vmem>>
      %dma_wait3A_15 = arith.constant 0 : i32
      %dma_wait3A_16 = arith.constant 0 : i32
      %dma_wait3A_17 = tpu.memref_slice %arg2[%dma_wait3A_15, %dma_wait3A_16] : memref<10000x128xf32, #tpu.memory_space<hbm>> -> memref<10000x128xf32, #tpu.memory_space<hbm>>
      tpu.wait_indirect_dma semaphore(%arg11 : memref<!tpu.dma_semaphore, #tpu.memory_space<semaphore_mem>>) src(%dma_wait3A_17 : memref<10000x128xf32, #tpu.memory_space<hbm>>) dst(%arg9 : memref<128x128xf32, #tpu.memory_space<vmem>>)
      "tpu.region"() ({
        %run_scoped3A = tpu.sem_alloc : memref<!tpu.dma_semaphore, #tpu.memory_space<semaphore_mem>>
        %dma_start3A_18 = arith.constant 0 : i32
        %dma_start3A_19 = tpu.memref_slice %arg8[%scan3A_7, %dma_start3A_18] : memref<79x128xi32, #tpu.memory_space<vmem>> -> memref<1x128xi32, #tpu.memory_space<vmem>>
        %dma_start3A_20 = tpu.memref_squeeze %dma_start3A_19 : memref<1x128xi32, #tpu.memory_space<vmem>> -> memref<128xi32, #tpu.memory_space<vmem>>
        %dma_start3A_21 = arith.constant 0 : i32
        %dma_start3A_22 = arith.constant 0 : i32
        %dma_start3A_23 = tpu.memref_slice %arg10[%dma_start3A_21, %dma_start3A_22] : memref<10112x128xf32, #tpu.memory_space<vmem_shared>> -> memref<10112x128xf32, #tpu.memory_space<vmem_shared>>
        tpu.enqueue_indirect_dma source(%arg9 : memref<128x128xf32, #tpu.memory_space<vmem>>) target(%dma_start3A_23 : memref<10112x128xf32, #tpu.memory_space<vmem_shared>>) offsets(%dma_start3A_20 : memref<128xi32, #tpu.memory_space<vmem>>) semaphore(%run_scoped3A : memref<!tpu.dma_semaphore, #tpu.memory_space<semaphore_mem>>) {add = true}
        %dma_wait3A_24 = arith.constant 0 : i32
        %dma_wait3A_25 = tpu.memref_slice %arg8[%scan3A_7, %dma_wait3A_24] : memref<79x128xi32, #tpu.memory_space<vmem>> -> memref<1x128xi32, #tpu.memory_space<vmem>>
        %dma_wait3A_26 = tpu.memref_squeeze %dma_wait3A_25 : memref<1x128xi32, #tpu.memory_space<vmem>> -> memref<128xi32, #tpu.memory_space<vmem>>
        %dma_wait3A_27 = arith.constant 0 : i32
        %dma_wait3A_28 = arith.constant 0 : i32
        %dma_wait3A_29 = tpu.memref_slice %arg10[%dma_wait3A_27, %dma_wait3A_28] : memref<10112x128xf32, #tpu.memory_space<vmem_shared>> -> memref<10112x128xf32, #tpu.memory_space<vmem_shared>>
        tpu.wait_indirect_dma semaphore(%run_scoped3A : memref<!tpu.dma_semaphore, #tpu.memory_space<semaphore_mem>>) src(%arg9 : memref<128x128xf32, #tpu.memory_space<vmem>>) dst(%dma_wait3A_29 : memref<10112x128xf32, #tpu.memory_space<vmem_shared>>)
        tpu.yield
      }) : () -> ()
    }
    %scan3A_5 = arith.constant 79 : i32
    %barrier3A_6 = arith.constant 0 : index
    tpu.barrier barrier_id(%barrier3A_6)
    "tpu.region"() ({
      %run_scoped3A = tpu.sem_alloc : memref<!tpu.dma_semaphore, #tpu.memory_space<semaphore_mem>>
      %dma_start3A = arith.constant 0 : i32
      %dma_start3A_7 = tpu.memref_slice %arg6[%arg0, %mul3A_0, %dma_start3A] : memref<2x10112x128xf32, #tpu.memory_space<hbm>> -> memref<1x632x128xf32, #tpu.memory_space<hbm>>
      %dma_start3A_8 = tpu.memref_squeeze %dma_start3A_7 : memref<1x632x128xf32, #tpu.memory_space<hbm>> -> memref<632x128xf32, #tpu.memory_space<hbm>>
      %dma_start3A_9 = arith.constant 0 : i32
      %dma_start3A_10 = tpu.memref_slice %arg10[%mul3A_0, %dma_start3A_9] : memref<10112x128xf32, #tpu.memory_space<vmem_shared>> -> memref<632x128xf32, #tpu.memory_space<vmem_shared>>
      tpu.enqueue_dma source(%dma_start3A_10 : memref<632x128xf32, #tpu.memory_space<vmem_shared>>) target(%dma_start3A_8 : memref<632x128xf32, #tpu.memory_space<hbm>>) target_semaphore(%run_scoped3A : memref<!tpu.dma_semaphore, #tpu.memory_space<semaphore_mem>>)
      %dma_wait3A = arith.constant 0 : i32
      %dma_wait3A_11 = tpu.memref_slice %arg6[%arg0, %mul3A_0, %dma_wait3A] : memref<2x10112x128xf32, #tpu.memory_space<hbm>> -> memref<1x632x128xf32, #tpu.memory_space<hbm>>
      %dma_wait3A_12 = tpu.memref_squeeze %dma_wait3A_11 : memref<1x632x128xf32, #tpu.memory_space<hbm>> -> memref<632x128xf32, #tpu.memory_space<hbm>>
      %dma_wait3A_13 = arith.constant 0 : i32
      %dma_wait3A_14 = tpu.memref_slice %arg10[%mul3A_0, %dma_wait3A_13] : memref<10112x128xf32, #tpu.memory_space<vmem_shared>> -> memref<632x128xf32, #tpu.memory_space<vmem_shared>>
      tpu.wait_dma2 semaphore(%run_scoped3A : memref<!tpu.dma_semaphore, #tpu.memory_space<semaphore_mem>>) src(%dma_wait3A_14 : memref<632x128xf32, #tpu.memory_space<vmem_shared>>) dst(%dma_wait3A_12 : memref<632x128xf32, #tpu.memory_space<hbm>>)
      tpu.yield
    }) : () -> ()
    return
  }
}

#map = affine_map<(d0, d1) -> (0, 0)>
#map1 = affine_map<(d0, d1) -> (0, 0, 0, 0)>
#map2 = affine_map<(d0, d1) -> (0, 0, 0)>
module attributes {stable_mosaic.version = 14 : i64} {
  func.func @_agg_body(%arg0: i32, %arg1: i32, %arg2: memref<10000x128xf32, #tpu.memory_space<hbm>>, %arg3: memref<2x16x79x128xi32, #tpu.memory_space<hbm>>, %arg4: memref<2x16x79x128xi32, #tpu.memory_space<hbm>>, %arg5: memref<10112x128xf32, #tpu.memory_space<hbm>>, %arg6: memref<2x10112x128xf32, #tpu.memory_space<hbm>>, %arg7: memref<79x128xi32, #tpu.memory_space<vmem>>, %arg8: memref<79x128xi32, #tpu.memory_space<vmem>>, %arg9: memref<128x128xf32, #tpu.memory_space<vmem>>, %arg10: memref<10112x128xf32, #tpu.memory_space<vmem_shared>>, %arg11: memref<!tpu.dma_semaphore, #tpu.memory_space<semaphore_mem>>) attributes {dimension_semantics = [#tpu.dimension_semantics<core_parallel>, #tpu.dimension_semantics<subcore_parallel>], iteration_bounds = array<i64: 2, 16>, scalar_prefetch = 0 : i64, scratch_operands = 5 : i64, tpu.core_type = #tpu.core_type<sc_vector_subcore>, window_params = [{transform_indices = #map}, {transform_indices = #map1}, {transform_indices = #map1}, {transform_indices = #map}, {transform_indices = #map2}]} {
    %mul3A = arith.constant 632 : i32
    %mul3A_0 = arith.muli %arg1, %mul3A : i32
    "tpu.region"() ({
      %run_scoped3A = tpu.sem_alloc : memref<!tpu.dma_semaphore, #tpu.memory_space<semaphore_mem>>
      %dma_start3A = arith.constant 0 : i32
      %dma_start3A_7 = arith.constant 0 : i32
      %dma_start3A_8 = tpu.memref_slice %arg3[%arg0, %arg1, %dma_start3A, %dma_start3A_7] : memref<2x16x79x128xi32, #tpu.memory_space<hbm>> -> memref<1x1x79x128xi32, #tpu.memory_space<hbm>>
      %dma_start3A_9 = tpu.memref_squeeze %dma_start3A_8 : memref<1x1x79x128xi32, #tpu.memory_space<hbm>> -> memref<79x128xi32, #tpu.memory_space<hbm>>
      %dma_start3A_10 = arith.constant 0 : i32
      %dma_start3A_11 = arith.constant 0 : i32
      %dma_start3A_12 = tpu.memref_slice %arg3[%arg0, %arg1, %dma_start3A_10, %dma_start3A_11] : memref<2x16x79x128xi32, #tpu.memory_space<hbm>> -> memref<1x1x79x128xi32, #tpu.memory_space<hbm>>
      %dma_start3A_13 = tpu.memref_squeeze %dma_start3A_12 : memref<1x1x79x128xi32, #tpu.memory_space<hbm>> -> memref<79x128xi32, #tpu.memory_space<hbm>>
      tpu.enqueue_dma source(%dma_start3A_13 : memref<79x128xi32, #tpu.memory_space<hbm>>) target(%arg7 : memref<79x128xi32, #tpu.memory_space<vmem>>) target_semaphore(%run_scoped3A : memref<!tpu.dma_semaphore, #tpu.memory_space<semaphore_mem>>)
      %dma_wait3A = arith.constant 0 : i32
      %dma_wait3A_14 = arith.constant 0 : i32
      %dma_wait3A_15 = tpu.memref_slice %arg3[%arg0, %arg1, %dma_wait3A, %dma_wait3A_14] : memref<2x16x79x128xi32, #tpu.memory_space<hbm>> -> memref<1x1x79x128xi32, #tpu.memory_space<hbm>>
      %dma_wait3A_16 = tpu.memref_squeeze %dma_wait3A_15 : memref<1x1x79x128xi32, #tpu.memory_space<hbm>> -> memref<79x128xi32, #tpu.memory_space<hbm>>
      %dma_wait3A_17 = arith.constant 0 : i32
      %dma_wait3A_18 = arith.constant 0 : i32
      %dma_wait3A_19 = tpu.memref_slice %arg3[%arg0, %arg1, %dma_wait3A_17, %dma_wait3A_18] : memref<2x16x79x128xi32, #tpu.memory_space<hbm>> -> memref<1x1x79x128xi32, #tpu.memory_space<hbm>>
      %dma_wait3A_20 = tpu.memref_squeeze %dma_wait3A_19 : memref<1x1x79x128xi32, #tpu.memory_space<hbm>> -> memref<79x128xi32, #tpu.memory_space<hbm>>
      tpu.wait_dma2 semaphore(%run_scoped3A : memref<!tpu.dma_semaphore, #tpu.memory_space<semaphore_mem>>) src(%dma_wait3A_20 : memref<79x128xi32, #tpu.memory_space<hbm>>) dst(%arg7 : memref<79x128xi32, #tpu.memory_space<vmem>>)
      tpu.yield
    }) : () -> ()
    "tpu.region"() ({
      %run_scoped3A = tpu.sem_alloc : memref<!tpu.dma_semaphore, #tpu.memory_space<semaphore_mem>>
      %dma_start3A = arith.constant 0 : i32
      %dma_start3A_7 = arith.constant 0 : i32
      %dma_start3A_8 = tpu.memref_slice %arg4[%arg0, %arg1, %dma_start3A, %dma_start3A_7] : memref<2x16x79x128xi32, #tpu.memory_space<hbm>> -> memref<1x1x79x128xi32, #tpu.memory_space<hbm>>
      %dma_start3A_9 = tpu.memref_squeeze %dma_start3A_8 : memref<1x1x79x128xi32, #tpu.memory_space<hbm>> -> memref<79x128xi32, #tpu.memory_space<hbm>>
      %dma_start3A_10 = arith.constant 0 : i32
      %dma_start3A_11 = arith.constant 0 : i32
      %dma_start3A_12 = tpu.memref_slice %arg4[%arg0, %arg1, %dma_start3A_10, %dma_start3A_11] : memref<2x16x79x128xi32, #tpu.memory_space<hbm>> -> memref<1x1x79x128xi32, #tpu.memory_space<hbm>>
      %dma_start3A_13 = tpu.memref_squeeze %dma_start3A_12 : memref<1x1x79x128xi32, #tpu.memory_space<hbm>> -> memref<79x128xi32, #tpu.memory_space<hbm>>
      tpu.enqueue_dma source(%dma_start3A_13 : memref<79x128xi32, #tpu.memory_space<hbm>>) target(%arg8 : memref<79x128xi32, #tpu.memory_space<vmem>>) target_semaphore(%run_scoped3A : memref<!tpu.dma_semaphore, #tpu.memory_space<semaphore_mem>>)
      %dma_wait3A = arith.constant 0 : i32
      %dma_wait3A_14 = arith.constant 0 : i32
      %dma_wait3A_15 = tpu.memref_slice %arg4[%arg0, %arg1, %dma_wait3A, %dma_wait3A_14] : memref<2x16x79x128xi32, #tpu.memory_space<hbm>> -> memref<1x1x79x128xi32, #tpu.memory_space<hbm>>
      %dma_wait3A_16 = tpu.memref_squeeze %dma_wait3A_15 : memref<1x1x79x128xi32, #tpu.memory_space<hbm>> -> memref<79x128xi32, #tpu.memory_space<hbm>>
      %dma_wait3A_17 = arith.constant 0 : i32
      %dma_wait3A_18 = arith.constant 0 : i32
      %dma_wait3A_19 = tpu.memref_slice %arg4[%arg0, %arg1, %dma_wait3A_17, %dma_wait3A_18] : memref<2x16x79x128xi32, #tpu.memory_space<hbm>> -> memref<1x1x79x128xi32, #tpu.memory_space<hbm>>
      %dma_wait3A_20 = tpu.memref_squeeze %dma_wait3A_19 : memref<1x1x79x128xi32, #tpu.memory_space<hbm>> -> memref<79x128xi32, #tpu.memory_space<hbm>>
      tpu.wait_dma2 semaphore(%run_scoped3A : memref<!tpu.dma_semaphore, #tpu.memory_space<semaphore_mem>>) src(%dma_wait3A_20 : memref<79x128xi32, #tpu.memory_space<hbm>>) dst(%arg8 : memref<79x128xi32, #tpu.memory_space<vmem>>)
      tpu.yield
    }) : () -> ()
    "tpu.region"() ({
      %run_scoped3A = tpu.sem_alloc : memref<!tpu.dma_semaphore, #tpu.memory_space<semaphore_mem>>
      %dma_start3A = arith.constant 0 : i32
      %dma_start3A_7 = tpu.memref_slice %arg10[%mul3A_0, %dma_start3A] : memref<10112x128xf32, #tpu.memory_space<vmem_shared>> -> memref<632x128xf32, #tpu.memory_space<vmem_shared>>
      %dma_start3A_8 = arith.constant 0 : i32
      %dma_start3A_9 = tpu.memref_slice %arg5[%mul3A_0, %dma_start3A_8] : memref<10112x128xf32, #tpu.memory_space<hbm>> -> memref<632x128xf32, #tpu.memory_space<hbm>>
      tpu.enqueue_dma source(%dma_start3A_9 : memref<632x128xf32, #tpu.memory_space<hbm>>) target(%dma_start3A_7 : memref<632x128xf32, #tpu.memory_space<vmem_shared>>) target_semaphore(%run_scoped3A : memref<!tpu.dma_semaphore, #tpu.memory_space<semaphore_mem>>)
      %dma_wait3A = arith.constant 0 : i32
      %dma_wait3A_10 = tpu.memref_slice %arg10[%mul3A_0, %dma_wait3A] : memref<10112x128xf32, #tpu.memory_space<vmem_shared>> -> memref<632x128xf32, #tpu.memory_space<vmem_shared>>
      %dma_wait3A_11 = arith.constant 0 : i32
      %dma_wait3A_12 = tpu.memref_slice %arg5[%mul3A_0, %dma_wait3A_11] : memref<10112x128xf32, #tpu.memory_space<hbm>> -> memref<632x128xf32, #tpu.memory_space<hbm>>
      tpu.wait_dma2 semaphore(%run_scoped3A : memref<!tpu.dma_semaphore, #tpu.memory_space<semaphore_mem>>) src(%dma_wait3A_12 : memref<632x128xf32, #tpu.memory_space<hbm>>) dst(%dma_wait3A_10 : memref<632x128xf32, #tpu.memory_space<vmem_shared>>)
      tpu.yield
    }) : () -> ()
    %barrier3A = arith.constant 0 : index
    tpu.barrier barrier_id(%barrier3A)
    %scan3A = arith.constant 0 : i32
    %scan3A_1 = arith.constant 0 : i32
    %scan3A_2 = arith.constant 79 : i32
    %scan3A_3 = arith.addi %scan3A_1, %scan3A_2 : i32
    %scan3A_4 = arith.constant 1 : i32
    scf.for %scan3A_7 = %scan3A_1 to %scan3A_3 step %scan3A_4  : i32 {
      %dma_start3A = arith.constant 0 : i32
      %dma_start3A_8 = tpu.memref_slice %arg7[%scan3A_7, %dma_start3A] : memref<79x128xi32, #tpu.memory_space<vmem>> -> memref<1x128xi32, #tpu.memory_space<vmem>>
      %dma_start3A_9 = tpu.memref_squeeze %dma_start3A_8 : memref<1x128xi32, #tpu.memory_space<vmem>> -> memref<128xi32, #tpu.memory_space<vmem>>
      %dma_start3A_10 = arith.constant 0 : i32
      %dma_start3A_11 = arith.constant 0 : i32
      %dma_start3A_12 = tpu.memref_slice %arg2[%dma_start3A_10, %dma_start3A_11] : memref<10000x128xf32, #tpu.memory_space<hbm>> -> memref<10000x128xf32, #tpu.memory_space<hbm>>
      tpu.enqueue_indirect_dma source(%dma_start3A_12 : memref<10000x128xf32, #tpu.memory_space<hbm>>) target(%arg9 : memref<128x128xf32, #tpu.memory_space<vmem>>) offsets(%dma_start3A_9 : memref<128xi32, #tpu.memory_space<vmem>>) semaphore(%arg11 : memref<!tpu.dma_semaphore, #tpu.memory_space<semaphore_mem>>)
      %dma_wait3A = arith.constant 0 : i32
      %dma_wait3A_13 = tpu.memref_slice %arg7[%scan3A_7, %dma_wait3A] : memref<79x128xi32, #tpu.memory_space<vmem>> -> memref<1x128xi32, #tpu.memory_space<vmem>>
      %dma_wait3A_14 = tpu.memref_squeeze %dma_wait3A_13 : memref<1x128xi32, #tpu.memory_space<vmem>> -> memref<128xi32, #tpu.memory_space<vmem>>
      %dma_wait3A_15 = arith.constant 0 : i32
      %dma_wait3A_16 = arith.constant 0 : i32
      %dma_wait3A_17 = tpu.memref_slice %arg2[%dma_wait3A_15, %dma_wait3A_16] : memref<10000x128xf32, #tpu.memory_space<hbm>> -> memref<10000x128xf32, #tpu.memory_space<hbm>>
      tpu.wait_indirect_dma semaphore(%arg11 : memref<!tpu.dma_semaphore, #tpu.memory_space<semaphore_mem>>) src(%dma_wait3A_17 : memref<10000x128xf32, #tpu.memory_space<hbm>>) dst(%arg9 : memref<128x128xf32, #tpu.memory_space<vmem>>)
      "tpu.region"() ({
        %run_scoped3A = tpu.sem_alloc : memref<!tpu.dma_semaphore, #tpu.memory_space<semaphore_mem>>
        %dma_start3A_18 = arith.constant 0 : i32
        %dma_start3A_19 = tpu.memref_slice %arg8[%scan3A_7, %dma_start3A_18] : memref<79x128xi32, #tpu.memory_space<vmem>> -> memref<1x128xi32, #tpu.memory_space<vmem>>
        %dma_start3A_20 = tpu.memref_squeeze %dma_start3A_19 : memref<1x128xi32, #tpu.memory_space<vmem>> -> memref<128xi32, #tpu.memory_space<vmem>>
        %dma_start3A_21 = arith.constant 0 : i32
        %dma_start3A_22 = arith.constant 0 : i32
        %dma_start3A_23 = tpu.memref_slice %arg10[%dma_start3A_21, %dma_start3A_22] : memref<10112x128xf32, #tpu.memory_space<vmem_shared>> -> memref<10112x128xf32, #tpu.memory_space<vmem_shared>>
        tpu.enqueue_indirect_dma source(%arg9 : memref<128x128xf32, #tpu.memory_space<vmem>>) target(%dma_start3A_23 : memref<10112x128xf32, #tpu.memory_space<vmem_shared>>) offsets(%dma_start3A_20 : memref<128xi32, #tpu.memory_space<vmem>>) semaphore(%run_scoped3A : memref<!tpu.dma_semaphore, #tpu.memory_space<semaphore_mem>>) {add = true}
        %dma_wait3A_24 = arith.constant 0 : i32
        %dma_wait3A_25 = tpu.memref_slice %arg8[%scan3A_7, %dma_wait3A_24] : memref<79x128xi32, #tpu.memory_space<vmem>> -> memref<1x128xi32, #tpu.memory_space<vmem>>
        %dma_wait3A_26 = tpu.memref_squeeze %dma_wait3A_25 : memref<1x128xi32, #tpu.memory_space<vmem>> -> memref<128xi32, #tpu.memory_space<vmem>>
        %dma_wait3A_27 = arith.constant 0 : i32
        %dma_wait3A_28 = arith.constant 0 : i32
        %dma_wait3A_29 = tpu.memref_slice %arg10[%dma_wait3A_27, %dma_wait3A_28] : memref<10112x128xf32, #tpu.memory_space<vmem_shared>> -> memref<10112x128xf32, #tpu.memory_space<vmem_shared>>
        tpu.wait_indirect_dma semaphore(%run_scoped3A : memref<!tpu.dma_semaphore, #tpu.memory_space<semaphore_mem>>) src(%arg9 : memref<128x128xf32, #tpu.memory_space<vmem>>) dst(%dma_wait3A_29 : memref<10112x128xf32, #tpu.memory_space<vmem_shared>>)
        tpu.yield
      }) : () -> ()
    }
    %scan3A_5 = arith.constant 79 : i32
    %barrier3A_6 = arith.constant 0 : index
    tpu.barrier barrier_id(%barrier3A_6)
    "tpu.region"() ({
      %run_scoped3A = tpu.sem_alloc : memref<!tpu.dma_semaphore, #tpu.memory_space<semaphore_mem>>
      %dma_start3A = arith.constant 0 : i32
      %dma_start3A_7 = tpu.memref_slice %arg6[%arg0, %mul3A_0, %dma_start3A] : memref<2x10112x128xf32, #tpu.memory_space<hbm>> -> memref<1x632x128xf32, #tpu.memory_space<hbm>>
      %dma_start3A_8 = tpu.memref_squeeze %dma_start3A_7 : memref<1x632x128xf32, #tpu.memory_space<hbm>> -> memref<632x128xf32, #tpu.memory_space<hbm>>
      %dma_start3A_9 = arith.constant 0 : i32
      %dma_start3A_10 = tpu.memref_slice %arg10[%mul3A_0, %dma_start3A_9] : memref<10112x128xf32, #tpu.memory_space<vmem_shared>> -> memref<632x128xf32, #tpu.memory_space<vmem_shared>>
      tpu.enqueue_dma source(%dma_start3A_10 : memref<632x128xf32, #tpu.memory_space<vmem_shared>>) target(%dma_start3A_8 : memref<632x128xf32, #tpu.memory_space<hbm>>) target_semaphore(%run_scoped3A : memref<!tpu.dma_semaphore, #tpu.memory_space<semaphore_mem>>)
      %dma_wait3A = arith.constant 0 : i32
      %dma_wait3A_11 = tpu.memref_slice %arg6[%arg0, %mul3A_0, %dma_wait3A] : memref<2x10112x128xf32, #tpu.memory_space<hbm>> -> memref<1x632x128xf32, #tpu.memory_space<hbm>>
      %dma_wait3A_12 = tpu.memref_squeeze %dma_wait3A_11 : memref<1x632x128xf32, #tpu.memory_space<hbm>> -> memref<632x128xf32, #tpu.memory_space<hbm>>
      %dma_wait3A_13 = arith.constant 0 : i32
      %dma_wait3A_14 = tpu.memref_slice %arg10[%mul3A_0, %dma_wait3A_13] : memref<10112x128xf32, #tpu.memory_space<vmem_shared>> -> memref<632x128xf32, #tpu.memory_space<vmem_shared>>
      tpu.wait_dma2 semaphore(%run_scoped3A : memref<!tpu.dma_semaphore, #tpu.memory_space<semaphore_mem>>) src(%dma_wait3A_14 : memref<632x128xf32, #tpu.memory_space<vmem_shared>>) dst(%dma_wait3A_12 : memref<632x128xf32, #tpu.memory_space<hbm>>)
      tpu.yield
    }) : () -> ()
    return
  }
}

module attributes {stable_mosaic.version = 14 : i64} {
  func.func @_layer_body(%arg0: i32, %arg1: memref<2x1000x128xf32, #tpu.memory_space<vmem>>, %arg2: memref<2x1000x128xf32, #tpu.memory_space<vmem>>, %arg3: memref<1000x128xf32, #tpu.memory_space<vmem>>, %arg4: memref<128x128xf32, #tpu.memory_space<vmem>>, %arg5: memref<128x128xf32, #tpu.memory_space<vmem>>, %arg6: memref<1x128xf32, #tpu.memory_space<vmem>>, %arg7: memref<1000x128xf32, #tpu.memory_space<vmem>>) attributes {dimension_semantics = [#tpu.dimension_semantics<arbitrary>], iteration_bounds = array<i64: 10>, scalar_prefetch = 0 : i64, scratch_operands = 0 : i64, tpu.core_type = #tpu.core_type<tc>, window_params = [{transform_indices = @transform_0, window_bounds = array<i64: 2, 1000, 128>}, {transform_indices = @transform_1, window_bounds = array<i64: 2, 1000, 128>}, {transform_indices = @transform_2, window_bounds = array<i64: 1000, 128>}, {pipeline_mode = #tpu.pipeline_mode<synchronous>, transform_indices = @transform_3, window_bounds = array<i64: 128, 128>}, {pipeline_mode = #tpu.pipeline_mode<synchronous>, transform_indices = @transform_4, window_bounds = array<i64: 128, 128>}, {pipeline_mode = #tpu.pipeline_mode<synchronous>, transform_indices = @transform_5, window_bounds = array<i64: 1, 128>}, {transform_indices = @transform_6, window_bounds = array<i64: 1000, 128>}]} {
    %get3A = arith.constant 0 : index
    %get3A_0 = arith.constant 0 : index
    %get3A_1 = arith.constant 0 : index
    %get3A_2 = vector.load %arg1[%get3A, %get3A_0, %get3A_1] : memref<2x1000x128xf32, #tpu.memory_space<vmem>>, vector<1x1000x128xf32>
    %get3A_3 = vector.shape_cast %get3A_2 : vector<1x1000x128xf32> to vector<1000x128xf32>
    %get3A_4 = arith.constant 1 : index
    %get3A_5 = arith.constant 0 : index
    %get3A_6 = arith.constant 0 : index
    %get3A_7 = vector.load %arg1[%get3A_4, %get3A_5, %get3A_6] : memref<2x1000x128xf32, #tpu.memory_space<vmem>>, vector<1x1000x128xf32>
    %get3A_8 = vector.shape_cast %get3A_7 : vector<1x1000x128xf32> to vector<1000x128xf32>
    %add3A = arith.addf %get3A_3, %get3A_8 : vector<1000x128xf32>
    %get3A_9 = arith.constant 0 : index
    %get3A_10 = arith.constant 0 : index
    %get3A_11 = arith.constant 0 : index
    %get3A_12 = vector.load %arg2[%get3A_9, %get3A_10, %get3A_11] : memref<2x1000x128xf32, #tpu.memory_space<vmem>>, vector<1x1000x1xf32>
    %get3A_13 = vector.shape_cast %get3A_12 : vector<1x1000x1xf32> to vector<1000x1xf32>
    %get3A_14 = arith.constant 1 : index
    %get3A_15 = arith.constant 0 : index
    %get3A_16 = arith.constant 0 : index
    %get3A_17 = vector.load %arg2[%get3A_14, %get3A_15, %get3A_16] : memref<2x1000x128xf32, #tpu.memory_space<vmem>>, vector<1x1000x1xf32>
    %get3A_18 = vector.shape_cast %get3A_17 : vector<1x1000x1xf32> to vector<1000x1xf32>
    %add3A_19 = arith.addf %get3A_13, %get3A_18 : vector<1000x1xf32>
    %max3A = arith.constant 1.000000e+00 : f32
    %max3A_20 = vector.broadcast %max3A : f32 to vector<1000x1xf32>
    %max3A_21 = arith.maximumf %add3A_19, %max3A_20 : vector<1000x1xf32>
    %div3A = arith.constant 1.000000e+00 : f32
    %div3A_22 = vector.broadcast %div3A : f32 to vector<1000x1xf32>
    %div3A_23 = arith.divf %div3A_22, %max3A_21 : vector<1000x1xf32>
    %mul3A = vector.broadcast %div3A_23 : vector<1000x1xf32> to vector<1000x128xf32>
    %mul3A_24 = arith.mulf %add3A, %mul3A : vector<1000x128xf32>
    %get3A_25 = arith.constant 0 : index
    %get3A_26 = arith.constant 0 : index
    %get3A_27 = vector.load %arg4[%get3A_25, %get3A_26] : memref<128x128xf32, #tpu.memory_space<vmem>>, vector<128x128xf32>
    %dot_general3A = arith.constant dense<0.000000e+00> : vector<1000x128xf32>
    %dot_general3A_28 = tpu.matmul %mul3A_24, %get3A_27, %dot_general3A {dimension_numbers = #tpu.dot_dimension_numbers<[1], [0], [0], [1], [0, 0, 1, 1], [], []>, transpose_lhs_hint = false} : vector<1000x128xf32>, vector<128x128xf32>, vector<1000x128xf32> -> vector<1000x128xf32>
    %get3A_29 = arith.constant 0 : index
    %get3A_30 = arith.constant 0 : index
    %get3A_31 = vector.load %arg3[%get3A_29, %get3A_30] : memref<1000x128xf32, #tpu.memory_space<vmem>>, vector<1000x128xf32>
    %get3A_32 = arith.constant 0 : index
    %get3A_33 = arith.constant 0 : index
    %get3A_34 = vector.load %arg5[%get3A_32, %get3A_33] : memref<128x128xf32, #tpu.memory_space<vmem>>, vector<128x128xf32>
    %dot_general3A_35 = arith.constant dense<0.000000e+00> : vector<1000x128xf32>
    %dot_general3A_36 = tpu.matmul %get3A_31, %get3A_34, %dot_general3A_35 {dimension_numbers = #tpu.dot_dimension_numbers<[1], [0], [0], [1], [0, 0, 1, 1], [], []>, transpose_lhs_hint = false} : vector<1000x128xf32>, vector<128x128xf32>, vector<1000x128xf32> -> vector<1000x128xf32>
    %add3A_37 = arith.addf %dot_general3A_28, %dot_general3A_36 : vector<1000x128xf32>
    %get3A_38 = arith.constant 0 : index
    %get3A_39 = arith.constant 0 : index
    %get3A_40 = vector.load %arg6[%get3A_38, %get3A_39] : memref<1x128xf32, #tpu.memory_space<vmem>>, vector<1x128xf32>
    %add3A_41 = vector.broadcast %get3A_40 : vector<1x128xf32> to vector<1000x128xf32>
    %add3A_42 = arith.addf %add3A_37, %add3A_41 : vector<1000x128xf32>
    %swap3A = arith.constant 0 : index
    %swap3A_43 = arith.constant 0 : index
    %swap3A_44 = vector.load %arg7[%swap3A, %swap3A_43] : memref<1000x128xf32, #tpu.memory_space<vmem>>, vector<1000x128xf32>
    tpu.vector_store %arg7[%swap3A, %swap3A_43], %add3A_42 {strides = array<i32>} : memref<1000x128xf32, #tpu.memory_space<vmem>>, vector<1000x128xf32>,
    return
  }
  func.func @transform_0(%arg0: i32) -> (i32, i32, i32) {
    %c0_i32 = arith.constant 0 : i32
    %c0_i32_0 = arith.constant 0 : i32
    %c0_i32_1 = arith.constant 0 : i32
    return %c0_i32, %arg0, %c0_i32_0 : i32, i32, i32
  }
  func.func @transform_1(%arg0: i32) -> (i32, i32, i32) {
    %c0_i32 = arith.constant 0 : i32
    %c0_i32_0 = arith.constant 0 : i32
    %c0_i32_1 = arith.constant 0 : i32
    return %c0_i32, %arg0, %c0_i32_0 : i32, i32, i32
  }
  func.func @transform_2(%arg0: i32) -> (i32, i32) {
    %c0_i32 = arith.constant 0 : i32
    %c0_i32_0 = arith.constant 0 : i32
    return %arg0, %c0_i32 : i32, i32
  }
  func.func @transform_3(%arg0: i32) -> (i32, i32) {
    %c0_i32 = arith.constant 0 : i32
    %c0_i32_0 = arith.constant 0 : i32
    %c0_i32_1 = arith.constant 0 : i32
    return %c0_i32, %c0_i32_0 : i32, i32
  }
  func.func @transform_4(%arg0: i32) -> (i32, i32) {
    %c0_i32 = arith.constant 0 : i32
    %c0_i32_0 = arith.constant 0 : i32
    %c0_i32_1 = arith.constant 0 : i32
    return %c0_i32, %c0_i32_0 : i32, i32
  }
  func.func @transform_5(%arg0: i32) -> (i32, i32) {
    %c0_i32 = arith.constant 0 : i32
    %c0_i32_0 = arith.constant 0 : i32
    %c0_i32_1 = arith.constant 0 : i32
    return %c0_i32, %c0_i32_0 : i32, i32
  }
  func.func @transform_6(%arg0: i32) -> (i32, i32) {
    %c0_i32 = arith.constant 0 : i32
    %c0_i32_0 = arith.constant 0 : i32
    return %arg0, %c0_i32 : i32, i32
  }
}

module attributes {stable_mosaic.version = 14 : i64} {
  func.func @_layer_body(%arg0: i32, %arg1: memref<2x1000x128xf32, #tpu.memory_space<vmem>>, %arg2: memref<2x1000x128xf32, #tpu.memory_space<vmem>>, %arg3: memref<1000x128xf32, #tpu.memory_space<vmem>>, %arg4: memref<128x128xf32, #tpu.memory_space<vmem>>, %arg5: memref<128x128xf32, #tpu.memory_space<vmem>>, %arg6: memref<1x128xf32, #tpu.memory_space<vmem>>, %arg7: memref<1000x128xf32, #tpu.memory_space<vmem>>) attributes {dimension_semantics = [#tpu.dimension_semantics<arbitrary>], iteration_bounds = array<i64: 10>, scalar_prefetch = 0 : i64, scratch_operands = 0 : i64, tpu.core_type = #tpu.core_type<tc>, window_params = [{transform_indices = @transform_0, window_bounds = array<i64: 2, 1000, 128>}, {transform_indices = @transform_1, window_bounds = array<i64: 2, 1000, 128>}, {transform_indices = @transform_2, window_bounds = array<i64: 1000, 128>}, {pipeline_mode = #tpu.pipeline_mode<synchronous>, transform_indices = @transform_3, window_bounds = array<i64: 128, 128>}, {pipeline_mode = #tpu.pipeline_mode<synchronous>, transform_indices = @transform_4, window_bounds = array<i64: 128, 128>}, {pipeline_mode = #tpu.pipeline_mode<synchronous>, transform_indices = @transform_5, window_bounds = array<i64: 1, 128>}, {transform_indices = @transform_6, window_bounds = array<i64: 1000, 128>}]} {
    %get3A = arith.constant 0 : index
    %get3A_0 = arith.constant 0 : index
    %get3A_1 = arith.constant 0 : index
    %get3A_2 = vector.load %arg1[%get3A, %get3A_0, %get3A_1] : memref<2x1000x128xf32, #tpu.memory_space<vmem>>, vector<1x1000x128xf32>
    %get3A_3 = vector.shape_cast %get3A_2 : vector<1x1000x128xf32> to vector<1000x128xf32>
    %get3A_4 = arith.constant 1 : index
    %get3A_5 = arith.constant 0 : index
    %get3A_6 = arith.constant 0 : index
    %get3A_7 = vector.load %arg1[%get3A_4, %get3A_5, %get3A_6] : memref<2x1000x128xf32, #tpu.memory_space<vmem>>, vector<1x1000x128xf32>
    %get3A_8 = vector.shape_cast %get3A_7 : vector<1x1000x128xf32> to vector<1000x128xf32>
    %add3A = arith.addf %get3A_3, %get3A_8 : vector<1000x128xf32>
    %get3A_9 = arith.constant 0 : index
    %get3A_10 = arith.constant 0 : index
    %get3A_11 = arith.constant 0 : index
    %get3A_12 = vector.load %arg2[%get3A_9, %get3A_10, %get3A_11] : memref<2x1000x128xf32, #tpu.memory_space<vmem>>, vector<1x1000x1xf32>
    %get3A_13 = vector.shape_cast %get3A_12 : vector<1x1000x1xf32> to vector<1000x1xf32>
    %get3A_14 = arith.constant 1 : index
    %get3A_15 = arith.constant 0 : index
    %get3A_16 = arith.constant 0 : index
    %get3A_17 = vector.load %arg2[%get3A_14, %get3A_15, %get3A_16] : memref<2x1000x128xf32, #tpu.memory_space<vmem>>, vector<1x1000x1xf32>
    %get3A_18 = vector.shape_cast %get3A_17 : vector<1x1000x1xf32> to vector<1000x1xf32>
    %add3A_19 = arith.addf %get3A_13, %get3A_18 : vector<1000x1xf32>
    %max3A = arith.constant 1.000000e+00 : f32
    %max3A_20 = vector.broadcast %max3A : f32 to vector<1000x1xf32>
    %max3A_21 = arith.maximumf %add3A_19, %max3A_20 : vector<1000x1xf32>
    %div3A = arith.constant 1.000000e+00 : f32
    %div3A_22 = vector.broadcast %div3A : f32 to vector<1000x1xf32>
    %div3A_23 = arith.divf %div3A_22, %max3A_21 : vector<1000x1xf32>
    %mul3A = vector.broadcast %div3A_23 : vector<1000x1xf32> to vector<1000x128xf32>
    %mul3A_24 = arith.mulf %add3A, %mul3A : vector<1000x128xf32>
    %get3A_25 = arith.constant 0 : index
    %get3A_26 = arith.constant 0 : index
    %get3A_27 = vector.load %arg4[%get3A_25, %get3A_26] : memref<128x128xf32, #tpu.memory_space<vmem>>, vector<128x128xf32>
    %dot_general3A = arith.constant dense<0.000000e+00> : vector<1000x128xf32>
    %dot_general3A_28 = tpu.matmul %mul3A_24, %get3A_27, %dot_general3A {dimension_numbers = #tpu.dot_dimension_numbers<[1], [0], [0], [1], [0, 0, 1, 1], [], []>, transpose_lhs_hint = false} : vector<1000x128xf32>, vector<128x128xf32>, vector<1000x128xf32> -> vector<1000x128xf32>
    %get3A_29 = arith.constant 0 : index
    %get3A_30 = arith.constant 0 : index
    %get3A_31 = vector.load %arg3[%get3A_29, %get3A_30] : memref<1000x128xf32, #tpu.memory_space<vmem>>, vector<1000x128xf32>
    %get3A_32 = arith.constant 0 : index
    %get3A_33 = arith.constant 0 : index
    %get3A_34 = vector.load %arg5[%get3A_32, %get3A_33] : memref<128x128xf32, #tpu.memory_space<vmem>>, vector<128x128xf32>
    %dot_general3A_35 = arith.constant dense<0.000000e+00> : vector<1000x128xf32>
    %dot_general3A_36 = tpu.matmul %get3A_31, %get3A_34, %dot_general3A_35 {dimension_numbers = #tpu.dot_dimension_numbers<[1], [0], [0], [1], [0, 0, 1, 1], [], []>, transpose_lhs_hint = false} : vector<1000x128xf32>, vector<128x128xf32>, vector<1000x128xf32> -> vector<1000x128xf32>
    %add3A_37 = arith.addf %dot_general3A_28, %dot_general3A_36 : vector<1000x128xf32>
    %get3A_38 = arith.constant 0 : index
    %get3A_39 = arith.constant 0 : index
    %get3A_40 = vector.load %arg6[%get3A_38, %get3A_39] : memref<1x128xf32, #tpu.memory_space<vmem>>, vector<1x128xf32>
    %add3A_41 = vector.broadcast %get3A_40 : vector<1x128xf32> to vector<1000x128xf32>
    %add3A_42 = arith.addf %add3A_37, %add3A_41 : vector<1000x128xf32>
    %gt3A = arith.constant 0.000000e+00 : f32
    %gt3A_43 = vector.broadcast %gt3A : f32 to vector<1000x128xf32>
    %gt3A_44 = arith.cmpf ogt, %add3A_42, %gt3A_43 : vector<1000x128xf32>
    %exp3A = math.exp %add3A_42 : vector<1000x128xf32>
    %sub3A = arith.constant 1.000000e+00 : f32
    %sub3A_45 = vector.broadcast %sub3A : f32 to vector<1000x128xf32>
    %sub3A_46 = arith.subf %exp3A, %sub3A_45 : vector<1000x128xf32>
    %select_n3A = arith.select %gt3A_44, %add3A_42, %sub3A_46 : vector<1000x128xi1>, vector<1000x128xf32>
    %swap3A = arith.constant 0 : index
    %swap3A_47 = arith.constant 0 : index
    %swap3A_48 = vector.load %arg7[%swap3A, %swap3A_47] : memref<1000x128xf32, #tpu.memory_space<vmem>>, vector<1000x128xf32>
    tpu.vector_store %arg7[%swap3A, %swap3A_47], %select_n3A {strides = array<i32>} : memref<1000x128xf32, #tpu.memory_space<vmem>>, vector<1000x128xf32>,
    return
  }
  func.func @transform_0(%arg0: i32) -> (i32, i32, i32) {
    %c0_i32 = arith.constant 0 : i32
    %c0_i32_0 = arith.constant 0 : i32
    %c0_i32_1 = arith.constant 0 : i32
    return %c0_i32, %arg0, %c0_i32_0 : i32, i32, i32
  }
  func.func @transform_1(%arg0: i32) -> (i32, i32, i32) {
    %c0_i32 = arith.constant 0 : i32
    %c0_i32_0 = arith.constant 0 : i32
    %c0_i32_1 = arith.constant 0 : i32
    return %c0_i32, %arg0, %c0_i32_0 : i32, i32, i32
  }
  func.func @transform_2(%arg0: i32) -> (i32, i32) {
    %c0_i32 = arith.constant 0 : i32
    %c0_i32_0 = arith.constant 0 : i32
    return %arg0, %c0_i32 : i32, i32
  }
  func.func @transform_3(%arg0: i32) -> (i32, i32) {
    %c0_i32 = arith.constant 0 : i32
    %c0_i32_0 = arith.constant 0 : i32
    %c0_i32_1 = arith.constant 0 : i32
    return %c0_i32, %c0_i32_0 : i32, i32
  }
  func.func @transform_4(%arg0: i32) -> (i32, i32) {
    %c0_i32 = arith.constant 0 : i32
    %c0_i32_0 = arith.constant 0 : i32
    %c0_i32_1 = arith.constant 0 : i32
    return %c0_i32, %c0_i32_0 : i32, i32
  }
  func.func @transform_5(%arg0: i32) -> (i32, i32) {
    %c0_i32 = arith.constant 0 : i32
    %c0_i32_0 = arith.constant 0 : i32
    %c0_i32_1 = arith.constant 0 : i32
    return %c0_i32, %c0_i32_0 : i32, i32
  }
  func.func @transform_6(%arg0: i32) -> (i32, i32) {
    %c0_i32 = arith.constant 0 : i32
    %c0_i32_0 = arith.constant 0 : i32
    return %arg0, %c0_i32 : i32, i32
  }
}

</mosaic_0001>

<sc_bundles>
// kernel: kernel.21.cloned.1.call-start
scs
__scs_entry_jumppad:
0x0: {  	(pc) =	sbr.rel $0x88, $3  }
0x1: {  	(tag) =	ssettag $0x0;
	lr =	simm.s32 $0x1  }
0x2: {  	[smem:$0x3F99] =	sst lr;
	_ =	strace $0xD0000000  }
0x3: {  	_ = 	snop  }
0x4: {  	_ = 	snop  }
0x5: {  	_ = 	snop  }
0x6: {  	_ = 	snop  }
0x7: {  	_ = 	snop  }
__scs_overlays_trampoline_lowered:
0x8: {  	[smem:$0x3FA8] =	sst s0  }
0x9: {  	[smem:$0x3FA9] =	sst s1  }
0xa: {  	[smem:$0x3FAA] =	sst s2  }
0xb: {  	[smem:$0x3FAB] =	sst s3  }
0xc: {  	[smem:$0x3FAC] =	sst s4  }
0xd: {  	[smem:$0x3FAD] =	sst s5  }
0xe: {  	[smem:$0x3FAE] =	sst s6  }
0xf: {  	[smem:$0x3FAF] =	sst s7  }
0x10: {  	[smem:$0x3FB0] =	sst s8  }
0x11: {  	[smem:$0x3FB1] =	sst s9;
	s0 =	simm.s32 @!p0 $0x0  }
0x12: {  	s1 =	sld [smem:$0x3F97];
	s0 =	simm.s32 @p0 $0x1  }
0x13: {  	[smem:$0x3FB2] =	sst s0;
	s0 =	simm.s32 @!p1 $0x0  }
0x14: {  	s2 =	sld [smem:$0x3F96];
	s0 =	simm.s32 @p1 $0x1  }
0x15: {  	[smem:$0x3FB3] =	sst s0;
	s0 =	simm.s32 @!p2 $0x0  }
0x16: {  	s3 =	sld [smem:$0x3FDB];
	s0 =	simm.s32 @p2 $0x1  }
0x17: {  	s4 =	simm.s32 $0x1BF5;
	[smem:$0x3FB5] =	sst s0  }
0x18: {  	s0 =	sld [smem:$0x3F98];
	_ =	swait.ge [sflag:s4], $0x0  }
0x19: {  	s7 =	sld [smem:$0x3F99]  }
0x1a: {  	s8 =	sadd.s32 $0xFFFFE003, lr  }
0x1b: {  	s9 =	sadd.s32 $0xFFFFFEF7, lr;
	s5 =	simm.s32 $0xFFFFFFFF;
	p2 =	slt.u32 s8, $0xFFFFF086  }
0x1c: {  	p1 =	slt.u32 s9, $0xF7A;
	s5 =	simm.s32 @!p2 $0x0  }
0x1d: {  	s5 =	simm.s32 @p1 $0x1;
	p0 =	seq.s32 s7, s2  }
0x1e: {  	s7 =	smul.u32 @!p0 $0xF7A, s2;
	p2 =	seq.s32 @!p0 s5, $0x0  }
0x1f: {  	s9 =	smul.u32 $0xF7A, s1;
	s8 =	simm.s32 @!p0 $0x1BF5;
	p2 =	por !p2, p0  }
0x20: {  	[sflag:s8] =	ssyncset.s32 @!p0 $0xFFFFF086;
	s6 =	sadd.s32 @!p0 s3, s7;
	s7 =	simm.s32 @!p0 $0x108  }
0x21: {  	s3 =	sadd.s32 s3, s9;
	s6 =	sadd.s32 @!p0 $0x88, s6;
	s7 =	simm.s32 @p2 $0x1082  }
0x22: {  	[simem:s7], [sflag:s8] =	dma.local @!p0 [hbm:s6], $0xF7A  }
0x23: {  	s9 =	sor.u32 $0xD0000000, s2;
	s6 =	simm.s32 $0x108;
	_ =	swait.ge @!p0 [sflag:s8], $0x0  }
0x24: {  	s3 =	sadd.s32 $0x88, s3;
	s6 =	simm.s32 @!p1 $0x1082;
	[sflag:s4] =	ssyncset.s32 $0xFFFFF086  }
0x25: {  	[simem:s6], [sflag:s4] =	dma.local [hbm:s3], $0xF7A  }
0x26: {  	[smem:$0x3F99] =	sst s1;
	(tag) =	ssettag s2;
	_ =	strace s9  }
0x27: {  	s1 =	sld [smem:$0x3FA9]  }
0x28: {  	s2 =	sld [smem:$0x3FAA]  }
0x29: {  	s4 =	sld [smem:$0x3FAC]  }
0x2a: {  	p0 =	seq.s32 s5, $0x0;
	s5 =	sld [smem:$0x3FAD]  }
0x2b: {  	s6 =	sld [smem:$0x3FAE]  }
0x2c: {  	s7 =	sld [smem:$0x3FAF]  }
0x2d: {  	s3 =	simm.s32 $0x108;
	s8 =	sld [smem:$0x3FB0]  }
0x2e: {  	s3 =	simm.s32 @!p0 $0x1082;
	s9 =	sld [smem:$0x3FB1]  }
0x2f: {  	lr =	sadd.s32 s0, s3;
	s0 =	sld [smem:$0x3FA8]  }
0x30: {  	s3 =	sld [smem:$0x3FAB]  }
0x31: {  	[smem:$0x3FB4] =	sst s10  }
0x32: {  	s10 =	sld [smem:$0x3FB2];
	_ =	sdelay $0x3  }
0x33: {  	p0 =	seq.s32 s10, $0x1;
	s10 =	sld [smem:$0x3FB4];
	_ =	sdelay $0x3  }
0x34: {  	[smem:$0x3FB4] =	sst s10  }
0x35: {  	s10 =	sld [smem:$0x3FB3];
	_ =	sdelay $0x3  }
0x36: {  	p1 =	seq.s32 s10, $0x1;
	s10 =	sld [smem:$0x3FB4];
	_ =	sdelay $0x3  }
0x37: {  	[smem:$0x3FB4] =	sst s10  }
0x38: {  	s10 =	sld [smem:$0x3FB5]  }
0x39: {  	_ = 	snop;
	(pc) =	sbr.ind lr, $3  }
0x3a: {  	_ = 	snop  }
0x3b: {  	_ = 	snop  }
0x3c: {  	p2 =	seq.s32 s10, $0x1;
	s10 =	sld [smem:$0x3FB4]  }
0x3d: {  	_ =	shalt  }
0x3e: {  	_ =	shalt  }
0x3f: {  	_ =	shalt  }
0x40: {  	_ =	shalt  }
0x41: {  	_ =	shalt  }
0x42: {  	_ =	shalt  }
0x43: {  	_ =	shalt  }
0x44: {  	_ =	shalt  }
0x45: {  	_ =	shalt  }
0x46: {  	_ =	shalt  }
0x47: {  	_ =	shalt  }
0x48: {  	_ =	shalt  }
0x49: {  	_ =	shalt  }
0x4a: {  	_ =	shalt  }
0x4b: {  	_ =	shalt  }
0x4c: {  	_ =	shalt  }
0x4d: {  	_ =	shalt  }
0x4e: {  	_ =	shalt  }
0x4f: {  	_ =	shalt  }
0x50: {  	_ =	shalt  }
0x51: {  	_ =	shalt  }
0x52: {  	_ =	shalt  }
0x53: {  	_ =	shalt  }
0x54: {  	_ =	shalt  }
0x55: {  	_ =	shalt  }
0x56: {  	_ =	shalt  }
0x57: {  	_ =	shalt  }
0x58: {  	_ =	shalt  }
0x59: {  	_ =	shalt  }
0x5a: {  	_ =	shalt  }
0x5b: {  	_ =	shalt  }
0x5c: {  	_ =	shalt  }
0x5d: {  	_ =	shalt  }
0x5e: {  	_ =	shalt  }
0x5f: {  	_ =	shalt  }
0x60: {  	_ =	shalt  }
0x61: {  	_ =	shalt  }
0x62: {  	_ =	shalt  }
0x63: {  	_ =	shalt  }
0x64: {  	_ =	shalt  }
0x65: {  	_ =	shalt  }
0x66: {  	_ =	shalt  }
0x67: {  	_ =	shalt  }
0x68: {  	_ =	shalt  }
0x69: {  	_ =	shalt  }
0x6a: {  	_ =	shalt  }
0x6b: {  	_ =	shalt  }
0x6c: {  	_ =	shalt  }
0x6d: {  	_ =	shalt  }
0x6e: {  	_ =	shalt  }
0x6f: {  	_ =	shalt  }
0x70: {  	_ =	shalt  }
0x71: {  	_ =	shalt  }
0x72: {  	_ =	shalt  }
0x73: {  	_ =	shalt  }
0x74: {  	_ =	shalt  }
0x75: {  	_ =	shalt  }
0x76: {  	_ =	shalt  }
0x77: {  	_ =	shalt  }
0x78: {  	_ =	shalt  }
0x79: {  	_ =	shalt  }
0x7a: {  	_ =	shalt  }
0x7b: {  	_ =	shalt  }
0x7c: {  	_ =	shalt  }
0x7d: {  	_ =	shalt  }
0x7e: {  	_ =	shalt  }
0x7f: {  	_ =	shalt  }
0x80: {  	_ =	shalt  }
0x81: {  	_ =	shalt  }
0x82: {  	_ =	shalt  }
0x83: {  	_ =	shalt  }
0x84: {  	_ =	shalt  }
0x85: {  	_ =	shalt  }
0x86: {  	_ =	shalt  }
0x87: {  	_ =	shalt  }
.Lfunc_end0:
.L_simem_size_0:
called_computation_lowered:
.L_overlay_start_0:
0x88: {  	s2 =	sld [smem:$0x3FD9]  }
0x89: {  	s3 =	sld [smem:$0x3FFE];
	_ =	sdelay $0x1  }
0x8a: {  	s1 =	srdreg.scid  }
0x8b: {  	s0 =	sand.u32 $0x1, s1  }
0x8c: {  	s17 =	sshll.u32 s0, $0xA;
	s2 =	sadd.s32 s3, s2  }
0x8d: {  	s2 =	sadd.s32 s2, s17  }
0x8e: {  	[smem:$0x3FC0] =	sst s2  }
0x8f: {  	_ = 	snop  }
0x90: {  	(tm) =	ssettm $0x1  }
0x91: {  	s18 =	sld [smem:$0x3FFB];
	_ =	sdelay $0x3  }
0x92: {  	_ =	strace s18  }
0x93: {  	s2 =	sld [smem:$0x3FFC];
	_ =	sdelay $0x3  }
0x94: {  	_ =	strace s2  }
0x95: {  	s2 =	sld [smem:$0x3FFD];
	_ =	sdelay $0x3  }
0x96: {  	_ =	strace s2  }
0x97: {  	_ =	strace $0x8FFFFFFF  }
0x98: {  	s19 =	sld [smem:$0x3FDB];
	_ =	sdelay $0x1  }
0x99: {  	s20 =	simm.s32 $_scs_section_size  }
0x9a: {  	s4 =	simm.s32 $_size__tile_overlayer_lowered;
	s5 =	simm.s32 $_tile_overlayer_lowered  }
0x9b: {  	s6 =	simm.s32 $0x1BFF;
	s21 =	sshll.u32 s5, $0x1;
	s3 =	sadd.s32 s20, s19  }
0x9c: {  	s22 =	simm.s32 $0x0;
	s4 =	sshll.u32 s4, $0x1;
	s5 =	sadd.s32 s21, s3  }
0x9d: {  	[timem:s22], [sflag:s6] =	dma.local [hbm:s5], s4  }
0x9e: {  	_ =	swait.ge [sflag:s6], s4  }
0x9f: {  	s4 =	ssub.s32 $0x0, s4;
	[sflag:s6] =	ssyncset.done $0x0  }
0xa0: {  	[sflag:s6] =	ssyncadd.s32 s4;
	_ =	sdelay $0x1  }
0xa1: {  	s23 =	simm.s32 $0x1B8B  }
0xa2: {  	_ =	swait.ge [sflag:s23], $0x1  }
0xa3: {  	[sflag:s23] =	ssyncset.done $0x0  }
0xa4: {  	[sflag:s23] =	ssyncadd.s32 $0xFFFFFFFF  }
0xa5: {  	s4 =	sld [smem:$0x0]  }
0xa6: {  	s5 =	sand.u32 $0xFFFFFFFE, s1  }
0xa7: {  	p0 =	sne.s32 s1, s5  }
0xa8: {  	s5 =	sshll.u32 @p0 s5, $0xE  }
0xa9: {  	s5 =	sadd.s32 @p0 $0x11B8D, s5;
	s6 =	sshll.u32 @p0 s4, $0x11  }
0xaa: {  	s5 =	sor.u32 @p0 s6, s5  }
0xab: {  	[sflag:s5] =	ssyncadd.remote.s32 @p0 $0x1;
	_ =	sdelay $0x1  }
0xac: {  	s5 =	simm.s32 @p0 $0x1B8D  }
0xad: {  	_ =	swait.eq @p0 [sflag:s5], $0x1  }
0xae: {  	[sflag:s5] =	ssyncadd.s32 @p0 $0xFFFFFFFF  }
0xaf: {  	s6 =	sshll.u32 @!p0 s1, $0xE  }
0xb0: {  	s6 =	sor.u32 @!p0 $0x4000, s6;
	s5 =	simm.s32 @!p0 $0x1B8D  }
0xb1: {  	s4 =	sshll.u32 @!p0 s4, $0x11;
	s6 =	sadd.s32 @!p0 $0x11B8D, s6;
	_ =	swait.eq @!p0 [sflag:s5], $0x1  }
0xb2: {  	s4 =	sor.u32 @!p0 s4, s6;
	[sflag:s5] =	ssyncadd.s32 @!p0 $0xFFFFFFFF  }
0xb3: {  	s25 =	simm.s32 $0x1B8E;
	s24 =	sld [smem:$0x3FFE];
	[sflag:s4] =	ssyncadd.remote.s32 @!p0 $0x1  }
0xb4: {  	s26 =	simm.s32 $execute0_lowered;
	[smem:$0x3FD2] =	sst s25  }
0xb5: {  	s5 =	sshll.u32 s26, $0x1;
	_ =	strace $0x80000049;
	[dreg:$0x1] =	wrdreg $0xFFFFFFFF  }
0xb6: {  	s28 =	simm.s32 $_size_execute0_lowered;
	s3 =	sadd.s32 s3, s5;
	[dreg:$0x0] =	wrdreg $0x0  }
0xb7: {  	s5 =	sshll.u32 s28, $0x1;
	[dreg:$0x2] =	wrdreg s3  }
0xb8: {  	[dreg:$0x3] =	wrdreg s5  }
0xb9: {  	[dreg:$0x4] =	wrdreg $0xC0  }
0xba: {  	_ =	task [dreg:s22], $0x5FFFF  }
0xbb: {  	[dreg:$0x1] =	wrdreg $0xFFFFFFFF  }
0xbc: {  	[dreg:$0x0] =	wrdreg $0x60  }
0xbd: {  	[dreg:$0x2] =	wrdreg s24  }
0xbe: {  	[dreg:$0x3] =	wrdreg $0x68000  }
0xbf: {  	[dreg:$0x4] =	wrdreg $0x9  }
0xc0: {  	_ =	task.clear_ibuf [dreg:s22], $0x5FFFF;
	_ =	strace $0x90000049  }
0xc1: {  	s29 =	simm.s32 $0x9;
	_ =	strace $0x8000004B  }
0xc2: {  	_ =	swait.ge [sflag:s29], $0x1  }
0xc3: {  	[sflag:s29] =	ssyncadd.s32 $0xFFFFFFFF  }
0xc4: {  	_ =	strace $0x9000004B  }
0xc5: {  	_ =	sfence  }
0xc6: {  	s30 =	sld [smem:$0x0];
	_ =	sdelay $0x2  }
0xc7: {  	s31 =	sshll.u32 s1, $0xD;
	s1 =	sshrl.u32 s1, $0x2  }
0xc8: {  	s4 =	sand.u32 $0x4000, s31;
	s1 =	sadd.s32 s1, s30  }
0xc9: {  	s0 =	sor.u32 s4, s0;
	s1 =	sshll.u32 s1, $0x11  }
0xca: {  	s0 =	sor.u32 s1, s0  }
0xcb: {  	s0 =	sadd.s32 $0x8F2B, s0  }
0xcc: {  	[sflag:s0] =	ssyncadd.remote.s32 $0x1  }
0xcd: {  	_ =	sfence.sel $0xFFFF  }
0xce: {  	[dreg:$0x0] =	wrdreg $0xFFFFFFFF;
	(pc) =	sbr.abs _section_cstart, $3  }
0xcf: {  	[dreg:$0x1] =	wrdreg $0xFFFFFFFF  }
0xd0: {  	_ =	task.clear_ibuf [dreg:s22], $0x2FFFF;
	_ =	strace $0x9FFFFFFF  }
0xd1: {  	(tm) =	ssettm $0x7FFFFFFF  }
tec
execute0_lowered:
.L_overlay_start_1:
0x0: {  	(tag) =	ssettag $0x1  }
0x1: {  	s0 =	srdreg.scid;
	s5 =	rddreg [dreg:$0x0]  }
0x2: {  	s2 =	rddreg [dreg:$0x1];
	s6 =	sand.u32 $0x1, s0  }
0x3: {  	s0 =	stileid.u32;
	s4 =	smul.u32 $0x28000, s6  }
0x4: {  	s1 =	rddreg [dreg:$0x2];
	s3 =	simm.s32 $0x0;
	s7 =	smul.u32 $0x2800, s0  }
0x5: {  	s13 =	simm.s32 $0x80;
	[smem:$0x7FF] =	sst s3;
	s28 =	smul.u32 $0x13C00, s0  }
0x6: {  	s14 =	simm.s32 $0x0;
	_ =	strace $0x8000004A;
	s8 =	smul.u32 $0x13C000, s6  }
0x7: {  	s6 =	ssub.s32 $0x2, s6;
	s29 =	smul.u32 $0x4F000, s0;
	s31 =	sshll.u32 s0, $0x6  }
0x8: {  	s11 =	sshrl.u32 s6, $0x1;
	s4 =	sadd.s32 s7, s4;
	s10 =	sshrl.u32 s28, $0x3  }
0x9: {  	s7 =	sadd.s32 s28, s8;
	s11 =	ssub.s32 s6, s11;
	s30 =	sshrl.u32 s29, $0x2  }
0xa: {  	s4 =	sshrl.u32 s4, $0x3;
	s10 =	sadd.s32 s10, s5;
	s7 =	sshrl.u32 s7, $0x3  }
0xb: {  	s12 =	sadd.s32 s30, s2;
	s8 =	smax.u32 s11, $0x1;
	s11 =	sor.u32 $0x1C01, s31  }
0xc: {  	s9 =	sadd.s32 s4, s5;
	s4 =	sadd.s32 $0x88400, s5;
	s7 =	sadd.s32 s7, s5  }
0xd: {  	s6 =	sadd.s32 $0x11C00, s10;
	s10 =	simm.s32 $0x2800;
	s12 =	sshrl.u32 s12, $0x3  }
0xe: {  	s5 =	sadd.s32 $0x7C00, s9;
	s7 =	sadd.s32 $0x88C00, s7;
	s9 =	simm.s32 $0x1  }
.LBB2_1:
0xf: {  	[tilespmem:s3], [sflag:$0x1] =	stream.linear.gather [hbm4b:s5+s3], $0x2780, $0x38;
	[tilespmem:$0x1A400] =	vst v63  }
0x10: {  	_ =	swait.ge [sflag:s9], $0x2780  }
0x11: {  	[sflag:s9] =	ssyncset.done $0x0  }
0x12: {  	[sflag:s9] =	ssyncadd.s32 $0xFFFFD880  }
0x13: {  	[tilespmem:s10], [sflag:$0x1] =	stream.linear.gather [hbm4b:s4+s3], $0x4000, $0x38;
	[tilespmem:$0x1A400] =	vst v63  }
0x14: {  	_ =	swait.ge [sflag:s9], $0x4000  }
0x15: {  	[sflag:s9] =	ssyncset.done $0x0  }
0x16: {  	[sflag:s9] =	ssyncadd.s32 $0xFFFFC000  }
0x17: {  	[spmem:s12], [sflag:s11] =	dma.local [hbm:s6], $0x2780  }
0x18: {  	_ =	swait.ge [sflag:s9], $0x2780  }
0x19: {  	[sflag:s9] =	ssyncset.done $0x0  }
0x1a: {  	[sflag:s9] =	ssyncadd.s32 $0xFFFFD880  }
0x1b: {  	s15 =	simm.s32 $0x0;
	[bflag:$0x0] =	sbarrier.arrive $0xFFFF  }
0x1c: {  	[spmem:s2] =	stream.indirect.scatter.add.f32 [tilespmem:s10], [sflag:$0x1], $0x80, s15, s13, $0xb8;
	[tilespmem:$0x1A400] =	vst v63  }
0x1d: {  	_ =	swait.ge [sflag:s9], $0x4000  }
0x1e: {  	s15 =	simm.s32 $0x200;
	[sflag:s9] =	ssyncset.done $0x0  }
.LBB2_2:
0x1f: {  	s16 =	sshra.s32 s15, $0x2;
	[sflag:s9] =	ssyncadd.s32 $0xFFFFC000;
	p0 =	sne.s32 s15, $0x9C00  }
0x20: {  	[spmem:s2] =	stream.indirect.scatter.add.f32 [tilespmem:s10], [sflag:$0x1], $0x80, s16, s13, $0xb8;
	[tilespmem:$0x1A400] =	vst v63  }
.Ltmp0:
0x21: {  	_ = 	snop;
	(pc) =	sbr.rel @p0 .LBB2_2-.Ltmp0, $4  }
0x22: {  	_ = 	snop  }
0x23: {  	s15 =	sadd.s32 $0x200, s15  }
0x24: {  	_ =	swait.ge [sflag:s9], $0x4000  }
0x25: {  	[sflag:s9] =	ssyncset.done $0x0  }
0x26: {  	s14 =	sadd.s32 $0x1, s14  }
0x27: {  	[sflag:s9] =	ssyncadd.s32 $0xFFFFC000;
	p0 =	sne.s32 s14, s8  }
.Ltmp1:
0x28: {  	[bflag:$0x0] =	sbarrier.arrive $0xFFFF;
	(pc) =	sbr.rel @p0 .LBB2_1-.Ltmp1, $4  }
0x29: {  	[hbm:s7], [sflag:s11] =	dma.local [spmem:s12], $0x2780  }
0x2a: {  	_ =	swait.ge [sflag:s9], $0x2780  }
0x2b: {  	[sflag:s9] =	ssyncset.done $0x0  }
0x2c: {  	[sflag:s9] =	ssyncadd.s32 $0xFFFFD880  }
0x2d: {  	_ =	sfence.sel $0x180000  }
0x2e: {  	[bflag:$0x0] =	sbarrier.arrive $0xFFFF  }
0x2f: {  	p0 =	sne.s32 s0, $0x0;
	_ =	strace $0x9000004A  }
0x30: {  	s0 =	sadd.s32 @!p0 $0x100000, s1;
	[bflag:$0x2] =	sbarrier.arrive $0xFFFF  }
0x31: {  	[sflag:s0] =	ssyncadd.tile.s32 @!p0 $0x1;
	_ =	shalt  }
.Lfunc_end2:
_tile_overlayer_lowered:
.L_overlay_start_2:
0x32: {  	(tag) =	ssettag $0x2  }
0x33: {  	s0 =	rddreg [dreg:$0x0];
	s2 =	stileid.u32  }
0x34: {  	s1 =	rddreg [dreg:$0x1];
	p0 =	sne.s32 s2, $0x0  }
0x35: {  	s3 =	rddreg [dreg:$0x2];
	[bflag:$0x3] =	sbarrier.arrive $0xFFFF;
	s2 =	simm.s32 @!p0 $0x1C01  }
0x36: {  	[timem:s3], [sflag:s2] =	dma.local @!p0 [hbm:s0], s1  }
0x37: {  	s0 =	simm.s32 @!p0 $0x1  }
0x38: {  	_ =	swait.ge @!p0 [sflag:s0], s1  }
0x39: {  	s1 =	ssub.s32 @!p0 $0x0, s1;
	[sflag:s0] =	ssyncset.done @!p0 $0x0  }
0x3a: {  	[sflag:s0] =	ssyncadd.s32 @!p0 s1  }
0x3b: {  	[bflag:$0x3] =	sbarrier.arrive $0xFFFF  }
0x3c: {  	_ =	shalt  }

// kernel: kernel.24.cloned.1.call-start
scs
__scs_entry_jumppad:
0x0: {  	(pc) =	sbr.rel $0x88, $3  }
0x1: {  	(tag) =	ssettag $0x0;
	lr =	simm.s32 $0x1  }
0x2: {  	[smem:$0x3F99] =	sst lr;
	_ =	strace $0xD0000000  }
0x3: {  	_ = 	snop  }
0x4: {  	_ = 	snop  }
0x5: {  	_ = 	snop  }
0x6: {  	_ = 	snop  }
0x7: {  	_ = 	snop  }
__scs_overlays_trampoline_lowered:
0x8: {  	[smem:$0x3FA8] =	sst s0  }
0x9: {  	[smem:$0x3FA9] =	sst s1  }
0xa: {  	[smem:$0x3FAA] =	sst s2  }
0xb: {  	[smem:$0x3FAB] =	sst s3  }
0xc: {  	[smem:$0x3FAC] =	sst s4  }
0xd: {  	[smem:$0x3FAD] =	sst s5  }
0xe: {  	[smem:$0x3FAE] =	sst s6  }
0xf: {  	[smem:$0x3FAF] =	sst s7  }
0x10: {  	[smem:$0x3FB0] =	sst s8  }
0x11: {  	[smem:$0x3FB1] =	sst s9;
	s0 =	simm.s32 @!p0 $0x0  }
0x12: {  	s1 =	sld [smem:$0x3F97];
	s0 =	simm.s32 @p0 $0x1  }
0x13: {  	[smem:$0x3FB2] =	sst s0;
	s0 =	simm.s32 @!p1 $0x0  }
0x14: {  	s2 =	sld [smem:$0x3F96];
	s0 =	simm.s32 @p1 $0x1  }
0x15: {  	[smem:$0x3FB3] =	sst s0;
	s0 =	simm.s32 @!p2 $0x0  }
0x16: {  	s3 =	sld [smem:$0x3FDB];
	s0 =	simm.s32 @p2 $0x1  }
0x17: {  	s4 =	simm.s32 $0x1BF5;
	[smem:$0x3FB5] =	sst s0  }
0x18: {  	s0 =	sld [smem:$0x3F98];
	_ =	swait.ge [sflag:s4], $0x0  }
0x19: {  	s7 =	sld [smem:$0x3F99]  }
0x1a: {  	s8 =	sadd.s32 $0xFFFFE003, lr  }
0x1b: {  	s9 =	sadd.s32 $0xFFFFFEF7, lr;
	s5 =	simm.s32 $0xFFFFFFFF;
	p2 =	slt.u32 s8, $0xFFFFF086  }
0x1c: {  	p1 =	slt.u32 s9, $0xF7A;
	s5 =	simm.s32 @!p2 $0x0  }
0x1d: {  	s5 =	simm.s32 @p1 $0x1;
	p0 =	seq.s32 s7, s2  }
0x1e: {  	s7 =	smul.u32 @!p0 $0xF7A, s2;
	p2 =	seq.s32 @!p0 s5, $0x0  }
0x1f: {  	s9 =	smul.u32 $0xF7A, s1;
	s8 =	simm.s32 @!p0 $0x1BF5;
	p2 =	por !p2, p0  }
0x20: {  	[sflag:s8] =	ssyncset.s32 @!p0 $0xFFFFF086;
	s6 =	sadd.s32 @!p0 s3, s7;
	s7 =	simm.s32 @!p0 $0x108  }
0x21: {  	s3 =	sadd.s32 s3, s9;
	s6 =	sadd.s32 @!p0 $0x88, s6;
	s7 =	simm.s32 @p2 $0x1082  }
0x22: {  	[simem:s7], [sflag:s8] =	dma.local @!p0 [hbm:s6], $0xF7A  }
0x23: {  	s9 =	sor.u32 $0xD0000000, s2;
	s6 =	simm.s32 $0x108;
	_ =	swait.ge @!p0 [sflag:s8], $0x0  }
0x24: {  	s3 =	sadd.s32 $0x88, s3;
	s6 =	simm.s32 @!p1 $0x1082;
	[sflag:s4] =	ssyncset.s32 $0xFFFFF086  }
0x25: {  	[simem:s6], [sflag:s4] =	dma.local [hbm:s3], $0xF7A  }
0x26: {  	[smem:$0x3F99] =	sst s1;
	(tag) =	ssettag s2;
	_ =	strace s9  }
0x27: {  	s1 =	sld [smem:$0x3FA9]  }
0x28: {  	s2 =	sld [smem:$0x3FAA]  }
0x29: {  	s4 =	sld [smem:$0x3FAC]  }
0x2a: {  	p0 =	seq.s32 s5, $0x0;
	s5 =	sld [smem:$0x3FAD]  }
0x2b: {  	s6 =	sld [smem:$0x3FAE]  }
0x2c: {  	s7 =	sld [smem:$0x3FAF]  }
0x2d: {  	s3 =	simm.s32 $0x108;
	s8 =	sld [smem:$0x3FB0]  }
0x2e: {  	s3 =	simm.s32 @!p0 $0x1082;
	s9 =	sld [smem:$0x3FB1]  }
0x2f: {  	lr =	sadd.s32 s0, s3;
	s0 =	sld [smem:$0x3FA8]  }
0x30: {  	s3 =	sld [smem:$0x3FAB]  }
0x31: {  	[smem:$0x3FB4] =	sst s10  }
0x32: {  	s10 =	sld [smem:$0x3FB2];
	_ =	sdelay $0x3  }
0x33: {  	p0 =	seq.s32 s10, $0x1;
	s10 =	sld [smem:$0x3FB4];
	_ =	sdelay $0x3  }
0x34: {  	[smem:$0x3FB4] =	sst s10  }
0x35: {  	s10 =	sld [smem:$0x3FB3];
	_ =	sdelay $0x3  }
0x36: {  	p1 =	seq.s32 s10, $0x1;
	s10 =	sld [smem:$0x3FB4];
	_ =	sdelay $0x3  }
0x37: {  	[smem:$0x3FB4] =	sst s10  }
0x38: {  	s10 =	sld [smem:$0x3FB5]  }
0x39: {  	_ = 	snop;
	(pc) =	sbr.ind lr, $3  }
0x3a: {  	_ = 	snop  }
0x3b: {  	_ = 	snop  }
0x3c: {  	p2 =	seq.s32 s10, $0x1;
	s10 =	sld [smem:$0x3FB4]  }
0x3d: {  	_ =	shalt  }
0x3e: {  	_ =	shalt  }
0x3f: {  	_ =	shalt  }
0x40: {  	_ =	shalt  }
0x41: {  	_ =	shalt  }
0x42: {  	_ =	shalt  }
0x43: {  	_ =	shalt  }
0x44: {  	_ =	shalt  }
0x45: {  	_ =	shalt  }
0x46: {  	_ =	shalt  }
0x47: {  	_ =	shalt  }
0x48: {  	_ =	shalt  }
0x49: {  	_ =	shalt  }
0x4a: {  	_ =	shalt  }
0x4b: {  	_ =	shalt  }
0x4c: {  	_ =	shalt  }
0x4d: {  	_ =	shalt  }
0x4e: {  	_ =	shalt  }
0x4f: {  	_ =	shalt  }
0x50: {  	_ =	shalt  }
0x51: {  	_ =	shalt  }
0x52: {  	_ =	shalt  }
0x53: {  	_ =	shalt  }
0x54: {  	_ =	shalt  }
0x55: {  	_ =	shalt  }
0x56: {  	_ =	shalt  }
0x57: {  	_ =	shalt  }
0x58: {  	_ =	shalt  }
0x59: {  	_ =	shalt  }
0x5a: {  	_ =	shalt  }
0x5b: {  	_ =	shalt  }
0x5c: {  	_ =	shalt  }
0x5d: {  	_ =	shalt  }
0x5e: {  	_ =	shalt  }
0x5f: {  	_ =	shalt  }
0x60: {  	_ =	shalt  }
0x61: {  	_ =	shalt  }
0x62: {  	_ =	shalt  }
0x63: {  	_ =	shalt  }
0x64: {  	_ =	shalt  }
0x65: {  	_ =	shalt  }
0x66: {  	_ =	shalt  }
0x67: {  	_ =	shalt  }
0x68: {  	_ =	shalt  }
0x69: {  	_ =	shalt  }
0x6a: {  	_ =	shalt  }
0x6b: {  	_ =	shalt  }
0x6c: {  	_ =	shalt  }
0x6d: {  	_ =	shalt  }
0x6e: {  	_ =	shalt  }
0x6f: {  	_ =	shalt  }
0x70: {  	_ =	shalt  }
0x71: {  	_ =	shalt  }
0x72: {  	_ =	shalt  }
0x73: {  	_ =	shalt  }
0x74: {  	_ =	shalt  }
0x75: {  	_ =	shalt  }
0x76: {  	_ =	shalt  }
0x77: {  	_ =	shalt  }
0x78: {  	_ =	shalt  }
0x79: {  	_ =	shalt  }
0x7a: {  	_ =	shalt  }
0x7b: {  	_ =	shalt  }
0x7c: {  	_ =	shalt  }
0x7d: {  	_ =	shalt  }
0x7e: {  	_ =	shalt  }
0x7f: {  	_ =	shalt  }
0x80: {  	_ =	shalt  }
0x81: {  	_ =	shalt  }
0x82: {  	_ =	shalt  }
0x83: {  	_ =	shalt  }
0x84: {  	_ =	shalt  }
0x85: {  	_ =	shalt  }
0x86: {  	_ =	shalt  }
0x87: {  	_ =	shalt  }
.Lfunc_end0:
.L_simem_size_0:
called_computation.1_lowered:
.L_overlay_start_0:
0x88: {  	s2 =	sld [smem:$0x3FD9]  }
0x89: {  	s3 =	sld [smem:$0x3FFE];
	_ =	sdelay $0x1  }
0x8a: {  	s1 =	srdreg.scid  }
0x8b: {  	s0 =	sand.u32 $0x1, s1  }
0x8c: {  	s17 =	sshll.u32 s0, $0xA;
	s2 =	sadd.s32 s3, s2  }
0x8d: {  	s2 =	sadd.s32 s2, s17  }
0x8e: {  	[smem:$0x3FC0] =	sst s2  }
0x8f: {  	_ = 	snop  }
0x90: {  	s2 =	sld [smem:$0x3FC9]  }
0x91: {  	s18 =	sld [smem:$0x3FD0];
	(tm) =	ssettm $0x1  }
0x92: {  	s4 =	sld [smem:$0x3FFB];
	_ =	sdelay $0x3  }
0x93: {  	_ =	strace s4  }
0x94: {  	s4 =	sld [smem:$0x3FFC];
	_ =	sdelay $0x3  }
0x95: {  	_ =	strace s4  }
0x96: {  	s4 =	sld [smem:$0x3FFD];
	_ =	sdelay $0x3  }
0x97: {  	_ =	strace s4  }
0x98: {  	_ =	strace $0x8FFFFFFF  }
0x99: {  	s19 =	sld [smem:$0x3FDB];
	_ =	sdelay $0x1  }
0x9a: {  	s5 =	simm.s32 $_scs_section_size  }
0x9b: {  	s6 =	simm.s32 $_size__tile_overlayer_lowered;
	s7 =	simm.s32 $_tile_overlayer_lowered  }
0x9c: {  	s22 =	simm.s32 $0x1BFF;
	s21 =	sshll.u32 s7, $0x1;
	s4 =	sadd.s32 s5, s19  }
0x9d: {  	s8 =	simm.s32 $0x0;
	s20 =	sshll.u32 s6, $0x1;
	s6 =	sadd.s32 s21, s4  }
0x9e: {  	[timem:s8], [sflag:s22] =	dma.local [hbm:s6], s20  }
0x9f: {  	_ =	swait.ge [sflag:s22], s20  }
0xa0: {  	s5 =	ssub.s32 $0x0, s20;
	[sflag:s22] =	ssyncset.done $0x0  }
0xa1: {  	[sflag:s22] =	ssyncadd.s32 s5;
	_ =	sdelay $0x1  }
0xa2: {  	s23 =	simm.s32 $0x1B8B  }
0xa3: {  	_ =	swait.ge [sflag:s23], $0x1  }
0xa4: {  	[sflag:s23] =	ssyncset.done $0x0  }
0xa5: {  	s25 =	simm.s32 $0x1B8E;
	s24 =	sld [smem:$0x3FFE];
	[sflag:s23] =	ssyncadd.s32 $0xFFFFFFFF  }
0xa6: {  	s26 =	simm.s32 $execute0_lowered;
	[smem:$0x3FD2] =	sst s25  }
0xa7: {  	s6 =	sshll.u32 s26, $0x1;
	_ =	strace $0x80000046;
	[dreg:$0x1] =	wrdreg $0xFFFFFFFF  }
0xa8: {  	s28 =	simm.s32 $_size_execute0_lowered;
	s4 =	sadd.s32 s4, s6;
	[dreg:$0x0] =	wrdreg $0x0  }
0xa9: {  	s6 =	sshll.u32 s28, $0x1;
	[dreg:$0x2] =	wrdreg s4  }
0xaa: {  	[dreg:$0x3] =	wrdreg s6  }
0xab: {  	[dreg:$0x4] =	wrdreg $0xC0  }
0xac: {  	_ =	task [dreg:s8], $0x5FFFF  }
0xad: {  	[dreg:$0x1] =	wrdreg $0xFFFFFFFF  }
0xae: {  	[dreg:$0x0] =	wrdreg $0x60  }
0xaf: {  	[dreg:$0x2] =	wrdreg s2  }
0xb0: {  	[dreg:$0x3] =	wrdreg s18  }
0xb1: {  	[dreg:$0x4] =	wrdreg s24  }
0xb2: {  	[dreg:$0x5] =	wrdreg $0x90000  }
0xb3: {  	[dreg:$0x6] =	wrdreg $0xA  }
0xb4: {  	_ =	task.clear_ibuf [dreg:s8], $0x7FFFF;
	_ =	strace $0x90000046  }
0xb5: {  	s29 =	simm.s32 $0xA;
	_ =	strace $0x80000048  }
0xb6: {  	_ =	swait.ge [sflag:s29], $0x1  }
0xb7: {  	[sflag:s29] =	ssyncadd.s32 $0xFFFFFFFF  }
0xb8: {  	_ =	strace $0x90000048  }
0xb9: {  	_ =	sfence  }
0xba: {  	s30 =	sld [smem:$0x0];
	_ =	sdelay $0x2  }
0xbb: {  	s31 =	sshll.u32 s1, $0xD;
	s1 =	sshrl.u32 s1, $0x2  }
0xbc: {  	s3 =	sand.u32 $0x4000, s31;
	s1 =	sadd.s32 s1, s30  }
0xbd: {  	s0 =	sor.u32 s3, s0;
	s1 =	sshll.u32 s1, $0x11  }
0xbe: {  	s0 =	sor.u32 s1, s0  }
0xbf: {  	s0 =	sadd.s32 $0x8F2B, s0  }
0xc0: {  	[sflag:s0] =	ssyncadd.remote.s32 $0x1  }
0xc1: {  	_ =	sfence.sel $0xFFFF  }
0xc2: {  	[dreg:$0x0] =	wrdreg $0xFFFFFFFF;
	(pc) =	sbr.abs _section_cstart, $3  }
0xc3: {  	[dreg:$0x1] =	wrdreg $0xFFFFFFFF  }
0xc4: {  	_ =	task.clear_ibuf [dreg:s8], $0x2FFFF;
	_ =	strace $0x9FFFFFFF  }
0xc5: {  	(tm) =	ssettm $0x7FFFFFFF  }
tec
execute0_lowered:
.L_overlay_start_1:
0x0: {  	(tag) =	ssettag $0x1  }
0x1: {  	s0 =	rddreg [dreg:$0x0]  }
0x2: {  	s5 =	rddreg [dreg:$0x1]  }
0x3: {  	s6 =	rddreg [dreg:$0x2]  }
0x4: {  	s1 =	srdreg.scid;
	s3 =	rddreg [dreg:$0x3]  }
0x5: {  	s2 =	rddreg [dreg:$0x4];
	s7 =	sand.u32 $0x1, s1  }
0x6: {  	s4 =	simm.s32 $0x0;
	s1 =	stileid.u32;
	s8 =	smul.u32 $0x28000, s7  }
0x7: {  	s15 =	simm.s32 $0x5000;
	s16 =	simm.s32 $0x1;
	s9 =	smul.u32 $0x2800, s1  }
0x8: {  	s17 =	simm.s32 $0x0;
	[smem:$0x7FF] =	sst s4;
	s28 =	smul.u32 $0x13C00, s1  }
0x9: {  	s10 =	smul.u32 $0x13C000, s7;
	_ =	strace $0x80000047;
	s7 =	ssub.s32 $0x2, s7  }
0xa: {  	s29 =	smul.u32 $0x4F000, s1;
	s31 =	sshll.u32 s1, $0x6;
	s13 =	sshrl.u32 s7, $0x1  }
0xb: {  	s8 =	sadd.s32 s9, s8;
	s12 =	sshrl.u32 s28, $0x3;
	s9 =	sadd.s32 s28, s10  }
0xc: {  	s13 =	ssub.s32 s7, s13;
	s30 =	sshrl.u32 s29, $0x2;
	s10 =	simm.s32 $0x2  }
0xd: {  	s8 =	sshrl.u32 s8, $0x3;
	s12 =	sadd.s32 s12, s6;
	s9 =	sshrl.u32 s9, $0x3  }
0xe: {  	s14 =	sadd.s32 s30, s3;
	s11 =	sadd.s32 s8, s6;
	s9 =	sadd.s32 s9, s6  }
0xf: {  	s5 =	sadd.s32 s5, s8;
	s7 =	sadd.s32 $0x11C00, s12;
	s12 =	sor.u32 $0x1C02, s31  }
0x10: {  	s6 =	sadd.s32 $0x7C00, s11;
	s8 =	sadd.s32 $0x39400, s9;
	s9 =	smax.u32 s13, $0x1  }
0x11: {  	s11 =	simm.s32 $0x2800;
	s13 =	sshrl.u32 s14, $0x3;
	s14 =	simm.s32 $0x80  }
.LBB2_1:
0x12: {  	[tilespmem:s4], [sflag:$0x2] =	stream.linear.gather [hbm4b:s5+s4], $0x2780, $0x38;
	[tilespmem:$0x1CC00] =	vst v63  }
0x13: {  	_ =	swait.ge [sflag:s10], $0x2780  }
0x14: {  	[sflag:s10] =	ssyncset.done $0x0  }
0x15: {  	[sflag:s10] =	ssyncadd.s32 $0xFFFFD880  }
0x16: {  	[tilespmem:s11], [sflag:$0x2] =	stream.linear.gather [hbm4b:s6+s4], $0x2780, $0x38;
	[tilespmem:$0x1CC00] =	vst v63  }
0x17: {  	_ =	swait.ge [sflag:s10], $0x2780  }
0x18: {  	[sflag:s10] =	ssyncset.done $0x0  }
0x19: {  	[sflag:s10] =	ssyncadd.s32 $0xFFFFD880  }
0x1a: {  	[spmem:s13], [sflag:s12] =	dma.local [hbm:s7], $0x2780  }
0x1b: {  	_ =	swait.ge [sflag:s10], $0x2780  }
0x1c: {  	[sflag:s10] =	ssyncset.done $0x0  }
0x1d: {  	[sflag:s10] =	ssyncadd.s32 $0xFFFFD880  }
0x1e: {  	s18 =	simm.s32 $0x0;
	[bflag:$0x0] =	sbarrier.arrive $0xFFFF  }
0x1f: {  	[tilespmem:s15], [sflag:$0x1] =	stream.indirect.gather [hbm4b:s0+s14], $0x80, s18, s14, $0xb8;
	[tilespmem:$0x1CC00] =	vst v63  }
0x20: {  	_ =	swait.ge [sflag:s16], $0x4000  }
0x21: {  	[sflag:s16] =	ssyncset.done $0x0  }
0x22: {  	s31 =	simm.s32 $0x2800;
	[sflag:s16] =	ssyncadd.s32 $0xFFFFC000  }
0x23: {  	[spmem:s3] =	stream.indirect.scatter.add.f32 [tilespmem:s15], [sflag:$0x2], $0x80, s31, s14, $0xb8;
	[tilespmem:$0x1CC00] =	vst v63  }
0x24: {  	_ =	swait.ge [sflag:s10], $0x4000  }
0x25: {  	s19 =	simm.s32 $0x400;
	s18 =	simm.s32 $0x200;
	[sflag:s10] =	ssyncset.done $0x0  }
.LBB2_2:
0x26: {  	s20 =	sshra.s32 s18, $0x2  }
0x27: {  	[sflag:s10] =	ssyncadd.s32 $0xFFFFC000;
	s18 =	smov.u32 s19;
	s21 =	sadd.s32 $0x200, s19  }
0x28: {  	[tilespmem:s15], [sflag:$0x1] =	stream.indirect.gather [hbm4b:s0+s14], $0x80, s20, s14, $0xb8;
	[tilespmem:$0x1CC00] =	vst v63  }
0x29: {  	p0 =	sne.s32 s19, $0x9C00;
	_ =	swait.ge [sflag:s16], $0x4000  }
.Ltmp0:
0x2a: {  	[sflag:s16] =	ssyncset.done $0x0;
	(pc) =	sbr.rel @p0 .LBB2_2-.Ltmp0, $4  }
0x2b: {  	s19 =	sadd.s32 $0x2800, s20;
	[sflag:s16] =	ssyncadd.s32 $0xFFFFC000  }
0x2c: {  	[spmem:s3] =	stream.indirect.scatter.add.f32 [tilespmem:s15], [sflag:$0x2], $0x80, s19, s14, $0xb8;
	[tilespmem:$0x1CC00] =	vst v63  }
0x2d: {  	_ =	swait.ge [sflag:s10], $0x4000  }
0x2e: {  	s19 =	smov.u32 s21;
	[sflag:s10] =	ssyncset.done $0x0  }
0x2f: {  	s18 =	sshra.s32 s18, $0x2;
	[sflag:s10] =	ssyncadd.s32 $0xFFFFC000  }
0x30: {  	[tilespmem:s15], [sflag:$0x1] =	stream.indirect.gather [hbm4b:s0+s14], $0x80, s18, s14, $0xb8;
	[tilespmem:$0x1CC00] =	vst v63  }
0x31: {  	_ =	swait.ge [sflag:s16], $0x4000  }
0x32: {  	[sflag:s16] =	ssyncset.done $0x0  }
0x33: {  	s18 =	sadd.s32 $0x2800, s18;
	[sflag:s16] =	ssyncadd.s32 $0xFFFFC000  }
0x34: {  	[spmem:s3] =	stream.indirect.scatter.add.f32 [tilespmem:s15], [sflag:$0x2], $0x80, s18, s14, $0xb8;
	[tilespmem:$0x1CC00] =	vst v63  }
0x35: {  	_ =	swait.ge [sflag:s10], $0x4000  }
0x36: {  	s17 =	sadd.s32 $0x1, s17;
	[sflag:s10] =	ssyncset.done $0x0  }
0x37: {  	p0 =	sne.s32 s17, s9;
	[sflag:s10] =	ssyncadd.s32 $0xFFFFC000  }
.Ltmp1:
0x38: {  	[bflag:$0x0] =	sbarrier.arrive $0xFFFF;
	(pc) =	sbr.rel @p0 .LBB2_1-.Ltmp1, $4  }
0x39: {  	[hbm:s8], [sflag:s12] =	dma.local [spmem:s13], $0x2780  }
0x3a: {  	_ =	swait.ge [sflag:s10], $0x2780  }
0x3b: {  	[sflag:s10] =	ssyncset.done $0x0  }
0x3c: {  	[sflag:s10] =	ssyncadd.s32 $0xFFFFD880  }
0x3d: {  	_ =	sfence.sel $0x180000  }
0x3e: {  	[bflag:$0x0] =	sbarrier.arrive $0xFFFF  }
0x3f: {  	p0 =	sne.s32 s1, $0x0;
	_ =	strace $0x90000047  }
0x40: {  	s0 =	sadd.s32 @!p0 $0x100000, s2;
	[bflag:$0x2] =	sbarrier.arrive $0xFFFF  }
0x41: {  	[sflag:s0] =	ssyncadd.tile.s32 @!p0 $0x1;
	_ =	shalt  }
.Lfunc_end2:
_tile_overlayer_lowered:
.L_overlay_start_2:
0x42: {  	(tag) =	ssettag $0x2  }
0x43: {  	s0 =	rddreg [dreg:$0x0];
	s2 =	stileid.u32  }
0x44: {  	s1 =	rddreg [dreg:$0x1];
	p0 =	sne.s32 s2, $0x0  }
0x45: {  	s3 =	rddreg [dreg:$0x2];
	[bflag:$0x3] =	sbarrier.arrive $0xFFFF;
	s2 =	simm.s32 @!p0 $0x1C02  }
0x46: {  	[timem:s3], [sflag:s2] =	dma.local @!p0 [hbm:s0], s1  }
0x47: {  	s0 =	simm.s32 @!p0 $0x2  }
0x48: {  	_ =	swait.ge @!p0 [sflag:s0], s1  }
0x49: {  	s1 =	ssub.s32 @!p0 $0x0, s1;
	[sflag:s0] =	ssyncset.done @!p0 $0x0  }
0x4a: {  	[sflag:s0] =	ssyncadd.s32 @!p0 s1  }
0x4b: {  	[bflag:$0x3] =	sbarrier.arrive $0xFFFF  }
0x4c: {  	_ =	shalt  }

// kernel: kernel.27.cloned.1.call-start
scs
__scs_entry_jumppad:
0x0: {  	(pc) =	sbr.rel $0x88, $3  }
0x1: {  	(tag) =	ssettag $0x0;
	lr =	simm.s32 $0x1  }
0x2: {  	[smem:$0x3F99] =	sst lr;
	_ =	strace $0xD0000000  }
0x3: {  	_ = 	snop  }
0x4: {  	_ = 	snop  }
0x5: {  	_ = 	snop  }
0x6: {  	_ = 	snop  }
0x7: {  	_ = 	snop  }
__scs_overlays_trampoline_lowered:
0x8: {  	[smem:$0x3FA8] =	sst s0  }
0x9: {  	[smem:$0x3FA9] =	sst s1  }
0xa: {  	[smem:$0x3FAA] =	sst s2  }
0xb: {  	[smem:$0x3FAB] =	sst s3  }
0xc: {  	[smem:$0x3FAC] =	sst s4  }
0xd: {  	[smem:$0x3FAD] =	sst s5  }
0xe: {  	[smem:$0x3FAE] =	sst s6  }
0xf: {  	[smem:$0x3FAF] =	sst s7  }
0x10: {  	[smem:$0x3FB0] =	sst s8  }
0x11: {  	[smem:$0x3FB1] =	sst s9;
	s0 =	simm.s32 @!p0 $0x0  }
0x12: {  	s1 =	sld [smem:$0x3F97];
	s0 =	simm.s32 @p0 $0x1  }
0x13: {  	[smem:$0x3FB2] =	sst s0;
	s0 =	simm.s32 @!p1 $0x0  }
0x14: {  	s2 =	sld [smem:$0x3F96];
	s0 =	simm.s32 @p1 $0x1  }
0x15: {  	[smem:$0x3FB3] =	sst s0;
	s0 =	simm.s32 @!p2 $0x0  }
0x16: {  	s3 =	sld [smem:$0x3FDB];
	s0 =	simm.s32 @p2 $0x1  }
0x17: {  	s4 =	simm.s32 $0x1BF5;
	[smem:$0x3FB5] =	sst s0  }
0x18: {  	s0 =	sld [smem:$0x3F98];
	_ =	swait.ge [sflag:s4], $0x0  }
0x19: {  	s7 =	sld [smem:$0x3F99]  }
0x1a: {  	s8 =	sadd.s32 $0xFFFFE003, lr  }
0x1b: {  	s9 =	sadd.s32 $0xFFFFFEF7, lr;
	s5 =	simm.s32 $0xFFFFFFFF;
	p2 =	slt.u32 s8, $0xFFFFF086  }
0x1c: {  	p1 =	slt.u32 s9, $0xF7A;
	s5 =	simm.s32 @!p2 $0x0  }
0x1d: {  	s5 =	simm.s32 @p1 $0x1;
	p0 =	seq.s32 s7, s2  }
0x1e: {  	s7 =	smul.u32 @!p0 $0xF7A, s2;
	p2 =	seq.s32 @!p0 s5, $0x0  }
0x1f: {  	s9 =	smul.u32 $0xF7A, s1;
	s8 =	simm.s32 @!p0 $0x1BF5;
	p2 =	por !p2, p0  }
0x20: {  	[sflag:s8] =	ssyncset.s32 @!p0 $0xFFFFF086;
	s6 =	sadd.s32 @!p0 s3, s7;
	s7 =	simm.s32 @!p0 $0x108  }
0x21: {  	s3 =	sadd.s32 s3, s9;
	s6 =	sadd.s32 @!p0 $0x88, s6;
	s7 =	simm.s32 @p2 $0x1082  }
0x22: {  	[simem:s7], [sflag:s8] =	dma.local @!p0 [hbm:s6], $0xF7A  }
0x23: {  	s9 =	sor.u32 $0xD0000000, s2;
	s6 =	simm.s32 $0x108;
	_ =	swait.ge @!p0 [sflag:s8], $0x0  }
0x24: {  	s3 =	sadd.s32 $0x88, s3;
	s6 =	simm.s32 @!p1 $0x1082;
	[sflag:s4] =	ssyncset.s32 $0xFFFFF086  }
0x25: {  	[simem:s6], [sflag:s4] =	dma.local [hbm:s3], $0xF7A  }
0x26: {  	[smem:$0x3F99] =	sst s1;
	(tag) =	ssettag s2;
	_ =	strace s9  }
0x27: {  	s1 =	sld [smem:$0x3FA9]  }
0x28: {  	s2 =	sld [smem:$0x3FAA]  }
0x29: {  	s4 =	sld [smem:$0x3FAC]  }
0x2a: {  	p0 =	seq.s32 s5, $0x0;
	s5 =	sld [smem:$0x3FAD]  }
0x2b: {  	s6 =	sld [smem:$0x3FAE]  }
0x2c: {  	s7 =	sld [smem:$0x3FAF]  }
0x2d: {  	s3 =	simm.s32 $0x108;
	s8 =	sld [smem:$0x3FB0]  }
0x2e: {  	s3 =	simm.s32 @!p0 $0x1082;
	s9 =	sld [smem:$0x3FB1]  }
0x2f: {  	lr =	sadd.s32 s0, s3;
	s0 =	sld [smem:$0x3FA8]  }
0x30: {  	s3 =	sld [smem:$0x3FAB]  }
0x31: {  	[smem:$0x3FB4] =	sst s10  }
0x32: {  	s10 =	sld [smem:$0x3FB2];
	_ =	sdelay $0x3  }
0x33: {  	p0 =	seq.s32 s10, $0x1;
	s10 =	sld [smem:$0x3FB4];
	_ =	sdelay $0x3  }
0x34: {  	[smem:$0x3FB4] =	sst s10  }
0x35: {  	s10 =	sld [smem:$0x3FB3];
	_ =	sdelay $0x3  }
0x36: {  	p1 =	seq.s32 s10, $0x1;
	s10 =	sld [smem:$0x3FB4];
	_ =	sdelay $0x3  }
0x37: {  	[smem:$0x3FB4] =	sst s10  }
0x38: {  	s10 =	sld [smem:$0x3FB5]  }
0x39: {  	_ = 	snop;
	(pc) =	sbr.ind lr, $3  }
0x3a: {  	_ = 	snop  }
0x3b: {  	_ = 	snop  }
0x3c: {  	p2 =	seq.s32 s10, $0x1;
	s10 =	sld [smem:$0x3FB4]  }
0x3d: {  	_ =	shalt  }
0x3e: {  	_ =	shalt  }
0x3f: {  	_ =	shalt  }
0x40: {  	_ =	shalt  }
0x41: {  	_ =	shalt  }
0x42: {  	_ =	shalt  }
0x43: {  	_ =	shalt  }
0x44: {  	_ =	shalt  }
0x45: {  	_ =	shalt  }
0x46: {  	_ =	shalt  }
0x47: {  	_ =	shalt  }
0x48: {  	_ =	shalt  }
0x49: {  	_ =	shalt  }
0x4a: {  	_ =	shalt  }
0x4b: {  	_ =	shalt  }
0x4c: {  	_ =	shalt  }
0x4d: {  	_ =	shalt  }
0x4e: {  	_ =	shalt  }
0x4f: {  	_ =	shalt  }
0x50: {  	_ =	shalt  }
0x51: {  	_ =	shalt  }
0x52: {  	_ =	shalt  }
0x53: {  	_ =	shalt  }
0x54: {  	_ =	shalt  }
0x55: {  	_ =	shalt  }
0x56: {  	_ =	shalt  }
0x57: {  	_ =	shalt  }
0x58: {  	_ =	shalt  }
0x59: {  	_ =	shalt  }
0x5a: {  	_ =	shalt  }
0x5b: {  	_ =	shalt  }
0x5c: {  	_ =	shalt  }
0x5d: {  	_ =	shalt  }
0x5e: {  	_ =	shalt  }
0x5f: {  	_ =	shalt  }
0x60: {  	_ =	shalt  }
0x61: {  	_ =	shalt  }
0x62: {  	_ =	shalt  }
0x63: {  	_ =	shalt  }
0x64: {  	_ =	shalt  }
0x65: {  	_ =	shalt  }
0x66: {  	_ =	shalt  }
0x67: {  	_ =	shalt  }
0x68: {  	_ =	shalt  }
0x69: {  	_ =	shalt  }
0x6a: {  	_ =	shalt  }
0x6b: {  	_ =	shalt  }
0x6c: {  	_ =	shalt  }
0x6d: {  	_ =	shalt  }
0x6e: {  	_ =	shalt  }
0x6f: {  	_ =	shalt  }
0x70: {  	_ =	shalt  }
0x71: {  	_ =	shalt  }
0x72: {  	_ =	shalt  }
0x73: {  	_ =	shalt  }
0x74: {  	_ =	shalt  }
0x75: {  	_ =	shalt  }
0x76: {  	_ =	shalt  }
0x77: {  	_ =	shalt  }
0x78: {  	_ =	shalt  }
0x79: {  	_ =	shalt  }
0x7a: {  	_ =	shalt  }
0x7b: {  	_ =	shalt  }
0x7c: {  	_ =	shalt  }
0x7d: {  	_ =	shalt  }
0x7e: {  	_ =	shalt  }
0x7f: {  	_ =	shalt  }
0x80: {  	_ =	shalt  }
0x81: {  	_ =	shalt  }
0x82: {  	_ =	shalt  }
0x83: {  	_ =	shalt  }
0x84: {  	_ =	shalt  }
0x85: {  	_ =	shalt  }
0x86: {  	_ =	shalt  }
0x87: {  	_ =	shalt  }
.Lfunc_end0:
.L_simem_size_0:
called_computation.2_lowered:
.L_overlay_start_0:
0x88: {  	s2 =	sld [smem:$0x3FD9]  }
0x89: {  	s3 =	sld [smem:$0x3FFE];
	_ =	sdelay $0x1  }
0x8a: {  	s1 =	srdreg.scid  }
0x8b: {  	s0 =	sand.u32 $0x1, s1  }
0x8c: {  	s17 =	sshll.u32 s0, $0xA;
	s2 =	sadd.s32 s3, s2  }
0x8d: {  	s2 =	sadd.s32 s2, s17  }
0x8e: {  	[smem:$0x3FC0] =	sst s2  }
0x8f: {  	_ = 	snop  }
0x90: {  	s2 =	sld [smem:$0x3FD0];
	(tm) =	ssettm $0x1  }
0x91: {  	s18 =	sld [smem:$0x3FFB];
	_ =	sdelay $0x3  }
0x92: {  	_ =	strace s18  }
0x93: {  	s3 =	sld [smem:$0x3FFC];
	_ =	sdelay $0x3  }
0x94: {  	_ =	strace s3  }
0x95: {  	s3 =	sld [smem:$0x3FFD];
	_ =	sdelay $0x3  }
0x96: {  	_ =	strace s3  }
0x97: {  	_ =	strace $0x8FFFFFFF  }
0x98: {  	s19 =	sld [smem:$0x3FDB];
	_ =	sdelay $0x1  }
0x99: {  	s4 =	simm.s32 $_scs_section_size  }
0x9a: {  	s5 =	simm.s32 $_size__tile_overlayer_lowered;
	s6 =	simm.s32 $_tile_overlayer_lowered  }
0x9b: {  	s22 =	simm.s32 $0x1BFF;
	s21 =	sshll.u32 s6, $0x1;
	s3 =	sadd.s32 s4, s19  }
0x9c: {  	s7 =	simm.s32 $0x0;
	s20 =	sshll.u32 s5, $0x1;
	s5 =	sadd.s32 s21, s3  }
0x9d: {  	[timem:s7], [sflag:s22] =	dma.local [hbm:s5], s20  }
0x9e: {  	_ =	swait.ge [sflag:s22], s20  }
0x9f: {  	s4 =	ssub.s32 $0x0, s20;
	[sflag:s22] =	ssyncset.done $0x0  }
0xa0: {  	[sflag:s22] =	ssyncadd.s32 s4;
	_ =	sdelay $0x1  }
0xa1: {  	s23 =	simm.s32 $0x1B8B  }
0xa2: {  	_ =	swait.ge [sflag:s23], $0x1  }
0xa3: {  	[sflag:s23] =	ssyncset.done $0x0  }
0xa4: {  	s25 =	simm.s32 $0x1B8E;
	s24 =	sld [smem:$0x3FFE];
	[sflag:s23] =	ssyncadd.s32 $0xFFFFFFFF  }
0xa5: {  	s26 =	simm.s32 $execute0_lowered;
	[smem:$0x3FD2] =	sst s25  }
0xa6: {  	s5 =	sshll.u32 s26, $0x1;
	_ =	strace $0x8000004C;
	[dreg:$0x1] =	wrdreg $0xFFFFFFFF  }
0xa7: {  	s28 =	simm.s32 $_size_execute0_lowered;
	s3 =	sadd.s32 s3, s5;
	[dreg:$0x0] =	wrdreg $0x0  }
0xa8: {  	s5 =	sshll.u32 s28, $0x1;
	[dreg:$0x2] =	wrdreg s3  }
0xa9: {  	[dreg:$0x3] =	wrdreg s5  }
0xaa: {  	[dreg:$0x4] =	wrdreg $0xC0  }
0xab: {  	_ =	task [dreg:s7], $0x5FFFF  }
0xac: {  	[dreg:$0x1] =	wrdreg $0xFFFFFFFF  }
0xad: {  	[dreg:$0x0] =	wrdreg $0x60  }
0xae: {  	[dreg:$0x2] =	wrdreg s24  }
0xaf: {  	[dreg:$0x3] =	wrdreg s2  }
0xb0: {  	[dreg:$0x4] =	wrdreg $0x90000  }
0xb1: {  	[dreg:$0x5] =	wrdreg $0x9  }
0xb2: {  	_ =	task.clear_ibuf [dreg:s7], $0x6FFFF;
	_ =	strace $0x9000004C  }
0xb3: {  	s29 =	simm.s32 $0x9;
	_ =	strace $0x8000004E  }
0xb4: {  	_ =	swait.ge [sflag:s29], $0x1  }
0xb5: {  	[sflag:s29] =	ssyncadd.s32 $0xFFFFFFFF  }
0xb6: {  	_ =	strace $0x9000004E  }
0xb7: {  	_ =	sfence  }
0xb8: {  	s30 =	sld [smem:$0x0];
	_ =	sdelay $0x2  }
0xb9: {  	s31 =	sshll.u32 s1, $0xD;
	s1 =	sshrl.u32 s1, $0x2  }
0xba: {  	s3 =	sand.u32 $0x4000, s31;
	s1 =	sadd.s32 s1, s30  }
0xbb: {  	s0 =	sor.u32 s3, s0;
	s1 =	sshll.u32 s1, $0x11  }
0xbc: {  	s0 =	sor.u32 s1, s0  }
0xbd: {  	s0 =	sadd.s32 $0x8F2B, s0  }
0xbe: {  	[sflag:s0] =	ssyncadd.remote.s32 $0x1  }
0xbf: {  	_ =	sfence.sel $0xFFFF  }
0xc0: {  	[dreg:$0x0] =	wrdreg $0xFFFFFFFF;
	(pc) =	sbr.abs _section_cstart, $3  }
0xc1: {  	[dreg:$0x1] =	wrdreg $0xFFFFFFFF  }
0xc2: {  	_ =	task.clear_ibuf [dreg:s7], $0x2FFFF;
	_ =	strace $0x9FFFFFFF  }
0xc3: {  	(tm) =	ssettm $0x7FFFFFFF  }
tec
execute0_lowered:
.L_overlay_start_1:
0x0: {  	(tag) =	ssettag $0x1  }
0x1: {  	s5 =	rddreg [dreg:$0x0]  }
0x2: {  	s0 =	srdreg.scid;
	s6 =	rddreg [dreg:$0x1]  }
0x3: {  	s2 =	rddreg [dreg:$0x2];
	s7 =	sand.u32 $0x1, s0  }
0x4: {  	s0 =	stileid.u32;
	s4 =	smul.u32 $0x28000, s7  }
0x5: {  	s1 =	rddreg [dreg:$0x3];
	s3 =	simm.s32 $0x0;
	s8 =	smul.u32 $0x2800, s0  }
0x6: {  	s15 =	simm.s32 $0x5000;
	s16 =	simm.s32 $0x1;
	s28 =	smul.u32 $0x13C00, s0  }
0x7: {  	s17 =	simm.s32 $0x0;
	[smem:$0x7FF] =	sst s3;
	s10 =	smul.u32 $0x13C000, s7  }
0x8: {  	_ =	strace $0x8000004D;
	s7 =	ssub.s32 $0x2, s7;
	s29 =	smul.u32 $0x4F000, s0  }
0x9: {  	s31 =	sshll.u32 s0, $0x6;
	s13 =	sshrl.u32 s7, $0x1;
	s4 =	sadd.s32 s8, s4  }
0xa: {  	s12 =	sshrl.u32 s28, $0x3;
	s8 =	sadd.s32 s28, s10;
	s13 =	ssub.s32 s7, s13  }
0xb: {  	s30 =	sshrl.u32 s29, $0x2;
	s10 =	simm.s32 $0x2;
	s9 =	sshrl.u32 s4, $0x3  }
0xc: {  	s4 =	sadd.s32 $0x39400, s5;
	s12 =	sadd.s32 s12, s5;
	s8 =	sshrl.u32 s8, $0x3  }
0xd: {  	s14 =	sadd.s32 s30, s2;
	s11 =	sadd.s32 s9, s5;
	s8 =	sadd.s32 s8, s5  }
0xe: {  	s5 =	sadd.s32 s6, s9;
	s7 =	sadd.s32 $0x11C00, s12;
	s9 =	smax.u32 s13, $0x1  }
0xf: {  	s12 =	sor.u32 $0x1C02, s31;
	s13 =	sshrl.u32 s14, $0x3;
	s14 =	simm.s32 $0x80  }
0x10: {  	s6 =	sadd.s32 $0x7C00, s11;
	s8 =	sadd.s32 $0xDB200, s8;
	s11 =	simm.s32 $0x2800  }
.LBB2_1:
0x11: {  	[tilespmem:s3], [sflag:$0x2] =	stream.linear.gather [hbm4b:s5+s3], $0x2780, $0x38;
	[tilespmem:$0x1CC00] =	vst v63  }
0x12: {  	_ =	swait.ge [sflag:s10], $0x2780  }
0x13: {  	[sflag:s10] =	ssyncset.done $0x0  }
0x14: {  	[sflag:s10] =	ssyncadd.s32 $0xFFFFD880  }
0x15: {  	[tilespmem:s11], [sflag:$0x2] =	stream.linear.gather [hbm4b:s6+s3], $0x2780, $0x38;
	[tilespmem:$0x1CC00] =	vst v63  }
0x16: {  	_ =	swait.ge [sflag:s10], $0x2780  }
0x17: {  	[sflag:s10] =	ssyncset.done $0x0  }
0x18: {  	[sflag:s10] =	ssyncadd.s32 $0xFFFFD880  }
0x19: {  	[spmem:s13], [sflag:s12] =	dma.local [hbm:s7], $0x2780  }
0x1a: {  	_ =	swait.ge [sflag:s10], $0x2780  }
0x1b: {  	[sflag:s10] =	ssyncset.done $0x0  }
0x1c: {  	[sflag:s10] =	ssyncadd.s32 $0xFFFFD880  }
0x1d: {  	s18 =	simm.s32 $0x0;
	[bflag:$0x0] =	sbarrier.arrive $0xFFFF  }
0x1e: {  	[tilespmem:s15], [sflag:$0x1] =	stream.indirect.gather [hbm4b:s4+s14], $0x80, s18, s14, $0xb8;
	[tilespmem:$0x1CC00] =	vst v63  }
0x1f: {  	_ =	swait.ge [sflag:s16], $0x4000  }
0x20: {  	[sflag:s16] =	ssyncset.done $0x0  }
0x21: {  	s31 =	simm.s32 $0x2800;
	[sflag:s16] =	ssyncadd.s32 $0xFFFFC000  }
0x22: {  	[spmem:s2] =	stream.indirect.scatter.add.f32 [tilespmem:s15], [sflag:$0x2], $0x80, s31, s14, $0xb8;
	[tilespmem:$0x1CC00] =	vst v63  }
0x23: {  	_ =	swait.ge [sflag:s10], $0x4000  }
0x24: {  	s19 =	simm.s32 $0x400;
	s18 =	simm.s32 $0x200;
	[sflag:s10] =	ssyncset.done $0x0  }
.LBB2_2:
0x25: {  	s20 =	sshra.s32 s18, $0x2  }
0x26: {  	[sflag:s10] =	ssyncadd.s32 $0xFFFFC000;
	s18 =	smov.u32 s19;
	s21 =	sadd.s32 $0x200, s19  }
0x27: {  	[tilespmem:s15], [sflag:$0x1] =	stream.indirect.gather [hbm4b:s4+s14], $0x80, s20, s14, $0xb8;
	[tilespmem:$0x1CC00] =	vst v63  }
0x28: {  	p0 =	sne.s32 s19, $0x9C00;
	_ =	swait.ge [sflag:s16], $0x4000  }
.Ltmp0:
0x29: {  	[sflag:s16] =	ssyncset.done $0x0;
	(pc) =	sbr.rel @p0 .LBB2_2-.Ltmp0, $4  }
0x2a: {  	s19 =	sadd.s32 $0x2800, s20;
	[sflag:s16] =	ssyncadd.s32 $0xFFFFC000  }
0x2b: {  	[spmem:s2] =	stream.indirect.scatter.add.f32 [tilespmem:s15], [sflag:$0x2], $0x80, s19, s14, $0xb8;
	[tilespmem:$0x1CC00] =	vst v63  }
0x2c: {  	_ =	swait.ge [sflag:s10], $0x4000  }
0x2d: {  	s19 =	smov.u32 s21;
	[sflag:s10] =	ssyncset.done $0x0  }
0x2e: {  	s18 =	sshra.s32 s18, $0x2;
	[sflag:s10] =	ssyncadd.s32 $0xFFFFC000  }
0x2f: {  	[tilespmem:s15], [sflag:$0x1] =	stream.indirect.gather [hbm4b:s4+s14], $0x80, s18, s14, $0xb8;
	[tilespmem:$0x1CC00] =	vst v63  }
0x30: {  	_ =	swait.ge [sflag:s16], $0x4000  }
0x31: {  	[sflag:s16] =	ssyncset.done $0x0  }
0x32: {  	s18 =	sadd.s32 $0x2800, s18;
	[sflag:s16] =	ssyncadd.s32 $0xFFFFC000  }
0x33: {  	[spmem:s2] =	stream.indirect.scatter.add.f32 [tilespmem:s15], [sflag:$0x2], $0x80, s18, s14, $0xb8;
	[tilespmem:$0x1CC00] =	vst v63  }
0x34: {  	_ =	swait.ge [sflag:s10], $0x4000  }
0x35: {  	s17 =	sadd.s32 $0x1, s17;
	[sflag:s10] =	ssyncset.done $0x0  }
0x36: {  	p0 =	sne.s32 s17, s9;
	[sflag:s10] =	ssyncadd.s32 $0xFFFFC000  }
.Ltmp1:
0x37: {  	[bflag:$0x0] =	sbarrier.arrive $0xFFFF;
	(pc) =	sbr.rel @p0 .LBB2_1-.Ltmp1, $4  }
0x38: {  	[hbm:s8], [sflag:s12] =	dma.local [spmem:s13], $0x2780  }
0x39: {  	_ =	swait.ge [sflag:s10], $0x2780  }
0x3a: {  	[sflag:s10] =	ssyncset.done $0x0  }
0x3b: {  	[sflag:s10] =	ssyncadd.s32 $0xFFFFD880  }
0x3c: {  	_ =	sfence.sel $0x180000  }
0x3d: {  	[bflag:$0x0] =	sbarrier.arrive $0xFFFF  }
0x3e: {  	p0 =	sne.s32 s0, $0x0;
	_ =	strace $0x9000004D  }
0x3f: {  	s0 =	sadd.s32 @!p0 $0x100000, s1;
	[bflag:$0x2] =	sbarrier.arrive $0xFFFF  }
0x40: {  	[sflag:s0] =	ssyncadd.tile.s32 @!p0 $0x1;
	_ =	shalt  }
.Lfunc_end2:
_tile_overlayer_lowered:
.L_overlay_start_2:
0x41: {  	(tag) =	ssettag $0x2  }
0x42: {  	s0 =	rddreg [dreg:$0x0];
	s2 =	stileid.u32  }
0x43: {  	s1 =	rddreg [dreg:$0x1];
	p0 =	sne.s32 s2, $0x0  }
0x44: {  	s3 =	rddreg [dreg:$0x2];
	[bflag:$0x3] =	sbarrier.arrive $0xFFFF;
	s2 =	simm.s32 @!p0 $0x1C02  }
0x45: {  	[timem:s3], [sflag:s2] =	dma.local @!p0 [hbm:s0], s1  }
0x46: {  	s0 =	simm.s32 @!p0 $0x2  }
0x47: {  	_ =	swait.ge @!p0 [sflag:s0], s1  }
0x48: {  	s1 =	ssub.s32 @!p0 $0x0, s1;
	[sflag:s0] =	ssyncset.done @!p0 $0x0  }
0x49: {  	[sflag:s0] =	ssyncadd.s32 @!p0 s1  }
0x4a: {  	[bflag:$0x3] =	sbarrier.arrive $0xFFFF  }
0x4b: {  	_ =	shalt  }

// kernel: kernel.30.cloned.1.call-start
scs
__scs_entry_jumppad:
0x0: {  	(pc) =	sbr.rel $0x88, $3  }
0x1: {  	(tag) =	ssettag $0x0;
	lr =	simm.s32 $0x1  }
0x2: {  	[smem:$0x3F99] =	sst lr;
	_ =	strace $0xD0000000  }
0x3: {  	_ = 	snop  }
0x4: {  	_ = 	snop  }
0x5: {  	_ = 	snop  }
0x6: {  	_ = 	snop  }
0x7: {  	_ = 	snop  }
__scs_overlays_trampoline_lowered:
0x8: {  	[smem:$0x3FA8] =	sst s0  }
0x9: {  	[smem:$0x3FA9] =	sst s1  }
0xa: {  	[smem:$0x3FAA] =	sst s2  }
0xb: {  	[smem:$0x3FAB] =	sst s3  }
0xc: {  	[smem:$0x3FAC] =	sst s4  }
0xd: {  	[smem:$0x3FAD] =	sst s5  }
0xe: {  	[smem:$0x3FAE] =	sst s6  }
0xf: {  	[smem:$0x3FAF] =	sst s7  }
0x10: {  	[smem:$0x3FB0] =	sst s8  }
0x11: {  	[smem:$0x3FB1] =	sst s9;
	s0 =	simm.s32 @!p0 $0x0  }
0x12: {  	s1 =	sld [smem:$0x3F97];
	s0 =	simm.s32 @p0 $0x1  }
0x13: {  	[smem:$0x3FB2] =	sst s0;
	s0 =	simm.s32 @!p1 $0x0  }
0x14: {  	s2 =	sld [smem:$0x3F96];
	s0 =	simm.s32 @p1 $0x1  }
0x15: {  	[smem:$0x3FB3] =	sst s0;
	s0 =	simm.s32 @!p2 $0x0  }
0x16: {  	s3 =	sld [smem:$0x3FDB];
	s0 =	simm.s32 @p2 $0x1  }
0x17: {  	s4 =	simm.s32 $0x1BF5;
	[smem:$0x3FB5] =	sst s0  }
0x18: {  	s0 =	sld [smem:$0x3F98];
	_ =	swait.ge [sflag:s4], $0x0  }
0x19: {  	s7 =	sld [smem:$0x3F99]  }
0x1a: {  	s8 =	sadd.s32 $0xFFFFE003, lr  }
0x1b: {  	s9 =	sadd.s32 $0xFFFFFEF7, lr;
	s5 =	simm.s32 $0xFFFFFFFF;
	p2 =	slt.u32 s8, $0xFFFFF086  }
0x1c: {  	p1 =	slt.u32 s9, $0xF7A;
	s5 =	simm.s32 @!p2 $0x0  }
0x1d: {  	s5 =	simm.s32 @p1 $0x1;
	p0 =	seq.s32 s7, s2  }
0x1e: {  	s7 =	smul.u32 @!p0 $0xF7A, s2;
	p2 =	seq.s32 @!p0 s5, $0x0  }
0x1f: {  	s9 =	smul.u32 $0xF7A, s1;
	s8 =	simm.s32 @!p0 $0x1BF5;
	p2 =	por !p2, p0  }
0x20: {  	[sflag:s8] =	ssyncset.s32 @!p0 $0xFFFFF086;
	s6 =	sadd.s32 @!p0 s3, s7;
	s7 =	simm.s32 @!p0 $0x108  }
0x21: {  	s3 =	sadd.s32 s3, s9;
	s6 =	sadd.s32 @!p0 $0x88, s6;
	s7 =	simm.s32 @p2 $0x1082  }
0x22: {  	[simem:s7], [sflag:s8] =	dma.local @!p0 [hbm:s6], $0xF7A  }
0x23: {  	s9 =	sor.u32 $0xD0000000, s2;
	s6 =	simm.s32 $0x108;
	_ =	swait.ge @!p0 [sflag:s8], $0x0  }
0x24: {  	s3 =	sadd.s32 $0x88, s3;
	s6 =	simm.s32 @!p1 $0x1082;
	[sflag:s4] =	ssyncset.s32 $0xFFFFF086  }
0x25: {  	[simem:s6], [sflag:s4] =	dma.local [hbm:s3], $0xF7A  }
0x26: {  	[smem:$0x3F99] =	sst s1;
	(tag) =	ssettag s2;
	_ =	strace s9  }
0x27: {  	s1 =	sld [smem:$0x3FA9]  }
0x28: {  	s2 =	sld [smem:$0x3FAA]  }
0x29: {  	s4 =	sld [smem:$0x3FAC]  }
0x2a: {  	p0 =	seq.s32 s5, $0x0;
	s5 =	sld [smem:$0x3FAD]  }
0x2b: {  	s6 =	sld [smem:$0x3FAE]  }
0x2c: {  	s7 =	sld [smem:$0x3FAF]  }
0x2d: {  	s3 =	simm.s32 $0x108;
	s8 =	sld [smem:$0x3FB0]  }
0x2e: {  	s3 =	simm.s32 @!p0 $0x1082;
	s9 =	sld [smem:$0x3FB1]  }
0x2f: {  	lr =	sadd.s32 s0, s3;
	s0 =	sld [smem:$0x3FA8]  }
0x30: {  	s3 =	sld [smem:$0x3FAB]  }
0x31: {  	[smem:$0x3FB4] =	sst s10  }
0x32: {  	s10 =	sld [smem:$0x3FB2];
	_ =	sdelay $0x3  }
0x33: {  	p0 =	seq.s32 s10, $0x1;
	s10 =	sld [smem:$0x3FB4];
	_ =	sdelay $0x3  }
0x34: {  	[smem:$0x3FB4] =	sst s10  }
0x35: {  	s10 =	sld [smem:$0x3FB3];
	_ =	sdelay $0x3  }
0x36: {  	p1 =	seq.s32 s10, $0x1;
	s10 =	sld [smem:$0x3FB4];
	_ =	sdelay $0x3  }
0x37: {  	[smem:$0x3FB4] =	sst s10  }
0x38: {  	s10 =	sld [smem:$0x3FB5]  }
0x39: {  	_ = 	snop;
	(pc) =	sbr.ind lr, $3  }
0x3a: {  	_ = 	snop  }
0x3b: {  	_ = 	snop  }
0x3c: {  	p2 =	seq.s32 s10, $0x1;
	s10 =	sld [smem:$0x3FB4]  }
0x3d: {  	_ =	shalt  }
0x3e: {  	_ =	shalt  }
0x3f: {  	_ =	shalt  }
0x40: {  	_ =	shalt  }
0x41: {  	_ =	shalt  }
0x42: {  	_ =	shalt  }
0x43: {  	_ =	shalt  }
0x44: {  	_ =	shalt  }
0x45: {  	_ =	shalt  }
0x46: {  	_ =	shalt  }
0x47: {  	_ =	shalt  }
0x48: {  	_ =	shalt  }
0x49: {  	_ =	shalt  }
0x4a: {  	_ =	shalt  }
0x4b: {  	_ =	shalt  }
0x4c: {  	_ =	shalt  }
0x4d: {  	_ =	shalt  }
0x4e: {  	_ =	shalt  }
0x4f: {  	_ =	shalt  }
0x50: {  	_ =	shalt  }
0x51: {  	_ =	shalt  }
0x52: {  	_ =	shalt  }
0x53: {  	_ =	shalt  }
0x54: {  	_ =	shalt  }
0x55: {  	_ =	shalt  }
0x56: {  	_ =	shalt  }
0x57: {  	_ =	shalt  }
0x58: {  	_ =	shalt  }
0x59: {  	_ =	shalt  }
0x5a: {  	_ =	shalt  }
0x5b: {  	_ =	shalt  }
0x5c: {  	_ =	shalt  }
0x5d: {  	_ =	shalt  }
0x5e: {  	_ =	shalt  }
0x5f: {  	_ =	shalt  }
0x60: {  	_ =	shalt  }
0x61: {  	_ =	shalt  }
0x62: {  	_ =	shalt  }
0x63: {  	_ =	shalt  }
0x64: {  	_ =	shalt  }
0x65: {  	_ =	shalt  }
0x66: {  	_ =	shalt  }
0x67: {  	_ =	shalt  }
0x68: {  	_ =	shalt  }
0x69: {  	_ =	shalt  }
0x6a: {  	_ =	shalt  }
0x6b: {  	_ =	shalt  }
0x6c: {  	_ =	shalt  }
0x6d: {  	_ =	shalt  }
0x6e: {  	_ =	shalt  }
0x6f: {  	_ =	shalt  }
0x70: {  	_ =	shalt  }
0x71: {  	_ =	shalt  }
0x72: {  	_ =	shalt  }
0x73: {  	_ =	shalt  }
0x74: {  	_ =	shalt  }
0x75: {  	_ =	shalt  }
0x76: {  	_ =	shalt  }
0x77: {  	_ =	shalt  }
0x78: {  	_ =	shalt  }
0x79: {  	_ =	shalt  }
0x7a: {  	_ =	shalt  }
0x7b: {  	_ =	shalt  }
0x7c: {  	_ =	shalt  }
0x7d: {  	_ =	shalt  }
0x7e: {  	_ =	shalt  }
0x7f: {  	_ =	shalt  }
0x80: {  	_ =	shalt  }
0x81: {  	_ =	shalt  }
0x82: {  	_ =	shalt  }
0x83: {  	_ =	shalt  }
0x84: {  	_ =	shalt  }
0x85: {  	_ =	shalt  }
0x86: {  	_ =	shalt  }
0x87: {  	_ =	shalt  }
.Lfunc_end0:
.L_simem_size_0:
called_computation.3_lowered:
.L_overlay_start_0:
0x88: {  	s2 =	sld [smem:$0x3FD9]  }
0x89: {  	s3 =	sld [smem:$0x3FFE];
	_ =	sdelay $0x1  }
0x8a: {  	s1 =	srdreg.scid  }
0x8b: {  	s0 =	sand.u32 $0x1, s1  }
0x8c: {  	s17 =	sshll.u32 s0, $0xA;
	s2 =	sadd.s32 s3, s2  }
0x8d: {  	s2 =	sadd.s32 s2, s17  }
0x8e: {  	[smem:$0x3FC0] =	sst s2  }
0x8f: {  	_ = 	snop  }
0x90: {  	s2 =	sld [smem:$0x3FD0];
	(tm) =	ssettm $0x1  }
0x91: {  	s18 =	sld [smem:$0x3FFB];
	_ =	sdelay $0x3  }
0x92: {  	_ =	strace s18  }
0x93: {  	s3 =	sld [smem:$0x3FFC];
	_ =	sdelay $0x3  }
0x94: {  	_ =	strace s3  }
0x95: {  	s3 =	sld [smem:$0x3FFD];
	_ =	sdelay $0x3  }
0x96: {  	_ =	strace s3  }
0x97: {  	_ =	strace $0x8FFFFFFF  }
0x98: {  	s19 =	sld [smem:$0x3FDB];
	_ =	sdelay $0x1  }
0x99: {  	s4 =	simm.s32 $_scs_section_size  }
0x9a: {  	s5 =	simm.s32 $_size__tile_overlayer_lowered;
	s6 =	simm.s32 $_tile_overlayer_lowered  }
0x9b: {  	s22 =	simm.s32 $0x1BFF;
	s21 =	sshll.u32 s6, $0x1;
	s3 =	sadd.s32 s4, s19  }
0x9c: {  	s7 =	simm.s32 $0x0;
	s20 =	sshll.u32 s5, $0x1;
	s5 =	sadd.s32 s21, s3  }
0x9d: {  	[timem:s7], [sflag:s22] =	dma.local [hbm:s5], s20  }
0x9e: {  	_ =	swait.ge [sflag:s22], s20  }
0x9f: {  	s4 =	ssub.s32 $0x0, s20;
	[sflag:s22] =	ssyncset.done $0x0  }
0xa0: {  	[sflag:s22] =	ssyncadd.s32 s4;
	_ =	sdelay $0x1  }
0xa1: {  	s23 =	simm.s32 $0x1B8B  }
0xa2: {  	_ =	swait.ge [sflag:s23], $0x1  }
0xa3: {  	[sflag:s23] =	ssyncset.done $0x0  }
0xa4: {  	s25 =	simm.s32 $0x1B8E;
	s24 =	sld [smem:$0x3FFE];
	[sflag:s23] =	ssyncadd.s32 $0xFFFFFFFF  }
0xa5: {  	s26 =	simm.s32 $execute0_lowered;
	[smem:$0x3FD2] =	sst s25  }
0xa6: {  	s5 =	sshll.u32 s26, $0x1;
	_ =	strace $0x8000004F;
	[dreg:$0x1] =	wrdreg $0xFFFFFFFF  }
0xa7: {  	s28 =	simm.s32 $_size_execute0_lowered;
	s3 =	sadd.s32 s3, s5;
	[dreg:$0x0] =	wrdreg $0x0  }
0xa8: {  	s5 =	sshll.u32 s28, $0x1;
	[dreg:$0x2] =	wrdreg s3  }
0xa9: {  	[dreg:$0x3] =	wrdreg s5  }
0xaa: {  	[dreg:$0x4] =	wrdreg $0xC0  }
0xab: {  	_ =	task [dreg:s7], $0x5FFFF  }
0xac: {  	[dreg:$0x1] =	wrdreg $0xFFFFFFFF  }
0xad: {  	[dreg:$0x0] =	wrdreg $0x60  }
0xae: {  	[dreg:$0x2] =	wrdreg s24  }
0xaf: {  	[dreg:$0x3] =	wrdreg s2  }
0xb0: {  	[dreg:$0x4] =	wrdreg $0x90000  }
0xb1: {  	[dreg:$0x5] =	wrdreg $0x9  }
0xb2: {  	_ =	task.clear_ibuf [dreg:s7], $0x6FFFF;
	_ =	strace $0x9000004F  }
0xb3: {  	s29 =	simm.s32 $0x9;
	_ =	strace $0x80000051  }
0xb4: {  	_ =	swait.ge [sflag:s29], $0x1  }
0xb5: {  	[sflag:s29] =	ssyncadd.s32 $0xFFFFFFFF  }
0xb6: {  	_ =	strace $0x90000051  }
0xb7: {  	_ =	sfence  }
0xb8: {  	s30 =	sld [smem:$0x0];
	_ =	sdelay $0x2  }
0xb9: {  	s31 =	sshll.u32 s1, $0xD;
	s1 =	sshrl.u32 s1, $0x2  }
0xba: {  	s3 =	sand.u32 $0x4000, s31;
	s1 =	sadd.s32 s1, s30  }
0xbb: {  	s0 =	sor.u32 s3, s0;
	s1 =	sshll.u32 s1, $0x11  }
0xbc: {  	s0 =	sor.u32 s1, s0  }
0xbd: {  	s0 =	sadd.s32 $0x8F2B, s0  }
0xbe: {  	[sflag:s0] =	ssyncadd.remote.s32 $0x1  }
0xbf: {  	_ =	sfence.sel $0xFFFF  }
0xc0: {  	[dreg:$0x0] =	wrdreg $0xFFFFFFFF;
	(pc) =	sbr.abs _section_cstart, $3  }
0xc1: {  	[dreg:$0x1] =	wrdreg $0xFFFFFFFF  }
0xc2: {  	_ =	task.clear_ibuf [dreg:s7], $0x2FFFF;
	_ =	strace $0x9FFFFFFF  }
0xc3: {  	(tm) =	ssettm $0x7FFFFFFF  }
tec
execute0_lowered:
.L_overlay_start_1:
0x0: {  	(tag) =	ssettag $0x1  }
0x1: {  	s5 =	rddreg [dreg:$0x0]  }
0x2: {  	s0 =	srdreg.scid;
	s6 =	rddreg [dreg:$0x1]  }
0x3: {  	s2 =	rddreg [dreg:$0x2];
	s7 =	sand.u32 $0x1, s0  }
0x4: {  	s0 =	stileid.u32;
	s4 =	smul.u32 $0x28000, s7  }
0x5: {  	s1 =	rddreg [dreg:$0x3];
	s3 =	simm.s32 $0x0;
	s8 =	smul.u32 $0x2800, s0  }
0x6: {  	s15 =	simm.s32 $0x5000;
	s16 =	simm.s32 $0x1;
	s28 =	smul.u32 $0x13C00, s0  }
0x7: {  	s17 =	simm.s32 $0x0;
	[smem:$0x7FF] =	sst s3;
	s10 =	smul.u32 $0x13C000, s7  }
0x8: {  	_ =	strace $0x80000050;
	s7 =	ssub.s32 $0x2, s7;
	s29 =	smul.u32 $0x4F000, s0  }
0x9: {  	s31 =	sshll.u32 s0, $0x6;
	s13 =	sshrl.u32 s7, $0x1;
	s4 =	sadd.s32 s8, s4  }
0xa: {  	s12 =	sshrl.u32 s28, $0x3;
	s8 =	sadd.s32 s28, s10;
	s13 =	ssub.s32 s7, s13  }
0xb: {  	s30 =	sshrl.u32 s29, $0x2;
	s10 =	simm.s32 $0x2;
	s9 =	sshrl.u32 s4, $0x3  }
0xc: {  	s4 =	sadd.s32 $0x39400, s5;
	s12 =	sadd.s32 s12, s5;
	s8 =	sshrl.u32 s8, $0x3  }
0xd: {  	s14 =	sadd.s32 s30, s2;
	s11 =	sadd.s32 s9, s5;
	s8 =	sadd.s32 s8, s5  }
0xe: {  	s5 =	sadd.s32 s6, s9;
	s7 =	sadd.s32 $0x11C00, s12;
	s9 =	smax.u32 s13, $0x1  }
0xf: {  	s12 =	sor.u32 $0x1C02, s31;
	s13 =	sshrl.u32 s14, $0x3;
	s14 =	simm.s32 $0x80  }
0x10: {  	s6 =	sadd.s32 $0x7C00, s11;
	s8 =	sadd.s32 $0xDB200, s8;
	s11 =	simm.s32 $0x2800  }
.LBB2_1:
0x11: {  	[tilespmem:s3], [sflag:$0x2] =	stream.linear.gather [hbm4b:s5+s3], $0x2780, $0x38;
	[tilespmem:$0x1CC00] =	vst v63  }
0x12: {  	_ =	swait.ge [sflag:s10], $0x2780  }
0x13: {  	[sflag:s10] =	ssyncset.done $0x0  }
0x14: {  	[sflag:s10] =	ssyncadd.s32 $0xFFFFD880  }
0x15: {  	[tilespmem:s11], [sflag:$0x2] =	stream.linear.gather [hbm4b:s6+s3], $0x2780, $0x38;
	[tilespmem:$0x1CC00] =	vst v63  }
0x16: {  	_ =	swait.ge [sflag:s10], $0x2780  }
0x17: {  	[sflag:s10] =	ssyncset.done $0x0  }
0x18: {  	[sflag:s10] =	ssyncadd.s32 $0xFFFFD880  }
0x19: {  	[spmem:s13], [sflag:s12] =	dma.local [hbm:s7], $0x2780  }
0x1a: {  	_ =	swait.ge [sflag:s10], $0x2780  }
0x1b: {  	[sflag:s10] =	ssyncset.done $0x0  }
0x1c: {  	[sflag:s10] =	ssyncadd.s32 $0xFFFFD880  }
0x1d: {  	s18 =	simm.s32 $0x0;
	[bflag:$0x0] =	sbarrier.arrive $0xFFFF  }
0x1e: {  	[tilespmem:s15], [sflag:$0x1] =	stream.indirect.gather [hbm4b:s4+s14], $0x80, s18, s14, $0xb8;
	[tilespmem:$0x1CC00] =	vst v63  }
0x1f: {  	_ =	swait.ge [sflag:s16], $0x4000  }
0x20: {  	[sflag:s16] =	ssyncset.done $0x0  }
0x21: {  	s31 =	simm.s32 $0x2800;
	[sflag:s16] =	ssyncadd.s32 $0xFFFFC000  }
0x22: {  	[spmem:s2] =	stream.indirect.scatter.add.f32 [tilespmem:s15], [sflag:$0x2], $0x80, s31, s14, $0xb8;
	[tilespmem:$0x1CC00] =	vst v63  }
0x23: {  	_ =	swait.ge [sflag:s10], $0x4000  }
0x24: {  	s19 =	simm.s32 $0x400;
	s18 =	simm.s32 $0x200;
	[sflag:s10] =	ssyncset.done $0x0  }
.LBB2_2:
0x25: {  	s20 =	sshra.s32 s18, $0x2  }
0x26: {  	[sflag:s10] =	ssyncadd.s32 $0xFFFFC000;
	s18 =	smov.u32 s19;
	s21 =	sadd.s32 $0x200, s19  }
0x27: {  	[tilespmem:s15], [sflag:$0x1] =	stream.indirect.gather [hbm4b:s4+s14], $0x80, s20, s14, $0xb8;
	[tilespmem:$0x1CC00] =	vst v63  }
0x28: {  	p0 =	sne.s32 s19, $0x9C00;
	_ =	swait.ge [sflag:s16], $0x4000  }
.Ltmp0:
0x29: {  	[sflag:s16] =	ssyncset.done $0x0;
	(pc) =	sbr.rel @p0 .LBB2_2-.Ltmp0, $4  }
0x2a: {  	s19 =	sadd.s32 $0x2800, s20;
	[sflag:s16] =	ssyncadd.s32 $0xFFFFC000  }
0x2b: {  	[spmem:s2] =	stream.indirect.scatter.add.f32 [tilespmem:s15], [sflag:$0x2], $0x80, s19, s14, $0xb8;
	[tilespmem:$0x1CC00] =	vst v63  }
0x2c: {  	_ =	swait.ge [sflag:s10], $0x4000  }
0x2d: {  	s19 =	smov.u32 s21;
	[sflag:s10] =	ssyncset.done $0x0  }
0x2e: {  	s18 =	sshra.s32 s18, $0x2;
	[sflag:s10] =	ssyncadd.s32 $0xFFFFC000  }
0x2f: {  	[tilespmem:s15], [sflag:$0x1] =	stream.indirect.gather [hbm4b:s4+s14], $0x80, s18, s14, $0xb8;
	[tilespmem:$0x1CC00] =	vst v63  }
0x30: {  	_ =	swait.ge [sflag:s16], $0x4000  }
0x31: {  	[sflag:s16] =	ssyncset.done $0x0  }
0x32: {  	s18 =	sadd.s32 $0x2800, s18;
	[sflag:s16] =	ssyncadd.s32 $0xFFFFC000  }
0x33: {  	[spmem:s2] =	stream.indirect.scatter.add.f32 [tilespmem:s15], [sflag:$0x2], $0x80, s18, s14, $0xb8;
	[tilespmem:$0x1CC00] =	vst v63  }
0x34: {  	_ =	swait.ge [sflag:s10], $0x4000  }
0x35: {  	s17 =	sadd.s32 $0x1, s17;
	[sflag:s10] =	ssyncset.done $0x0  }
0x36: {  	p0 =	sne.s32 s17, s9;
	[sflag:s10] =	ssyncadd.s32 $0xFFFFC000  }
.Ltmp1:
0x37: {  	[bflag:$0x0] =	sbarrier.arrive $0xFFFF;
	(pc) =	sbr.rel @p0 .LBB2_1-.Ltmp1, $4  }
0x38: {  	[hbm:s8], [sflag:s12] =	dma.local [spmem:s13], $0x2780  }
0x39: {  	_ =	swait.ge [sflag:s10], $0x2780  }
0x3a: {  	[sflag:s10] =	ssyncset.done $0x0  }
0x3b: {  	[sflag:s10] =	ssyncadd.s32 $0xFFFFD880  }
0x3c: {  	_ =	sfence.sel $0x180000  }
0x3d: {  	[bflag:$0x0] =	sbarrier.arrive $0xFFFF  }
0x3e: {  	p0 =	sne.s32 s0, $0x0;
	_ =	strace $0x90000050  }
0x3f: {  	s0 =	sadd.s32 @!p0 $0x100000, s1;
	[bflag:$0x2] =	sbarrier.arrive $0xFFFF  }
0x40: {  	[sflag:s0] =	ssyncadd.tile.s32 @!p0 $0x1;
	_ =	shalt  }
.Lfunc_end2:
_tile_overlayer_lowered:
.L_overlay_start_2:
0x41: {  	(tag) =	ssettag $0x2  }
0x42: {  	s0 =	rddreg [dreg:$0x0];
	s2 =	stileid.u32  }
0x43: {  	s1 =	rddreg [dreg:$0x1];
	p0 =	sne.s32 s2, $0x0  }
0x44: {  	s3 =	rddreg [dreg:$0x2];
	[bflag:$0x3] =	sbarrier.arrive $0xFFFF;
	s2 =	simm.s32 @!p0 $0x1C02  }
0x45: {  	[timem:s3], [sflag:s2] =	dma.local @!p0 [hbm:s0], s1  }
0x46: {  	s0 =	simm.s32 @!p0 $0x2  }
0x47: {  	_ =	swait.ge @!p0 [sflag:s0], s1  }
0x48: {  	s1 =	ssub.s32 @!p0 $0x0, s1;
	[sflag:s0] =	ssyncset.done @!p0 $0x0  }
0x49: {  	[sflag:s0] =	ssyncadd.s32 @!p0 s1  }
0x4a: {  	[bflag:$0x3] =	sbarrier.arrive $0xFFFF  }
0x4b: {  	_ =	shalt  }

// kernel: kernel.33.cloned.1.call-start
scs
__scs_entry_jumppad:
0x0: {  	(pc) =	sbr.rel $0x88, $3  }
0x1: {  	(tag) =	ssettag $0x0;
	lr =	simm.s32 $0x1  }
0x2: {  	[smem:$0x3F99] =	sst lr;
	_ =	strace $0xD0000000  }
0x3: {  	_ = 	snop  }
0x4: {  	_ = 	snop  }
0x5: {  	_ = 	snop  }
0x6: {  	_ = 	snop  }
0x7: {  	_ = 	snop  }
__scs_overlays_trampoline_lowered:
0x8: {  	[smem:$0x3FA8] =	sst s0  }
0x9: {  	[smem:$0x3FA9] =	sst s1  }
0xa: {  	[smem:$0x3FAA] =	sst s2  }
0xb: {  	[smem:$0x3FAB] =	sst s3  }
0xc: {  	[smem:$0x3FAC] =	sst s4  }
0xd: {  	[smem:$0x3FAD] =	sst s5  }
0xe: {  	[smem:$0x3FAE] =	sst s6  }
0xf: {  	[smem:$0x3FAF] =	sst s7  }
0x10: {  	[smem:$0x3FB0] =	sst s8  }
0x11: {  	[smem:$0x3FB1] =	sst s9;
	s0 =	simm.s32 @!p0 $0x0  }
0x12: {  	s1 =	sld [smem:$0x3F97];
	s0 =	simm.s32 @p0 $0x1  }
0x13: {  	[smem:$0x3FB2] =	sst s0;
	s0 =	simm.s32 @!p1 $0x0  }
0x14: {  	s2 =	sld [smem:$0x3F96];
	s0 =	simm.s32 @p1 $0x1  }
0x15: {  	[smem:$0x3FB3] =	sst s0;
	s0 =	simm.s32 @!p2 $0x0  }
0x16: {  	s3 =	sld [smem:$0x3FDB];
	s0 =	simm.s32 @p2 $0x1  }
0x17: {  	s4 =	simm.s32 $0x1BF5;
	[smem:$0x3FB5] =	sst s0  }
0x18: {  	s0 =	sld [smem:$0x3F98];
	_ =	swait.ge [sflag:s4], $0x0  }
0x19: {  	s7 =	sld [smem:$0x3F99]  }
0x1a: {  	s8 =	sadd.s32 $0xFFFFE003, lr  }
0x1b: {  	s9 =	sadd.s32 $0xFFFFFEF7, lr;
	s5 =	simm.s32 $0xFFFFFFFF;
	p2 =	slt.u32 s8, $0xFFFFF086  }
0x1c: {  	p1 =	slt.u32 s9, $0xF7A;
	s5 =	simm.s32 @!p2 $0x0  }
0x1d: {  	s5 =	simm.s32 @p1 $0x1;
	p0 =	seq.s32 s7, s2  }
0x1e: {  	s7 =	smul.u32 @!p0 $0xF7A, s2;
	p2 =	seq.s32 @!p0 s5, $0x0  }
0x1f: {  	s9 =	smul.u32 $0xF7A, s1;
	s8 =	simm.s32 @!p0 $0x1BF5;
	p2 =	por !p2, p0  }
0x20: {  	[sflag:s8] =	ssyncset.s32 @!p0 $0xFFFFF086;
	s6 =	sadd.s32 @!p0 s3, s7;
	s7 =	simm.s32 @!p0 $0x108  }
0x21: {  	s3 =	sadd.s32 s3, s9;
	s6 =	sadd.s32 @!p0 $0x88, s6;
	s7 =	simm.s32 @p2 $0x1082  }
0x22: {  	[simem:s7], [sflag:s8] =	dma.local @!p0 [hbm:s6], $0xF7A  }
0x23: {  	s9 =	sor.u32 $0xD0000000, s2;
	s6 =	simm.s32 $0x108;
	_ =	swait.ge @!p0 [sflag:s8], $0x0  }
0x24: {  	s3 =	sadd.s32 $0x88, s3;
	s6 =	simm.s32 @!p1 $0x1082;
	[sflag:s4] =	ssyncset.s32 $0xFFFFF086  }
0x25: {  	[simem:s6], [sflag:s4] =	dma.local [hbm:s3], $0xF7A  }
0x26: {  	[smem:$0x3F99] =	sst s1;
	(tag) =	ssettag s2;
	_ =	strace s9  }
0x27: {  	s1 =	sld [smem:$0x3FA9]  }
0x28: {  	s2 =	sld [smem:$0x3FAA]  }
0x29: {  	s4 =	sld [smem:$0x3FAC]  }
0x2a: {  	p0 =	seq.s32 s5, $0x0;
	s5 =	sld [smem:$0x3FAD]  }
0x2b: {  	s6 =	sld [smem:$0x3FAE]  }
0x2c: {  	s7 =	sld [smem:$0x3FAF]  }
0x2d: {  	s3 =	simm.s32 $0x108;
	s8 =	sld [smem:$0x3FB0]  }
0x2e: {  	s3 =	simm.s32 @!p0 $0x1082;
	s9 =	sld [smem:$0x3FB1]  }
0x2f: {  	lr =	sadd.s32 s0, s3;
	s0 =	sld [smem:$0x3FA8]  }
0x30: {  	s3 =	sld [smem:$0x3FAB]  }
0x31: {  	[smem:$0x3FB4] =	sst s10  }
0x32: {  	s10 =	sld [smem:$0x3FB2];
	_ =	sdelay $0x3  }
0x33: {  	p0 =	seq.s32 s10, $0x1;
	s10 =	sld [smem:$0x3FB4];
	_ =	sdelay $0x3  }
0x34: {  	[smem:$0x3FB4] =	sst s10  }
0x35: {  	s10 =	sld [smem:$0x3FB3];
	_ =	sdelay $0x3  }
0x36: {  	p1 =	seq.s32 s10, $0x1;
	s10 =	sld [smem:$0x3FB4];
	_ =	sdelay $0x3  }
0x37: {  	[smem:$0x3FB4] =	sst s10  }
0x38: {  	s10 =	sld [smem:$0x3FB5]  }
0x39: {  	_ = 	snop;
	(pc) =	sbr.ind lr, $3  }
0x3a: {  	_ = 	snop  }
0x3b: {  	_ = 	snop  }
0x3c: {  	p2 =	seq.s32 s10, $0x1;
	s10 =	sld [smem:$0x3FB4]  }
0x3d: {  	_ =	shalt  }
0x3e: {  	_ =	shalt  }
0x3f: {  	_ =	shalt  }
0x40: {  	_ =	shalt  }
0x41: {  	_ =	shalt  }
0x42: {  	_ =	shalt  }
0x43: {  	_ =	shalt  }
0x44: {  	_ =	shalt  }
0x45: {  	_ =	shalt  }
0x46: {  	_ =	shalt  }
0x47: {  	_ =	shalt  }
0x48: {  	_ =	shalt  }
0x49: {  	_ =	shalt  }
0x4a: {  	_ =	shalt  }
0x4b: {  	_ =	shalt  }
0x4c: {  	_ =	shalt  }
0x4d: {  	_ =	shalt  }
0x4e: {  	_ =	shalt  }
0x4f: {  	_ =	shalt  }
0x50: {  	_ =	shalt  }
0x51: {  	_ =	shalt  }
0x52: {  	_ =	shalt  }
0x53: {  	_ =	shalt  }
0x54: {  	_ =	shalt  }
0x55: {  	_ =	shalt  }
0x56: {  	_ =	shalt  }
0x57: {  	_ =	shalt  }
0x58: {  	_ =	shalt  }
0x59: {  	_ =	shalt  }
0x5a: {  	_ =	shalt  }
0x5b: {  	_ =	shalt  }
0x5c: {  	_ =	shalt  }
0x5d: {  	_ =	shalt  }
0x5e: {  	_ =	shalt  }
0x5f: {  	_ =	shalt  }
0x60: {  	_ =	shalt  }
0x61: {  	_ =	shalt  }
0x62: {  	_ =	shalt  }
0x63: {  	_ =	shalt  }
0x64: {  	_ =	shalt  }
0x65: {  	_ =	shalt  }
0x66: {  	_ =	shalt  }
0x67: {  	_ =	shalt  }
0x68: {  	_ =	shalt  }
0x69: {  	_ =	shalt  }
0x6a: {  	_ =	shalt  }
0x6b: {  	_ =	shalt  }
0x6c: {  	_ =	shalt  }
0x6d: {  	_ =	shalt  }
0x6e: {  	_ =	shalt  }
0x6f: {  	_ =	shalt  }
0x70: {  	_ =	shalt  }
0x71: {  	_ =	shalt  }
0x72: {  	_ =	shalt  }
0x73: {  	_ =	shalt  }
0x74: {  	_ =	shalt  }
0x75: {  	_ =	shalt  }
0x76: {  	_ =	shalt  }
0x77: {  	_ =	shalt  }
0x78: {  	_ =	shalt  }
0x79: {  	_ =	shalt  }
0x7a: {  	_ =	shalt  }
0x7b: {  	_ =	shalt  }
0x7c: {  	_ =	shalt  }
0x7d: {  	_ =	shalt  }
0x7e: {  	_ =	shalt  }
0x7f: {  	_ =	shalt  }
0x80: {  	_ =	shalt  }
0x81: {  	_ =	shalt  }
0x82: {  	_ =	shalt  }
0x83: {  	_ =	shalt  }
0x84: {  	_ =	shalt  }
0x85: {  	_ =	shalt  }
0x86: {  	_ =	shalt  }
0x87: {  	_ =	shalt  }
.Lfunc_end0:
.L_simem_size_0:
called_computation.4_lowered:
.L_overlay_start_0:
0x88: {  	s2 =	sld [smem:$0x3FD9]  }
0x89: {  	s3 =	sld [smem:$0x3FFE];
	_ =	sdelay $0x1  }
0x8a: {  	s1 =	srdreg.scid  }
0x8b: {  	s0 =	sand.u32 $0x1, s1  }
0x8c: {  	s17 =	sshll.u32 s0, $0xA;
	s2 =	sadd.s32 s3, s2  }
0x8d: {  	s2 =	sadd.s32 s2, s17  }
0x8e: {  	[smem:$0x3FC0] =	sst s2  }
0x8f: {  	_ = 	snop  }
0x90: {  	s2 =	sld [smem:$0x3FD0];
	(tm) =	ssettm $0x1  }
0x91: {  	s18 =	sld [smem:$0x3FFB];
	_ =	sdelay $0x3  }
0x92: {  	_ =	strace s18  }
0x93: {  	s3 =	sld [smem:$0x3FFC];
	_ =	sdelay $0x3  }
0x94: {  	_ =	strace s3  }
0x95: {  	s3 =	sld [smem:$0x3FFD];
	_ =	sdelay $0x3  }
0x96: {  	_ =	strace s3  }
0x97: {  	_ =	strace $0x8FFFFFFF  }
0x98: {  	s19 =	sld [smem:$0x3FDB];
	_ =	sdelay $0x1  }
0x99: {  	s4 =	simm.s32 $_scs_section_size  }
0x9a: {  	s5 =	simm.s32 $_size__tile_overlayer_lowered;
	s6 =	simm.s32 $_tile_overlayer_lowered  }
0x9b: {  	s22 =	simm.s32 $0x1BFF;
	s21 =	sshll.u32 s6, $0x1;
	s3 =	sadd.s32 s4, s19  }
0x9c: {  	s7 =	simm.s32 $0x0;
	s20 =	sshll.u32 s5, $0x1;
	s5 =	sadd.s32 s21, s3  }
0x9d: {  	[timem:s7], [sflag:s22] =	dma.local [hbm:s5], s20  }
0x9e: {  	_ =	swait.ge [sflag:s22], s20  }
0x9f: {  	s4 =	ssub.s32 $0x0, s20;
	[sflag:s22] =	ssyncset.done $0x0  }
0xa0: {  	[sflag:s22] =	ssyncadd.s32 s4;
	_ =	sdelay $0x1  }
0xa1: {  	s23 =	simm.s32 $0x1B8B  }
0xa2: {  	_ =	swait.ge [sflag:s23], $0x1  }
0xa3: {  	[sflag:s23] =	ssyncset.done $0x0  }
0xa4: {  	s25 =	simm.s32 $0x1B8E;
	s24 =	sld [smem:$0x3FFE];
	[sflag:s23] =	ssyncadd.s32 $0xFFFFFFFF  }
0xa5: {  	s26 =	simm.s32 $execute0_lowered;
	[smem:$0x3FD2] =	sst s25  }
0xa6: {  	s5 =	sshll.u32 s26, $0x1;
	_ =	strace $0x80000052;
	[dreg:$0x1] =	wrdreg $0xFFFFFFFF  }
0xa7: {  	s28 =	simm.s32 $_size_execute0_lowered;
	s3 =	sadd.s32 s3, s5;
	[dreg:$0x0] =	wrdreg $0x0  }
0xa8: {  	s5 =	sshll.u32 s28, $0x1;
	[dreg:$0x2] =	wrdreg s3  }
0xa9: {  	[dreg:$0x3] =	wrdreg s5  }
0xaa: {  	[dreg:$0x4] =	wrdreg $0xC0  }
0xab: {  	_ =	task [dreg:s7], $0x5FFFF  }
0xac: {  	[dreg:$0x1] =	wrdreg $0xFFFFFFFF  }
0xad: {  	[dreg:$0x0] =	wrdreg $0x60  }
0xae: {  	[dreg:$0x2] =	wrdreg s24  }
0xaf: {  	[dreg:$0x3] =	wrdreg s2  }
0xb0: {  	[dreg:$0x4] =	wrdreg $0x90000  }
0xb1: {  	[dreg:$0x5] =	wrdreg $0x9  }
0xb2: {  	_ =	task.clear_ibuf [dreg:s7], $0x6FFFF;
	_ =	strace $0x90000052  }
0xb3: {  	s29 =	simm.s32 $0x9;
	_ =	strace $0x80000054  }
0xb4: {  	_ =	swait.ge [sflag:s29], $0x1  }
0xb5: {  	[sflag:s29] =	ssyncadd.s32 $0xFFFFFFFF  }
0xb6: {  	_ =	strace $0x90000054  }
0xb7: {  	_ =	sfence  }
0xb8: {  	s30 =	sld [smem:$0x0];
	_ =	sdelay $0x2  }
0xb9: {  	s31 =	sshll.u32 s1, $0xD;
	s1 =	sshrl.u32 s1, $0x2  }
0xba: {  	s3 =	sand.u32 $0x4000, s31;
	s1 =	sadd.s32 s1, s30  }
0xbb: {  	s0 =	sor.u32 s3, s0;
	s1 =	sshll.u32 s1, $0x11  }
0xbc: {  	s0 =	sor.u32 s1, s0  }
0xbd: {  	s0 =	sadd.s32 $0x8F2B, s0  }
0xbe: {  	[sflag:s0] =	ssyncadd.remote.s32 $0x1  }
0xbf: {  	_ =	sfence.sel $0xFFFF  }
0xc0: {  	[dreg:$0x0] =	wrdreg $0xFFFFFFFF;
	(pc) =	sbr.abs _section_cstart, $3  }
0xc1: {  	[dreg:$0x1] =	wrdreg $0xFFFFFFFF  }
0xc2: {  	_ =	task.clear_ibuf [dreg:s7], $0x2FFFF;
	_ =	strace $0x9FFFFFFF  }
0xc3: {  	(tm) =	ssettm $0x7FFFFFFF  }
tec
execute0_lowered:
.L_overlay_start_1:
0x0: {  	(tag) =	ssettag $0x1  }
0x1: {  	s5 =	rddreg [dreg:$0x0]  }
0x2: {  	s0 =	srdreg.scid;
	s6 =	rddreg [dreg:$0x1]  }
0x3: {  	s2 =	rddreg [dreg:$0x2];
	s7 =	sand.u32 $0x1, s0  }
0x4: {  	s0 =	stileid.u32;
	s4 =	smul.u32 $0x28000, s7  }
0x5: {  	s1 =	rddreg [dreg:$0x3];
	s3 =	simm.s32 $0x0;
	s8 =	smul.u32 $0x2800, s0  }
0x6: {  	s15 =	simm.s32 $0x5000;
	s16 =	simm.s32 $0x1;
	s28 =	smul.u32 $0x13C00, s0  }
0x7: {  	s17 =	simm.s32 $0x0;
	[smem:$0x7FF] =	sst s3;
	s10 =	smul.u32 $0x13C000, s7  }
0x8: {  	_ =	strace $0x80000053;
	s7 =	ssub.s32 $0x2, s7;
	s29 =	smul.u32 $0x4F000, s0  }
0x9: {  	s31 =	sshll.u32 s0, $0x6;
	s13 =	sshrl.u32 s7, $0x1;
	s4 =	sadd.s32 s8, s4  }
0xa: {  	s12 =	sshrl.u32 s28, $0x3;
	s8 =	sadd.s32 s28, s10;
	s13 =	ssub.s32 s7, s13  }
0xb: {  	s30 =	sshrl.u32 s29, $0x2;
	s10 =	simm.s32 $0x2;
	s9 =	sshrl.u32 s4, $0x3  }
0xc: {  	s4 =	sadd.s32 $0x39400, s5;
	s12 =	sadd.s32 s12, s5;
	s8 =	sshrl.u32 s8, $0x3  }
0xd: {  	s14 =	sadd.s32 s30, s2;
	s11 =	sadd.s32 s9, s5;
	s8 =	sadd.s32 s8, s5  }
0xe: {  	s5 =	sadd.s32 s6, s9;
	s7 =	sadd.s32 $0x11C00, s12;
	s9 =	smax.u32 s13, $0x1  }
0xf: {  	s12 =	sor.u32 $0x1C02, s31;
	s13 =	sshrl.u32 s14, $0x3;
	s14 =	simm.s32 $0x80  }
0x10: {  	s6 =	sadd.s32 $0x7C00, s11;
	s8 =	sadd.s32 $0xDB200, s8;
	s11 =	simm.s32 $0x2800  }
.LBB2_1:
0x11: {  	[tilespmem:s3], [sflag:$0x2] =	stream.linear.gather [hbm4b:s5+s3], $0x2780, $0x38;
	[tilespmem:$0x1CC00] =	vst v63  }
0x12: {  	_ =	swait.ge [sflag:s10], $0x2780  }
0x13: {  	[sflag:s10] =	ssyncset.done $0x0  }
0x14: {  	[sflag:s10] =	ssyncadd.s32 $0xFFFFD880  }
0x15: {  	[tilespmem:s11], [sflag:$0x2] =	stream.linear.gather [hbm4b:s6+s3], $0x2780, $0x38;
	[tilespmem:$0x1CC00] =	vst v63  }
0x16: {  	_ =	swait.ge [sflag:s10], $0x2780  }
0x17: {  	[sflag:s10] =	ssyncset.done $0x0  }
0x18: {  	[sflag:s10] =	ssyncadd.s32 $0xFFFFD880  }
0x19: {  	[spmem:s13], [sflag:s12] =	dma.local [hbm:s7], $0x2780  }
0x1a: {  	_ =	swait.ge [sflag:s10], $0x2780  }
0x1b: {  	[sflag:s10] =	ssyncset.done $0x0  }
0x1c: {  	[sflag:s10] =	ssyncadd.s32 $0xFFFFD880  }
0x1d: {  	s18 =	simm.s32 $0x0;
	[bflag:$0x0] =	sbarrier.arrive $0xFFFF  }
0x1e: {  	[tilespmem:s15], [sflag:$0x1] =	stream.indirect.gather [hbm4b:s4+s14], $0x80, s18, s14, $0xb8;
	[tilespmem:$0x1CC00] =	vst v63  }
0x1f: {  	_ =	swait.ge [sflag:s16], $0x4000  }
0x20: {  	[sflag:s16] =	ssyncset.done $0x0  }
0x21: {  	s31 =	simm.s32 $0x2800;
	[sflag:s16] =	ssyncadd.s32 $0xFFFFC000  }
0x22: {  	[spmem:s2] =	stream.indirect.scatter.add.f32 [tilespmem:s15], [sflag:$0x2], $0x80, s31, s14, $0xb8;
	[tilespmem:$0x1CC00] =	vst v63  }
0x23: {  	_ =	swait.ge [sflag:s10], $0x4000  }
0x24: {  	s19 =	simm.s32 $0x400;
	s18 =	simm.s32 $0x200;
	[sflag:s10] =	ssyncset.done $0x0  }
.LBB2_2:
0x25: {  	s20 =	sshra.s32 s18, $0x2  }
0x26: {  	[sflag:s10] =	ssyncadd.s32 $0xFFFFC000;
	s18 =	smov.u32 s19;
	s21 =	sadd.s32 $0x200, s19  }
0x27: {  	[tilespmem:s15], [sflag:$0x1] =	stream.indirect.gather [hbm4b:s4+s14], $0x80, s20, s14, $0xb8;
	[tilespmem:$0x1CC00] =	vst v63  }
0x28: {  	p0 =	sne.s32 s19, $0x9C00;
	_ =	swait.ge [sflag:s16], $0x4000  }
.Ltmp0:
0x29: {  	[sflag:s16] =	ssyncset.done $0x0;
	(pc) =	sbr.rel @p0 .LBB2_2-.Ltmp0, $4  }
0x2a: {  	s19 =	sadd.s32 $0x2800, s20;
	[sflag:s16] =	ssyncadd.s32 $0xFFFFC000  }
0x2b: {  	[spmem:s2] =	stream.indirect.scatter.add.f32 [tilespmem:s15], [sflag:$0x2], $0x80, s19, s14, $0xb8;
	[tilespmem:$0x1CC00] =	vst v63  }
0x2c: {  	_ =	swait.ge [sflag:s10], $0x4000  }
0x2d: {  	s19 =	smov.u32 s21;
	[sflag:s10] =	ssyncset.done $0x0  }
0x2e: {  	s18 =	sshra.s32 s18, $0x2;
	[sflag:s10] =	ssyncadd.s32 $0xFFFFC000  }
0x2f: {  	[tilespmem:s15], [sflag:$0x1] =	stream.indirect.gather [hbm4b:s4+s14], $0x80, s18, s14, $0xb8;
	[tilespmem:$0x1CC00] =	vst v63  }
0x30: {  	_ =	swait.ge [sflag:s16], $0x4000  }
0x31: {  	[sflag:s16] =	ssyncset.done $0x0  }
0x32: {  	s18 =	sadd.s32 $0x2800, s18;
	[sflag:s16] =	ssyncadd.s32 $0xFFFFC000  }
0x33: {  	[spmem:s2] =	stream.indirect.scatter.add.f32 [tilespmem:s15], [sflag:$0x2], $0x80, s18, s14, $0xb8;
	[tilespmem:$0x1CC00] =	vst v63  }
0x34: {  	_ =	swait.ge [sflag:s10], $0x4000  }
0x35: {  	s17 =	sadd.s32 $0x1, s17;
	[sflag:s10] =	ssyncset.done $0x0  }
0x36: {  	p0 =	sne.s32 s17, s9;
	[sflag:s10] =	ssyncadd.s32 $0xFFFFC000  }
.Ltmp1:
0x37: {  	[bflag:$0x0] =	sbarrier.arrive $0xFFFF;
	(pc) =	sbr.rel @p0 .LBB2_1-.Ltmp1, $4  }
0x38: {  	[hbm:s8], [sflag:s12] =	dma.local [spmem:s13], $0x2780  }
0x39: {  	_ =	swait.ge [sflag:s10], $0x2780  }
0x3a: {  	[sflag:s10] =	ssyncset.done $0x0  }
0x3b: {  	[sflag:s10] =	ssyncadd.s32 $0xFFFFD880  }
0x3c: {  	_ =	sfence.sel $0x180000  }
0x3d: {  	[bflag:$0x0] =	sbarrier.arrive $0xFFFF  }
0x3e: {  	p0 =	sne.s32 s0, $0x0;
	_ =	strace $0x90000053  }
0x3f: {  	s0 =	sadd.s32 @!p0 $0x100000, s1;
	[bflag:$0x2] =	sbarrier.arrive $0xFFFF  }
0x40: {  	[sflag:s0] =	ssyncadd.tile.s32 @!p0 $0x1;
	_ =	shalt  }
.Lfunc_end2:
_tile_overlayer_lowered:
.L_overlay_start_2:
0x41: {  	(tag) =	ssettag $0x2  }
0x42: {  	s0 =	rddreg [dreg:$0x0];
	s2 =	stileid.u32  }
0x43: {  	s1 =	rddreg [dreg:$0x1];
	p0 =	sne.s32 s2, $0x0  }
0x44: {  	s3 =	rddreg [dreg:$0x2];
	[bflag:$0x3] =	sbarrier.arrive $0xFFFF;
	s2 =	simm.s32 @!p0 $0x1C02  }
0x45: {  	[timem:s3], [sflag:s2] =	dma.local @!p0 [hbm:s0], s1  }
0x46: {  	s0 =	simm.s32 @!p0 $0x2  }
0x47: {  	_ =	swait.ge @!p0 [sflag:s0], s1  }
0x48: {  	s1 =	ssub.s32 @!p0 $0x0, s1;
	[sflag:s0] =	ssyncset.done @!p0 $0x0  }
0x49: {  	[sflag:s0] =	ssyncadd.s32 @!p0 s1  }
0x4a: {  	[bflag:$0x3] =	sbarrier.arrive $0xFFFF  }
0x4b: {  	_ =	shalt  }

// kernel: kernel.36.cloned.1.call-start
scs
__scs_entry_jumppad:
0x0: {  	(pc) =	sbr.rel $0x88, $3  }
0x1: {  	(tag) =	ssettag $0x0;
	lr =	simm.s32 $0x1  }
0x2: {  	[smem:$0x3F99] =	sst lr;
	_ =	strace $0xD0000000  }
0x3: {  	_ = 	snop  }
0x4: {  	_ = 	snop  }
0x5: {  	_ = 	snop  }
0x6: {  	_ = 	snop  }
0x7: {  	_ = 	snop  }
__scs_overlays_trampoline_lowered:
0x8: {  	[smem:$0x3FA8] =	sst s0  }
0x9: {  	[smem:$0x3FA9] =	sst s1  }
0xa: {  	[smem:$0x3FAA] =	sst s2  }
0xb: {  	[smem:$0x3FAB] =	sst s3  }
0xc: {  	[smem:$0x3FAC] =	sst s4  }
0xd: {  	[smem:$0x3FAD] =	sst s5  }
0xe: {  	[smem:$0x3FAE] =	sst s6  }
0xf: {  	[smem:$0x3FAF] =	sst s7  }
0x10: {  	[smem:$0x3FB0] =	sst s8  }
0x11: {  	[smem:$0x3FB1] =	sst s9;
	s0 =	simm.s32 @!p0 $0x0  }
0x12: {  	s1 =	sld [smem:$0x3F97];
	s0 =	simm.s32 @p0 $0x1  }
0x13: {  	[smem:$0x3FB2] =	sst s0;
	s0 =	simm.s32 @!p1 $0x0  }
0x14: {  	s2 =	sld [smem:$0x3F96];
	s0 =	simm.s32 @p1 $0x1  }
0x15: {  	[smem:$0x3FB3] =	sst s0;
	s0 =	simm.s32 @!p2 $0x0  }
0x16: {  	s3 =	sld [smem:$0x3FDB];
	s0 =	simm.s32 @p2 $0x1  }
0x17: {  	s4 =	simm.s32 $0x1BF5;
	[smem:$0x3FB5] =	sst s0  }
0x18: {  	s0 =	sld [smem:$0x3F98];
	_ =	swait.ge [sflag:s4], $0x0  }
0x19: {  	s7 =	sld [smem:$0x3F99]  }
0x1a: {  	s8 =	sadd.s32 $0xFFFFE003, lr  }
0x1b: {  	s9 =	sadd.s32 $0xFFFFFEF7, lr;
	s5 =	simm.s32 $0xFFFFFFFF;
	p2 =	slt.u32 s8, $0xFFFFF086  }
0x1c: {  	p1 =	slt.u32 s9, $0xF7A;
	s5 =	simm.s32 @!p2 $0x0  }
0x1d: {  	s5 =	simm.s32 @p1 $0x1;
	p0 =	seq.s32 s7, s2  }
0x1e: {  	s7 =	smul.u32 @!p0 $0xF7A, s2;
	p2 =	seq.s32 @!p0 s5, $0x0  }
0x1f: {  	s9 =	smul.u32 $0xF7A, s1;
	s8 =	simm.s32 @!p0 $0x1BF5;
	p2 =	por !p2, p0  }
0x20: {  	[sflag:s8] =	ssyncset.s32 @!p0 $0xFFFFF086;
	s6 =	sadd.s32 @!p0 s3, s7;
	s7 =	simm.s32 @!p0 $0x108  }
0x21: {  	s3 =	sadd.s32 s3, s9;
	s6 =	sadd.s32 @!p0 $0x88, s6;
	s7 =	simm.s32 @p2 $0x1082  }
0x22: {  	[simem:s7], [sflag:s8] =	dma.local @!p0 [hbm:s6], $0xF7A  }
0x23: {  	s9 =	sor.u32 $0xD0000000, s2;
	s6 =	simm.s32 $0x108;
	_ =	swait.ge @!p0 [sflag:s8], $0x0  }
0x24: {  	s3 =	sadd.s32 $0x88, s3;
	s6 =	simm.s32 @!p1 $0x1082;
	[sflag:s4] =	ssyncset.s32 $0xFFFFF086  }
0x25: {  	[simem:s6], [sflag:s4] =	dma.local [hbm:s3], $0xF7A  }
0x26: {  	[smem:$0x3F99] =	sst s1;
	(tag) =	ssettag s2;
	_ =	strace s9  }
0x27: {  	s1 =	sld [smem:$0x3FA9]  }
0x28: {  	s2 =	sld [smem:$0x3FAA]  }
0x29: {  	s4 =	sld [smem:$0x3FAC]  }
0x2a: {  	p0 =	seq.s32 s5, $0x0;
	s5 =	sld [smem:$0x3FAD]  }
0x2b: {  	s6 =	sld [smem:$0x3FAE]  }
0x2c: {  	s7 =	sld [smem:$0x3FAF]  }
0x2d: {  	s3 =	simm.s32 $0x108;
	s8 =	sld [smem:$0x3FB0]  }
0x2e: {  	s3 =	simm.s32 @!p0 $0x1082;
	s9 =	sld [smem:$0x3FB1]  }
0x2f: {  	lr =	sadd.s32 s0, s3;
	s0 =	sld [smem:$0x3FA8]  }
0x30: {  	s3 =	sld [smem:$0x3FAB]  }
0x31: {  	[smem:$0x3FB4] =	sst s10  }
0x32: {  	s10 =	sld [smem:$0x3FB2];
	_ =	sdelay $0x3  }
0x33: {  	p0 =	seq.s32 s10, $0x1;
	s10 =	sld [smem:$0x3FB4];
	_ =	sdelay $0x3  }
0x34: {  	[smem:$0x3FB4] =	sst s10  }
0x35: {  	s10 =	sld [smem:$0x3FB3];
	_ =	sdelay $0x3  }
0x36: {  	p1 =	seq.s32 s10, $0x1;
	s10 =	sld [smem:$0x3FB4];
	_ =	sdelay $0x3  }
0x37: {  	[smem:$0x3FB4] =	sst s10  }
0x38: {  	s10 =	sld [smem:$0x3FB5]  }
0x39: {  	_ = 	snop;
	(pc) =	sbr.ind lr, $3  }
0x3a: {  	_ = 	snop  }
0x3b: {  	_ = 	snop  }
0x3c: {  	p2 =	seq.s32 s10, $0x1;
	s10 =	sld [smem:$0x3FB4]  }
0x3d: {  	_ =	shalt  }
0x3e: {  	_ =	shalt  }
0x3f: {  	_ =	shalt  }
0x40: {  	_ =	shalt  }
0x41: {  	_ =	shalt  }
0x42: {  	_ =	shalt  }
0x43: {  	_ =	shalt  }
0x44: {  	_ =	shalt  }
0x45: {  	_ =	shalt  }
0x46: {  	_ =	shalt  }
0x47: {  	_ =	shalt  }
0x48: {  	_ =	shalt  }
0x49: {  	_ =	shalt  }
0x4a: {  	_ =	shalt  }
0x4b: {  	_ =	shalt  }
0x4c: {  	_ =	shalt  }
0x4d: {  	_ =	shalt  }
0x4e: {  	_ =	shalt  }
0x4f: {  	_ =	shalt  }
0x50: {  	_ =	shalt  }
0x51: {  	_ =	shalt  }
0x52: {  	_ =	shalt  }
0x53: {  	_ =	shalt  }
0x54: {  	_ =	shalt  }
0x55: {  	_ =	shalt  }
0x56: {  	_ =	shalt  }
0x57: {  	_ =	shalt  }
0x58: {  	_ =	shalt  }
0x59: {  	_ =	shalt  }
0x5a: {  	_ =	shalt  }
0x5b: {  	_ =	shalt  }
0x5c: {  	_ =	shalt  }
0x5d: {  	_ =	shalt  }
0x5e: {  	_ =	shalt  }
0x5f: {  	_ =	shalt  }
0x60: {  	_ =	shalt  }
0x61: {  	_ =	shalt  }
0x62: {  	_ =	shalt  }
0x63: {  	_ =	shalt  }
0x64: {  	_ =	shalt  }
0x65: {  	_ =	shalt  }
0x66: {  	_ =	shalt  }
0x67: {  	_ =	shalt  }
0x68: {  	_ =	shalt  }
0x69: {  	_ =	shalt  }
0x6a: {  	_ =	shalt  }
0x6b: {  	_ =	shalt  }
0x6c: {  	_ =	shalt  }
0x6d: {  	_ =	shalt  }
0x6e: {  	_ =	shalt  }
0x6f: {  	_ =	shalt  }
0x70: {  	_ =	shalt  }
0x71: {  	_ =	shalt  }
0x72: {  	_ =	shalt  }
0x73: {  	_ =	shalt  }
0x74: {  	_ =	shalt  }
0x75: {  	_ =	shalt  }
0x76: {  	_ =	shalt  }
0x77: {  	_ =	shalt  }
0x78: {  	_ =	shalt  }
0x79: {  	_ =	shalt  }
0x7a: {  	_ =	shalt  }
0x7b: {  	_ =	shalt  }
0x7c: {  	_ =	shalt  }
0x7d: {  	_ =	shalt  }
0x7e: {  	_ =	shalt  }
0x7f: {  	_ =	shalt  }
0x80: {  	_ =	shalt  }
0x81: {  	_ =	shalt  }
0x82: {  	_ =	shalt  }
0x83: {  	_ =	shalt  }
0x84: {  	_ =	shalt  }
0x85: {  	_ =	shalt  }
0x86: {  	_ =	shalt  }
0x87: {  	_ =	shalt  }
.Lfunc_end0:
.L_simem_size_0:
called_computation.5_lowered:
.L_overlay_start_0:
0x88: {  	s2 =	sld [smem:$0x3FD9]  }
0x89: {  	s3 =	sld [smem:$0x3FFE];
	_ =	sdelay $0x1  }
0x8a: {  	s1 =	srdreg.scid  }
0x8b: {  	s0 =	sand.u32 $0x1, s1  }
0x8c: {  	s17 =	sshll.u32 s0, $0xA;
	s2 =	sadd.s32 s3, s2  }
0x8d: {  	s2 =	sadd.s32 s2, s17  }
0x8e: {  	[smem:$0x3FC0] =	sst s2  }
0x8f: {  	_ = 	snop  }
0x90: {  	s2 =	sld [smem:$0x3FD0];
	(tm) =	ssettm $0x1  }
0x91: {  	s18 =	sld [smem:$0x3FFB];
	_ =	sdelay $0x3  }
0x92: {  	_ =	strace s18  }
0x93: {  	s3 =	sld [smem:$0x3FFC];
	_ =	sdelay $0x3  }
0x94: {  	_ =	strace s3  }
0x95: {  	s3 =	sld [smem:$0x3FFD];
	_ =	sdelay $0x3  }
0x96: {  	_ =	strace s3  }
0x97: {  	_ =	strace $0x8FFFFFFF  }
0x98: {  	s19 =	sld [smem:$0x3FDB];
	_ =	sdelay $0x1  }
0x99: {  	s4 =	simm.s32 $_scs_section_size  }
0x9a: {  	s5 =	simm.s32 $_size__tile_overlayer_lowered;
	s6 =	simm.s32 $_tile_overlayer_lowered  }
0x9b: {  	s22 =	simm.s32 $0x1BFF;
	s21 =	sshll.u32 s6, $0x1;
	s3 =	sadd.s32 s4, s19  }
0x9c: {  	s7 =	simm.s32 $0x0;
	s20 =	sshll.u32 s5, $0x1;
	s5 =	sadd.s32 s21, s3  }
0x9d: {  	[timem:s7], [sflag:s22] =	dma.local [hbm:s5], s20  }
0x9e: {  	_ =	swait.ge [sflag:s22], s20  }
0x9f: {  	s4 =	ssub.s32 $0x0, s20;
	[sflag:s22] =	ssyncset.done $0x0  }
0xa0: {  	[sflag:s22] =	ssyncadd.s32 s4;
	_ =	sdelay $0x1  }
0xa1: {  	s23 =	simm.s32 $0x1B8B  }
0xa2: {  	_ =	swait.ge [sflag:s23], $0x1  }
0xa3: {  	[sflag:s23] =	ssyncset.done $0x0  }
0xa4: {  	s25 =	simm.s32 $0x1B8E;
	s24 =	sld [smem:$0x3FFE];
	[sflag:s23] =	ssyncadd.s32 $0xFFFFFFFF  }
0xa5: {  	s26 =	simm.s32 $execute0_lowered;
	[smem:$0x3FD2] =	sst s25  }
0xa6: {  	s5 =	sshll.u32 s26, $0x1;
	_ =	strace $0x80000055;
	[dreg:$0x1] =	wrdreg $0xFFFFFFFF  }
0xa7: {  	s28 =	simm.s32 $_size_execute0_lowered;
	s3 =	sadd.s32 s3, s5;
	[dreg:$0x0] =	wrdreg $0x0  }
0xa8: {  	s5 =	sshll.u32 s28, $0x1;
	[dreg:$0x2] =	wrdreg s3  }
0xa9: {  	[dreg:$0x3] =	wrdreg s5  }
0xaa: {  	[dreg:$0x4] =	wrdreg $0xC0  }
0xab: {  	_ =	task [dreg:s7], $0x5FFFF  }
0xac: {  	[dreg:$0x1] =	wrdreg $0xFFFFFFFF  }
0xad: {  	[dreg:$0x0] =	wrdreg $0x60  }
0xae: {  	[dreg:$0x2] =	wrdreg s24  }
0xaf: {  	[dreg:$0x3] =	wrdreg s2  }
0xb0: {  	[dreg:$0x4] =	wrdreg $0x90000  }
0xb1: {  	[dreg:$0x5] =	wrdreg $0x9  }
0xb2: {  	_ =	task.clear_ibuf [dreg:s7], $0x6FFFF;
	_ =	strace $0x90000055  }
0xb3: {  	s29 =	simm.s32 $0x9;
	_ =	strace $0x80000057  }
0xb4: {  	_ =	swait.ge [sflag:s29], $0x1  }
0xb5: {  	[sflag:s29] =	ssyncadd.s32 $0xFFFFFFFF  }
0xb6: {  	_ =	strace $0x90000057  }
0xb7: {  	_ =	sfence  }
0xb8: {  	s30 =	sld [smem:$0x0];
	_ =	sdelay $0x2  }
0xb9: {  	s31 =	sshll.u32 s1, $0xD;
	s1 =	sshrl.u32 s1, $0x2  }
0xba: {  	s3 =	sand.u32 $0x4000, s31;
	s1 =	sadd.s32 s1, s30  }
0xbb: {  	s0 =	sor.u32 s3, s0;
	s1 =	sshll.u32 s1, $0x11  }
0xbc: {  	s0 =	sor.u32 s1, s0  }
0xbd: {  	s0 =	sadd.s32 $0x8F2B, s0  }
0xbe: {  	[sflag:s0] =	ssyncadd.remote.s32 $0x1  }
0xbf: {  	_ =	sfence.sel $0xFFFF  }
0xc0: {  	[dreg:$0x0] =	wrdreg $0xFFFFFFFF;
	(pc) =	sbr.abs _section_cstart, $3  }
0xc1: {  	[dreg:$0x1] =	wrdreg $0xFFFFFFFF  }
0xc2: {  	_ =	task.clear_ibuf [dreg:s7], $0x2FFFF;
	_ =	strace $0x9FFFFFFF  }
0xc3: {  	(tm) =	ssettm $0x7FFFFFFF  }
tec
execute0_lowered:
.L_overlay_start_1:
0x0: {  	(tag) =	ssettag $0x1  }
0x1: {  	s5 =	rddreg [dreg:$0x0]  }
0x2: {  	s0 =	srdreg.scid;
	s6 =	rddreg [dreg:$0x1]  }
0x3: {  	s2 =	rddreg [dreg:$0x2];
	s7 =	sand.u32 $0x1, s0  }
0x4: {  	s0 =	stileid.u32;
	s4 =	smul.u32 $0x28000, s7  }
0x5: {  	s1 =	rddreg [dreg:$0x3];
	s3 =	simm.s32 $0x0;
	s8 =	smul.u32 $0x2800, s0  }
0x6: {  	s15 =	simm.s32 $0x5000;
	s16 =	simm.s32 $0x1;
	s28 =	smul.u32 $0x13C00, s0  }
0x7: {  	s17 =	simm.s32 $0x0;
	[smem:$0x7FF] =	sst s3;
	s10 =	smul.u32 $0x13C000, s7  }
0x8: {  	_ =	strace $0x80000056;
	s7 =	ssub.s32 $0x2, s7;
	s29 =	smul.u32 $0x4F000, s0  }
0x9: {  	s31 =	sshll.u32 s0, $0x6;
	s13 =	sshrl.u32 s7, $0x1;
	s4 =	sadd.s32 s8, s4  }
0xa: {  	s12 =	sshrl.u32 s28, $0x3;
	s8 =	sadd.s32 s28, s10;
	s13 =	ssub.s32 s7, s13  }
0xb: {  	s30 =	sshrl.u32 s29, $0x2;
	s10 =	simm.s32 $0x2;
	s9 =	sshrl.u32 s4, $0x3  }
0xc: {  	s4 =	sadd.s32 $0x39400, s5;
	s12 =	sadd.s32 s12, s5;
	s8 =	sshrl.u32 s8, $0x3  }
0xd: {  	s14 =	sadd.s32 s30, s2;
	s11 =	sadd.s32 s9, s5;
	s8 =	sadd.s32 s8, s5  }
0xe: {  	s5 =	sadd.s32 s6, s9;
	s7 =	sadd.s32 $0x11C00, s12;
	s9 =	smax.u32 s13, $0x1  }
0xf: {  	s12 =	sor.u32 $0x1C02, s31;
	s13 =	sshrl.u32 s14, $0x3;
	s14 =	simm.s32 $0x80  }
0x10: {  	s6 =	sadd.s32 $0x7C00, s11;
	s8 =	sadd.s32 $0xDB200, s8;
	s11 =	simm.s32 $0x2800  }
.LBB2_1:
0x11: {  	[tilespmem:s3], [sflag:$0x2] =	stream.linear.gather [hbm4b:s5+s3], $0x2780, $0x38;
	[tilespmem:$0x1CC00] =	vst v63  }
0x12: {  	_ =	swait.ge [sflag:s10], $0x2780  }
0x13: {  	[sflag:s10] =	ssyncset.done $0x0  }
0x14: {  	[sflag:s10] =	ssyncadd.s32 $0xFFFFD880  }
0x15: {  	[tilespmem:s11], [sflag:$0x2] =	stream.linear.gather [hbm4b:s6+s3], $0x2780, $0x38;
	[tilespmem:$0x1CC00] =	vst v63  }
0x16: {  	_ =	swait.ge [sflag:s10], $0x2780  }
0x17: {  	[sflag:s10] =	ssyncset.done $0x0  }
0x18: {  	[sflag:s10] =	ssyncadd.s32 $0xFFFFD880  }
0x19: {  	[spmem:s13], [sflag:s12] =	dma.local [hbm:s7], $0x2780  }
0x1a: {  	_ =	swait.ge [sflag:s10], $0x2780  }
0x1b: {  	[sflag:s10] =	ssyncset.done $0x0  }
0x1c: {  	[sflag:s10] =	ssyncadd.s32 $0xFFFFD880  }
0x1d: {  	s18 =	simm.s32 $0x0;
	[bflag:$0x0] =	sbarrier.arrive $0xFFFF  }
0x1e: {  	[tilespmem:s15], [sflag:$0x1] =	stream.indirect.gather [hbm4b:s4+s14], $0x80, s18, s14, $0xb8;
	[tilespmem:$0x1CC00] =	vst v63  }
0x1f: {  	_ =	swait.ge [sflag:s16], $0x4000  }
0x20: {  	[sflag:s16] =	ssyncset.done $0x0  }
0x21: {  	s31 =	simm.s32 $0x2800;
	[sflag:s16] =	ssyncadd.s32 $0xFFFFC000  }
0x22: {  	[spmem:s2] =	stream.indirect.scatter.add.f32 [tilespmem:s15], [sflag:$0x2], $0x80, s31, s14, $0xb8;
	[tilespmem:$0x1CC00] =	vst v63  }
0x23: {  	_ =	swait.ge [sflag:s10], $0x4000  }
0x24: {  	s19 =	simm.s32 $0x400;
	s18 =	simm.s32 $0x200;
	[sflag:s10] =	ssyncset.done $0x0  }
.LBB2_2:
0x25: {  	s20 =	sshra.s32 s18, $0x2  }
0x26: {  	[sflag:s10] =	ssyncadd.s32 $0xFFFFC000;
	s18 =	smov.u32 s19;
	s21 =	sadd.s32 $0x200, s19  }
0x27: {  	[tilespmem:s15], [sflag:$0x1] =	stream.indirect.gather [hbm4b:s4+s14], $0x80, s20, s14, $0xb8;
	[tilespmem:$0x1CC00] =	vst v63  }
0x28: {  	p0 =	sne.s32 s19, $0x9C00;
	_ =	swait.ge [sflag:s16], $0x4000  }
.Ltmp0:
0x29: {  	[sflag:s16] =	ssyncset.done $0x0;
	(pc) =	sbr.rel @p0 .LBB2_2-.Ltmp0, $4  }
0x2a: {  	s19 =	sadd.s32 $0x2800, s20;
	[sflag:s16] =	ssyncadd.s32 $0xFFFFC000  }
0x2b: {  	[spmem:s2] =	stream.indirect.scatter.add.f32 [tilespmem:s15], [sflag:$0x2], $0x80, s19, s14, $0xb8;
	[tilespmem:$0x1CC00] =	vst v63  }
0x2c: {  	_ =	swait.ge [sflag:s10], $0x4000  }
0x2d: {  	s19 =	smov.u32 s21;
	[sflag:s10] =	ssyncset.done $0x0  }
0x2e: {  	s18 =	sshra.s32 s18, $0x2;
	[sflag:s10] =	ssyncadd.s32 $0xFFFFC000  }
0x2f: {  	[tilespmem:s15], [sflag:$0x1] =	stream.indirect.gather [hbm4b:s4+s14], $0x80, s18, s14, $0xb8;
	[tilespmem:$0x1CC00] =	vst v63  }
0x30: {  	_ =	swait.ge [sflag:s16], $0x4000  }
0x31: {  	[sflag:s16] =	ssyncset.done $0x0  }
0x32: {  	s18 =	sadd.s32 $0x2800, s18;
	[sflag:s16] =	ssyncadd.s32 $0xFFFFC000  }
0x33: {  	[spmem:s2] =	stream.indirect.scatter.add.f32 [tilespmem:s15], [sflag:$0x2], $0x80, s18, s14, $0xb8;
	[tilespmem:$0x1CC00] =	vst v63  }
0x34: {  	_ =	swait.ge [sflag:s10], $0x4000  }
0x35: {  	s17 =	sadd.s32 $0x1, s17;
	[sflag:s10] =	ssyncset.done $0x0  }
0x36: {  	p0 =	sne.s32 s17, s9;
	[sflag:s10] =	ssyncadd.s32 $0xFFFFC000  }
.Ltmp1:
0x37: {  	[bflag:$0x0] =	sbarrier.arrive $0xFFFF;
	(pc) =	sbr.rel @p0 .LBB2_1-.Ltmp1, $4  }
0x38: {  	[hbm:s8], [sflag:s12] =	dma.local [spmem:s13], $0x2780  }
0x39: {  	_ =	swait.ge [sflag:s10], $0x2780  }
0x3a: {  	[sflag:s10] =	ssyncset.done $0x0  }
0x3b: {  	[sflag:s10] =	ssyncadd.s32 $0xFFFFD880  }
0x3c: {  	_ =	sfence.sel $0x180000  }
0x3d: {  	[bflag:$0x0] =	sbarrier.arrive $0xFFFF  }
0x3e: {  	p0 =	sne.s32 s0, $0x0;
	_ =	strace $0x90000056  }
0x3f: {  	s0 =	sadd.s32 @!p0 $0x100000, s1;
	[bflag:$0x2] =	sbarrier.arrive $0xFFFF  }
0x40: {  	[sflag:s0] =	ssyncadd.tile.s32 @!p0 $0x1;
	_ =	shalt  }
.Lfunc_end2:
_tile_overlayer_lowered:
.L_overlay_start_2:
0x41: {  	(tag) =	ssettag $0x2  }
0x42: {  	s0 =	rddreg [dreg:$0x0];
	s2 =	stileid.u32  }
0x43: {  	s1 =	rddreg [dreg:$0x1];
	p0 =	sne.s32 s2, $0x0  }
0x44: {  	s3 =	rddreg [dreg:$0x2];
	[bflag:$0x3] =	sbarrier.arrive $0xFFFF;
	s2 =	simm.s32 @!p0 $0x1C02  }
0x45: {  	[timem:s3], [sflag:s2] =	dma.local @!p0 [hbm:s0], s1  }
0x46: {  	s0 =	simm.s32 @!p0 $0x2  }
0x47: {  	_ =	swait.ge @!p0 [sflag:s0], s1  }
0x48: {  	s1 =	ssub.s32 @!p0 $0x0, s1;
	[sflag:s0] =	ssyncset.done @!p0 $0x0  }
0x49: {  	[sflag:s0] =	ssyncadd.s32 @!p0 s1  }
0x4a: {  	[bflag:$0x3] =	sbarrier.arrive $0xFFFF  }
0x4b: {  	_ =	shalt  }

// kernel: kernel.39.cloned.1.call-start
scs
__scs_entry_jumppad:
0x0: {  	(pc) =	sbr.rel $0x88, $3  }
0x1: {  	(tag) =	ssettag $0x0;
	lr =	simm.s32 $0x1  }
0x2: {  	[smem:$0x3F99] =	sst lr;
	_ =	strace $0xD0000000  }
0x3: {  	_ = 	snop  }
0x4: {  	_ = 	snop  }
0x5: {  	_ = 	snop  }
0x6: {  	_ = 	snop  }
0x7: {  	_ = 	snop  }
__scs_overlays_trampoline_lowered:
0x8: {  	[smem:$0x3FA8] =	sst s0  }
0x9: {  	[smem:$0x3FA9] =	sst s1  }
0xa: {  	[smem:$0x3FAA] =	sst s2  }
0xb: {  	[smem:$0x3FAB] =	sst s3  }
0xc: {  	[smem:$0x3FAC] =	sst s4  }
0xd: {  	[smem:$0x3FAD] =	sst s5  }
0xe: {  	[smem:$0x3FAE] =	sst s6  }
0xf: {  	[smem:$0x3FAF] =	sst s7  }
0x10: {  	[smem:$0x3FB0] =	sst s8  }
0x11: {  	[smem:$0x3FB1] =	sst s9;
	s0 =	simm.s32 @!p0 $0x0  }
0x12: {  	s1 =	sld [smem:$0x3F97];
	s0 =	simm.s32 @p0 $0x1  }
0x13: {  	[smem:$0x3FB2] =	sst s0;
	s0 =	simm.s32 @!p1 $0x0  }
0x14: {  	s2 =	sld [smem:$0x3F96];
	s0 =	simm.s32 @p1 $0x1  }
0x15: {  	[smem:$0x3FB3] =	sst s0;
	s0 =	simm.s32 @!p2 $0x0  }
0x16: {  	s3 =	sld [smem:$0x3FDB];
	s0 =	simm.s32 @p2 $0x1  }
0x17: {  	s4 =	simm.s32 $0x1BF5;
	[smem:$0x3FB5] =	sst s0  }
0x18: {  	s0 =	sld [smem:$0x3F98];
	_ =	swait.ge [sflag:s4], $0x0  }
0x19: {  	s7 =	sld [smem:$0x3F99]  }
0x1a: {  	s8 =	sadd.s32 $0xFFFFE003, lr  }
0x1b: {  	s9 =	sadd.s32 $0xFFFFFEF7, lr;
	s5 =	simm.s32 $0xFFFFFFFF;
	p2 =	slt.u32 s8, $0xFFFFF086  }
0x1c: {  	p1 =	slt.u32 s9, $0xF7A;
	s5 =	simm.s32 @!p2 $0x0  }
0x1d: {  	s5 =	simm.s32 @p1 $0x1;
	p0 =	seq.s32 s7, s2  }
0x1e: {  	s7 =	smul.u32 @!p0 $0xF7A, s2;
	p2 =	seq.s32 @!p0 s5, $0x0  }
0x1f: {  	s9 =	smul.u32 $0xF7A, s1;
	s8 =	simm.s32 @!p0 $0x1BF5;
	p2 =	por !p2, p0  }
0x20: {  	[sflag:s8] =	ssyncset.s32 @!p0 $0xFFFFF086;
	s6 =	sadd.s32 @!p0 s3, s7;
	s7 =	simm.s32 @!p0 $0x108  }
0x21: {  	s3 =	sadd.s32 s3, s9;
	s6 =	sadd.s32 @!p0 $0x88, s6;
	s7 =	simm.s32 @p2 $0x1082  }
0x22: {  	[simem:s7], [sflag:s8] =	dma.local @!p0 [hbm:s6], $0xF7A  }
0x23: {  	s9 =	sor.u32 $0xD0000000, s2;
	s6 =	simm.s32 $0x108;
	_ =	swait.ge @!p0 [sflag:s8], $0x0  }
0x24: {  	s3 =	sadd.s32 $0x88, s3;
	s6 =	simm.s32 @!p1 $0x1082;
	[sflag:s4] =	ssyncset.s32 $0xFFFFF086  }
0x25: {  	[simem:s6], [sflag:s4] =	dma.local [hbm:s3], $0xF7A  }
0x26: {  	[smem:$0x3F99] =	sst s1;
	(tag) =	ssettag s2;
	_ =	strace s9  }
0x27: {  	s1 =	sld [smem:$0x3FA9]  }
0x28: {  	s2 =	sld [smem:$0x3FAA]  }
0x29: {  	s4 =	sld [smem:$0x3FAC]  }
0x2a: {  	p0 =	seq.s32 s5, $0x0;
	s5 =	sld [smem:$0x3FAD]  }
0x2b: {  	s6 =	sld [smem:$0x3FAE]  }
0x2c: {  	s7 =	sld [smem:$0x3FAF]  }
0x2d: {  	s3 =	simm.s32 $0x108;
	s8 =	sld [smem:$0x3FB0]  }
0x2e: {  	s3 =	simm.s32 @!p0 $0x1082;
	s9 =	sld [smem:$0x3FB1]  }
0x2f: {  	lr =	sadd.s32 s0, s3;
	s0 =	sld [smem:$0x3FA8]  }
0x30: {  	s3 =	sld [smem:$0x3FAB]  }
0x31: {  	[smem:$0x3FB4] =	sst s10  }
0x32: {  	s10 =	sld [smem:$0x3FB2];
	_ =	sdelay $0x3  }
0x33: {  	p0 =	seq.s32 s10, $0x1;
	s10 =	sld [smem:$0x3FB4];
	_ =	sdelay $0x3  }
0x34: {  	[smem:$0x3FB4] =	sst s10  }
0x35: {  	s10 =	sld [smem:$0x3FB3];
	_ =	sdelay $0x3  }
0x36: {  	p1 =	seq.s32 s10, $0x1;
	s10 =	sld [smem:$0x3FB4];
	_ =	sdelay $0x3  }
0x37: {  	[smem:$0x3FB4] =	sst s10  }
0x38: {  	s10 =	sld [smem:$0x3FB5]  }
0x39: {  	_ = 	snop;
	(pc) =	sbr.ind lr, $3  }
0x3a: {  	_ = 	snop  }
0x3b: {  	_ = 	snop  }
0x3c: {  	p2 =	seq.s32 s10, $0x1;
	s10 =	sld [smem:$0x3FB4]  }
0x3d: {  	_ =	shalt  }
0x3e: {  	_ =	shalt  }
0x3f: {  	_ =	shalt  }
0x40: {  	_ =	shalt  }
0x41: {  	_ =	shalt  }
0x42: {  	_ =	shalt  }
0x43: {  	_ =	shalt  }
0x44: {  	_ =	shalt  }
0x45: {  	_ =	shalt  }
0x46: {  	_ =	shalt  }
0x47: {  	_ =	shalt  }
0x48: {  	_ =	shalt  }
0x49: {  	_ =	shalt  }
0x4a: {  	_ =	shalt  }
0x4b: {  	_ =	shalt  }
0x4c: {  	_ =	shalt  }
0x4d: {  	_ =	shalt  }
0x4e: {  	_ =	shalt  }
0x4f: {  	_ =	shalt  }
0x50: {  	_ =	shalt  }
0x51: {  	_ =	shalt  }
0x52: {  	_ =	shalt  }
0x53: {  	_ =	shalt  }
0x54: {  	_ =	shalt  }
0x55: {  	_ =	shalt  }
0x56: {  	_ =	shalt  }
0x57: {  	_ =	shalt  }
0x58: {  	_ =	shalt  }
0x59: {  	_ =	shalt  }
0x5a: {  	_ =	shalt  }
0x5b: {  	_ =	shalt  }
0x5c: {  	_ =	shalt  }
0x5d: {  	_ =	shalt  }
0x5e: {  	_ =	shalt  }
0x5f: {  	_ =	shalt  }
0x60: {  	_ =	shalt  }
0x61: {  	_ =	shalt  }
0x62: {  	_ =	shalt  }
0x63: {  	_ =	shalt  }
0x64: {  	_ =	shalt  }
0x65: {  	_ =	shalt  }
0x66: {  	_ =	shalt  }
0x67: {  	_ =	shalt  }
0x68: {  	_ =	shalt  }
0x69: {  	_ =	shalt  }
0x6a: {  	_ =	shalt  }
0x6b: {  	_ =	shalt  }
0x6c: {  	_ =	shalt  }
0x6d: {  	_ =	shalt  }
0x6e: {  	_ =	shalt  }
0x6f: {  	_ =	shalt  }
0x70: {  	_ =	shalt  }
0x71: {  	_ =	shalt  }
0x72: {  	_ =	shalt  }
0x73: {  	_ =	shalt  }
0x74: {  	_ =	shalt  }
0x75: {  	_ =	shalt  }
0x76: {  	_ =	shalt  }
0x77: {  	_ =	shalt  }
0x78: {  	_ =	shalt  }
0x79: {  	_ =	shalt  }
0x7a: {  	_ =	shalt  }
0x7b: {  	_ =	shalt  }
0x7c: {  	_ =	shalt  }
0x7d: {  	_ =	shalt  }
0x7e: {  	_ =	shalt  }
0x7f: {  	_ =	shalt  }
0x80: {  	_ =	shalt  }
0x81: {  	_ =	shalt  }
0x82: {  	_ =	shalt  }
0x83: {  	_ =	shalt  }
0x84: {  	_ =	shalt  }
0x85: {  	_ =	shalt  }
0x86: {  	_ =	shalt  }
0x87: {  	_ =	shalt  }
.Lfunc_end0:
.L_simem_size_0:
called_computation.6_lowered:
.L_overlay_start_0:
0x88: {  	s2 =	sld [smem:$0x3FD9]  }
0x89: {  	s3 =	sld [smem:$0x3FFE];
	_ =	sdelay $0x1  }
0x8a: {  	s1 =	srdreg.scid  }
0x8b: {  	s0 =	sand.u32 $0x1, s1  }
0x8c: {  	s17 =	sshll.u32 s0, $0xA;
	s2 =	sadd.s32 s3, s2  }
0x8d: {  	s2 =	sadd.s32 s2, s17  }
0x8e: {  	[smem:$0x3FC0] =	sst s2  }
0x8f: {  	_ = 	snop  }
0x90: {  	s2 =	sld [smem:$0x3FD0];
	(tm) =	ssettm $0x1  }
0x91: {  	s18 =	sld [smem:$0x3FFB];
	_ =	sdelay $0x3  }
0x92: {  	_ =	strace s18  }
0x93: {  	s3 =	sld [smem:$0x3FFC];
	_ =	sdelay $0x3  }
0x94: {  	_ =	strace s3  }
0x95: {  	s3 =	sld [smem:$0x3FFD];
	_ =	sdelay $0x3  }
0x96: {  	_ =	strace s3  }
0x97: {  	_ =	strace $0x8FFFFFFF  }
0x98: {  	s19 =	sld [smem:$0x3FDB];
	_ =	sdelay $0x1  }
0x99: {  	s4 =	simm.s32 $_scs_section_size  }
0x9a: {  	s5 =	simm.s32 $_size__tile_overlayer_lowered;
	s6 =	simm.s32 $_tile_overlayer_lowered  }
0x9b: {  	s22 =	simm.s32 $0x1BFF;
	s21 =	sshll.u32 s6, $0x1;
	s3 =	sadd.s32 s4, s19  }
0x9c: {  	s7 =	simm.s32 $0x0;
	s20 =	sshll.u32 s5, $0x1;
	s5 =	sadd.s32 s21, s3  }
0x9d: {  	[timem:s7], [sflag:s22] =	dma.local [hbm:s5], s20  }
0x9e: {  	_ =	swait.ge [sflag:s22], s20  }
0x9f: {  	s4 =	ssub.s32 $0x0, s20;
	[sflag:s22] =	ssyncset.done $0x0  }
0xa0: {  	[sflag:s22] =	ssyncadd.s32 s4;
	_ =	sdelay $0x1  }
0xa1: {  	s23 =	simm.s32 $0x1B8B  }
0xa2: {  	_ =	swait.ge [sflag:s23], $0x1  }
0xa3: {  	[sflag:s23] =	ssyncset.done $0x0  }
0xa4: {  	s25 =	simm.s32 $0x1B8E;
	s24 =	sld [smem:$0x3FFE];
	[sflag:s23] =	ssyncadd.s32 $0xFFFFFFFF  }
0xa5: {  	s26 =	simm.s32 $execute0_lowered;
	[smem:$0x3FD2] =	sst s25  }
0xa6: {  	s5 =	sshll.u32 s26, $0x1;
	_ =	strace $0x80000058;
	[dreg:$0x1] =	wrdreg $0xFFFFFFFF  }
0xa7: {  	s28 =	simm.s32 $_size_execute0_lowered;
	s3 =	sadd.s32 s3, s5;
	[dreg:$0x0] =	wrdreg $0x0  }
0xa8: {  	s5 =	sshll.u32 s28, $0x1;
	[dreg:$0x2] =	wrdreg s3  }
0xa9: {  	[dreg:$0x3] =	wrdreg s5  }
0xaa: {  	[dreg:$0x4] =	wrdreg $0xC0  }
0xab: {  	_ =	task [dreg:s7], $0x5FFFF  }
0xac: {  	[dreg:$0x1] =	wrdreg $0xFFFFFFFF  }
0xad: {  	[dreg:$0x0] =	wrdreg $0x60  }
0xae: {  	[dreg:$0x2] =	wrdreg s24  }
0xaf: {  	[dreg:$0x3] =	wrdreg s2  }
0xb0: {  	[dreg:$0x4] =	wrdreg $0x90000  }
0xb1: {  	[dreg:$0x5] =	wrdreg $0x9  }
0xb2: {  	_ =	task.clear_ibuf [dreg:s7], $0x6FFFF;
	_ =	strace $0x90000058  }
0xb3: {  	s29 =	simm.s32 $0x9;
	_ =	strace $0x8000005A  }
0xb4: {  	_ =	swait.ge [sflag:s29], $0x1  }
0xb5: {  	[sflag:s29] =	ssyncadd.s32 $0xFFFFFFFF  }
0xb6: {  	_ =	strace $0x9000005A  }
0xb7: {  	_ =	sfence  }
0xb8: {  	s30 =	sld [smem:$0x0];
	_ =	sdelay $0x2  }
0xb9: {  	s31 =	sshll.u32 s1, $0xD;
	s1 =	sshrl.u32 s1, $0x2  }
0xba: {  	s3 =	sand.u32 $0x4000, s31;
	s1 =	sadd.s32 s1, s30  }
0xbb: {  	s0 =	sor.u32 s3, s0;
	s1 =	sshll.u32 s1, $0x11  }
0xbc: {  	s0 =	sor.u32 s1, s0  }
0xbd: {  	s0 =	sadd.s32 $0x8F2B, s0  }
0xbe: {  	[sflag:s0] =	ssyncadd.remote.s32 $0x1  }
0xbf: {  	_ =	sfence.sel $0xFFFF  }
0xc0: {  	[dreg:$0x0] =	wrdreg $0xFFFFFFFF;
	(pc) =	sbr.abs _section_cstart, $3  }
0xc1: {  	[dreg:$0x1] =	wrdreg $0xFFFFFFFF  }
0xc2: {  	_ =	task.clear_ibuf [dreg:s7], $0x2FFFF;
	_ =	strace $0x9FFFFFFF  }
0xc3: {  	(tm) =	ssettm $0x7FFFFFFF  }
tec
execute0_lowered:
.L_overlay_start_1:
0x0: {  	(tag) =	ssettag $0x1  }
0x1: {  	s5 =	rddreg [dreg:$0x0]  }
0x2: {  	s0 =	srdreg.scid;
	s6 =	rddreg [dreg:$0x1]  }
0x3: {  	s2 =	rddreg [dreg:$0x2];
	s7 =	sand.u32 $0x1, s0  }
0x4: {  	s0 =	stileid.u32;
	s4 =	smul.u32 $0x28000, s7  }
0x5: {  	s1 =	rddreg [dreg:$0x3];
	s3 =	simm.s32 $0x0;
	s8 =	smul.u32 $0x2800, s0  }
0x6: {  	s15 =	simm.s32 $0x5000;
	s16 =	simm.s32 $0x1;
	s28 =	smul.u32 $0x13C00, s0  }
0x7: {  	s17 =	simm.s32 $0x0;
	[smem:$0x7FF] =	sst s3;
	s10 =	smul.u32 $0x13C000, s7  }
0x8: {  	_ =	strace $0x80000059;
	s7 =	ssub.s32 $0x2, s7;
	s29 =	smul.u32 $0x4F000, s0  }
0x9: {  	s31 =	sshll.u32 s0, $0x6;
	s13 =	sshrl.u32 s7, $0x1;
	s4 =	sadd.s32 s8, s4  }
0xa: {  	s12 =	sshrl.u32 s28, $0x3;
	s8 =	sadd.s32 s28, s10;
	s13 =	ssub.s32 s7, s13  }
0xb: {  	s30 =	sshrl.u32 s29, $0x2;
	s10 =	simm.s32 $0x2;
	s9 =	sshrl.u32 s4, $0x3  }
0xc: {  	s4 =	sadd.s32 $0x39400, s5;
	s12 =	sadd.s32 s12, s5;
	s8 =	sshrl.u32 s8, $0x3  }
0xd: {  	s14 =	sadd.s32 s30, s2;
	s11 =	sadd.s32 s9, s5;
	s8 =	sadd.s32 s8, s5  }
0xe: {  	s5 =	sadd.s32 s6, s9;
	s7 =	sadd.s32 $0x11C00, s12;
	s9 =	smax.u32 s13, $0x1  }
0xf: {  	s12 =	sor.u32 $0x1C02, s31;
	s13 =	sshrl.u32 s14, $0x3;
	s14 =	simm.s32 $0x80  }
0x10: {  	s6 =	sadd.s32 $0x7C00, s11;
	s8 =	sadd.s32 $0xDB200, s8;
	s11 =	simm.s32 $0x2800  }
.LBB2_1:
0x11: {  	[tilespmem:s3], [sflag:$0x2] =	stream.linear.gather [hbm4b:s5+s3], $0x2780, $0x38;
	[tilespmem:$0x1CC00] =	vst v63  }
0x12: {  	_ =	swait.ge [sflag:s10], $0x2780  }
0x13: {  	[sflag:s10] =	ssyncset.done $0x0  }
0x14: {  	[sflag:s10] =	ssyncadd.s32 $0xFFFFD880  }
0x15: {  	[tilespmem:s11], [sflag:$0x2] =	stream.linear.gather [hbm4b:s6+s3], $0x2780, $0x38;
	[tilespmem:$0x1CC00] =	vst v63  }
0x16: {  	_ =	swait.ge [sflag:s10], $0x2780  }
0x17: {  	[sflag:s10] =	ssyncset.done $0x0  }
0x18: {  	[sflag:s10] =	ssyncadd.s32 $0xFFFFD880  }
0x19: {  	[spmem:s13], [sflag:s12] =	dma.local [hbm:s7], $0x2780  }
0x1a: {  	_ =	swait.ge [sflag:s10], $0x2780  }
0x1b: {  	[sflag:s10] =	ssyncset.done $0x0  }
0x1c: {  	[sflag:s10] =	ssyncadd.s32 $0xFFFFD880  }
0x1d: {  	s18 =	simm.s32 $0x0;
	[bflag:$0x0] =	sbarrier.arrive $0xFFFF  }
0x1e: {  	[tilespmem:s15], [sflag:$0x1] =	stream.indirect.gather [hbm4b:s4+s14], $0x80, s18, s14, $0xb8;
	[tilespmem:$0x1CC00] =	vst v63  }
0x1f: {  	_ =	swait.ge [sflag:s16], $0x4000  }
0x20: {  	[sflag:s16] =	ssyncset.done $0x0  }
0x21: {  	s31 =	simm.s32 $0x2800;
	[sflag:s16] =	ssyncadd.s32 $0xFFFFC000  }
0x22: {  	[spmem:s2] =	stream.indirect.scatter.add.f32 [tilespmem:s15], [sflag:$0x2], $0x80, s31, s14, $0xb8;
	[tilespmem:$0x1CC00] =	vst v63  }
0x23: {  	_ =	swait.ge [sflag:s10], $0x4000  }
0x24: {  	s19 =	simm.s32 $0x400;
	s18 =	simm.s32 $0x200;
	[sflag:s10] =	ssyncset.done $0x0  }
.LBB2_2:
0x25: {  	s20 =	sshra.s32 s18, $0x2  }
0x26: {  	[sflag:s10] =	ssyncadd.s32 $0xFFFFC000;
	s18 =	smov.u32 s19;
	s21 =	sadd.s32 $0x200, s19  }
0x27: {  	[tilespmem:s15], [sflag:$0x1] =	stream.indirect.gather [hbm4b:s4+s14], $0x80, s20, s14, $0xb8;
	[tilespmem:$0x1CC00] =	vst v63  }
0x28: {  	p0 =	sne.s32 s19, $0x9C00;
	_ =	swait.ge [sflag:s16], $0x4000  }
.Ltmp0:
0x29: {  	[sflag:s16] =	ssyncset.done $0x0;
	(pc) =	sbr.rel @p0 .LBB2_2-.Ltmp0, $4  }
0x2a: {  	s19 =	sadd.s32 $0x2800, s20;
	[sflag:s16] =	ssyncadd.s32 $0xFFFFC000  }
0x2b: {  	[spmem:s2] =	stream.indirect.scatter.add.f32 [tilespmem:s15], [sflag:$0x2], $0x80, s19, s14, $0xb8;
	[tilespmem:$0x1CC00] =	vst v63  }
0x2c: {  	_ =	swait.ge [sflag:s10], $0x4000  }
0x2d: {  	s19 =	smov.u32 s21;
	[sflag:s10] =	ssyncset.done $0x0  }
0x2e: {  	s18 =	sshra.s32 s18, $0x2;
	[sflag:s10] =	ssyncadd.s32 $0xFFFFC000  }
0x2f: {  	[tilespmem:s15], [sflag:$0x1] =	stream.indirect.gather [hbm4b:s4+s14], $0x80, s18, s14, $0xb8;
	[tilespmem:$0x1CC00] =	vst v63  }
0x30: {  	_ =	swait.ge [sflag:s16], $0x4000  }
0x31: {  	[sflag:s16] =	ssyncset.done $0x0  }
0x32: {  	s18 =	sadd.s32 $0x2800, s18;
	[sflag:s16] =	ssyncadd.s32 $0xFFFFC000  }
0x33: {  	[spmem:s2] =	stream.indirect.scatter.add.f32 [tilespmem:s15], [sflag:$0x2], $0x80, s18, s14, $0xb8;
	[tilespmem:$0x1CC00] =	vst v63  }
0x34: {  	_ =	swait.ge [sflag:s10], $0x4000  }
0x35: {  	s17 =	sadd.s32 $0x1, s17;
	[sflag:s10] =	ssyncset.done $0x0  }
0x36: {  	p0 =	sne.s32 s17, s9;
	[sflag:s10] =	ssyncadd.s32 $0xFFFFC000  }
.Ltmp1:
0x37: {  	[bflag:$0x0] =	sbarrier.arrive $0xFFFF;
	(pc) =	sbr.rel @p0 .LBB2_1-.Ltmp1, $4  }
0x38: {  	[hbm:s8], [sflag:s12] =	dma.local [spmem:s13], $0x2780  }
0x39: {  	_ =	swait.ge [sflag:s10], $0x2780  }
0x3a: {  	[sflag:s10] =	ssyncset.done $0x0  }
0x3b: {  	[sflag:s10] =	ssyncadd.s32 $0xFFFFD880  }
0x3c: {  	_ =	sfence.sel $0x180000  }
0x3d: {  	[bflag:$0x0] =	sbarrier.arrive $0xFFFF  }
0x3e: {  	p0 =	sne.s32 s0, $0x0;
	_ =	strace $0x90000059  }
0x3f: {  	s0 =	sadd.s32 @!p0 $0x100000, s1;
	[bflag:$0x2] =	sbarrier.arrive $0xFFFF  }
0x40: {  	[sflag:s0] =	ssyncadd.tile.s32 @!p0 $0x1;
	_ =	shalt  }
.Lfunc_end2:
_tile_overlayer_lowered:
.L_overlay_start_2:
0x41: {  	(tag) =	ssettag $0x2  }
0x42: {  	s0 =	rddreg [dreg:$0x0];
	s2 =	stileid.u32  }
0x43: {  	s1 =	rddreg [dreg:$0x1];
	p0 =	sne.s32 s2, $0x0  }
0x44: {  	s3 =	rddreg [dreg:$0x2];
	[bflag:$0x3] =	sbarrier.arrive $0xFFFF;
	s2 =	simm.s32 @!p0 $0x1C02  }
0x45: {  	[timem:s3], [sflag:s2] =	dma.local @!p0 [hbm:s0], s1  }
0x46: {  	s0 =	simm.s32 @!p0 $0x2  }
0x47: {  	_ =	swait.ge @!p0 [sflag:s0], s1  }
0x48: {  	s1 =	ssub.s32 @!p0 $0x0, s1;
	[sflag:s0] =	ssyncset.done @!p0 $0x0  }
0x49: {  	[sflag:s0] =	ssyncadd.s32 @!p0 s1  }
0x4a: {  	[bflag:$0x3] =	sbarrier.arrive $0xFFFF  }
0x4b: {  	_ =	shalt  }

// kernel: kernel.42.cloned.1.call-start
scs
__scs_entry_jumppad:
0x0: {  	(pc) =	sbr.rel $0x88, $3  }
0x1: {  	(tag) =	ssettag $0x0;
	lr =	simm.s32 $0x1  }
0x2: {  	[smem:$0x3F99] =	sst lr;
	_ =	strace $0xD0000000  }
0x3: {  	_ = 	snop  }
0x4: {  	_ = 	snop  }
0x5: {  	_ = 	snop  }
0x6: {  	_ = 	snop  }
0x7: {  	_ = 	snop  }
__scs_overlays_trampoline_lowered:
0x8: {  	[smem:$0x3FA8] =	sst s0  }
0x9: {  	[smem:$0x3FA9] =	sst s1  }
0xa: {  	[smem:$0x3FAA] =	sst s2  }
0xb: {  	[smem:$0x3FAB] =	sst s3  }
0xc: {  	[smem:$0x3FAC] =	sst s4  }
0xd: {  	[smem:$0x3FAD] =	sst s5  }
0xe: {  	[smem:$0x3FAE] =	sst s6  }
0xf: {  	[smem:$0x3FAF] =	sst s7  }
0x10: {  	[smem:$0x3FB0] =	sst s8  }
0x11: {  	[smem:$0x3FB1] =	sst s9;
	s0 =	simm.s32 @!p0 $0x0  }
0x12: {  	s1 =	sld [smem:$0x3F97];
	s0 =	simm.s32 @p0 $0x1  }
0x13: {  	[smem:$0x3FB2] =	sst s0;
	s0 =	simm.s32 @!p1 $0x0  }
0x14: {  	s2 =	sld [smem:$0x3F96];
	s0 =	simm.s32 @p1 $0x1  }
0x15: {  	[smem:$0x3FB3] =	sst s0;
	s0 =	simm.s32 @!p2 $0x0  }
0x16: {  	s3 =	sld [smem:$0x3FDB];
	s0 =	simm.s32 @p2 $0x1  }
0x17: {  	s4 =	simm.s32 $0x1BF5;
	[smem:$0x3FB5] =	sst s0  }
0x18: {  	s0 =	sld [smem:$0x3F98];
	_ =	swait.ge [sflag:s4], $0x0  }
0x19: {  	s7 =	sld [smem:$0x3F99]  }
0x1a: {  	s8 =	sadd.s32 $0xFFFFE003, lr  }
0x1b: {  	s9 =	sadd.s32 $0xFFFFFEF7, lr;
	s5 =	simm.s32 $0xFFFFFFFF;
	p2 =	slt.u32 s8, $0xFFFFF086  }
0x1c: {  	p1 =	slt.u32 s9, $0xF7A;
	s5 =	simm.s32 @!p2 $0x0  }
0x1d: {  	s5 =	simm.s32 @p1 $0x1;
	p0 =	seq.s32 s7, s2  }
0x1e: {  	s7 =	smul.u32 @!p0 $0xF7A, s2;
	p2 =	seq.s32 @!p0 s5, $0x0  }
0x1f: {  	s9 =	smul.u32 $0xF7A, s1;
	s8 =	simm.s32 @!p0 $0x1BF5;
	p2 =	por !p2, p0  }
0x20: {  	[sflag:s8] =	ssyncset.s32 @!p0 $0xFFFFF086;
	s6 =	sadd.s32 @!p0 s3, s7;
	s7 =	simm.s32 @!p0 $0x108  }
0x21: {  	s3 =	sadd.s32 s3, s9;
	s6 =	sadd.s32 @!p0 $0x88, s6;
	s7 =	simm.s32 @p2 $0x1082  }
0x22: {  	[simem:s7], [sflag:s8] =	dma.local @!p0 [hbm:s6], $0xF7A  }
0x23: {  	s9 =	sor.u32 $0xD0000000, s2;
	s6 =	simm.s32 $0x108;
	_ =	swait.ge @!p0 [sflag:s8], $0x0  }
0x24: {  	s3 =	sadd.s32 $0x88, s3;
	s6 =	simm.s32 @!p1 $0x1082;
	[sflag:s4] =	ssyncset.s32 $0xFFFFF086  }
0x25: {  	[simem:s6], [sflag:s4] =	dma.local [hbm:s3], $0xF7A  }
0x26: {  	[smem:$0x3F99] =	sst s1;
	(tag) =	ssettag s2;
	_ =	strace s9  }
0x27: {  	s1 =	sld [smem:$0x3FA9]  }
0x28: {  	s2 =	sld [smem:$0x3FAA]  }
0x29: {  	s4 =	sld [smem:$0x3FAC]  }
0x2a: {  	p0 =	seq.s32 s5, $0x0;
	s5 =	sld [smem:$0x3FAD]  }
0x2b: {  	s6 =	sld [smem:$0x3FAE]  }
0x2c: {  	s7 =	sld [smem:$0x3FAF]  }
0x2d: {  	s3 =	simm.s32 $0x108;
	s8 =	sld [smem:$0x3FB0]  }
0x2e: {  	s3 =	simm.s32 @!p0 $0x1082;
	s9 =	sld [smem:$0x3FB1]  }
0x2f: {  	lr =	sadd.s32 s0, s3;
	s0 =	sld [smem:$0x3FA8]  }
0x30: {  	s3 =	sld [smem:$0x3FAB]  }
0x31: {  	[smem:$0x3FB4] =	sst s10  }
0x32: {  	s10 =	sld [smem:$0x3FB2];
	_ =	sdelay $0x3  }
0x33: {  	p0 =	seq.s32 s10, $0x1;
	s10 =	sld [smem:$0x3FB4];
	_ =	sdelay $0x3  }
0x34: {  	[smem:$0x3FB4] =	sst s10  }
0x35: {  	s10 =	sld [smem:$0x3FB3];
	_ =	sdelay $0x3  }
0x36: {  	p1 =	seq.s32 s10, $0x1;
	s10 =	sld [smem:$0x3FB4];
	_ =	sdelay $0x3  }
0x37: {  	[smem:$0x3FB4] =	sst s10  }
0x38: {  	s10 =	sld [smem:$0x3FB5]  }
0x39: {  	_ = 	snop;
	(pc) =	sbr.ind lr, $3  }
0x3a: {  	_ = 	snop  }
0x3b: {  	_ = 	snop  }
0x3c: {  	p2 =	seq.s32 s10, $0x1;
	s10 =	sld [smem:$0x3FB4]  }
0x3d: {  	_ =	shalt  }
0x3e: {  	_ =	shalt  }
0x3f: {  	_ =	shalt  }
0x40: {  	_ =	shalt  }
0x41: {  	_ =	shalt  }
0x42: {  	_ =	shalt  }
0x43: {  	_ =	shalt  }
0x44: {  	_ =	shalt  }
0x45: {  	_ =	shalt  }
0x46: {  	_ =	shalt  }
0x47: {  	_ =	shalt  }
0x48: {  	_ =	shalt  }
0x49: {  	_ =	shalt  }
0x4a: {  	_ =	shalt  }
0x4b: {  	_ =	shalt  }
0x4c: {  	_ =	shalt  }
0x4d: {  	_ =	shalt  }
0x4e: {  	_ =	shalt  }
0x4f: {  	_ =	shalt  }
0x50: {  	_ =	shalt  }
0x51: {  	_ =	shalt  }
0x52: {  	_ =	shalt  }
0x53: {  	_ =	shalt  }
0x54: {  	_ =	shalt  }
0x55: {  	_ =	shalt  }
0x56: {  	_ =	shalt  }
0x57: {  	_ =	shalt  }
0x58: {  	_ =	shalt  }
0x59: {  	_ =	shalt  }
0x5a: {  	_ =	shalt  }
0x5b: {  	_ =	shalt  }
0x5c: {  	_ =	shalt  }
0x5d: {  	_ =	shalt  }
0x5e: {  	_ =	shalt  }
0x5f: {  	_ =	shalt  }
0x60: {  	_ =	shalt  }
0x61: {  	_ =	shalt  }
0x62: {  	_ =	shalt  }
0x63: {  	_ =	shalt  }
0x64: {  	_ =	shalt  }
0x65: {  	_ =	shalt  }
0x66: {  	_ =	shalt  }
0x67: {  	_ =	shalt  }
0x68: {  	_ =	shalt  }
0x69: {  	_ =	shalt  }
0x6a: {  	_ =	shalt  }
0x6b: {  	_ =	shalt  }
0x6c: {  	_ =	shalt  }
0x6d: {  	_ =	shalt  }
0x6e: {  	_ =	shalt  }
0x6f: {  	_ =	shalt  }
0x70: {  	_ =	shalt  }
0x71: {  	_ =	shalt  }
0x72: {  	_ =	shalt  }
0x73: {  	_ =	shalt  }
0x74: {  	_ =	shalt  }
0x75: {  	_ =	shalt  }
0x76: {  	_ =	shalt  }
0x77: {  	_ =	shalt  }
0x78: {  	_ =	shalt  }
0x79: {  	_ =	shalt  }
0x7a: {  	_ =	shalt  }
0x7b: {  	_ =	shalt  }
0x7c: {  	_ =	shalt  }
0x7d: {  	_ =	shalt  }
0x7e: {  	_ =	shalt  }
0x7f: {  	_ =	shalt  }
0x80: {  	_ =	shalt  }
0x81: {  	_ =	shalt  }
0x82: {  	_ =	shalt  }
0x83: {  	_ =	shalt  }
0x84: {  	_ =	shalt  }
0x85: {  	_ =	shalt  }
0x86: {  	_ =	shalt  }
0x87: {  	_ =	shalt  }
.Lfunc_end0:
.L_simem_size_0:
called_computation.7_lowered:
.L_overlay_start_0:
0x88: {  	s2 =	sld [smem:$0x3FD9]  }
0x89: {  	s3 =	sld [smem:$0x3FFE];
	_ =	sdelay $0x1  }
0x8a: {  	s1 =	srdreg.scid  }
0x8b: {  	s0 =	sand.u32 $0x1, s1  }
0x8c: {  	s17 =	sshll.u32 s0, $0xA;
	s2 =	sadd.s32 s3, s2  }
0x8d: {  	s2 =	sadd.s32 s2, s17  }
0x8e: {  	[smem:$0x3FC0] =	sst s2  }
0x8f: {  	_ = 	snop  }
0x90: {  	s2 =	sld [smem:$0x3FD0];
	(tm) =	ssettm $0x1  }
0x91: {  	s18 =	sld [smem:$0x3FFB];
	_ =	sdelay $0x3  }
0x92: {  	_ =	strace s18  }
0x93: {  	s3 =	sld [smem:$0x3FFC];
	_ =	sdelay $0x3  }
0x94: {  	_ =	strace s3  }
0x95: {  	s3 =	sld [smem:$0x3FFD];
	_ =	sdelay $0x3  }
0x96: {  	_ =	strace s3  }
0x97: {  	_ =	strace $0x8FFFFFFF  }
0x98: {  	s19 =	sld [smem:$0x3FDB];
	_ =	sdelay $0x1  }
0x99: {  	s4 =	simm.s32 $_scs_section_size  }
0x9a: {  	s5 =	simm.s32 $_size__tile_overlayer_lowered;
	s6 =	simm.s32 $_tile_overlayer_lowered  }
0x9b: {  	s22 =	simm.s32 $0x1BFF;
	s21 =	sshll.u32 s6, $0x1;
	s3 =	sadd.s32 s4, s19  }
0x9c: {  	s7 =	simm.s32 $0x0;
	s20 =	sshll.u32 s5, $0x1;
	s5 =	sadd.s32 s21, s3  }
0x9d: {  	[timem:s7], [sflag:s22] =	dma.local [hbm:s5], s20  }
0x9e: {  	_ =	swait.ge [sflag:s22], s20  }
0x9f: {  	s4 =	ssub.s32 $0x0, s20;
	[sflag:s22] =	ssyncset.done $0x0  }
0xa0: {  	[sflag:s22] =	ssyncadd.s32 s4;
	_ =	sdelay $0x1  }
0xa1: {  	s23 =	simm.s32 $0x1B8B  }
0xa2: {  	_ =	swait.ge [sflag:s23], $0x1  }
0xa3: {  	[sflag:s23] =	ssyncset.done $0x0  }
0xa4: {  	s25 =	simm.s32 $0x1B8E;
	s24 =	sld [smem:$0x3FFE];
	[sflag:s23] =	ssyncadd.s32 $0xFFFFFFFF  }
0xa5: {  	s26 =	simm.s32 $execute0_lowered;
	[smem:$0x3FD2] =	sst s25  }
0xa6: {  	s5 =	sshll.u32 s26, $0x1;
	_ =	strace $0x8000005B;
	[dreg:$0x1] =	wrdreg $0xFFFFFFFF  }
0xa7: {  	s28 =	simm.s32 $_size_execute0_lowered;
	s3 =	sadd.s32 s3, s5;
	[dreg:$0x0] =	wrdreg $0x0  }
0xa8: {  	s5 =	sshll.u32 s28, $0x1;
	[dreg:$0x2] =	wrdreg s3  }
0xa9: {  	[dreg:$0x3] =	wrdreg s5  }
0xaa: {  	[dreg:$0x4] =	wrdreg $0xC0  }
0xab: {  	_ =	task [dreg:s7], $0x5FFFF  }
0xac: {  	[dreg:$0x1] =	wrdreg $0xFFFFFFFF  }
0xad: {  	[dreg:$0x0] =	wrdreg $0x60  }
0xae: {  	[dreg:$0x2] =	wrdreg s24  }
0xaf: {  	[dreg:$0x3] =	wrdreg s2  }
0xb0: {  	[dreg:$0x4] =	wrdreg $0x90000  }
0xb1: {  	[dreg:$0x5] =	wrdreg $0x9  }
0xb2: {  	_ =	task.clear_ibuf [dreg:s7], $0x6FFFF;
	_ =	strace $0x9000005B  }
0xb3: {  	s29 =	simm.s32 $0x9;
	_ =	strace $0x8000005D  }
0xb4: {  	_ =	swait.ge [sflag:s29], $0x1  }
0xb5: {  	[sflag:s29] =	ssyncadd.s32 $0xFFFFFFFF  }
0xb6: {  	_ =	strace $0x9000005D  }
0xb7: {  	_ =	sfence  }
0xb8: {  	s30 =	sld [smem:$0x0];
	_ =	sdelay $0x2  }
0xb9: {  	s31 =	sshll.u32 s1, $0xD;
	s1 =	sshrl.u32 s1, $0x2  }
0xba: {  	s3 =	sand.u32 $0x4000, s31;
	s1 =	sadd.s32 s1, s30  }
0xbb: {  	s0 =	sor.u32 s3, s0;
	s1 =	sshll.u32 s1, $0x11  }
0xbc: {  	s0 =	sor.u32 s1, s0  }
0xbd: {  	s0 =	sadd.s32 $0x8F2B, s0  }
0xbe: {  	[sflag:s0] =	ssyncadd.remote.s32 $0x1  }
0xbf: {  	_ =	sfence.sel $0xFFFF  }
0xc0: {  	[dreg:$0x0] =	wrdreg $0xFFFFFFFF;
	(pc) =	sbr.abs _section_cstart, $3  }
0xc1: {  	[dreg:$0x1] =	wrdreg $0xFFFFFFFF  }
0xc2: {  	_ =	task.clear_ibuf [dreg:s7], $0x2FFFF;
	_ =	strace $0x9FFFFFFF  }
0xc3: {  	(tm) =	ssettm $0x7FFFFFFF  }
tec
execute0_lowered:
.L_overlay_start_1:
0x0: {  	(tag) =	ssettag $0x1  }
0x1: {  	s5 =	rddreg [dreg:$0x0]  }
0x2: {  	s0 =	srdreg.scid;
	s6 =	rddreg [dreg:$0x1]  }
0x3: {  	s2 =	rddreg [dreg:$0x2];
	s7 =	sand.u32 $0x1, s0  }
0x4: {  	s0 =	stileid.u32;
	s4 =	smul.u32 $0x28000, s7  }
0x5: {  	s1 =	rddreg [dreg:$0x3];
	s3 =	simm.s32 $0x0;
	s8 =	smul.u32 $0x2800, s0  }
0x6: {  	s15 =	simm.s32 $0x5000;
	s16 =	simm.s32 $0x1;
	s28 =	smul.u32 $0x13C00, s0  }
0x7: {  	s17 =	simm.s32 $0x0;
	[smem:$0x7FF] =	sst s3;
	s10 =	smul.u32 $0x13C000, s7  }
0x8: {  	_ =	strace $0x8000005C;
	s7 =	ssub.s32 $0x2, s7;
	s29 =	smul.u32 $0x4F000, s0  }
0x9: {  	s31 =	sshll.u32 s0, $0x6;
	s13 =	sshrl.u32 s7, $0x1;
	s4 =	sadd.s32 s8, s4  }
0xa: {  	s12 =	sshrl.u32 s28, $0x3;
	s8 =	sadd.s32 s28, s10;
	s13 =	ssub.s32 s7, s13  }
0xb: {  	s30 =	sshrl.u32 s29, $0x2;
	s10 =	simm.s32 $0x2;
	s9 =	sshrl.u32 s4, $0x3  }
0xc: {  	s4 =	sadd.s32 $0x39400, s5;
	s12 =	sadd.s32 s12, s5;
	s8 =	sshrl.u32 s8, $0x3  }
0xd: {  	s14 =	sadd.s32 s30, s2;
	s11 =	sadd.s32 s9, s5;
	s8 =	sadd.s32 s8, s5  }
0xe: {  	s5 =	sadd.s32 s6, s9;
	s7 =	sadd.s32 $0x11C00, s12;
	s9 =	smax.u32 s13, $0x1  }
0xf: {  	s12 =	sor.u32 $0x1C02, s31;
	s13 =	sshrl.u32 s14, $0x3;
	s14 =	simm.s32 $0x80  }
0x10: {  	s6 =	sadd.s32 $0x7C00, s11;
	s8 =	sadd.s32 $0xDB200, s8;
	s11 =	simm.s32 $0x2800  }
.LBB2_1:
0x11: {  	[tilespmem:s3], [sflag:$0x2] =	stream.linear.gather [hbm4b:s5+s3], $0x2780, $0x38;
	[tilespmem:$0x1CC00] =	vst v63  }
0x12: {  	_ =	swait.ge [sflag:s10], $0x2780  }
0x13: {  	[sflag:s10] =	ssyncset.done $0x0  }
0x14: {  	[sflag:s10] =	ssyncadd.s32 $0xFFFFD880  }
0x15: {  	[tilespmem:s11], [sflag:$0x2] =	stream.linear.gather [hbm4b:s6+s3], $0x2780, $0x38;
	[tilespmem:$0x1CC00] =	vst v63  }
0x16: {  	_ =	swait.ge [sflag:s10], $0x2780  }
0x17: {  	[sflag:s10] =	ssyncset.done $0x0  }
0x18: {  	[sflag:s10] =	ssyncadd.s32 $0xFFFFD880  }
0x19: {  	[spmem:s13], [sflag:s12] =	dma.local [hbm:s7], $0x2780  }
0x1a: {  	_ =	swait.ge [sflag:s10], $0x2780  }
0x1b: {  	[sflag:s10] =	ssyncset.done $0x0  }
0x1c: {  	[sflag:s10] =	ssyncadd.s32 $0xFFFFD880  }
0x1d: {  	s18 =	simm.s32 $0x0;
	[bflag:$0x0] =	sbarrier.arrive $0xFFFF  }
0x1e: {  	[tilespmem:s15], [sflag:$0x1] =	stream.indirect.gather [hbm4b:s4+s14], $0x80, s18, s14, $0xb8;
	[tilespmem:$0x1CC00] =	vst v63  }
0x1f: {  	_ =	swait.ge [sflag:s16], $0x4000  }
0x20: {  	[sflag:s16] =	ssyncset.done $0x0  }
0x21: {  	s31 =	simm.s32 $0x2800;
	[sflag:s16] =	ssyncadd.s32 $0xFFFFC000  }
0x22: {  	[spmem:s2] =	stream.indirect.scatter.add.f32 [tilespmem:s15], [sflag:$0x2], $0x80, s31, s14, $0xb8;
	[tilespmem:$0x1CC00] =	vst v63  }
0x23: {  	_ =	swait.ge [sflag:s10], $0x4000  }
0x24: {  	s19 =	simm.s32 $0x400;
	s18 =	simm.s32 $0x200;
	[sflag:s10] =	ssyncset.done $0x0  }
.LBB2_2:
0x25: {  	s20 =	sshra.s32 s18, $0x2  }
0x26: {  	[sflag:s10] =	ssyncadd.s32 $0xFFFFC000;
	s18 =	smov.u32 s19;
	s21 =	sadd.s32 $0x200, s19  }
0x27: {  	[tilespmem:s15], [sflag:$0x1] =	stream.indirect.gather [hbm4b:s4+s14], $0x80, s20, s14, $0xb8;
	[tilespmem:$0x1CC00] =	vst v63  }
0x28: {  	p0 =	sne.s32 s19, $0x9C00;
	_ =	swait.ge [sflag:s16], $0x4000  }
.Ltmp0:
0x29: {  	[sflag:s16] =	ssyncset.done $0x0;
	(pc) =	sbr.rel @p0 .LBB2_2-.Ltmp0, $4  }
0x2a: {  	s19 =	sadd.s32 $0x2800, s20;
	[sflag:s16] =	ssyncadd.s32 $0xFFFFC000  }
0x2b: {  	[spmem:s2] =	stream.indirect.scatter.add.f32 [tilespmem:s15], [sflag:$0x2], $0x80, s19, s14, $0xb8;
	[tilespmem:$0x1CC00] =	vst v63  }
0x2c: {  	_ =	swait.ge [sflag:s10], $0x4000  }
0x2d: {  	s19 =	smov.u32 s21;
	[sflag:s10] =	ssyncset.done $0x0  }
0x2e: {  	s18 =	sshra.s32 s18, $0x2;
	[sflag:s10] =	ssyncadd.s32 $0xFFFFC000  }
0x2f: {  	[tilespmem:s15], [sflag:$0x1] =	stream.indirect.gather [hbm4b:s4+s14], $0x80, s18, s14, $0xb8;
	[tilespmem:$0x1CC00] =	vst v63  }
0x30: {  	_ =	swait.ge [sflag:s16], $0x4000  }
0x31: {  	[sflag:s16] =	ssyncset.done $0x0  }
0x32: {  	s18 =	sadd.s32 $0x2800, s18;
	[sflag:s16] =	ssyncadd.s32 $0xFFFFC000  }
0x33: {  	[spmem:s2] =	stream.indirect.scatter.add.f32 [tilespmem:s15], [sflag:$0x2], $0x80, s18, s14, $0xb8;
	[tilespmem:$0x1CC00] =	vst v63  }
0x34: {  	_ =	swait.ge [sflag:s10], $0x4000  }
0x35: {  	s17 =	sadd.s32 $0x1, s17;
	[sflag:s10] =	ssyncset.done $0x0  }
0x36: {  	p0 =	sne.s32 s17, s9;
	[sflag:s10] =	ssyncadd.s32 $0xFFFFC000  }
.Ltmp1:
0x37: {  	[bflag:$0x0] =	sbarrier.arrive $0xFFFF;
	(pc) =	sbr.rel @p0 .LBB2_1-.Ltmp1, $4  }
0x38: {  	[hbm:s8], [sflag:s12] =	dma.local [spmem:s13], $0x2780  }
0x39: {  	_ =	swait.ge [sflag:s10], $0x2780  }
0x3a: {  	[sflag:s10] =	ssyncset.done $0x0  }
0x3b: {  	[sflag:s10] =	ssyncadd.s32 $0xFFFFD880  }
0x3c: {  	_ =	sfence.sel $0x180000  }
0x3d: {  	[bflag:$0x0] =	sbarrier.arrive $0xFFFF  }
0x3e: {  	p0 =	sne.s32 s0, $0x0;
	_ =	strace $0x9000005C  }
0x3f: {  	s0 =	sadd.s32 @!p0 $0x100000, s1;
	[bflag:$0x2] =	sbarrier.arrive $0xFFFF  }
0x40: {  	[sflag:s0] =	ssyncadd.tile.s32 @!p0 $0x1;
	_ =	shalt  }
.Lfunc_end2:
_tile_overlayer_lowered:
.L_overlay_start_2:
0x41: {  	(tag) =	ssettag $0x2  }
0x42: {  	s0 =	rddreg [dreg:$0x0];
	s2 =	stileid.u32  }
0x43: {  	s1 =	rddreg [dreg:$0x1];
	p0 =	sne.s32 s2, $0x0  }
0x44: {  	s3 =	rddreg [dreg:$0x2];
	[bflag:$0x3] =	sbarrier.arrive $0xFFFF;
	s2 =	simm.s32 @!p0 $0x1C02  }
0x45: {  	[timem:s3], [sflag:s2] =	dma.local @!p0 [hbm:s0], s1  }
0x46: {  	s0 =	simm.s32 @!p0 $0x2  }
0x47: {  	_ =	swait.ge @!p0 [sflag:s0], s1  }
0x48: {  	s1 =	ssub.s32 @!p0 $0x0, s1;
	[sflag:s0] =	ssyncset.done @!p0 $0x0  }
0x49: {  	[sflag:s0] =	ssyncadd.s32 @!p0 s1  }
0x4a: {  	[bflag:$0x3] =	sbarrier.arrive $0xFFFF  }
0x4b: {  	_ =	shalt  }

// kernel: kernel.45.cloned.1.call-start
scs
__scs_entry_jumppad:
0x0: {  	(pc) =	sbr.rel $0x88, $3  }
0x1: {  	(tag) =	ssettag $0x0;
	lr =	simm.s32 $0x1  }
0x2: {  	[smem:$0x3F99] =	sst lr;
	_ =	strace $0xD0000000  }
0x3: {  	_ = 	snop  }
0x4: {  	_ = 	snop  }
0x5: {  	_ = 	snop  }
0x6: {  	_ = 	snop  }
0x7: {  	_ = 	snop  }
__scs_overlays_trampoline_lowered:
0x8: {  	[smem:$0x3FA8] =	sst s0  }
0x9: {  	[smem:$0x3FA9] =	sst s1  }
0xa: {  	[smem:$0x3FAA] =	sst s2  }
0xb: {  	[smem:$0x3FAB] =	sst s3  }
0xc: {  	[smem:$0x3FAC] =	sst s4  }
0xd: {  	[smem:$0x3FAD] =	sst s5  }
0xe: {  	[smem:$0x3FAE] =	sst s6  }
0xf: {  	[smem:$0x3FAF] =	sst s7  }
0x10: {  	[smem:$0x3FB0] =	sst s8  }
0x11: {  	[smem:$0x3FB1] =	sst s9;
	s0 =	simm.s32 @!p0 $0x0  }
0x12: {  	s1 =	sld [smem:$0x3F97];
	s0 =	simm.s32 @p0 $0x1  }
0x13: {  	[smem:$0x3FB2] =	sst s0;
	s0 =	simm.s32 @!p1 $0x0  }
0x14: {  	s2 =	sld [smem:$0x3F96];
	s0 =	simm.s32 @p1 $0x1  }
0x15: {  	[smem:$0x3FB3] =	sst s0;
	s0 =	simm.s32 @!p2 $0x0  }
0x16: {  	s3 =	sld [smem:$0x3FDB];
	s0 =	simm.s32 @p2 $0x1  }
0x17: {  	s4 =	simm.s32 $0x1BF5;
	[smem:$0x3FB5] =	sst s0  }
0x18: {  	s0 =	sld [smem:$0x3F98];
	_ =	swait.ge [sflag:s4], $0x0  }
0x19: {  	s7 =	sld [smem:$0x3F99]  }
0x1a: {  	s8 =	sadd.s32 $0xFFFFE003, lr  }
0x1b: {  	s9 =	sadd.s32 $0xFFFFFEF7, lr;
	s5 =	simm.s32 $0xFFFFFFFF;
	p2 =	slt.u32 s8, $0xFFFFF086  }
0x1c: {  	p1 =	slt.u32 s9, $0xF7A;
	s5 =	simm.s32 @!p2 $0x0  }
0x1d: {  	s5 =	simm.s32 @p1 $0x1;
	p0 =	seq.s32 s7, s2  }
0x1e: {  	s7 =	smul.u32 @!p0 $0xF7A, s2;
	p2 =	seq.s32 @!p0 s5, $0x0  }
0x1f: {  	s9 =	smul.u32 $0xF7A, s1;
	s8 =	simm.s32 @!p0 $0x1BF5;
	p2 =	por !p2, p0  }
0x20: {  	[sflag:s8] =	ssyncset.s32 @!p0 $0xFFFFF086;
	s6 =	sadd.s32 @!p0 s3, s7;
	s7 =	simm.s32 @!p0 $0x108  }
0x21: {  	s3 =	sadd.s32 s3, s9;
	s6 =	sadd.s32 @!p0 $0x88, s6;
	s7 =	simm.s32 @p2 $0x1082  }
0x22: {  	[simem:s7], [sflag:s8] =	dma.local @!p0 [hbm:s6], $0xF7A  }
0x23: {  	s9 =	sor.u32 $0xD0000000, s2;
	s6 =	simm.s32 $0x108;
	_ =	swait.ge @!p0 [sflag:s8], $0x0  }
0x24: {  	s3 =	sadd.s32 $0x88, s3;
	s6 =	simm.s32 @!p1 $0x1082;
	[sflag:s4] =	ssyncset.s32 $0xFFFFF086  }
0x25: {  	[simem:s6], [sflag:s4] =	dma.local [hbm:s3], $0xF7A  }
0x26: {  	[smem:$0x3F99] =	sst s1;
	(tag) =	ssettag s2;
	_ =	strace s9  }
0x27: {  	s1 =	sld [smem:$0x3FA9]  }
0x28: {  	s2 =	sld [smem:$0x3FAA]  }
0x29: {  	s4 =	sld [smem:$0x3FAC]  }
0x2a: {  	p0 =	seq.s32 s5, $0x0;
	s5 =	sld [smem:$0x3FAD]  }
0x2b: {  	s6 =	sld [smem:$0x3FAE]  }
0x2c: {  	s7 =	sld [smem:$0x3FAF]  }
0x2d: {  	s3 =	simm.s32 $0x108;
	s8 =	sld [smem:$0x3FB0]  }
0x2e: {  	s3 =	simm.s32 @!p0 $0x1082;
	s9 =	sld [smem:$0x3FB1]  }
0x2f: {  	lr =	sadd.s32 s0, s3;
	s0 =	sld [smem:$0x3FA8]  }
0x30: {  	s3 =	sld [smem:$0x3FAB]  }
0x31: {  	[smem:$0x3FB4] =	sst s10  }
0x32: {  	s10 =	sld [smem:$0x3FB2];
	_ =	sdelay $0x3  }
0x33: {  	p0 =	seq.s32 s10, $0x1;
	s10 =	sld [smem:$0x3FB4];
	_ =	sdelay $0x3  }
0x34: {  	[smem:$0x3FB4] =	sst s10  }
0x35: {  	s10 =	sld [smem:$0x3FB3];
	_ =	sdelay $0x3  }
0x36: {  	p1 =	seq.s32 s10, $0x1;
	s10 =	sld [smem:$0x3FB4];
	_ =	sdelay $0x3  }
0x37: {  	[smem:$0x3FB4] =	sst s10  }
0x38: {  	s10 =	sld [smem:$0x3FB5]  }
0x39: {  	_ = 	snop;
	(pc) =	sbr.ind lr, $3  }
0x3a: {  	_ = 	snop  }
0x3b: {  	_ = 	snop  }
0x3c: {  	p2 =	seq.s32 s10, $0x1;
	s10 =	sld [smem:$0x3FB4]  }
0x3d: {  	_ =	shalt  }
0x3e: {  	_ =	shalt  }
0x3f: {  	_ =	shalt  }
0x40: {  	_ =	shalt  }
0x41: {  	_ =	shalt  }
0x42: {  	_ =	shalt  }
0x43: {  	_ =	shalt  }
0x44: {  	_ =	shalt  }
0x45: {  	_ =	shalt  }
0x46: {  	_ =	shalt  }
0x47: {  	_ =	shalt  }
0x48: {  	_ =	shalt  }
0x49: {  	_ =	shalt  }
0x4a: {  	_ =	shalt  }
0x4b: {  	_ =	shalt  }
0x4c: {  	_ =	shalt  }
0x4d: {  	_ =	shalt  }
0x4e: {  	_ =	shalt  }
0x4f: {  	_ =	shalt  }
0x50: {  	_ =	shalt  }
0x51: {  	_ =	shalt  }
0x52: {  	_ =	shalt  }
0x53: {  	_ =	shalt  }
0x54: {  	_ =	shalt  }
0x55: {  	_ =	shalt  }
0x56: {  	_ =	shalt  }
0x57: {  	_ =	shalt  }
0x58: {  	_ =	shalt  }
0x59: {  	_ =	shalt  }
0x5a: {  	_ =	shalt  }
0x5b: {  	_ =	shalt  }
0x5c: {  	_ =	shalt  }
0x5d: {  	_ =	shalt  }
0x5e: {  	_ =	shalt  }
0x5f: {  	_ =	shalt  }
0x60: {  	_ =	shalt  }
0x61: {  	_ =	shalt  }
0x62: {  	_ =	shalt  }
0x63: {  	_ =	shalt  }
0x64: {  	_ =	shalt  }
0x65: {  	_ =	shalt  }
0x66: {  	_ =	shalt  }
0x67: {  	_ =	shalt  }
0x68: {  	_ =	shalt  }
0x69: {  	_ =	shalt  }
0x6a: {  	_ =	shalt  }
0x6b: {  	_ =	shalt  }
0x6c: {  	_ =	shalt  }
0x6d: {  	_ =	shalt  }
0x6e: {  	_ =	shalt  }
0x6f: {  	_ =	shalt  }
0x70: {  	_ =	shalt  }
0x71: {  	_ =	shalt  }
0x72: {  	_ =	shalt  }
0x73: {  	_ =	shalt  }
0x74: {  	_ =	shalt  }
0x75: {  	_ =	shalt  }
0x76: {  	_ =	shalt  }
0x77: {  	_ =	shalt  }
0x78: {  	_ =	shalt  }
0x79: {  	_ =	shalt  }
0x7a: {  	_ =	shalt  }
0x7b: {  	_ =	shalt  }
0x7c: {  	_ =	shalt  }
0x7d: {  	_ =	shalt  }
0x7e: {  	_ =	shalt  }
0x7f: {  	_ =	shalt  }
0x80: {  	_ =	shalt  }
0x81: {  	_ =	shalt  }
0x82: {  	_ =	shalt  }
0x83: {  	_ =	shalt  }
0x84: {  	_ =	shalt  }
0x85: {  	_ =	shalt  }
0x86: {  	_ =	shalt  }
0x87: {  	_ =	shalt  }
.Lfunc_end0:
.L_simem_size_0:
called_computation.8_lowered:
.L_overlay_start_0:
0x88: {  	s2 =	sld [smem:$0x3FD9]  }
0x89: {  	s3 =	sld [smem:$0x3FFE];
	_ =	sdelay $0x1  }
0x8a: {  	s1 =	srdreg.scid  }
0x8b: {  	s0 =	sand.u32 $0x1, s1  }
0x8c: {  	s17 =	sshll.u32 s0, $0xA;
	s2 =	sadd.s32 s3, s2  }
0x8d: {  	s2 =	sadd.s32 s2, s17  }
0x8e: {  	[smem:$0x3FC0] =	sst s2  }
0x8f: {  	_ = 	snop  }
0x90: {  	s2 =	sld [smem:$0x3FD0];
	(tm) =	ssettm $0x1  }
0x91: {  	s18 =	sld [smem:$0x3FFB];
	_ =	sdelay $0x3  }
0x92: {  	_ =	strace s18  }
0x93: {  	s3 =	sld [smem:$0x3FFC];
	_ =	sdelay $0x3  }
0x94: {  	_ =	strace s3  }
0x95: {  	s3 =	sld [smem:$0x3FFD];
	_ =	sdelay $0x3  }
0x96: {  	_ =	strace s3  }
0x97: {  	_ =	strace $0x8FFFFFFF  }
0x98: {  	s19 =	sld [smem:$0x3FDB];
	_ =	sdelay $0x1  }
0x99: {  	s4 =	simm.s32 $_scs_section_size  }
0x9a: {  	s5 =	simm.s32 $_size__tile_overlayer_lowered;
	s6 =	simm.s32 $_tile_overlayer_lowered  }
0x9b: {  	s22 =	simm.s32 $0x1BFF;
	s21 =	sshll.u32 s6, $0x1;
	s3 =	sadd.s32 s4, s19  }
0x9c: {  	s7 =	simm.s32 $0x0;
	s20 =	sshll.u32 s5, $0x1;
	s5 =	sadd.s32 s21, s3  }
0x9d: {  	[timem:s7], [sflag:s22] =	dma.local [hbm:s5], s20  }
0x9e: {  	_ =	swait.ge [sflag:s22], s20  }
0x9f: {  	s4 =	ssub.s32 $0x0, s20;
	[sflag:s22] =	ssyncset.done $0x0  }
0xa0: {  	[sflag:s22] =	ssyncadd.s32 s4;
	_ =	sdelay $0x1  }
0xa1: {  	s23 =	simm.s32 $0x1B8B  }
0xa2: {  	_ =	swait.ge [sflag:s23], $0x1  }
0xa3: {  	[sflag:s23] =	ssyncset.done $0x0  }
0xa4: {  	s25 =	simm.s32 $0x1B8E;
	s24 =	sld [smem:$0x3FFE];
	[sflag:s23] =	ssyncadd.s32 $0xFFFFFFFF  }
0xa5: {  	s26 =	simm.s32 $execute0_lowered;
	[smem:$0x3FD2] =	sst s25  }
0xa6: {  	s5 =	sshll.u32 s26, $0x1;
	_ =	strace $0x8000005E;
	[dreg:$0x1] =	wrdreg $0xFFFFFFFF  }
0xa7: {  	s28 =	simm.s32 $_size_execute0_lowered;
	s3 =	sadd.s32 s3, s5;
	[dreg:$0x0] =	wrdreg $0x0  }
0xa8: {  	s5 =	sshll.u32 s28, $0x1;
	[dreg:$0x2] =	wrdreg s3  }
0xa9: {  	[dreg:$0x3] =	wrdreg s5  }
0xaa: {  	[dreg:$0x4] =	wrdreg $0xC0  }
0xab: {  	_ =	task [dreg:s7], $0x5FFFF  }
0xac: {  	[dreg:$0x1] =	wrdreg $0xFFFFFFFF  }
0xad: {  	[dreg:$0x0] =	wrdreg $0x60  }
0xae: {  	[dreg:$0x2] =	wrdreg s24  }
0xaf: {  	[dreg:$0x3] =	wrdreg s2  }
0xb0: {  	[dreg:$0x4] =	wrdreg $0x90000  }
0xb1: {  	[dreg:$0x5] =	wrdreg $0x9  }
0xb2: {  	_ =	task.clear_ibuf [dreg:s7], $0x6FFFF;
	_ =	strace $0x9000005E  }
0xb3: {  	s29 =	simm.s32 $0x9;
	_ =	strace $0x80000060  }
0xb4: {  	_ =	swait.ge [sflag:s29], $0x1  }
0xb5: {  	[sflag:s29] =	ssyncadd.s32 $0xFFFFFFFF  }
0xb6: {  	_ =	strace $0x90000060  }
0xb7: {  	_ =	sfence  }
0xb8: {  	s30 =	sld [smem:$0x0];
	_ =	sdelay $0x2  }
0xb9: {  	s31 =	sshll.u32 s1, $0xD;
	s1 =	sshrl.u32 s1, $0x2  }
0xba: {  	s3 =	sand.u32 $0x4000, s31;
	s1 =	sadd.s32 s1, s30  }
0xbb: {  	s0 =	sor.u32 s3, s0;
	s1 =	sshll.u32 s1, $0x11  }
0xbc: {  	s0 =	sor.u32 s1, s0  }
0xbd: {  	s0 =	sadd.s32 $0x8F2B, s0  }
0xbe: {  	[sflag:s0] =	ssyncadd.remote.s32 $0x1  }
0xbf: {  	_ =	sfence.sel $0xFFFF  }
0xc0: {  	[dreg:$0x0] =	wrdreg $0xFFFFFFFF;
	(pc) =	sbr.abs _section_cstart, $3  }
0xc1: {  	[dreg:$0x1] =	wrdreg $0xFFFFFFFF  }
0xc2: {  	_ =	task.clear_ibuf [dreg:s7], $0x2FFFF;
	_ =	strace $0x9FFFFFFF  }
0xc3: {  	(tm) =	ssettm $0x7FFFFFFF  }
tec
execute0_lowered:
.L_overlay_start_1:
0x0: {  	(tag) =	ssettag $0x1  }
0x1: {  	s5 =	rddreg [dreg:$0x0]  }
0x2: {  	s0 =	srdreg.scid;
	s6 =	rddreg [dreg:$0x1]  }
0x3: {  	s2 =	rddreg [dreg:$0x2];
	s7 =	sand.u32 $0x1, s0  }
0x4: {  	s0 =	stileid.u32;
	s4 =	smul.u32 $0x28000, s7  }
0x5: {  	s1 =	rddreg [dreg:$0x3];
	s3 =	simm.s32 $0x0;
	s8 =	smul.u32 $0x2800, s0  }
0x6: {  	s15 =	simm.s32 $0x5000;
	s16 =	simm.s32 $0x1;
	s28 =	smul.u32 $0x13C00, s0  }
0x7: {  	s17 =	simm.s32 $0x0;
	[smem:$0x7FF] =	sst s3;
	s10 =	smul.u32 $0x13C000, s7  }
0x8: {  	_ =	strace $0x8000005F;
	s7 =	ssub.s32 $0x2, s7;
	s29 =	smul.u32 $0x4F000, s0  }
0x9: {  	s31 =	sshll.u32 s0, $0x6;
	s13 =	sshrl.u32 s7, $0x1;
	s4 =	sadd.s32 s8, s4  }
0xa: {  	s12 =	sshrl.u32 s28, $0x3;
	s8 =	sadd.s32 s28, s10;
	s13 =	ssub.s32 s7, s13  }
0xb: {  	s30 =	sshrl.u32 s29, $0x2;
	s10 =	simm.s32 $0x2;
	s9 =	sshrl.u32 s4, $0x3  }
0xc: {  	s4 =	sadd.s32 $0x39400, s5;
	s12 =	sadd.s32 s12, s5;
	s8 =	sshrl.u32 s8, $0x3  }
0xd: {  	s14 =	sadd.s32 s30, s2;
	s11 =	sadd.s32 s9, s5;
	s8 =	sadd.s32 s8, s5  }
0xe: {  	s5 =	sadd.s32 s6, s9;
	s7 =	sadd.s32 $0x11C00, s12;
	s9 =	smax.u32 s13, $0x1  }
0xf: {  	s12 =	sor.u32 $0x1C02, s31;
	s13 =	sshrl.u32 s14, $0x3;
	s14 =	simm.s32 $0x80  }
0x10: {  	s6 =	sadd.s32 $0x7C00, s11;
	s8 =	sadd.s32 $0xDB200, s8;
	s11 =	simm.s32 $0x2800  }
.LBB2_1:
0x11: {  	[tilespmem:s3], [sflag:$0x2] =	stream.linear.gather [hbm4b:s5+s3], $0x2780, $0x38;
	[tilespmem:$0x1CC00] =	vst v63  }
0x12: {  	_ =	swait.ge [sflag:s10], $0x2780  }
0x13: {  	[sflag:s10] =	ssyncset.done $0x0  }
0x14: {  	[sflag:s10] =	ssyncadd.s32 $0xFFFFD880  }
0x15: {  	[tilespmem:s11], [sflag:$0x2] =	stream.linear.gather [hbm4b:s6+s3], $0x2780, $0x38;
	[tilespmem:$0x1CC00] =	vst v63  }
0x16: {  	_ =	swait.ge [sflag:s10], $0x2780  }
0x17: {  	[sflag:s10] =	ssyncset.done $0x0  }
0x18: {  	[sflag:s10] =	ssyncadd.s32 $0xFFFFD880  }
0x19: {  	[spmem:s13], [sflag:s12] =	dma.local [hbm:s7], $0x2780  }
0x1a: {  	_ =	swait.ge [sflag:s10], $0x2780  }
0x1b: {  	[sflag:s10] =	ssyncset.done $0x0  }
0x1c: {  	[sflag:s10] =	ssyncadd.s32 $0xFFFFD880  }
0x1d: {  	s18 =	simm.s32 $0x0;
	[bflag:$0x0] =	sbarrier.arrive $0xFFFF  }
0x1e: {  	[tilespmem:s15], [sflag:$0x1] =	stream.indirect.gather [hbm4b:s4+s14], $0x80, s18, s14, $0xb8;
	[tilespmem:$0x1CC00] =	vst v63  }
0x1f: {  	_ =	swait.ge [sflag:s16], $0x4000  }
0x20: {  	[sflag:s16] =	ssyncset.done $0x0  }
0x21: {  	s31 =	simm.s32 $0x2800;
	[sflag:s16] =	ssyncadd.s32 $0xFFFFC000  }
0x22: {  	[spmem:s2] =	stream.indirect.scatter.add.f32 [tilespmem:s15], [sflag:$0x2], $0x80, s31, s14, $0xb8;
	[tilespmem:$0x1CC00] =	vst v63  }
0x23: {  	_ =	swait.ge [sflag:s10], $0x4000  }
0x24: {  	s19 =	simm.s32 $0x400;
	s18 =	simm.s32 $0x200;
	[sflag:s10] =	ssyncset.done $0x0  }
.LBB2_2:
0x25: {  	s20 =	sshra.s32 s18, $0x2  }
0x26: {  	[sflag:s10] =	ssyncadd.s32 $0xFFFFC000;
	s18 =	smov.u32 s19;
	s21 =	sadd.s32 $0x200, s19  }
0x27: {  	[tilespmem:s15], [sflag:$0x1] =	stream.indirect.gather [hbm4b:s4+s14], $0x80, s20, s14, $0xb8;
	[tilespmem:$0x1CC00] =	vst v63  }
0x28: {  	p0 =	sne.s32 s19, $0x9C00;
	_ =	swait.ge [sflag:s16], $0x4000  }
.Ltmp0:
0x29: {  	[sflag:s16] =	ssyncset.done $0x0;
	(pc) =	sbr.rel @p0 .LBB2_2-.Ltmp0, $4  }
0x2a: {  	s19 =	sadd.s32 $0x2800, s20;
	[sflag:s16] =	ssyncadd.s32 $0xFFFFC000  }
0x2b: {  	[spmem:s2] =	stream.indirect.scatter.add.f32 [tilespmem:s15], [sflag:$0x2], $0x80, s19, s14, $0xb8;
	[tilespmem:$0x1CC00] =	vst v63  }
0x2c: {  	_ =	swait.ge [sflag:s10], $0x4000  }
0x2d: {  	s19 =	smov.u32 s21;
	[sflag:s10] =	ssyncset.done $0x0  }
0x2e: {  	s18 =	sshra.s32 s18, $0x2;
	[sflag:s10] =	ssyncadd.s32 $0xFFFFC000  }
0x2f: {  	[tilespmem:s15], [sflag:$0x1] =	stream.indirect.gather [hbm4b:s4+s14], $0x80, s18, s14, $0xb8;
	[tilespmem:$0x1CC00] =	vst v63  }
0x30: {  	_ =	swait.ge [sflag:s16], $0x4000  }
0x31: {  	[sflag:s16] =	ssyncset.done $0x0  }
0x32: {  	s18 =	sadd.s32 $0x2800, s18;
	[sflag:s16] =	ssyncadd.s32 $0xFFFFC000  }
0x33: {  	[spmem:s2] =	stream.indirect.scatter.add.f32 [tilespmem:s15], [sflag:$0x2], $0x80, s18, s14, $0xb8;
	[tilespmem:$0x1CC00] =	vst v63  }
0x34: {  	_ =	swait.ge [sflag:s10], $0x4000  }
0x35: {  	s17 =	sadd.s32 $0x1, s17;
	[sflag:s10] =	ssyncset.done $0x0  }
0x36: {  	p0 =	sne.s32 s17, s9;
	[sflag:s10] =	ssyncadd.s32 $0xFFFFC000  }
.Ltmp1:
0x37: {  	[bflag:$0x0] =	sbarrier.arrive $0xFFFF;
	(pc) =	sbr.rel @p0 .LBB2_1-.Ltmp1, $4  }
0x38: {  	[hbm:s8], [sflag:s12] =	dma.local [spmem:s13], $0x2780  }
0x39: {  	_ =	swait.ge [sflag:s10], $0x2780  }
0x3a: {  	[sflag:s10] =	ssyncset.done $0x0  }
0x3b: {  	[sflag:s10] =	ssyncadd.s32 $0xFFFFD880  }
0x3c: {  	_ =	sfence.sel $0x180000  }
0x3d: {  	[bflag:$0x0] =	sbarrier.arrive $0xFFFF  }
0x3e: {  	p0 =	sne.s32 s0, $0x0;
	_ =	strace $0x9000005F  }
0x3f: {  	s0 =	sadd.s32 @!p0 $0x100000, s1;
	[bflag:$0x2] =	sbarrier.arrive $0xFFFF  }
0x40: {  	[sflag:s0] =	ssyncadd.tile.s32 @!p0 $0x1;
	_ =	shalt  }
.Lfunc_end2:
_tile_overlayer_lowered:
.L_overlay_start_2:
0x41: {  	(tag) =	ssettag $0x2  }
0x42: {  	s0 =	rddreg [dreg:$0x0];
	s2 =	stileid.u32  }
0x43: {  	s1 =	rddreg [dreg:$0x1];
	p0 =	sne.s32 s2, $0x0  }
0x44: {  	s3 =	rddreg [dreg:$0x2];
	[bflag:$0x3] =	sbarrier.arrive $0xFFFF;
	s2 =	simm.s32 @!p0 $0x1C02  }
0x45: {  	[timem:s3], [sflag:s2] =	dma.local @!p0 [hbm:s0], s1  }
0x46: {  	s0 =	simm.s32 @!p0 $0x2  }
0x47: {  	_ =	swait.ge @!p0 [sflag:s0], s1  }
0x48: {  	s1 =	ssub.s32 @!p0 $0x0, s1;
	[sflag:s0] =	ssyncset.done @!p0 $0x0  }
0x49: {  	[sflag:s0] =	ssyncadd.s32 @!p0 s1  }
0x4a: {  	[bflag:$0x3] =	sbarrier.arrive $0xFFFF  }
0x4b: {  	_ =	shalt  }

// kernel: kernel.48.cloned.1.call-start
scs
__scs_entry_jumppad:
0x0: {  	(pc) =	sbr.rel $0x88, $3  }
0x1: {  	(tag) =	ssettag $0x0;
	lr =	simm.s32 $0x1  }
0x2: {  	[smem:$0x3F99] =	sst lr;
	_ =	strace $0xD0000000  }
0x3: {  	_ = 	snop  }
0x4: {  	_ = 	snop  }
0x5: {  	_ = 	snop  }
0x6: {  	_ = 	snop  }
0x7: {  	_ = 	snop  }
__scs_overlays_trampoline_lowered:
0x8: {  	[smem:$0x3FA8] =	sst s0  }
0x9: {  	[smem:$0x3FA9] =	sst s1  }
0xa: {  	[smem:$0x3FAA] =	sst s2  }
0xb: {  	[smem:$0x3FAB] =	sst s3  }
0xc: {  	[smem:$0x3FAC] =	sst s4  }
0xd: {  	[smem:$0x3FAD] =	sst s5  }
0xe: {  	[smem:$0x3FAE] =	sst s6  }
0xf: {  	[smem:$0x3FAF] =	sst s7  }
0x10: {  	[smem:$0x3FB0] =	sst s8  }
0x11: {  	[smem:$0x3FB1] =	sst s9;
	s0 =	simm.s32 @!p0 $0x0  }
0x12: {  	s1 =	sld [smem:$0x3F97];
	s0 =	simm.s32 @p0 $0x1  }
0x13: {  	[smem:$0x3FB2] =	sst s0;
	s0 =	simm.s32 @!p1 $0x0  }
0x14: {  	s2 =	sld [smem:$0x3F96];
	s0 =	simm.s32 @p1 $0x1  }
0x15: {  	[smem:$0x3FB3] =	sst s0;
	s0 =	simm.s32 @!p2 $0x0  }
0x16: {  	s3 =	sld [smem:$0x3FDB];
	s0 =	simm.s32 @p2 $0x1  }
0x17: {  	s4 =	simm.s32 $0x1BF5;
	[smem:$0x3FB5] =	sst s0  }
0x18: {  	s0 =	sld [smem:$0x3F98];
	_ =	swait.ge [sflag:s4], $0x0  }
0x19: {  	s7 =	sld [smem:$0x3F99]  }
0x1a: {  	s8 =	sadd.s32 $0xFFFFE003, lr  }
0x1b: {  	s9 =	sadd.s32 $0xFFFFFEF7, lr;
	s5 =	simm.s32 $0xFFFFFFFF;
	p2 =	slt.u32 s8, $0xFFFFF086  }
0x1c: {  	p1 =	slt.u32 s9, $0xF7A;
	s5 =	simm.s32 @!p2 $0x0  }
0x1d: {  	s5 =	simm.s32 @p1 $0x1;
	p0 =	seq.s32 s7, s2  }
0x1e: {  	s7 =	smul.u32 @!p0 $0xF7A, s2;
	p2 =	seq.s32 @!p0 s5, $0x0  }
0x1f: {  	s9 =	smul.u32 $0xF7A, s1;
	s8 =	simm.s32 @!p0 $0x1BF5;
	p2 =	por !p2, p0  }
0x20: {  	[sflag:s8] =	ssyncset.s32 @!p0 $0xFFFFF086;
	s6 =	sadd.s32 @!p0 s3, s7;
	s7 =	simm.s32 @!p0 $0x108  }
0x21: {  	s3 =	sadd.s32 s3, s9;
	s6 =	sadd.s32 @!p0 $0x88, s6;
	s7 =	simm.s32 @p2 $0x1082  }
0x22: {  	[simem:s7], [sflag:s8] =	dma.local @!p0 [hbm:s6], $0xF7A  }
0x23: {  	s9 =	sor.u32 $0xD0000000, s2;
	s6 =	simm.s32 $0x108;
	_ =	swait.ge @!p0 [sflag:s8], $0x0  }
0x24: {  	s3 =	sadd.s32 $0x88, s3;
	s6 =	simm.s32 @!p1 $0x1082;
	[sflag:s4] =	ssyncset.s32 $0xFFFFF086  }
0x25: {  	[simem:s6], [sflag:s4] =	dma.local [hbm:s3], $0xF7A  }
0x26: {  	[smem:$0x3F99] =	sst s1;
	(tag) =	ssettag s2;
	_ =	strace s9  }
0x27: {  	s1 =	sld [smem:$0x3FA9]  }
0x28: {  	s2 =	sld [smem:$0x3FAA]  }
0x29: {  	s4 =	sld [smem:$0x3FAC]  }
0x2a: {  	p0 =	seq.s32 s5, $0x0;
	s5 =	sld [smem:$0x3FAD]  }
0x2b: {  	s6 =	sld [smem:$0x3FAE]  }
0x2c: {  	s7 =	sld [smem:$0x3FAF]  }
0x2d: {  	s3 =	simm.s32 $0x108;
	s8 =	sld [smem:$0x3FB0]  }
0x2e: {  	s3 =	simm.s32 @!p0 $0x1082;
	s9 =	sld [smem:$0x3FB1]  }
0x2f: {  	lr =	sadd.s32 s0, s3;
	s0 =	sld [smem:$0x3FA8]  }
0x30: {  	s3 =	sld [smem:$0x3FAB]  }
0x31: {  	[smem:$0x3FB4] =	sst s10  }
0x32: {  	s10 =	sld [smem:$0x3FB2];
	_ =	sdelay $0x3  }
0x33: {  	p0 =	seq.s32 s10, $0x1;
	s10 =	sld [smem:$0x3FB4];
	_ =	sdelay $0x3  }
0x34: {  	[smem:$0x3FB4] =	sst s10  }
0x35: {  	s10 =	sld [smem:$0x3FB3];
	_ =	sdelay $0x3  }
0x36: {  	p1 =	seq.s32 s10, $0x1;
	s10 =	sld [smem:$0x3FB4];
	_ =	sdelay $0x3  }
0x37: {  	[smem:$0x3FB4] =	sst s10  }
0x38: {  	s10 =	sld [smem:$0x3FB5]  }
0x39: {  	_ = 	snop;
	(pc) =	sbr.ind lr, $3  }
0x3a: {  	_ = 	snop  }
0x3b: {  	_ = 	snop  }
0x3c: {  	p2 =	seq.s32 s10, $0x1;
	s10 =	sld [smem:$0x3FB4]  }
0x3d: {  	_ =	shalt  }
0x3e: {  	_ =	shalt  }
0x3f: {  	_ =	shalt  }
0x40: {  	_ =	shalt  }
0x41: {  	_ =	shalt  }
0x42: {  	_ =	shalt  }
0x43: {  	_ =	shalt  }
0x44: {  	_ =	shalt  }
0x45: {  	_ =	shalt  }
0x46: {  	_ =	shalt  }
0x47: {  	_ =	shalt  }
0x48: {  	_ =	shalt  }
0x49: {  	_ =	shalt  }
0x4a: {  	_ =	shalt  }
0x4b: {  	_ =	shalt  }
0x4c: {  	_ =	shalt  }
0x4d: {  	_ =	shalt  }
0x4e: {  	_ =	shalt  }
0x4f: {  	_ =	shalt  }
0x50: {  	_ =	shalt  }
0x51: {  	_ =	shalt  }
0x52: {  	_ =	shalt  }
0x53: {  	_ =	shalt  }
0x54: {  	_ =	shalt  }
0x55: {  	_ =	shalt  }
0x56: {  	_ =	shalt  }
0x57: {  	_ =	shalt  }
0x58: {  	_ =	shalt  }
0x59: {  	_ =	shalt  }
0x5a: {  	_ =	shalt  }
0x5b: {  	_ =	shalt  }
0x5c: {  	_ =	shalt  }
0x5d: {  	_ =	shalt  }
0x5e: {  	_ =	shalt  }
0x5f: {  	_ =	shalt  }
0x60: {  	_ =	shalt  }
0x61: {  	_ =	shalt  }
0x62: {  	_ =	shalt  }
0x63: {  	_ =	shalt  }
0x64: {  	_ =	shalt  }
0x65: {  	_ =	shalt  }
0x66: {  	_ =	shalt  }
0x67: {  	_ =	shalt  }
0x68: {  	_ =	shalt  }
0x69: {  	_ =	shalt  }
0x6a: {  	_ =	shalt  }
0x6b: {  	_ =	shalt  }
0x6c: {  	_ =	shalt  }
0x6d: {  	_ =	shalt  }
0x6e: {  	_ =	shalt  }
0x6f: {  	_ =	shalt  }
0x70: {  	_ =	shalt  }
0x71: {  	_ =	shalt  }
0x72: {  	_ =	shalt  }
0x73: {  	_ =	shalt  }
0x74: {  	_ =	shalt  }
0x75: {  	_ =	shalt  }
0x76: {  	_ =	shalt  }
0x77: {  	_ =	shalt  }
0x78: {  	_ =	shalt  }
0x79: {  	_ =	shalt  }
0x7a: {  	_ =	shalt  }
0x7b: {  	_ =	shalt  }
0x7c: {  	_ =	shalt  }
0x7d: {  	_ =	shalt  }
0x7e: {  	_ =	shalt  }
0x7f: {  	_ =	shalt  }
0x80: {  	_ =	shalt  }
0x81: {  	_ =	shalt  }
0x82: {  	_ =	shalt  }
0x83: {  	_ =	shalt  }
0x84: {  	_ =	shalt  }
0x85: {  	_ =	shalt  }
0x86: {  	_ =	shalt  }
0x87: {  	_ =	shalt  }
.Lfunc_end0:
.L_simem_size_0:
called_computation.9_lowered:
.L_overlay_start_0:
0x88: {  	s2 =	sld [smem:$0x3FD9]  }
0x89: {  	s3 =	sld [smem:$0x3FFE];
	_ =	sdelay $0x1  }
0x8a: {  	s1 =	srdreg.scid  }
0x8b: {  	s0 =	sand.u32 $0x1, s1  }
0x8c: {  	s17 =	sshll.u32 s0, $0xA;
	s2 =	sadd.s32 s3, s2  }
0x8d: {  	s2 =	sadd.s32 s2, s17  }
0x8e: {  	[smem:$0x3FC0] =	sst s2  }
0x8f: {  	_ = 	snop  }
0x90: {  	s2 =	sld [smem:$0x3FD0];
	(tm) =	ssettm $0x1  }
0x91: {  	s18 =	sld [smem:$0x3FFB];
	_ =	sdelay $0x3  }
0x92: {  	_ =	strace s18  }
0x93: {  	s3 =	sld [smem:$0x3FFC];
	_ =	sdelay $0x3  }
0x94: {  	_ =	strace s3  }
0x95: {  	s3 =	sld [smem:$0x3FFD];
	_ =	sdelay $0x3  }
0x96: {  	_ =	strace s3  }
0x97: {  	_ =	strace $0x8FFFFFFF  }
0x98: {  	s19 =	sld [smem:$0x3FDB];
	_ =	sdelay $0x1  }
0x99: {  	s4 =	simm.s32 $_scs_section_size  }
0x9a: {  	s5 =	simm.s32 $_size__tile_overlayer_lowered;
	s6 =	simm.s32 $_tile_overlayer_lowered  }
0x9b: {  	s22 =	simm.s32 $0x1BFF;
	s21 =	sshll.u32 s6, $0x1;
	s3 =	sadd.s32 s4, s19  }
0x9c: {  	s7 =	simm.s32 $0x0;
	s20 =	sshll.u32 s5, $0x1;
	s5 =	sadd.s32 s21, s3  }
0x9d: {  	[timem:s7], [sflag:s22] =	dma.local [hbm:s5], s20  }
0x9e: {  	_ =	swait.ge [sflag:s22], s20  }
0x9f: {  	s4 =	ssub.s32 $0x0, s20;
	[sflag:s22] =	ssyncset.done $0x0  }
0xa0: {  	[sflag:s22] =	ssyncadd.s32 s4;
	_ =	sdelay $0x1  }
0xa1: {  	s23 =	simm.s32 $0x1B8B  }
0xa2: {  	_ =	swait.ge [sflag:s23], $0x1  }
0xa3: {  	[sflag:s23] =	ssyncset.done $0x0  }
0xa4: {  	s25 =	simm.s32 $0x1B8E;
	s24 =	sld [smem:$0x3FFE];
	[sflag:s23] =	ssyncadd.s32 $0xFFFFFFFF  }
0xa5: {  	s26 =	simm.s32 $execute0_lowered;
	[smem:$0x3FD2] =	sst s25  }
0xa6: {  	s5 =	sshll.u32 s26, $0x1;
	_ =	strace $0x80000061;
	[dreg:$0x1] =	wrdreg $0xFFFFFFFF  }
0xa7: {  	s28 =	simm.s32 $_size_execute0_lowered;
	s3 =	sadd.s32 s3, s5;
	[dreg:$0x0] =	wrdreg $0x0  }
0xa8: {  	s5 =	sshll.u32 s28, $0x1;
	[dreg:$0x2] =	wrdreg s3  }
0xa9: {  	[dreg:$0x3] =	wrdreg s5  }
0xaa: {  	[dreg:$0x4] =	wrdreg $0xC0  }
0xab: {  	_ =	task [dreg:s7], $0x5FFFF  }
0xac: {  	[dreg:$0x1] =	wrdreg $0xFFFFFFFF  }
0xad: {  	[dreg:$0x0] =	wrdreg $0x60  }
0xae: {  	[dreg:$0x2] =	wrdreg s24  }
0xaf: {  	[dreg:$0x3] =	wrdreg s2  }
0xb0: {  	[dreg:$0x4] =	wrdreg $0x90000  }
0xb1: {  	[dreg:$0x5] =	wrdreg $0x9  }
0xb2: {  	_ =	task.clear_ibuf [dreg:s7], $0x6FFFF;
	_ =	strace $0x90000061  }
0xb3: {  	s29 =	simm.s32 $0x9;
	_ =	strace $0x80000063  }
0xb4: {  	_ =	swait.ge [sflag:s29], $0x1  }
0xb5: {  	[sflag:s29] =	ssyncadd.s32 $0xFFFFFFFF  }
0xb6: {  	_ =	strace $0x90000063  }
0xb7: {  	_ =	sfence  }
0xb8: {  	s30 =	sld [smem:$0x0];
	_ =	sdelay $0x2  }
0xb9: {  	s31 =	sshll.u32 s1, $0xD;
	s1 =	sshrl.u32 s1, $0x2  }
0xba: {  	s3 =	sand.u32 $0x4000, s31;
	s1 =	sadd.s32 s1, s30  }
0xbb: {  	s0 =	sor.u32 s3, s0;
	s1 =	sshll.u32 s1, $0x11  }
0xbc: {  	s0 =	sor.u32 s1, s0  }
0xbd: {  	s0 =	sadd.s32 $0x8F2B, s0  }
0xbe: {  	[sflag:s0] =	ssyncadd.remote.s32 $0x1  }
0xbf: {  	_ =	sfence.sel $0xFFFF  }
0xc0: {  	[dreg:$0x0] =	wrdreg $0xFFFFFFFF;
	(pc) =	sbr.abs _section_cstart, $3  }
0xc1: {  	[dreg:$0x1] =	wrdreg $0xFFFFFFFF  }
0xc2: {  	_ =	task.clear_ibuf [dreg:s7], $0x2FFFF;
	_ =	strace $0x9FFFFFFF  }
0xc3: {  	(tm) =	ssettm $0x7FFFFFFF  }
tec
execute0_lowered:
.L_overlay_start_1:
0x0: {  	(tag) =	ssettag $0x1  }
0x1: {  	s5 =	rddreg [dreg:$0x0]  }
0x2: {  	s0 =	srdreg.scid;
	s6 =	rddreg [dreg:$0x1]  }
0x3: {  	s2 =	rddreg [dreg:$0x2];
	s7 =	sand.u32 $0x1, s0  }
0x4: {  	s0 =	stileid.u32;
	s4 =	smul.u32 $0x28000, s7  }
0x5: {  	s1 =	rddreg [dreg:$0x3];
	s3 =	simm.s32 $0x0;
	s8 =	smul.u32 $0x2800, s0  }
0x6: {  	s15 =	simm.s32 $0x5000;
	s16 =	simm.s32 $0x1;
	s28 =	smul.u32 $0x13C00, s0  }
0x7: {  	s17 =	simm.s32 $0x0;
	[smem:$0x7FF] =	sst s3;
	s10 =	smul.u32 $0x13C000, s7  }
0x8: {  	_ =	strace $0x80000062;
	s7 =	ssub.s32 $0x2, s7;
	s29 =	smul.u32 $0x4F000, s0  }
0x9: {  	s31 =	sshll.u32 s0, $0x6;
	s13 =	sshrl.u32 s7, $0x1;
	s4 =	sadd.s32 s8, s4  }
0xa: {  	s12 =	sshrl.u32 s28, $0x3;
	s8 =	sadd.s32 s28, s10;
	s13 =	ssub.s32 s7, s13  }
0xb: {  	s30 =	sshrl.u32 s29, $0x2;
	s10 =	simm.s32 $0x2;
	s9 =	sshrl.u32 s4, $0x3  }
0xc: {  	s4 =	sadd.s32 $0x39400, s5;
	s12 =	sadd.s32 s12, s5;
	s8 =	sshrl.u32 s8, $0x3  }
0xd: {  	s14 =	sadd.s32 s30, s2;
	s11 =	sadd.s32 s9, s5;
	s8 =	sadd.s32 s8, s5  }
0xe: {  	s5 =	sadd.s32 s6, s9;
	s7 =	sadd.s32 $0x11C00, s12;
	s9 =	smax.u32 s13, $0x1  }
0xf: {  	s12 =	sor.u32 $0x1C02, s31;
	s13 =	sshrl.u32 s14, $0x3;
	s14 =	simm.s32 $0x80  }
0x10: {  	s6 =	sadd.s32 $0x7C00, s11;
	s8 =	sadd.s32 $0xD7C00, s8;
	s11 =	simm.s32 $0x2800  }
.LBB2_1:
0x11: {  	[tilespmem:s3], [sflag:$0x2] =	stream.linear.gather [hbm4b:s5+s3], $0x2780, $0x38;
	[tilespmem:$0x1CC00] =	vst v63  }
0x12: {  	_ =	swait.ge [sflag:s10], $0x2780  }
0x13: {  	[sflag:s10] =	ssyncset.done $0x0  }
0x14: {  	[sflag:s10] =	ssyncadd.s32 $0xFFFFD880  }
0x15: {  	[tilespmem:s11], [sflag:$0x2] =	stream.linear.gather [hbm4b:s6+s3], $0x2780, $0x38;
	[tilespmem:$0x1CC00] =	vst v63  }
0x16: {  	_ =	swait.ge [sflag:s10], $0x2780  }
0x17: {  	[sflag:s10] =	ssyncset.done $0x0  }
0x18: {  	[sflag:s10] =	ssyncadd.s32 $0xFFFFD880  }
0x19: {  	[spmem:s13], [sflag:s12] =	dma.local [hbm:s7], $0x2780  }
0x1a: {  	_ =	swait.ge [sflag:s10], $0x2780  }
0x1b: {  	[sflag:s10] =	ssyncset.done $0x0  }
0x1c: {  	[sflag:s10] =	ssyncadd.s32 $0xFFFFD880  }
0x1d: {  	s18 =	simm.s32 $0x0;
	[bflag:$0x0] =	sbarrier.arrive $0xFFFF  }
0x1e: {  	[tilespmem:s15], [sflag:$0x1] =	stream.indirect.gather [hbm4b:s4+s14], $0x80, s18, s14, $0xb8;
	[tilespmem:$0x1CC00] =	vst v63  }
0x1f: {  	_ =	swait.ge [sflag:s16], $0x4000  }
0x20: {  	[sflag:s16] =	ssyncset.done $0x0  }
0x21: {  	s31 =	simm.s32 $0x2800;
	[sflag:s16] =	ssyncadd.s32 $0xFFFFC000  }
0x22: {  	[spmem:s2] =	stream.indirect.scatter.add.f32 [tilespmem:s15], [sflag:$0x2], $0x80, s31, s14, $0xb8;
	[tilespmem:$0x1CC00] =	vst v63  }
0x23: {  	_ =	swait.ge [sflag:s10], $0x4000  }
0x24: {  	s19 =	simm.s32 $0x400;
	s18 =	simm.s32 $0x200;
	[sflag:s10] =	ssyncset.done $0x0  }
.LBB2_2:
0x25: {  	s20 =	sshra.s32 s18, $0x2  }
0x26: {  	[sflag:s10] =	ssyncadd.s32 $0xFFFFC000;
	s18 =	smov.u32 s19;
	s21 =	sadd.s32 $0x200, s19  }
0x27: {  	[tilespmem:s15], [sflag:$0x1] =	stream.indirect.gather [hbm4b:s4+s14], $0x80, s20, s14, $0xb8;
	[tilespmem:$0x1CC00] =	vst v63  }
0x28: {  	p0 =	sne.s32 s19, $0x9C00;
	_ =	swait.ge [sflag:s16], $0x4000  }
.Ltmp0:
0x29: {  	[sflag:s16] =	ssyncset.done $0x0;
	(pc) =	sbr.rel @p0 .LBB2_2-.Ltmp0, $4  }
0x2a: {  	s19 =	sadd.s32 $0x2800, s20;
	[sflag:s16] =	ssyncadd.s32 $0xFFFFC000  }
0x2b: {  	[spmem:s2] =	stream.indirect.scatter.add.f32 [tilespmem:s15], [sflag:$0x2], $0x80, s19, s14, $0xb8;
	[tilespmem:$0x1CC00] =	vst v63  }
0x2c: {  	_ =	swait.ge [sflag:s10], $0x4000  }
0x2d: {  	s19 =	smov.u32 s21;
	[sflag:s10] =	ssyncset.done $0x0  }
0x2e: {  	s18 =	sshra.s32 s18, $0x2;
	[sflag:s10] =	ssyncadd.s32 $0xFFFFC000  }
0x2f: {  	[tilespmem:s15], [sflag:$0x1] =	stream.indirect.gather [hbm4b:s4+s14], $0x80, s18, s14, $0xb8;
	[tilespmem:$0x1CC00] =	vst v63  }
0x30: {  	_ =	swait.ge [sflag:s16], $0x4000  }
0x31: {  	[sflag:s16] =	ssyncset.done $0x0  }
0x32: {  	s18 =	sadd.s32 $0x2800, s18;
	[sflag:s16] =	ssyncadd.s32 $0xFFFFC000  }
0x33: {  	[spmem:s2] =	stream.indirect.scatter.add.f32 [tilespmem:s15], [sflag:$0x2], $0x80, s18, s14, $0xb8;
	[tilespmem:$0x1CC00] =	vst v63  }
0x34: {  	_ =	swait.ge [sflag:s10], $0x4000  }
0x35: {  	s17 =	sadd.s32 $0x1, s17;
	[sflag:s10] =	ssyncset.done $0x0  }
0x36: {  	p0 =	sne.s32 s17, s9;
	[sflag:s10] =	ssyncadd.s32 $0xFFFFC000  }
.Ltmp1:
0x37: {  	[bflag:$0x0] =	sbarrier.arrive $0xFFFF;
	(pc) =	sbr.rel @p0 .LBB2_1-.Ltmp1, $4  }
0x38: {  	[hbm:s8], [sflag:s12] =	dma.local [spmem:s13], $0x2780  }
0x39: {  	_ =	swait.ge [sflag:s10], $0x2780  }
0x3a: {  	[sflag:s10] =	ssyncset.done $0x0  }
0x3b: {  	[sflag:s10] =	ssyncadd.s32 $0xFFFFD880  }
0x3c: {  	_ =	sfence.sel $0x180000  }
0x3d: {  	[bflag:$0x0] =	sbarrier.arrive $0xFFFF  }
0x3e: {  	p0 =	sne.s32 s0, $0x0;
	_ =	strace $0x90000062  }
0x3f: {  	s0 =	sadd.s32 @!p0 $0x100000, s1;
	[bflag:$0x2] =	sbarrier.arrive $0xFFFF  }
0x40: {  	[sflag:s0] =	ssyncadd.tile.s32 @!p0 $0x1;
	_ =	shalt  }
.Lfunc_end2:
_tile_overlayer_lowered:
.L_overlay_start_2:
0x41: {  	(tag) =	ssettag $0x2  }
0x42: {  	s0 =	rddreg [dreg:$0x0];
	s2 =	stileid.u32  }
0x43: {  	s1 =	rddreg [dreg:$0x1];
	p0 =	sne.s32 s2, $0x0  }
0x44: {  	s3 =	rddreg [dreg:$0x2];
	[bflag:$0x3] =	sbarrier.arrive $0xFFFF;
	s2 =	simm.s32 @!p0 $0x1C02  }
0x45: {  	[timem:s3], [sflag:s2] =	dma.local @!p0 [hbm:s0], s1  }
0x46: {  	s0 =	simm.s32 @!p0 $0x2  }
0x47: {  	_ =	swait.ge @!p0 [sflag:s0], s1  }
0x48: {  	s1 =	ssub.s32 @!p0 $0x0, s1;
	[sflag:s0] =	ssyncset.done @!p0 $0x0  }
0x49: {  	[sflag:s0] =	ssyncadd.s32 @!p0 s1  }
0x4a: {  	[bflag:$0x3] =	sbarrier.arrive $0xFFFF  }
0x4b: {  	_ =	shalt  }

</sc_bundles>
